<compile_context>
chip_gen: v7x
topology: tpu7x:2x2x1
jax: 0.10.2.dev20260603
libtpu: 0.0.44.dev20260713+nightly
codegen_flags: <defaults>
</compile_context>

<pallas_src>
import functools

import jax
import jax.numpy as jnp
from jax import lax
from jax.experimental import pallas as pl
from jax.experimental.pallas import tpu as pltpu
from jax.experimental.pallas import tpu_sc as plsc

_NC = 2
_NS = 16
_NW = _NC * _NS
_L = 16
_D = 32
_B = 16384
_CW = 1024
_SCR_ROWS = _B + 64
_SINK = _B

_CPT = pltpu.CompilerParams(use_tc_tiling_on_sc=True, needs_layout_passes=False)


def _scan_bin(idx_v, hits_v, wid):
    lane = lax.broadcasted_iota(jnp.int32, (_L,), 0)

    def half(j, v):
        cid = lax.shift_right_logical(v, 10)
        mine = (cid & 31) == wid
        ranks = plsc.cumsum(jnp.where(mine, 1, 0))
        k = j * _L + lane
        t = lax.shift_right_logical(cid, 5)
        packed = lax.shift_left(t, 25) | lax.shift_left(k, 10) | (v & 1023)
        return mine, ranks, ranks[_L - 1], packed

    def step(j, ptr):
        m0, r0, t0, p0 = half(2 * j, idx_v[pl.ds(j * 2 * _L, _L)])
        m1, r1, t1, p1 = half(2 * j + 1, idx_v[pl.ds(j * 2 * _L + _L, _L)])
        plsc.store_scatter(hits_v, [ptr + r0 - 1], p0, mask=m0)
        plsc.store_scatter(hits_v, [ptr + t0 + r1 - 1], p1, mask=m1)
        return ptr + t0 + t1

    return lax.fori_loop(0, _B // (2 * _L), step, 0)


def _rescan(hits_v, n, t, clist_v):
    nsteps = (n + _L - 1) // _L
    lane = lax.broadcasted_iota(jnp.int32, (_L,), 0)

    def step(j, ptr):
        v = hits_v[pl.ds(j * _L, _L)]
        valid = (j * _L + lane) < n
        mine = jnp.logical_and(valid, lax.shift_right_logical(v, 25) == t)
        m32 = jnp.where(mine, 1, 0)
        ranks = plsc.cumsum(m32)
        tot = ranks[_L - 1]
        plsc.store_scatter(clist_v, [ptr + ranks - 1], v, mask=mine)
        return ptr + tot

    return lax.while_loop(
        lambda c: c[0] < nsteps,
        lambda c: (c[0] + 1, step(c[0], c[1])),
        (0, 0),
    )[1]


def _group_ids(clist_v, g, m, extra):
    lane = lax.broadcasted_iota(jnp.int32, (_L,), 0)
    v = clist_v[pl.ds(g, _L)]
    valid = (g + lane) < m
    k = jnp.where(valid, lax.shift_right_logical(v, 10) & 0x7FFF,
                  _SINK + lane)
    off = jnp.where(valid, (v & 1023) + extra, 0)
    return k, off


def _chunk_base(c, nchunks, vcols):
    pad_end = -(-vcols // 128) * 128
    last = jnp.int32(pad_end - _CW)
    base = jnp.where(c == nchunks - 1, last, c * _CW)
    return pl.multiple_of(base, 128)


def _sweep(tbl_hbm, nchunks, vcols, wid, hits_v, scan, clist_v,
           bufs, sems, process):
    extra_last = jnp.int32((nchunks - 1) * _CW - (-(-vcols // 128) * 128 - _CW))

    def fire(c, buf, sem):
        pltpu.async_copy(
            tbl_hbm.at[:, pl.ds(_chunk_base(c, nchunks, vcols), _CW)],
            buf, sem)

    def drain(c, buf, sem):
        pltpu.make_async_copy(
            tbl_hbm.at[:, pl.ds(_chunk_base(c, nchunks, vcols), _CW)],
            buf, sem).wait()

    @pl.when(wid < nchunks)
    def _():
        fire(wid, bufs[0], sems[0])

    n = scan()

    def handle(c, buf, sem):
        drain(c, buf, sem)
        m = _rescan(hits_v, n, t=lax.shift_right_logical(c, 5), clist_v=clist_v)
        extra = jnp.where(c == nchunks - 1, extra_last, 0)
        process(c, buf, m, extra)

    def pair_body(tp, carry):
        c0 = wid + 32 * (2 * tp)
        c1 = wid + 32 * (2 * tp + 1)
        c0n = wid + 32 * (2 * tp + 2)

        @pl.when(c1 < nchunks)
        def _():
            fire(c1, bufs[1], sems[1])

        @pl.when(c0 < nchunks)
        def _():
            handle(c0, bufs[0], sems[0])

        @pl.when(c0n < nchunks)
        def _():
            fire(c0n, bufs[0], sems[0])

        @pl.when(c1 < nchunks)
        def _():
            handle(c1, bufs[1], sems[1])

        return carry

    npairs = (nchunks // _NW + 2) // 2 + 1
    lax.fori_loop(0, npairs, pair_body, 0)


@functools.cache
def _build_item():
    mesh = plsc.VectorSubcoreMesh(core_axis_name="c", subcore_axis_name="s")
    nchunks = 98

    @functools.partial(
        pl.kernel,
        mesh=mesh,
        out_type=jax.ShapeDtypeStruct((_SCR_ROWS, 128), jnp.float32),
        compiler_params=_CPT,
        scratch_types=[
            pltpu.VMEM((_B,), jnp.int32),
            pltpu.VMEM((_B,), jnp.int32),
            pltpu.VMEM((_B,), jnp.int32),
            pltpu.VMEM((_D, _CW), jnp.float32),
            pltpu.VMEM((_D, _CW), jnp.float32),
            pltpu.VMEM((_L, 129), jnp.float32),
            pltpu.VMEM((_L, 129), jnp.float32),
            pltpu.VMEM((_L,), jnp.int32),
            pltpu.VMEM((_L,), jnp.int32),
            pltpu.SemaphoreType.DMA,
            pltpu.SemaphoreType.DMA,
            pltpu.SemaphoreType.DMA,
            pltpu.SemaphoreType.DMA,
        ],
    )
    def kern(iidx_hbm, it_hbm, iscr_hbm,
             idx_v, hits_v, clist_v, chunk0_v, chunk1_v, gp_v, gp1_v,
             kg_v, kg1_v, sem0, sem1, sems, sems1):
        wid = lax.axis_index("s") * _NC + lax.axis_index("c")
        pltpu.sync_copy(iidx_hbm, idx_v)
        lane = lax.broadcasted_iota(jnp.int32, (_L,), 0)

        def process(c, buf, m, extra):
            def one(g, gp, kg, sem):
                @pl.when(g >= 2 * _L)
                def _():
                    pltpu.make_async_copy(gp.at[:, pl.ds(0, 128)],
                                          iscr_hbm.at[kg], sem).wait()
                k, off = _group_ids(clist_v, g, m, extra)
                kg[pl.ds(0, _L)] = k
                for d in range(_D):
                    dv = jnp.full((_L,), d, jnp.int32)
                    val = plsc.load_gather(buf, [dv, off])
                    plsc.store_scatter(gp, [lane, dv], val)
                pltpu.async_copy(gp.at[:, pl.ds(0, 128)],
                                 iscr_hbm.at[kg], sem)

            def grp_body(g):
                par = lax.shift_right_logical(g, 4) & 1

                @pl.when(par == 0)
                def _():
                    one(g, gp_v, kg_v, sems)

                @pl.when(par == 1)
                def _():
                    one(g, gp1_v, kg1_v, sems1)

                return g + _L

            lax.while_loop(lambda g: g < m, grp_body, 0)

            @pl.when(m > 0)
            def _():
                pltpu.make_async_copy(gp_v.at[:, pl.ds(0, 128)],
                                      iscr_hbm.at[kg_v], sems).wait()

            @pl.when(m > _L)
            def _():
                pltpu.make_async_copy(gp1_v.at[:, pl.ds(0, 128)],
                                      iscr_hbm.at[kg1_v], sems1).wait()

        _sweep(it_hbm, nchunks, 100000, wid, hits_v,
               lambda: _scan_bin(idx_v, hits_v, wid), clist_v,
               (chunk0_v, chunk1_v), (sem0, sem1), process)
        return None

    return kern


@functools.cache
def _build_user():
    mesh = plsc.VectorSubcoreMesh(core_axis_name="c", subcore_axis_name="s")
    nchunks = 977

    @functools.partial(
        pl.kernel,
        mesh=mesh,
        out_type=jax.ShapeDtypeStruct((_SCR_ROWS, 128), jnp.float32),
        compiler_params=_CPT,
        scratch_types=[
            pltpu.VMEM((_B,), jnp.int32),
            pltpu.VMEM((_B,), jnp.int32),
            pltpu.VMEM((_B,), jnp.int32),
            pltpu.VMEM((_D, _CW), jnp.float32),
            pltpu.VMEM((_D, _CW), jnp.float32),
            pltpu.VMEM((_L, 129), jnp.float32),
            pltpu.VMEM((_L, 128), jnp.float32),
            pltpu.VMEM((_L, 128), jnp.float32),
            pltpu.VMEM((_L,), jnp.int32),
            pltpu.VMEM((_L,), jnp.int32),
            pltpu.VMEM((48,), jnp.float32),
            pltpu.SemaphoreType.DMA,
            pltpu.SemaphoreType.DMA,
            pltpu.SemaphoreType.DMA,
            pltpu.SemaphoreType.DMA,
            pltpu.SemaphoreType.DMA,
        ],
    )
    def kern(uidx_hbm, ut_hbm, iscr_hbm, wb_hbm, oscr_hbm,
             idx_v, hits_v, clist_v, chunk0_v, chunk1_v, igp_v, og_v, og1_v,
             kg_v, kg1_v, wb_v, sem0, sem1, semg, semo, semo1):
        wid = lax.axis_index("s") * _NC + lax.axis_index("c")
        pltpu.sync_copy(uidx_hbm, idx_v)
        pltpu.sync_copy(wb_hbm, wb_v)
        lane = lax.broadcasted_iota(jnp.int32, (_L,), 0)
        w_lo = wb_v[pl.ds(0, _L)]
        w_hi = wb_v[pl.ds(_L, _L)]
        b_s = wb_v[pl.ds(2 * _L, _L)][0]
        zv = jnp.zeros((_L,), jnp.int32)

        def process(c, buf, m, extra):
            def one(g, og, kg, sem):
                @pl.when(g >= 2 * _L)
                def _():
                    pltpu.make_async_copy(og, oscr_hbm.at[kg], sem).wait()
                k, off = _group_ids(clist_v, g, m, extra)
                kg[pl.ds(0, _L)] = k
                pltpu.async_copy(iscr_hbm.at[kg],
                                 igp_v.at[:, pl.ds(0, 128)], semg).wait()
                acc = jnp.zeros((_L,), jnp.float32)
                for d in range(_D):
                    dv = jnp.full((_L,), d, jnp.int32)
                    uval = plsc.load_gather(buf, [dv, off])
                    ival = plsc.load_gather(igp_v, [lane, dv])
                    wd = (w_lo[d] if d < _L else w_hi[d - _L])
                    acc = acc + uval * ival * wd
                y = 1.0 / (1.0 + jnp.exp(-(acc + b_s)))
                plsc.store_scatter(og, [lane, zv], y)
                pltpu.async_copy(og, oscr_hbm.at[kg], sem)

            def grp_body(g):
                par = lax.shift_right_logical(g, 4) & 1

                @pl.when(par == 0)
                def _():
                    one(g, og_v, kg_v, semo)

                @pl.when(par == 1)
                def _():
                    one(g, og1_v, kg1_v, semo1)

                return g + _L

            lax.while_loop(lambda g: g < m, grp_body, 0)

            @pl.when(m > 0)
            def _():
                pltpu.make_async_copy(og_v, oscr_hbm.at[kg_v], semo).wait()

            @pl.when(m > _L)
            def _():
                pltpu.make_async_copy(og1_v, oscr_hbm.at[kg1_v], semo1).wait()

        _sweep(ut_hbm, nchunks, 1000000, wid, hits_v,
               lambda: _scan_bin(idx_v, hits_v, wid), clist_v,
               (chunk0_v, chunk1_v), (sem0, sem1), process)
        return None

    return kern


def kernel(user_indices, item_indices, user_table, item_table, W, b):
    uidx = user_indices.astype(jnp.int32)
    iidx = item_indices.astype(jnp.int32)
    wb = jnp.concatenate([
        W.reshape(-1).astype(jnp.float32),
        jnp.broadcast_to(b.reshape(-1).astype(jnp.float32), (_L,)),
    ])
    iscr = _build_item()(iidx, item_table.T)
    oscr = _build_user()(uidx, user_table.T, iscr, wb)
    return oscr[:_B, 0].reshape(-1, 1)

# --- scband reference (transcript-rebuilt; emitter-appended) ---
"""Pipeline reference for scband-gmf-37623913513697 (READ-ONLY COPY).

The authoritative reference and input builder live on the scoring server;
editing this copy changes nothing except your own understanding.
"""

import jax, jax.numpy as jnp
import numpy as np

NUM_USERS = 1000000
NUM_ITEMS = 100000
LATENT_DIM = 32
BATCH = 16384


def setup_inputs(seed: int = 0) -> dict:
    key = jax.random.key(seed)
    k1, k2, k3, k4, k5, k6 = jax.random.split(key, 6)
    user_indices = jax.random.randint(k1, (BATCH,), 0, NUM_USERS, dtype=jnp.int64) if jax.config.jax_enable_x64 else jax.random.randint(k1, (BATCH,), 0, NUM_USERS, dtype=jnp.int32)
    item_indices = jax.random.randint(k2, (BATCH,), 0, NUM_ITEMS, dtype=jnp.int32)
    user_table = jax.random.normal(k3, (NUM_USERS, LATENT_DIM), dtype=jnp.float32) * 0.05
    item_table = jax.random.normal(k4, (NUM_ITEMS, LATENT_DIM), dtype=jnp.float32) * 0.05
    W = jax.random.normal(k5, (1, LATENT_DIM), dtype=jnp.float32) * (1.0 / np.sqrt(LATENT_DIM))
    b = jax.random.normal(k6, (1,), dtype=jnp.float32) * 0.01
    return {
        "user_indices": user_indices,
        "item_indices": item_indices,
        "user_table": user_table,
        "item_table": item_table,
        "W": W,
        "b": b,
    }


def reference(user_indices, item_indices, user_table, item_table, W, b):
    user_embedding = jnp.take(user_table, user_indices, axis=0)
    item_embedding = jnp.take(item_table, item_indices, axis=0)
    interaction = user_embedding * item_embedding
    logits = interaction @ W.T + b
    return jax.nn.sigmoid(logits).reshape(-1, 1)

if __name__ == "__main__":
    import jax
    _d = setup_inputs()
    print(jax.jit(kernel)(*tuple(_d.values())))

</pallas_src>

<mosaic_0001>
#map = affine_map<(d0, d1) -> (0)>
#map1 = affine_map<(d0, d1) -> (0, 0)>
module attributes {stable_mosaic.version = 14 : i64} {
  func.func @kern(%arg0: i32, %arg1: i32, %arg2: memref<16384xi32, #tpu.memory_space<hbm>>, %arg3: memref<32x1000000xf32, #tpu.memory_space<hbm>>, %arg4: memref<16448x128xf32, #tpu.memory_space<hbm>>, %arg5: memref<48xf32, #tpu.memory_space<hbm>>, %arg6: memref<16448x128xf32, #tpu.memory_space<hbm>>, %arg7: memref<16384xi32, #tpu.memory_space<vmem>>, %arg8: memref<16384xi32, #tpu.memory_space<vmem>>, %arg9: memref<16384xi32, #tpu.memory_space<vmem>>, %arg10: memref<32x1024xf32, #tpu.memory_space<vmem>>, %arg11: memref<32x1024xf32, #tpu.memory_space<vmem>>, %arg12: memref<16x129xf32, #tpu.memory_space<vmem>>, %arg13: memref<16x128xf32, #tpu.memory_space<vmem>>, %arg14: memref<16x128xf32, #tpu.memory_space<vmem>>, %arg15: memref<16xi32, #tpu.memory_space<vmem>>, %arg16: memref<16xi32, #tpu.memory_space<vmem>>, %arg17: memref<48xf32, #tpu.memory_space<vmem>>, %arg18: memref<!tpu.dma_semaphore, #tpu.memory_space<semaphore_mem>>, %arg19: memref<!tpu.dma_semaphore, #tpu.memory_space<semaphore_mem>>, %arg20: memref<!tpu.dma_semaphore, #tpu.memory_space<semaphore_mem>>, %arg21: memref<!tpu.dma_semaphore, #tpu.memory_space<semaphore_mem>>, %arg22: memref<!tpu.dma_semaphore, #tpu.memory_space<semaphore_mem>>) attributes {dimension_semantics = [#tpu.dimension_semantics<core_parallel>, #tpu.dimension_semantics<subcore_parallel>], iteration_bounds = array<i64: 2, 16>, scalar_prefetch = 0 : i64, scratch_operands = 16 : i64, tpu.core_type = #tpu.core_type<sc_vector_subcore>, window_params = [{transform_indices = #map}, {transform_indices = #map1}, {transform_indices = #map1}, {transform_indices = #map}, {transform_indices = #map1}]} {
    %mul3A = arith.constant 2 : i32
    %mul3A_0 = arith.muli %arg1, %mul3A : i32
    %add3A = arith.addi %mul3A_0, %arg0 : i32
    "tpu.region"() ({
      %run_scoped3A = tpu.sem_alloc : memref<!tpu.dma_semaphore, #tpu.memory_space<semaphore_mem>>
      tpu.enqueue_dma source(%arg2 : memref<16384xi32, #tpu.memory_space<hbm>>) target(%arg7 : memref<16384xi32, #tpu.memory_space<vmem>>) target_semaphore(%run_scoped3A : memref<!tpu.dma_semaphore, #tpu.memory_space<semaphore_mem>>)
      tpu.wait_dma2 semaphore(%run_scoped3A : memref<!tpu.dma_semaphore, #tpu.memory_space<semaphore_mem>>) src(%arg2 : memref<16384xi32, #tpu.memory_space<hbm>>) dst(%arg7 : memref<16384xi32, #tpu.memory_space<vmem>>)
      tpu.yield
    }) : () -> ()
    "tpu.region"() ({
      %run_scoped3A = tpu.sem_alloc : memref<!tpu.dma_semaphore, #tpu.memory_space<semaphore_mem>>
      tpu.enqueue_dma source(%arg5 : memref<48xf32, #tpu.memory_space<hbm>>) target(%arg17 : memref<48xf32, #tpu.memory_space<vmem>>) target_semaphore(%run_scoped3A : memref<!tpu.dma_semaphore, #tpu.memory_space<semaphore_mem>>)
      tpu.wait_dma2 semaphore(%run_scoped3A : memref<!tpu.dma_semaphore, #tpu.memory_space<semaphore_mem>>) src(%arg5 : memref<48xf32, #tpu.memory_space<hbm>>) dst(%arg17 : memref<48xf32, #tpu.memory_space<vmem>>)
      tpu.yield
    }) : () -> ()
    %iota3A = tpu.iota {dimensions = array<i32: 0>} : vector<16xi32>
    %get3A = arith.constant 0 : index
    %get3A_1 = tpu.vector_load %arg17[%get3A] {strides = array<i32>} : memref<48xf32, #tpu.memory_space<vmem>>, vector<16xf32>,
    %get3A_2 = arith.constant 16 : index
    %get3A_3 = tpu.vector_load %arg17[%get3A_2] {strides = array<i32>} : memref<48xf32, #tpu.memory_space<vmem>>, vector<16xf32>,
    %get3A_4 = arith.constant 32 : index
    %get3A_5 = tpu.vector_load %arg17[%get3A_4] {strides = array<i32>} : memref<48xf32, #tpu.memory_space<vmem>>, vector<16xf32>,
    %slice3A = vector.extract_strided_slice %get3A_5 {offsets = [0], sizes = [1], strides = [1]} : vector<16xf32> to vector<1xf32>
    %squeeze3A = vector.extract %slice3A[0] : f32 from vector<1xf32>
    %broadcast_in_dim3A = arith.constant 0 : i32
    %broadcast_in_dim3A_6 = vector.broadcast %broadcast_in_dim3A : i32 to vector<16xi32>
    %lt3A = arith.constant 977 : i32
    %lt3A_7 = arith.cmpi slt, %add3A, %lt3A : i32
    %convert_element_type3A = arith.extui %lt3A_7 : i1 to i32
    %cond3A = arith.constant 0 : i32
    %cond3A_8 = arith.cmpi ne, %convert_element_type3A, %cond3A : i32
    scf.if %cond3A_8 {
      %eq3A = arith.constant 976 : i32
      %eq3A_23 = arith.cmpi eq, %add3A, %eq3A : i32
      %mul3A_24 = arith.constant 1024 : i32
      %mul3A_25 = arith.muli %add3A, %mul3A_24 : i32
      %jit3A = arith.constant 999040 : i32
      %select_n3A = arith.select %eq3A_23, %jit3A, %mul3A_25 : i32
      %multiple_of3A = tpu.assume_multiple %select_n3A, 128 : i32
      %dma_start3A = arith.constant 0 : i32
      %dma_start3A_26 = tpu.memref_slice %arg3[%dma_start3A, %multiple_of3A] : memref<32x1000000xf32, #tpu.memory_space<hbm>> -> memref<32x1024xf32, #tpu.memory_space<hbm>>
      %dma_start3A_27 = arith.constant 0 : i32
      %dma_start3A_28 = tpu.memref_slice %arg3[%dma_start3A_27, %multiple_of3A] : memref<32x1000000xf32, #tpu.memory_space<hbm>> -> memref<32x1024xf32, #tpu.memory_space<hbm>>
      tpu.enqueue_dma source(%dma_start3A_28 : memref<32x1024xf32, #tpu.memory_space<hbm>>) target(%arg10 : memref<32x1024xf32, #tpu.memory_space<vmem>>) target_semaphore(%arg18 : memref<!tpu.dma_semaphore, #tpu.memory_space<semaphore_mem>>)
    } else {
    }
    %iota3A_9 = tpu.iota {dimensions = array<i32: 0>} : vector<16xi32>
    %scan3A = arith.constant 0 : i32
    %scan3A_10 = arith.constant 0 : i32
    %scan3A_11 = arith.constant 512 : i32
    %scan3A_12 = arith.addi %scan3A_10, %scan3A_11 : i32
    %scan3A_13 = arith.constant 1 : i32
    %scan3A_14 = scf.for %scan3A_23 = %scan3A_10 to %scan3A_12 step %scan3A_13 iter_args(%scan3A_24 = %scan3A) -> (i32)  : i32 {
      %mul3A_25 = arith.constant 2 : i32
      %mul3A_26 = arith.muli %mul3A_25, %scan3A_23 : i32
      %mul3A_27 = arith.constant 2 : i32
      %mul3A_28 = arith.muli %scan3A_23, %mul3A_27 : i32
      %mul3A_29 = arith.constant 16 : i32
      %mul3A_30 = arith.muli %mul3A_28, %mul3A_29 : i32
      %get3A_31 = arith.index_cast %mul3A_30 : i32 to index
      %get3A_32 = tpu.vector_load %arg7[%get3A_31] {strides = array<i32>} : memref<16384xi32, #tpu.memory_space<vmem>>, vector<16xi32>,
      %shift_right_logical3A = arith.constant 10 : i32
      %shift_right_logical3A_33 = vector.broadcast %shift_right_logical3A : i32 to vector<16xi32>
      %shift_right_logical3A_34 = arith.shrui %get3A_32, %shift_right_logical3A_33 : vector<16xi32>
      %and3A = arith.constant 31 : i32
      %and3A_35 = vector.broadcast %and3A : i32 to vector<16xi32>
      %and3A_36 = arith.andi %shift_right_logical3A_34, %and3A_35 : vector<16xi32>
      %eq3A = vector.broadcast %add3A : i32 to vector<16xi32>
      %eq3A_37 = arith.cmpi eq, %and3A_36, %eq3A : vector<16xi32>
      %jit3A = arith.constant 1 : i32
      %jit3A_38 = arith.constant 0 : i32
      %broadcast_in_dim3A_39 = vector.broadcast %jit3A : i32 to vector<16xi32>
      %broadcast_in_dim3A_40 = vector.broadcast %jit3A_38 : i32 to vector<16xi32>
      %select_n3A = arith.select %eq3A_37, %broadcast_in_dim3A_39, %broadcast_in_dim3A_40 : vector<16xi1>, vector<16xi32>
      %broadcast_in_dim3A_41 = arith.constant true
      %broadcast_in_dim3A_42 = vector.broadcast %broadcast_in_dim3A_41 : i1 to vector<16xi1>
      %masked_cumsum3A = tpu.scan <sum>, %select_n3A masked %broadcast_in_dim3A_42 : vector<16xi32>, vector<16xi1> -> vector<16xi32>
      %mul3A_43 = arith.constant 16 : i32
      %mul3A_44 = arith.muli %mul3A_26, %mul3A_43 : i32
      %add3A_45 = vector.broadcast %mul3A_44 : i32 to vector<16xi32>
      %add3A_46 = arith.addi %add3A_45, %iota3A_9 : vector<16xi32>
      %shift_right_logical3A_47 = arith.constant 5 : i32
      %shift_right_logical3A_48 = vector.broadcast %shift_right_logical3A_47 : i32 to vector<16xi32>
      %shift_right_logical3A_49 = arith.shrui %shift_right_logical3A_34, %shift_right_logical3A_48 : vector<16xi32>
      %shift_left3A = arith.constant 25 : i32
      %shift_left3A_50 = vector.broadcast %shift_left3A : i32 to vector<16xi32>
      %shift_left3A_51 = arith.shli %shift_right_logical3A_49, %shift_left3A_50 : vector<16xi32>
      %shift_left3A_52 = arith.constant 10 : i32
      %shift_left3A_53 = vector.broadcast %shift_left3A_52 : i32 to vector<16xi32>
      %shift_left3A_54 = arith.shli %add3A_46, %shift_left3A_53 : vector<16xi32>
      %or3A = arith.ori %shift_left3A_51, %shift_left3A_54 : vector<16xi32>
      %and3A_55 = arith.constant 1023 : i32
      %and3A_56 = vector.broadcast %and3A_55 : i32 to vector<16xi32>
      %and3A_57 = arith.andi %get3A_32, %and3A_56 : vector<16xi32>
      %or3A_58 = arith.ori %or3A, %and3A_57 : vector<16xi32>
      %slice3A_59 = vector.extract_strided_slice %masked_cumsum3A {offsets = [15], sizes = [1], strides = [1]} : vector<16xi32> to vector<1xi32>
      %squeeze3A_60 = vector.extract %slice3A_59[0] : i32 from vector<1xi32>
      %mul3A_61 = arith.constant 2 : i32
      %mul3A_62 = arith.muli %mul3A_61, %scan3A_23 : i32
      %add3A_63 = arith.constant 1 : i32
      %add3A_64 = arith.addi %mul3A_62, %add3A_63 : i32
      %mul3A_65 = arith.constant 2 : i32
      %mul3A_66 = arith.muli %scan3A_23, %mul3A_65 : i32
      %mul3A_67 = arith.constant 16 : i32
      %mul3A_68 = arith.muli %mul3A_66, %mul3A_67 : i32
      %add3A_69 = arith.constant 16 : i32
      %add3A_70 = arith.addi %mul3A_68, %add3A_69 : i32
      %get3A_71 = arith.index_cast %add3A_70 : i32 to index
      %get3A_72 = tpu.vector_load %arg7[%get3A_71] {strides = array<i32>} : memref<16384xi32, #tpu.memory_space<vmem>>, vector<16xi32>,
      %shift_right_logical3A_73 = arith.constant 10 : i32
      %shift_right_logical3A_74 = vector.broadcast %shift_right_logical3A_73 : i32 to vector<16xi32>
      %shift_right_logical3A_75 = arith.shrui %get3A_72, %shift_right_logical3A_74 : vector<16xi32>
      %and3A_76 = arith.constant 31 : i32
      %and3A_77 = vector.broadcast %and3A_76 : i32 to vector<16xi32>
      %and3A_78 = arith.andi %shift_right_logical3A_75, %and3A_77 : vector<16xi32>
      %eq3A_79 = vector.broadcast %add3A : i32 to vector<16xi32>
      %eq3A_80 = arith.cmpi eq, %and3A_78, %eq3A_79 : vector<16xi32>
      %jit3A_81 = arith.constant 1 : i32
      %jit3A_82 = arith.constant 0 : i32
      %broadcast_in_dim3A_83 = vector.broadcast %jit3A_81 : i32 to vector<16xi32>
      %broadcast_in_dim3A_84 = vector.broadcast %jit3A_82 : i32 to vector<16xi32>
      %select_n3A_85 = arith.select %eq3A_80, %broadcast_in_dim3A_83, %broadcast_in_dim3A_84 : vector<16xi1>, vector<16xi32>
      %broadcast_in_dim3A_86 = arith.constant true
      %broadcast_in_dim3A_87 = vector.broadcast %broadcast_in_dim3A_86 : i1 to vector<16xi1>
      %masked_cumsum3A_88 = tpu.scan <sum>, %select_n3A_85 masked %broadcast_in_dim3A_87 : vector<16xi32>, vector<16xi1> -> vector<16xi32>
      %mul3A_89 = arith.constant 16 : i32
      %mul3A_90 = arith.muli %add3A_64, %mul3A_89 : i32
      %add3A_91 = vector.broadcast %mul3A_90 : i32 to vector<16xi32>
      %add3A_92 = arith.addi %add3A_91, %iota3A_9 : vector<16xi32>
      %shift_right_logical3A_93 = arith.constant 5 : i32
      %shift_right_logical3A_94 = vector.broadcast %shift_right_logical3A_93 : i32 to vector<16xi32>
      %shift_right_logical3A_95 = arith.shrui %shift_right_logical3A_75, %shift_right_logical3A_94 : vector<16xi32>
      %shift_left3A_96 = arith.constant 25 : i32
      %shift_left3A_97 = vector.broadcast %shift_left3A_96 : i32 to vector<16xi32>
      %shift_left3A_98 = arith.shli %shift_right_logical3A_95, %shift_left3A_97 : vector<16xi32>
      %shift_left3A_99 = arith.constant 10 : i32
      %shift_left3A_100 = vector.broadcast %shift_left3A_99 : i32 to vector<16xi32>
      %shift_left3A_101 = arith.shli %add3A_92, %shift_left3A_100 : vector<16xi32>
      %or3A_102 = arith.ori %shift_left3A_98, %shift_left3A_101 : vector<16xi32>
      %and3A_103 = arith.constant 1023 : i32
      %and3A_104 = vector.broadcast %and3A_103 : i32 to vector<16xi32>
      %and3A_105 = arith.andi %get3A_72, %and3A_104 : vector<16xi32>
      %or3A_106 = arith.ori %or3A_102, %and3A_105 : vector<16xi32>
      %slice3A_107 = vector.extract_strided_slice %masked_cumsum3A_88 {offsets = [15], sizes = [1], strides = [1]} : vector<16xi32> to vector<1xi32>
      %squeeze3A_108 = vector.extract %slice3A_107[0] : i32 from vector<1xi32>
      %add3A_109 = vector.broadcast %scan3A_24 : i32 to vector<16xi32>
      %add3A_110 = arith.addi %add3A_109, %masked_cumsum3A : vector<16xi32>
      %sub3A = arith.constant 1 : i32
      %sub3A_111 = vector.broadcast %sub3A : i32 to vector<16xi32>
      %sub3A_112 = arith.subi %add3A_110, %sub3A_111 : vector<16xi32>
      tpu.vector_store_idx %arg8[%sub3A_112], %or3A_58 masked %eq3A_37 : memref<16384xi32, #tpu.memory_space<vmem>>[vector<16xi32>], vector<16xi32>, vector<16xi1>
      %add3A_113 = arith.addi %scan3A_24, %squeeze3A_60 : i32
      %add3A_114 = vector.broadcast %add3A_113 : i32 to vector<16xi32>
      %add3A_115 = arith.addi %add3A_114, %masked_cumsum3A_88 : vector<16xi32>
      %sub3A_116 = arith.constant 1 : i32
      %sub3A_117 = vector.broadcast %sub3A_116 : i32 to vector<16xi32>
      %sub3A_118 = arith.subi %add3A_115, %sub3A_117 : vector<16xi32>
      tpu.vector_store_idx %arg8[%sub3A_118], %or3A_106 masked %eq3A_80 : memref<16384xi32, #tpu.memory_space<vmem>>[vector<16xi32>], vector<16xi32>, vector<16xi1>
      %add3A_119 = arith.addi %scan3A_24, %squeeze3A_60 : i32
      %add3A_120 = arith.addi %add3A_119, %squeeze3A_108 : i32
      scf.yield %add3A_120 : i32
    }
    %scan3A_15 = arith.constant 512 : i32
    %scan3A_16 = arith.constant 0 : i32
    %scan3A_17 = arith.constant 384 : i32
    %scan3A_18 = arith.constant 0 : i32
    %scan3A_19 = arith.constant 17 : i32
    %scan3A_20 = arith.addi %scan3A_18, %scan3A_19 : i32
    %scan3A_21 = arith.constant 1 : i32
    scf.for %scan3A_23 = %scan3A_18 to %scan3A_20 step %scan3A_21  : i32 {
      %mul3A_24 = arith.constant 2 : i32
      %mul3A_25 = arith.muli %mul3A_24, %scan3A_23 : i32
      %mul3A_26 = arith.constant 32 : i32
      %mul3A_27 = arith.muli %mul3A_26, %mul3A_25 : i32
      %add3A_28 = arith.addi %add3A, %mul3A_27 : i32
      %mul3A_29 = arith.constant 2 : i32
      %mul3A_30 = arith.muli %mul3A_29, %scan3A_23 : i32
      %add3A_31 = arith.constant 1 : i32
      %add3A_32 = arith.addi %mul3A_30, %add3A_31 : i32
      %mul3A_33 = arith.constant 32 : i32
      %mul3A_34 = arith.muli %mul3A_33, %add3A_32 : i32
      %add3A_35 = arith.addi %add3A, %mul3A_34 : i32
      %mul3A_36 = arith.constant 2 : i32
      %mul3A_37 = arith.muli %mul3A_36, %scan3A_23 : i32
      %add3A_38 = arith.constant 2 : i32
      %add3A_39 = arith.addi %mul3A_37, %add3A_38 : i32
      %mul3A_40 = arith.constant 32 : i32
      %mul3A_41 = arith.muli %mul3A_40, %add3A_39 : i32
      %add3A_42 = arith.addi %add3A, %mul3A_41 : i32
      %lt3A_43 = arith.constant 977 : i32
      %lt3A_44 = arith.cmpi slt, %add3A_35, %lt3A_43 : i32
      %convert_element_type3A_45 = arith.extui %lt3A_44 : i1 to i32
      %cond3A_46 = arith.constant 0 : i32
      %cond3A_47 = arith.cmpi ne, %convert_element_type3A_45, %cond3A_46 : i32
      scf.if %cond3A_47 {
        %eq3A = arith.constant 976 : i32
        %eq3A_63 = arith.cmpi eq, %add3A_35, %eq3A : i32
        %mul3A_64 = arith.constant 1024 : i32
        %mul3A_65 = arith.muli %add3A_35, %mul3A_64 : i32
        %jit3A = arith.constant 999040 : i32
        %select_n3A = arith.select %eq3A_63, %jit3A, %mul3A_65 : i32
        %multiple_of3A = tpu.assume_multiple %select_n3A, 128 : i32
        %dma_start3A = arith.constant 0 : i32
        %dma_start3A_66 = tpu.memref_slice %arg3[%dma_start3A, %multiple_of3A] : memref<32x1000000xf32, #tpu.memory_space<hbm>> -> memref<32x1024xf32, #tpu.memory_space<hbm>>
        %dma_start3A_67 = arith.constant 0 : i32
        %dma_start3A_68 = tpu.memref_slice %arg3[%dma_start3A_67, %multiple_of3A] : memref<32x1000000xf32, #tpu.memory_space<hbm>> -> memref<32x1024xf32, #tpu.memory_space<hbm>>
        tpu.enqueue_dma source(%dma_start3A_68 : memref<32x1024xf32, #tpu.memory_space<hbm>>) target(%arg11 : memref<32x1024xf32, #tpu.memory_space<vmem>>) target_semaphore(%arg19 : memref<!tpu.dma_semaphore, #tpu.memory_space<semaphore_mem>>)
      } else {
      }
      %lt3A_48 = arith.constant 977 : i32
      %lt3A_49 = arith.cmpi slt, %add3A_28, %lt3A_48 : i32
      %convert_element_type3A_50 = arith.extui %lt3A_49 : i1 to i32
      %cond3A_51 = arith.constant 0 : i32
      %cond3A_52 = arith.cmpi ne, %convert_element_type3A_50, %cond3A_51 : i32
      scf.if %cond3A_52 {
        %eq3A = arith.constant 976 : i32
        %eq3A_63 = arith.cmpi eq, %add3A_28, %eq3A : i32
        %mul3A_64 = arith.constant 1024 : i32
        %mul3A_65 = arith.muli %add3A_28, %mul3A_64 : i32
        %jit3A = arith.constant 999040 : i32
        %select_n3A = arith.select %eq3A_63, %jit3A, %mul3A_65 : i32
        %multiple_of3A = tpu.assume_multiple %select_n3A, 128 : i32
        %dma_wait3A = arith.constant 0 : i32
        %dma_wait3A_66 = tpu.memref_slice %arg3[%dma_wait3A, %multiple_of3A] : memref<32x1000000xf32, #tpu.memory_space<hbm>> -> memref<32x1024xf32, #tpu.memory_space<hbm>>
        %dma_wait3A_67 = arith.constant 0 : i32
        %dma_wait3A_68 = tpu.memref_slice %arg3[%dma_wait3A_67, %multiple_of3A] : memref<32x1000000xf32, #tpu.memory_space<hbm>> -> memref<32x1024xf32, #tpu.memory_space<hbm>>
        tpu.wait_dma2 semaphore(%arg18 : memref<!tpu.dma_semaphore, #tpu.memory_space<semaphore_mem>>) src(%dma_wait3A_68 : memref<32x1024xf32, #tpu.memory_space<hbm>>) dst(%arg10 : memref<32x1024xf32, #tpu.memory_space<vmem>>)
        %shift_right_logical3A = arith.constant 5 : i32
        %shift_right_logical3A_69 = arith.shrui %add3A_28, %shift_right_logical3A : i32
        %add3A_70 = arith.constant 16 : i32
        %add3A_71 = arith.addi %scan3A_14, %add3A_70 : i32
        %sub3A = arith.constant 1 : i32
        %sub3A_72 = arith.subi %add3A_71, %sub3A : i32
        %jit3A_73 = arith.constant 16 : i32
        %div3A = arith.divsi %sub3A_72, %jit3A_73 : i32
        %sign3A = arith.constant 0 : i32
        %sign3A_74 = arith.cmpi sgt, %sub3A_72, %sign3A : i32
        %sign3A_75 = arith.extui %sign3A_74 : i1 to i32
        %sign3A_76 = arith.constant 0 : i32
        %sign3A_77 = arith.cmpi slt, %sub3A_72, %sign3A_76 : i32
        %sign3A_78 = arith.extui %sign3A_77 : i1 to i32
        %sign3A_79 = arith.subi %sign3A_75, %sign3A_78 : i32
        %sign3A_80 = arith.constant 0 : i32
        %sign3A_81 = arith.cmpi sgt, %jit3A_73, %sign3A_80 : i32
        %sign3A_82 = arith.extui %sign3A_81 : i1 to i32
        %sign3A_83 = arith.constant 0 : i32
        %sign3A_84 = arith.cmpi slt, %jit3A_73, %sign3A_83 : i32
        %sign3A_85 = arith.extui %sign3A_84 : i1 to i32
        %sign3A_86 = arith.subi %sign3A_82, %sign3A_85 : i32
        %ne3A = arith.cmpi ne, %sign3A_79, %sign3A_86 : i32
        %rem3A = arith.remsi %sub3A_72, %jit3A_73 : i32
        %ne3A_87 = arith.constant 0 : i32
        %ne3A_88 = arith.cmpi ne, %rem3A, %ne3A_87 : i32
        %and3A = arith.andi %ne3A, %ne3A_88 : i1
        %sub3A_89 = arith.constant 1 : i32
        %sub3A_90 = arith.subi %div3A, %sub3A_89 : i32
        %select_n3A_91 = arith.select %and3A, %sub3A_90, %div3A : i32
        %iota3A_92 = tpu.iota {dimensions = array<i32: 0>} : vector<16xi32>
        %while3A = arith.constant 0 : i32
        %while3A_93 = arith.constant 0 : i32
        %while3A_94:2 = scf.while (%while3A_110 = %while3A, %while3A_111 = %while3A_93) : (i32, i32) -> (i32, i32) {
          %lt3A_112 = arith.cmpi slt, %while3A_110, %select_n3A_91 : i32
          scf.condition(%lt3A_112) %while3A_110, %while3A_111 : i32, i32
        } do {
        ^bb0(%while3A_110: i32, %while3A_111: i32):
          %add3A_112 = arith.constant 1 : i32
          %add3A_113 = arith.addi %while3A_110, %add3A_112 : i32
          %mul3A_114 = arith.constant 16 : i32
          %mul3A_115 = arith.muli %while3A_110, %mul3A_114 : i32
          %get3A_116 = arith.index_cast %mul3A_115 : i32 to index
          %get3A_117 = tpu.vector_load %arg8[%get3A_116] {strides = array<i32>} : memref<16384xi32, #tpu.memory_space<vmem>>, vector<16xi32>,
          %mul3A_118 = arith.constant 16 : i32
          %mul3A_119 = arith.muli %while3A_110, %mul3A_118 : i32
          %add3A_120 = vector.broadcast %mul3A_119 : i32 to vector<16xi32>
          %add3A_121 = arith.addi %add3A_120, %iota3A_92 : vector<16xi32>
          %lt3A_122 = vector.broadcast %scan3A_14 : i32 to vector<16xi32>
          %lt3A_123 = arith.cmpi slt, %add3A_121, %lt3A_122 : vector<16xi32>
          %shift_right_logical3A_124 = arith.constant 25 : i32
          %shift_right_logical3A_125 = vector.broadcast %shift_right_logical3A_124 : i32 to vector<16xi32>
          %shift_right_logical3A_126 = arith.shrui %get3A_117, %shift_right_logical3A_125 : vector<16xi32>
          %eq3A_127 = vector.broadcast %shift_right_logical3A_69 : i32 to vector<16xi32>
          %eq3A_128 = arith.cmpi eq, %shift_right_logical3A_126, %eq3A_127 : vector<16xi32>
          %and3A_129 = arith.andi %lt3A_123, %eq3A_128 : vector<16xi1>
          %jit3A_130 = arith.constant 1 : i32
          %jit3A_131 = arith.constant 0 : i32
          %broadcast_in_dim3A_132 = vector.broadcast %jit3A_130 : i32 to vector<16xi32>
          %broadcast_in_dim3A_133 = vector.broadcast %jit3A_131 : i32 to vector<16xi32>
          %select_n3A_134 = arith.select %and3A_129, %broadcast_in_dim3A_132, %broadcast_in_dim3A_133 : vector<16xi1>, vector<16xi32>
          %broadcast_in_dim3A_135 = arith.constant true
          %broadcast_in_dim3A_136 = vector.broadcast %broadcast_in_dim3A_135 : i1 to vector<16xi1>
          %masked_cumsum3A = tpu.scan <sum>, %select_n3A_134 masked %broadcast_in_dim3A_136 : vector<16xi32>, vector<16xi1> -> vector<16xi32>
          %slice3A_137 = vector.extract_strided_slice %masked_cumsum3A {offsets = [15], sizes = [1], strides = [1]} : vector<16xi32> to vector<1xi32>
          %squeeze3A_138 = vector.extract %slice3A_137[0] : i32 from vector<1xi32>
          %add3A_139 = vector.broadcast %while3A_111 : i32 to vector<16xi32>
          %add3A_140 = arith.addi %add3A_139, %masked_cumsum3A : vector<16xi32>
          %sub3A_141 = arith.constant 1 : i32
          %sub3A_142 = vector.broadcast %sub3A_141 : i32 to vector<16xi32>
          %sub3A_143 = arith.subi %add3A_140, %sub3A_142 : vector<16xi32>
          tpu.vector_store_idx %arg9[%sub3A_143], %get3A_117 masked %and3A_129 : memref<16384xi32, #tpu.memory_space<vmem>>[vector<16xi32>], vector<16xi32>, vector<16xi1>
          %add3A_144 = arith.addi %while3A_111, %squeeze3A_138 : i32
          scf.yield %add3A_113, %add3A_144 : i32, i32
        }
        %eq3A_95 = arith.constant 976 : i32
        %eq3A_96 = arith.cmpi eq, %add3A_28, %eq3A_95 : i32
        %jit3A_97 = arith.constant 0 : i32
        %select_n3A_98 = arith.select %eq3A_96, %scan3A_17, %jit3A_97 : i32
        %while3A_99 = arith.constant 0 : i32
        %while3A_100 = scf.while (%while3A_110 = %while3A_99) : (i32) -> i32 {
          %lt3A_111 = arith.cmpi slt, %while3A_110, %while3A_94#1 : i32
          scf.condition(%lt3A_111) %while3A_110 : i32
        } do {
        ^bb0(%while3A_110: i32):
          %shift_right_logical3A_111 = arith.constant 4 : i32
          %shift_right_logical3A_112 = arith.shrui %while3A_110, %shift_right_logical3A_111 : i32
          %and3A_113 = arith.constant 1 : i32
          %and3A_114 = arith.andi %shift_right_logical3A_112, %and3A_113 : i32
          %eq3A_115 = arith.constant 0 : i32
          %eq3A_116 = arith.cmpi eq, %and3A_114, %eq3A_115 : i32
          %convert_element_type3A_117 = arith.extui %eq3A_116 : i1 to i32
          %cond3A_118 = arith.constant 0 : i32
          %cond3A_119 = arith.cmpi ne, %convert_element_type3A_117, %cond3A_118 : i32
          scf.if %cond3A_119 {
            %ge3A = arith.constant 32 : i32
            %ge3A_127 = arith.cmpi sge, %while3A_110, %ge3A : i32
            %convert_element_type3A_128 = arith.extui %ge3A_127 : i1 to i32
            %cond3A_129 = arith.constant 0 : i32
            %cond3A_130 = arith.cmpi ne, %convert_element_type3A_128, %cond3A_129 : i32
            scf.if %cond3A_130 {
              %dma_wait3A_502 = arith.constant 0 : i32
              %dma_wait3A_503 = arith.constant 0 : i32
              %dma_wait3A_504 = tpu.memref_slice %arg6[%dma_wait3A_502, %dma_wait3A_503] : memref<16448x128xf32, #tpu.memory_space<hbm>> -> memref<16448x128xf32, #tpu.memory_space<hbm>>
              tpu.wait_indirect_dma semaphore(%arg21 : memref<!tpu.dma_semaphore, #tpu.memory_space<semaphore_mem>>) src(%arg13 : memref<16x128xf32, #tpu.memory_space<vmem>>) dst(%dma_wait3A_504 : memref<16448x128xf32, #tpu.memory_space<hbm>>)
            } else {
            }
            %iota3A_131 = tpu.iota {dimensions = array<i32: 0>} : vector<16xi32>
            %get3A_132 = arith.index_cast %while3A_110 : i32 to index
            %get3A_133 = tpu.vector_load %arg9[%get3A_132] {strides = array<i32>} : memref<16384xi32, #tpu.memory_space<vmem>>, vector<16xi32>,
            %add3A_134 = vector.broadcast %while3A_110 : i32 to vector<16xi32>
            %add3A_135 = arith.addi %add3A_134, %iota3A_131 : vector<16xi32>
            %lt3A_136 = vector.broadcast %while3A_94#1 : i32 to vector<16xi32>
            %lt3A_137 = arith.cmpi slt, %add3A_135, %lt3A_136 : vector<16xi32>
            %shift_right_logical3A_138 = arith.constant 10 : i32
            %shift_right_logical3A_139 = vector.broadcast %shift_right_logical3A_138 : i32 to vector<16xi32>
            %shift_right_logical3A_140 = arith.shrui %get3A_133, %shift_right_logical3A_139 : vector<16xi32>
            %and3A_141 = arith.constant 32767 : i32
            %and3A_142 = vector.broadcast %and3A_141 : i32 to vector<16xi32>
            %and3A_143 = arith.andi %shift_right_logical3A_140, %and3A_142 : vector<16xi32>
            %add3A_144 = arith.constant 16384 : i32
            %add3A_145 = vector.broadcast %add3A_144 : i32 to vector<16xi32>
            %add3A_146 = arith.addi %add3A_145, %iota3A_131 : vector<16xi32>
            %select_n3A_147 = arith.select %lt3A_137, %and3A_143, %add3A_146 : vector<16xi1>, vector<16xi32>
            %and3A_148 = arith.constant 1023 : i32
            %and3A_149 = vector.broadcast %and3A_148 : i32 to vector<16xi32>
            %and3A_150 = arith.andi %get3A_133, %and3A_149 : vector<16xi32>
            %add3A_151 = vector.broadcast %select_n3A_98 : i32 to vector<16xi32>
            %add3A_152 = arith.addi %and3A_150, %add3A_151 : vector<16xi32>
            %jit3A_153 = arith.constant 0 : i32
            %broadcast_in_dim3A_154 = vector.broadcast %jit3A_153 : i32 to vector<16xi32>
            %select_n3A_155 = arith.select %lt3A_137, %add3A_152, %broadcast_in_dim3A_154 : vector<16xi1>, vector<16xi32>
            %swap3A = arith.constant 0 : index
            %swap3A_156 = tpu.vector_load %arg15[%swap3A] {strides = array<i32>} : memref<16xi32, #tpu.memory_space<vmem>>, vector<16xi32>,
            tpu.vector_store %arg15[%swap3A], %select_n3A_147 {strides = array<i32>} : memref<16xi32, #tpu.memory_space<vmem>>, vector<16xi32>,
            %dma_start3A = arith.constant 0 : i32
            %dma_start3A_157 = arith.constant 0 : i32
            %dma_start3A_158 = tpu.memref_slice %arg12[%dma_start3A, %dma_start3A_157] : memref<16x129xf32, #tpu.memory_space<vmem>> -> memref<16x128xf32, #tpu.memory_space<vmem>>
            %dma_start3A_159 = arith.constant 0 : i32
            %dma_start3A_160 = arith.constant 0 : i32
            %dma_start3A_161 = tpu.memref_slice %arg4[%dma_start3A_159, %dma_start3A_160] : memref<16448x128xf32, #tpu.memory_space<hbm>> -> memref<16448x128xf32, #tpu.memory_space<hbm>>
            tpu.enqueue_indirect_dma source(%dma_start3A_161 : memref<16448x128xf32, #tpu.memory_space<hbm>>) target(%dma_start3A_158 : memref<16x128xf32, #tpu.memory_space<vmem>>) offsets(%arg15 : memref<16xi32, #tpu.memory_space<vmem>>) semaphore(%arg20 : memref<!tpu.dma_semaphore, #tpu.memory_space<semaphore_mem>>)
            %dma_wait3A_162 = arith.constant 0 : i32
            %dma_wait3A_163 = arith.constant 0 : i32
            %dma_wait3A_164 = tpu.memref_slice %arg12[%dma_wait3A_162, %dma_wait3A_163] : memref<16x129xf32, #tpu.memory_space<vmem>> -> memref<16x128xf32, #tpu.memory_space<vmem>>
            %dma_wait3A_165 = arith.constant 0 : i32
            %dma_wait3A_166 = arith.constant 0 : i32
            %dma_wait3A_167 = tpu.memref_slice %arg4[%dma_wait3A_165, %dma_wait3A_166] : memref<16448x128xf32, #tpu.memory_space<hbm>> -> memref<16448x128xf32, #tpu.memory_space<hbm>>
            tpu.wait_indirect_dma semaphore(%arg20 : memref<!tpu.dma_semaphore, #tpu.memory_space<semaphore_mem>>) src(%dma_wait3A_167 : memref<16448x128xf32, #tpu.memory_space<hbm>>) dst(%dma_wait3A_164 : memref<16x128xf32, #tpu.memory_space<vmem>>)
            %broadcast_in_dim3A_168 = arith.constant 0.000000e+00 : f32
            %broadcast_in_dim3A_169 = vector.broadcast %broadcast_in_dim3A_168 : f32 to vector<16xf32>
            %broadcast_in_dim3A_170 = arith.constant 0 : i32
            %broadcast_in_dim3A_171 = vector.broadcast %broadcast_in_dim3A_170 : i32 to vector<16xi32>
            %gather3A = tpu.vector_load_idx %arg10[%broadcast_in_dim3A_171, %select_n3A_155] : memref<32x1024xf32, #tpu.memory_space<vmem>>[vector<16xi32>, vector<16xi32>], vector<16xf32>,
            %gather3A_172 = tpu.vector_load_idx %arg12[%iota3A, %broadcast_in_dim3A_171] : memref<16x129xf32, #tpu.memory_space<vmem>>[vector<16xi32>, vector<16xi32>], vector<16xf32>,
            %slice3A_173 = vector.extract_strided_slice %get3A_1 {offsets = [0], sizes = [1], strides = [1]} : vector<16xf32> to vector<1xf32>
            %squeeze3A_174 = vector.extract %slice3A_173[0] : f32 from vector<1xf32>
            %mul3A_175 = arith.mulf %gather3A, %gather3A_172 : vector<16xf32>
            %mul3A_176 = vector.broadcast %squeeze3A_174 : f32 to vector<16xf32>
            %mul3A_177 = arith.mulf %mul3A_175, %mul3A_176 : vector<16xf32>
            %add3A_178 = arith.addf %broadcast_in_dim3A_169, %mul3A_177 : vector<16xf32>
            %broadcast_in_dim3A_179 = arith.constant 1 : i32
            %broadcast_in_dim3A_180 = vector.broadcast %broadcast_in_dim3A_179 : i32 to vector<16xi32>
            %gather3A_181 = tpu.vector_load_idx %arg10[%broadcast_in_dim3A_180, %select_n3A_155] : memref<32x1024xf32, #tpu.memory_space<vmem>>[vector<16xi32>, vector<16xi32>], vector<16xf32>,
            %gather3A_182 = tpu.vector_load_idx %arg12[%iota3A, %broadcast_in_dim3A_180] : memref<16x129xf32, #tpu.memory_space<vmem>>[vector<16xi32>, vector<16xi32>], vector<16xf32>,
            %slice3A_183 = vector.extract_strided_slice %get3A_1 {offsets = [1], sizes = [1], strides = [1]} : vector<16xf32> to vector<1xf32>
            %squeeze3A_184 = vector.extract %slice3A_183[0] : f32 from vector<1xf32>
            %mul3A_185 = arith.mulf %gather3A_181, %gather3A_182 : vector<16xf32>
            %mul3A_186 = vector.broadcast %squeeze3A_184 : f32 to vector<16xf32>
            %mul3A_187 = arith.mulf %mul3A_185, %mul3A_186 : vector<16xf32>
            %add3A_188 = arith.addf %add3A_178, %mul3A_187 : vector<16xf32>
            %broadcast_in_dim3A_189 = arith.constant 2 : i32
            %broadcast_in_dim3A_190 = vector.broadcast %broadcast_in_dim3A_189 : i32 to vector<16xi32>
            %gather3A_191 = tpu.vector_load_idx %arg10[%broadcast_in_dim3A_190, %select_n3A_155] : memref<32x1024xf32, #tpu.memory_space<vmem>>[vector<16xi32>, vector<16xi32>], vector<16xf32>,
            %gather3A_192 = tpu.vector_load_idx %arg12[%iota3A, %broadcast_in_dim3A_190] : memref<16x129xf32, #tpu.memory_space<vmem>>[vector<16xi32>, vector<16xi32>], vector<16xf32>,
            %slice3A_193 = vector.extract_strided_slice %get3A_1 {offsets = [2], sizes = [1], strides = [1]} : vector<16xf32> to vector<1xf32>
            %squeeze3A_194 = vector.extract %slice3A_193[0] : f32 from vector<1xf32>
            %mul3A_195 = arith.mulf %gather3A_191, %gather3A_192 : vector<16xf32>
            %mul3A_196 = vector.broadcast %squeeze3A_194 : f32 to vector<16xf32>
            %mul3A_197 = arith.mulf %mul3A_195, %mul3A_196 : vector<16xf32>
            %add3A_198 = arith.addf %add3A_188, %mul3A_197 : vector<16xf32>
            %broadcast_in_dim3A_199 = arith.constant 3 : i32
            %broadcast_in_dim3A_200 = vector.broadcast %broadcast_in_dim3A_199 : i32 to vector<16xi32>
            %gather3A_201 = tpu.vector_load_idx %arg10[%broadcast_in_dim3A_200, %select_n3A_155] : memref<32x1024xf32, #tpu.memory_space<vmem>>[vector<16xi32>, vector<16xi32>], vector<16xf32>,
            %gather3A_202 = tpu.vector_load_idx %arg12[%iota3A, %broadcast_in_dim3A_200] : memref<16x129xf32, #tpu.memory_space<vmem>>[vector<16xi32>, vector<16xi32>], vector<16xf32>,
            %slice3A_203 = vector.extract_strided_slice %get3A_1 {offsets = [3], sizes = [1], strides = [1]} : vector<16xf32> to vector<1xf32>
            %squeeze3A_204 = vector.extract %slice3A_203[0] : f32 from vector<1xf32>
            %mul3A_205 = arith.mulf %gather3A_201, %gather3A_202 : vector<16xf32>
            %mul3A_206 = vector.broadcast %squeeze3A_204 : f32 to vector<16xf32>
            %mul3A_207 = arith.mulf %mul3A_205, %mul3A_206 : vector<16xf32>
            %add3A_208 = arith.addf %add3A_198, %mul3A_207 : vector<16xf32>
            %broadcast_in_dim3A_209 = arith.constant 4 : i32
            %broadcast_in_dim3A_210 = vector.broadcast %broadcast_in_dim3A_209 : i32 to vector<16xi32>
            %gather3A_211 = tpu.vector_load_idx %arg10[%broadcast_in_dim3A_210, %select_n3A_155] : memref<32x1024xf32, #tpu.memory_space<vmem>>[vector<16xi32>, vector<16xi32>], vector<16xf32>,
            %gather3A_212 = tpu.vector_load_idx %arg12[%iota3A, %broadcast_in_dim3A_210] : memref<16x129xf32, #tpu.memory_space<vmem>>[vector<16xi32>, vector<16xi32>], vector<16xf32>,
            %slice3A_213 = vector.extract_strided_slice %get3A_1 {offsets = [4], sizes = [1], strides = [1]} : vector<16xf32> to vector<1xf32>
            %squeeze3A_214 = vector.extract %slice3A_213[0] : f32 from vector<1xf32>
            %mul3A_215 = arith.mulf %gather3A_211, %gather3A_212 : vector<16xf32>
            %mul3A_216 = vector.broadcast %squeeze3A_214 : f32 to vector<16xf32>
            %mul3A_217 = arith.mulf %mul3A_215, %mul3A_216 : vector<16xf32>
            %add3A_218 = arith.addf %add3A_208, %mul3A_217 : vector<16xf32>
            %broadcast_in_dim3A_219 = arith.constant 5 : i32
            %broadcast_in_dim3A_220 = vector.broadcast %broadcast_in_dim3A_219 : i32 to vector<16xi32>
            %gather3A_221 = tpu.vector_load_idx %arg10[%broadcast_in_dim3A_220, %select_n3A_155] : memref<32x1024xf32, #tpu.memory_space<vmem>>[vector<16xi32>, vector<16xi32>], vector<16xf32>,
            %gather3A_222 = tpu.vector_load_idx %arg12[%iota3A, %broadcast_in_dim3A_220] : memref<16x129xf32, #tpu.memory_space<vmem>>[vector<16xi32>, vector<16xi32>], vector<16xf32>,
            %slice3A_223 = vector.extract_strided_slice %get3A_1 {offsets = [5], sizes = [1], strides = [1]} : vector<16xf32> to vector<1xf32>
            %squeeze3A_224 = vector.extract %slice3A_223[0] : f32 from vector<1xf32>
            %mul3A_225 = arith.mulf %gather3A_221, %gather3A_222 : vector<16xf32>
            %mul3A_226 = vector.broadcast %squeeze3A_224 : f32 to vector<16xf32>
            %mul3A_227 = arith.mulf %mul3A_225, %mul3A_226 : vector<16xf32>
            %add3A_228 = arith.addf %add3A_218, %mul3A_227 : vector<16xf32>
            %broadcast_in_dim3A_229 = arith.constant 6 : i32
            %broadcast_in_dim3A_230 = vector.broadcast %broadcast_in_dim3A_229 : i32 to vector<16xi32>
            %gather3A_231 = tpu.vector_load_idx %arg10[%broadcast_in_dim3A_230, %select_n3A_155] : memref<32x1024xf32, #tpu.memory_space<vmem>>[vector<16xi32>, vector<16xi32>], vector<16xf32>,
            %gather3A_232 = tpu.vector_load_idx %arg12[%iota3A, %broadcast_in_dim3A_230] : memref<16x129xf32, #tpu.memory_space<vmem>>[vector<16xi32>, vector<16xi32>], vector<16xf32>,
            %slice3A_233 = vector.extract_strided_slice %get3A_1 {offsets = [6], sizes = [1], strides = [1]} : vector<16xf32> to vector<1xf32>
            %squeeze3A_234 = vector.extract %slice3A_233[0] : f32 from vector<1xf32>
            %mul3A_235 = arith.mulf %gather3A_231, %gather3A_232 : vector<16xf32>
            %mul3A_236 = vector.broadcast %squeeze3A_234 : f32 to vector<16xf32>
            %mul3A_237 = arith.mulf %mul3A_235, %mul3A_236 : vector<16xf32>
            %add3A_238 = arith.addf %add3A_228, %mul3A_237 : vector<16xf32>
            %broadcast_in_dim3A_239 = arith.constant 7 : i32
            %broadcast_in_dim3A_240 = vector.broadcast %broadcast_in_dim3A_239 : i32 to vector<16xi32>
            %gather3A_241 = tpu.vector_load_idx %arg10[%broadcast_in_dim3A_240, %select_n3A_155] : memref<32x1024xf32, #tpu.memory_space<vmem>>[vector<16xi32>, vector<16xi32>], vector<16xf32>,
            %gather3A_242 = tpu.vector_load_idx %arg12[%iota3A, %broadcast_in_dim3A_240] : memref<16x129xf32, #tpu.memory_space<vmem>>[vector<16xi32>, vector<16xi32>], vector<16xf32>,
            %slice3A_243 = vector.extract_strided_slice %get3A_1 {offsets = [7], sizes = [1], strides = [1]} : vector<16xf32> to vector<1xf32>
            %squeeze3A_244 = vector.extract %slice3A_243[0] : f32 from vector<1xf32>
            %mul3A_245 = arith.mulf %gather3A_241, %gather3A_242 : vector<16xf32>
            %mul3A_246 = vector.broadcast %squeeze3A_244 : f32 to vector<16xf32>
            %mul3A_247 = arith.mulf %mul3A_245, %mul3A_246 : vector<16xf32>
            %add3A_248 = arith.addf %add3A_238, %mul3A_247 : vector<16xf32>
            %broadcast_in_dim3A_249 = arith.constant 8 : i32
            %broadcast_in_dim3A_250 = vector.broadcast %broadcast_in_dim3A_249 : i32 to vector<16xi32>
            %gather3A_251 = tpu.vector_load_idx %arg10[%broadcast_in_dim3A_250, %select_n3A_155] : memref<32x1024xf32, #tpu.memory_space<vmem>>[vector<16xi32>, vector<16xi32>], vector<16xf32>,
            %gather3A_252 = tpu.vector_load_idx %arg12[%iota3A, %broadcast_in_dim3A_250] : memref<16x129xf32, #tpu.memory_space<vmem>>[vector<16xi32>, vector<16xi32>], vector<16xf32>,
            %slice3A_253 = vector.extract_strided_slice %get3A_1 {offsets = [8], sizes = [1], strides = [1]} : vector<16xf32> to vector<1xf32>
            %squeeze3A_254 = vector.extract %slice3A_253[0] : f32 from vector<1xf32>
            %mul3A_255 = arith.mulf %gather3A_251, %gather3A_252 : vector<16xf32>
            %mul3A_256 = vector.broadcast %squeeze3A_254 : f32 to vector<16xf32>
            %mul3A_257 = arith.mulf %mul3A_255, %mul3A_256 : vector<16xf32>
            %add3A_258 = arith.addf %add3A_248, %mul3A_257 : vector<16xf32>
            %broadcast_in_dim3A_259 = arith.constant 9 : i32
            %broadcast_in_dim3A_260 = vector.broadcast %broadcast_in_dim3A_259 : i32 to vector<16xi32>
            %gather3A_261 = tpu.vector_load_idx %arg10[%broadcast_in_dim3A_260, %select_n3A_155] : memref<32x1024xf32, #tpu.memory_space<vmem>>[vector<16xi32>, vector<16xi32>], vector<16xf32>,
            %gather3A_262 = tpu.vector_load_idx %arg12[%iota3A, %broadcast_in_dim3A_260] : memref<16x129xf32, #tpu.memory_space<vmem>>[vector<16xi32>, vector<16xi32>], vector<16xf32>,
            %slice3A_263 = vector.extract_strided_slice %get3A_1 {offsets = [9], sizes = [1], strides = [1]} : vector<16xf32> to vector<1xf32>
            %squeeze3A_264 = vector.extract %slice3A_263[0] : f32 from vector<1xf32>
            %mul3A_265 = arith.mulf %gather3A_261, %gather3A_262 : vector<16xf32>
            %mul3A_266 = vector.broadcast %squeeze3A_264 : f32 to vector<16xf32>
            %mul3A_267 = arith.mulf %mul3A_265, %mul3A_266 : vector<16xf32>
            %add3A_268 = arith.addf %add3A_258, %mul3A_267 : vector<16xf32>
            %broadcast_in_dim3A_269 = arith.constant 10 : i32
            %broadcast_in_dim3A_270 = vector.broadcast %broadcast_in_dim3A_269 : i32 to vector<16xi32>
            %gather3A_271 = tpu.vector_load_idx %arg10[%broadcast_in_dim3A_270, %select_n3A_155] : memref<32x1024xf32, #tpu.memory_space<vmem>>[vector<16xi32>, vector<16xi32>], vector<16xf32>,
            %gather3A_272 = tpu.vector_load_idx %arg12[%iota3A, %broadcast_in_dim3A_270] : memref<16x129xf32, #tpu.memory_space<vmem>>[vector<16xi32>, vector<16xi32>], vector<16xf32>,
            %slice3A_273 = vector.extract_strided_slice %get3A_1 {offsets = [10], sizes = [1], strides = [1]} : vector<16xf32> to vector<1xf32>
            %squeeze3A_274 = vector.extract %slice3A_273[0] : f32 from vector<1xf32>
            %mul3A_275 = arith.mulf %gather3A_271, %gather3A_272 : vector<16xf32>
            %mul3A_276 = vector.broadcast %squeeze3A_274 : f32 to vector<16xf32>
            %mul3A_277 = arith.mulf %mul3A_275, %mul3A_276 : vector<16xf32>
            %add3A_278 = arith.addf %add3A_268, %mul3A_277 : vector<16xf32>
            %broadcast_in_dim3A_279 = arith.constant 11 : i32
            %broadcast_in_dim3A_280 = vector.broadcast %broadcast_in_dim3A_279 : i32 to vector<16xi32>
            %gather3A_281 = tpu.vector_load_idx %arg10[%broadcast_in_dim3A_280, %select_n3A_155] : memref<32x1024xf32, #tpu.memory_space<vmem>>[vector<16xi32>, vector<16xi32>], vector<16xf32>,
            %gather3A_282 = tpu.vector_load_idx %arg12[%iota3A, %broadcast_in_dim3A_280] : memref<16x129xf32, #tpu.memory_space<vmem>>[vector<16xi32>, vector<16xi32>], vector<16xf32>,
            %slice3A_283 = vector.extract_strided_slice %get3A_1 {offsets = [11], sizes = [1], strides = [1]} : vector<16xf32> to vector<1xf32>
            %squeeze3A_284 = vector.extract %slice3A_283[0] : f32 from vector<1xf32>
            %mul3A_285 = arith.mulf %gather3A_281, %gather3A_282 : vector<16xf32>
            %mul3A_286 = vector.broadcast %squeeze3A_284 : f32 to vector<16xf32>
            %mul3A_287 = arith.mulf %mul3A_285, %mul3A_286 : vector<16xf32>
            %add3A_288 = arith.addf %add3A_278, %mul3A_287 : vector<16xf32>
            %broadcast_in_dim3A_289 = arith.constant 12 : i32
            %broadcast_in_dim3A_290 = vector.broadcast %broadcast_in_dim3A_289 : i32 to vector<16xi32>
            %gather3A_291 = tpu.vector_load_idx %arg10[%broadcast_in_dim3A_290, %select_n3A_155] : memref<32x1024xf32, #tpu.memory_space<vmem>>[vector<16xi32>, vector<16xi32>], vector<16xf32>,
            %gather3A_292 = tpu.vector_load_idx %arg12[%iota3A, %broadcast_in_dim3A_290] : memref<16x129xf32, #tpu.memory_space<vmem>>[vector<16xi32>, vector<16xi32>], vector<16xf32>,
            %slice3A_293 = vector.extract_strided_slice %get3A_1 {offsets = [12], sizes = [1], strides = [1]} : vector<16xf32> to vector<1xf32>
            %squeeze3A_294 = vector.extract %slice3A_293[0] : f32 from vector<1xf32>
            %mul3A_295 = arith.mulf %gather3A_291, %gather3A_292 : vector<16xf32>
            %mul3A_296 = vector.broadcast %squeeze3A_294 : f32 to vector<16xf32>
            %mul3A_297 = arith.mulf %mul3A_295, %mul3A_296 : vector<16xf32>
            %add3A_298 = arith.addf %add3A_288, %mul3A_297 : vector<16xf32>
            %broadcast_in_dim3A_299 = arith.constant 13 : i32
            %broadcast_in_dim3A_300 = vector.broadcast %broadcast_in_dim3A_299 : i32 to vector<16xi32>
            %gather3A_301 = tpu.vector_load_idx %arg10[%broadcast_in_dim3A_300, %select_n3A_155] : memref<32x1024xf32, #tpu.memory_space<vmem>>[vector<16xi32>, vector<16xi32>], vector<16xf32>,
            %gather3A_302 = tpu.vector_load_idx %arg12[%iota3A, %broadcast_in_dim3A_300] : memref<16x129xf32, #tpu.memory_space<vmem>>[vector<16xi32>, vector<16xi32>], vector<16xf32>,
            %slice3A_303 = vector.extract_strided_slice %get3A_1 {offsets = [13], sizes = [1], strides = [1]} : vector<16xf32> to vector<1xf32>
            %squeeze3A_304 = vector.extract %slice3A_303[0] : f32 from vector<1xf32>
            %mul3A_305 = arith.mulf %gather3A_301, %gather3A_302 : vector<16xf32>
            %mul3A_306 = vector.broadcast %squeeze3A_304 : f32 to vector<16xf32>
            %mul3A_307 = arith.mulf %mul3A_305, %mul3A_306 : vector<16xf32>
            %add3A_308 = arith.addf %add3A_298, %mul3A_307 : vector<16xf32>
            %broadcast_in_dim3A_309 = arith.constant 14 : i32
            %broadcast_in_dim3A_310 = vector.broadcast %broadcast_in_dim3A_309 : i32 to vector<16xi32>
            %gather3A_311 = tpu.vector_load_idx %arg10[%broadcast_in_dim3A_310, %select_n3A_155] : memref<32x1024xf32, #tpu.memory_space<vmem>>[vector<16xi32>, vector<16xi32>], vector<16xf32>,
            %gather3A_312 = tpu.vector_load_idx %arg12[%iota3A, %broadcast_in_dim3A_310] : memref<16x129xf32, #tpu.memory_space<vmem>>[vector<16xi32>, vector<16xi32>], vector<16xf32>,
            %slice3A_313 = vector.extract_strided_slice %get3A_1 {offsets = [14], sizes = [1], strides = [1]} : vector<16xf32> to vector<1xf32>
            %squeeze3A_314 = vector.extract %slice3A_313[0] : f32 from vector<1xf32>
            %mul3A_315 = arith.mulf %gather3A_311, %gather3A_312 : vector<16xf32>
            %mul3A_316 = vector.broadcast %squeeze3A_314 : f32 to vector<16xf32>
            %mul3A_317 = arith.mulf %mul3A_315, %mul3A_316 : vector<16xf32>
            %add3A_318 = arith.addf %add3A_308, %mul3A_317 : vector<16xf32>
            %broadcast_in_dim3A_319 = arith.constant 15 : i32
            %broadcast_in_dim3A_320 = vector.broadcast %broadcast_in_dim3A_319 : i32 to vector<16xi32>
            %gather3A_321 = tpu.vector_load_idx %arg10[%broadcast_in_dim3A_320, %select_n3A_155] : memref<32x1024xf32, #tpu.memory_space<vmem>>[vector<16xi32>, vector<16xi32>], vector<16xf32>,
            %gather3A_322 = tpu.vector_load_idx %arg12[%iota3A, %broadcast_in_dim3A_320] : memref<16x129xf32, #tpu.memory_space<vmem>>[vector<16xi32>, vector<16xi32>], vector<16xf32>,
            %slice3A_323 = vector.extract_strided_slice %get3A_1 {offsets = [15], sizes = [1], strides = [1]} : vector<16xf32> to vector<1xf32>
            %squeeze3A_324 = vector.extract %slice3A_323[0] : f32 from vector<1xf32>
            %mul3A_325 = arith.mulf %gather3A_321, %gather3A_322 : vector<16xf32>
            %mul3A_326 = vector.broadcast %squeeze3A_324 : f32 to vector<16xf32>
            %mul3A_327 = arith.mulf %mul3A_325, %mul3A_326 : vector<16xf32>
            %add3A_328 = arith.addf %add3A_318, %mul3A_327 : vector<16xf32>
            %broadcast_in_dim3A_329 = arith.constant 16 : i32
            %broadcast_in_dim3A_330 = vector.broadcast %broadcast_in_dim3A_329 : i32 to vector<16xi32>
            %gather3A_331 = tpu.vector_load_idx %arg10[%broadcast_in_dim3A_330, %select_n3A_155] : memref<32x1024xf32, #tpu.memory_space<vmem>>[vector<16xi32>, vector<16xi32>], vector<16xf32>,
            %gather3A_332 = tpu.vector_load_idx %arg12[%iota3A, %broadcast_in_dim3A_330] : memref<16x129xf32, #tpu.memory_space<vmem>>[vector<16xi32>, vector<16xi32>], vector<16xf32>,
            %slice3A_333 = vector.extract_strided_slice %get3A_3 {offsets = [0], sizes = [1], strides = [1]} : vector<16xf32> to vector<1xf32>
            %squeeze3A_334 = vector.extract %slice3A_333[0] : f32 from vector<1xf32>
            %mul3A_335 = arith.mulf %gather3A_331, %gather3A_332 : vector<16xf32>
            %mul3A_336 = vector.broadcast %squeeze3A_334 : f32 to vector<16xf32>
            %mul3A_337 = arith.mulf %mul3A_335, %mul3A_336 : vector<16xf32>
            %add3A_338 = arith.addf %add3A_328, %mul3A_337 : vector<16xf32>
            %broadcast_in_dim3A_339 = arith.constant 17 : i32
            %broadcast_in_dim3A_340 = vector.broadcast %broadcast_in_dim3A_339 : i32 to vector<16xi32>
            %gather3A_341 = tpu.vector_load_idx %arg10[%broadcast_in_dim3A_340, %select_n3A_155] : memref<32x1024xf32, #tpu.memory_space<vmem>>[vector<16xi32>, vector<16xi32>], vector<16xf32>,
            %gather3A_342 = tpu.vector_load_idx %arg12[%iota3A, %broadcast_in_dim3A_340] : memref<16x129xf32, #tpu.memory_space<vmem>>[vector<16xi32>, vector<16xi32>], vector<16xf32>,
            %slice3A_343 = vector.extract_strided_slice %get3A_3 {offsets = [1], sizes = [1], strides = [1]} : vector<16xf32> to vector<1xf32>
            %squeeze3A_344 = vector.extract %slice3A_343[0] : f32 from vector<1xf32>
            %mul3A_345 = arith.mulf %gather3A_341, %gather3A_342 : vector<16xf32>
            %mul3A_346 = vector.broadcast %squeeze3A_344 : f32 to vector<16xf32>
            %mul3A_347 = arith.mulf %mul3A_345, %mul3A_346 : vector<16xf32>
            %add3A_348 = arith.addf %add3A_338, %mul3A_347 : vector<16xf32>
            %broadcast_in_dim3A_349 = arith.constant 18 : i32
            %broadcast_in_dim3A_350 = vector.broadcast %broadcast_in_dim3A_349 : i32 to vector<16xi32>
            %gather3A_351 = tpu.vector_load_idx %arg10[%broadcast_in_dim3A_350, %select_n3A_155] : memref<32x1024xf32, #tpu.memory_space<vmem>>[vector<16xi32>, vector<16xi32>], vector<16xf32>,
            %gather3A_352 = tpu.vector_load_idx %arg12[%iota3A, %broadcast_in_dim3A_350] : memref<16x129xf32, #tpu.memory_space<vmem>>[vector<16xi32>, vector<16xi32>], vector<16xf32>,
            %slice3A_353 = vector.extract_strided_slice %get3A_3 {offsets = [2], sizes = [1], strides = [1]} : vector<16xf32> to vector<1xf32>
            %squeeze3A_354 = vector.extract %slice3A_353[0] : f32 from vector<1xf32>
            %mul3A_355 = arith.mulf %gather3A_351, %gather3A_352 : vector<16xf32>
            %mul3A_356 = vector.broadcast %squeeze3A_354 : f32 to vector<16xf32>
            %mul3A_357 = arith.mulf %mul3A_355, %mul3A_356 : vector<16xf32>
            %add3A_358 = arith.addf %add3A_348, %mul3A_357 : vector<16xf32>
            %broadcast_in_dim3A_359 = arith.constant 19 : i32
            %broadcast_in_dim3A_360 = vector.broadcast %broadcast_in_dim3A_359 : i32 to vector<16xi32>
            %gather3A_361 = tpu.vector_load_idx %arg10[%broadcast_in_dim3A_360, %select_n3A_155] : memref<32x1024xf32, #tpu.memory_space<vmem>>[vector<16xi32>, vector<16xi32>], vector<16xf32>,
            %gather3A_362 = tpu.vector_load_idx %arg12[%iota3A, %broadcast_in_dim3A_360] : memref<16x129xf32, #tpu.memory_space<vmem>>[vector<16xi32>, vector<16xi32>], vector<16xf32>,
            %slice3A_363 = vector.extract_strided_slice %get3A_3 {offsets = [3], sizes = [1], strides = [1]} : vector<16xf32> to vector<1xf32>
            %squeeze3A_364 = vector.extract %slice3A_363[0] : f32 from vector<1xf32>
            %mul3A_365 = arith.mulf %gather3A_361, %gather3A_362 : vector<16xf32>
            %mul3A_366 = vector.broadcast %squeeze3A_364 : f32 to vector<16xf32>
            %mul3A_367 = arith.mulf %mul3A_365, %mul3A_366 : vector<16xf32>
            %add3A_368 = arith.addf %add3A_358, %mul3A_367 : vector<16xf32>
            %broadcast_in_dim3A_369 = arith.constant 20 : i32
            %broadcast_in_dim3A_370 = vector.broadcast %broadcast_in_dim3A_369 : i32 to vector<16xi32>
            %gather3A_371 = tpu.vector_load_idx %arg10[%broadcast_in_dim3A_370, %select_n3A_155] : memref<32x1024xf32, #tpu.memory_space<vmem>>[vector<16xi32>, vector<16xi32>], vector<16xf32>,
            %gather3A_372 = tpu.vector_load_idx %arg12[%iota3A, %broadcast_in_dim3A_370] : memref<16x129xf32, #tpu.memory_space<vmem>>[vector<16xi32>, vector<16xi32>], vector<16xf32>,
            %slice3A_373 = vector.extract_strided_slice %get3A_3 {offsets = [4], sizes = [1], strides = [1]} : vector<16xf32> to vector<1xf32>
            %squeeze3A_374 = vector.extract %slice3A_373[0] : f32 from vector<1xf32>
            %mul3A_375 = arith.mulf %gather3A_371, %gather3A_372 : vector<16xf32>
            %mul3A_376 = vector.broadcast %squeeze3A_374 : f32 to vector<16xf32>
            %mul3A_377 = arith.mulf %mul3A_375, %mul3A_376 : vector<16xf32>
            %add3A_378 = arith.addf %add3A_368, %mul3A_377 : vector<16xf32>
            %broadcast_in_dim3A_379 = arith.constant 21 : i32
            %broadcast_in_dim3A_380 = vector.broadcast %broadcast_in_dim3A_379 : i32 to vector<16xi32>
            %gather3A_381 = tpu.vector_load_idx %arg10[%broadcast_in_dim3A_380, %select_n3A_155] : memref<32x1024xf32, #tpu.memory_space<vmem>>[vector<16xi32>, vector<16xi32>], vector<16xf32>,
            %gather3A_382 = tpu.vector_load_idx %arg12[%iota3A, %broadcast_in_dim3A_380] : memref<16x129xf32, #tpu.memory_space<vmem>>[vector<16xi32>, vector<16xi32>], vector<16xf32>,
            %slice3A_383 = vector.extract_strided_slice %get3A_3 {offsets = [5], sizes = [1], strides = [1]} : vector<16xf32> to vector<1xf32>
            %squeeze3A_384 = vector.extract %slice3A_383[0] : f32 from vector<1xf32>
            %mul3A_385 = arith.mulf %gather3A_381, %gather3A_382 : vector<16xf32>
            %mul3A_386 = vector.broadcast %squeeze3A_384 : f32 to vector<16xf32>
            %mul3A_387 = arith.mulf %mul3A_385, %mul3A_386 : vector<16xf32>
            %add3A_388 = arith.addf %add3A_378, %mul3A_387 : vector<16xf32>
            %broadcast_in_dim3A_389 = arith.constant 22 : i32
            %broadcast_in_dim3A_390 = vector.broadcast %broadcast_in_dim3A_389 : i32 to vector<16xi32>
            %gather3A_391 = tpu.vector_load_idx %arg10[%broadcast_in_dim3A_390, %select_n3A_155] : memref<32x1024xf32, #tpu.memory_space<vmem>>[vector<16xi32>, vector<16xi32>], vector<16xf32>,
            %gather3A_392 = tpu.vector_load_idx %arg12[%iota3A, %broadcast_in_dim3A_390] : memref<16x129xf32, #tpu.memory_space<vmem>>[vector<16xi32>, vector<16xi32>], vector<16xf32>,
            %slice3A_393 = vector.extract_strided_slice %get3A_3 {offsets = [6], sizes = [1], strides = [1]} : vector<16xf32> to vector<1xf32>
            %squeeze3A_394 = vector.extract %slice3A_393[0] : f32 from vector<1xf32>
            %mul3A_395 = arith.mulf %gather3A_391, %gather3A_392 : vector<16xf32>
            %mul3A_396 = vector.broadcast %squeeze3A_394 : f32 to vector<16xf32>
            %mul3A_397 = arith.mulf %mul3A_395, %mul3A_396 : vector<16xf32>
            %add3A_398 = arith.addf %add3A_388, %mul3A_397 : vector<16xf32>
            %broadcast_in_dim3A_399 = arith.constant 23 : i32
            %broadcast_in_dim3A_400 = vector.broadcast %broadcast_in_dim3A_399 : i32 to vector<16xi32>
            %gather3A_401 = tpu.vector_load_idx %arg10[%broadcast_in_dim3A_400, %select_n3A_155] : memref<32x1024xf32, #tpu.memory_space<vmem>>[vector<16xi32>, vector<16xi32>], vector<16xf32>,
            %gather3A_402 = tpu.vector_load_idx %arg12[%iota3A, %broadcast_in_dim3A_400] : memref<16x129xf32, #tpu.memory_space<vmem>>[vector<16xi32>, vector<16xi32>], vector<16xf32>,
            %slice3A_403 = vector.extract_strided_slice %get3A_3 {offsets = [7], sizes = [1], strides = [1]} : vector<16xf32> to vector<1xf32>
            %squeeze3A_404 = vector.extract %slice3A_403[0] : f32 from vector<1xf32>
            %mul3A_405 = arith.mulf %gather3A_401, %gather3A_402 : vector<16xf32>
            %mul3A_406 = vector.broadcast %squeeze3A_404 : f32 to vector<16xf32>
            %mul3A_407 = arith.mulf %mul3A_405, %mul3A_406 : vector<16xf32>
            %add3A_408 = arith.addf %add3A_398, %mul3A_407 : vector<16xf32>
            %broadcast_in_dim3A_409 = arith.constant 24 : i32
            %broadcast_in_dim3A_410 = vector.broadcast %broadcast_in_dim3A_409 : i32 to vector<16xi32>
            %gather3A_411 = tpu.vector_load_idx %arg10[%broadcast_in_dim3A_410, %select_n3A_155] : memref<32x1024xf32, #tpu.memory_space<vmem>>[vector<16xi32>, vector<16xi32>], vector<16xf32>,
            %gather3A_412 = tpu.vector_load_idx %arg12[%iota3A, %broadcast_in_dim3A_410] : memref<16x129xf32, #tpu.memory_space<vmem>>[vector<16xi32>, vector<16xi32>], vector<16xf32>,
            %slice3A_413 = vector.extract_strided_slice %get3A_3 {offsets = [8], sizes = [1], strides = [1]} : vector<16xf32> to vector<1xf32>
            %squeeze3A_414 = vector.extract %slice3A_413[0] : f32 from vector<1xf32>
            %mul3A_415 = arith.mulf %gather3A_411, %gather3A_412 : vector<16xf32>
            %mul3A_416 = vector.broadcast %squeeze3A_414 : f32 to vector<16xf32>
            %mul3A_417 = arith.mulf %mul3A_415, %mul3A_416 : vector<16xf32>
            %add3A_418 = arith.addf %add3A_408, %mul3A_417 : vector<16xf32>
            %broadcast_in_dim3A_419 = arith.constant 25 : i32
            %broadcast_in_dim3A_420 = vector.broadcast %broadcast_in_dim3A_419 : i32 to vector<16xi32>
            %gather3A_421 = tpu.vector_load_idx %arg10[%broadcast_in_dim3A_420, %select_n3A_155] : memref<32x1024xf32, #tpu.memory_space<vmem>>[vector<16xi32>, vector<16xi32>], vector<16xf32>,
            %gather3A_422 = tpu.vector_load_idx %arg12[%iota3A, %broadcast_in_dim3A_420] : memref<16x129xf32, #tpu.memory_space<vmem>>[vector<16xi32>, vector<16xi32>], vector<16xf32>,
            %slice3A_423 = vector.extract_strided_slice %get3A_3 {offsets = [9], sizes = [1], strides = [1]} : vector<16xf32> to vector<1xf32>
            %squeeze3A_424 = vector.extract %slice3A_423[0] : f32 from vector<1xf32>
            %mul3A_425 = arith.mulf %gather3A_421, %gather3A_422 : vector<16xf32>
            %mul3A_426 = vector.broadcast %squeeze3A_424 : f32 to vector<16xf32>
            %mul3A_427 = arith.mulf %mul3A_425, %mul3A_426 : vector<16xf32>
            %add3A_428 = arith.addf %add3A_418, %mul3A_427 : vector<16xf32>
            %broadcast_in_dim3A_429 = arith.constant 26 : i32
            %broadcast_in_dim3A_430 = vector.broadcast %broadcast_in_dim3A_429 : i32 to vector<16xi32>
            %gather3A_431 = tpu.vector_load_idx %arg10[%broadcast_in_dim3A_430, %select_n3A_155] : memref<32x1024xf32, #tpu.memory_space<vmem>>[vector<16xi32>, vector<16xi32>], vector<16xf32>,
            %gather3A_432 = tpu.vector_load_idx %arg12[%iota3A, %broadcast_in_dim3A_430] : memref<16x129xf32, #tpu.memory_space<vmem>>[vector<16xi32>, vector<16xi32>], vector<16xf32>,
            %slice3A_433 = vector.extract_strided_slice %get3A_3 {offsets = [10], sizes = [1], strides = [1]} : vector<16xf32> to vector<1xf32>
            %squeeze3A_434 = vector.extract %slice3A_433[0] : f32 from vector<1xf32>
            %mul3A_435 = arith.mulf %gather3A_431, %gather3A_432 : vector<16xf32>
            %mul3A_436 = vector.broadcast %squeeze3A_434 : f32 to vector<16xf32>
            %mul3A_437 = arith.mulf %mul3A_435, %mul3A_436 : vector<16xf32>
            %add3A_438 = arith.addf %add3A_428, %mul3A_437 : vector<16xf32>
            %broadcast_in_dim3A_439 = arith.constant 27 : i32
            %broadcast_in_dim3A_440 = vector.broadcast %broadcast_in_dim3A_439 : i32 to vector<16xi32>
            %gather3A_441 = tpu.vector_load_idx %arg10[%broadcast_in_dim3A_440, %select_n3A_155] : memref<32x1024xf32, #tpu.memory_space<vmem>>[vector<16xi32>, vector<16xi32>], vector<16xf32>,
            %gather3A_442 = tpu.vector_load_idx %arg12[%iota3A, %broadcast_in_dim3A_440] : memref<16x129xf32, #tpu.memory_space<vmem>>[vector<16xi32>, vector<16xi32>], vector<16xf32>,
            %slice3A_443 = vector.extract_strided_slice %get3A_3 {offsets = [11], sizes = [1], strides = [1]} : vector<16xf32> to vector<1xf32>
            %squeeze3A_444 = vector.extract %slice3A_443[0] : f32 from vector<1xf32>
            %mul3A_445 = arith.mulf %gather3A_441, %gather3A_442 : vector<16xf32>
            %mul3A_446 = vector.broadcast %squeeze3A_444 : f32 to vector<16xf32>
            %mul3A_447 = arith.mulf %mul3A_445, %mul3A_446 : vector<16xf32>
            %add3A_448 = arith.addf %add3A_438, %mul3A_447 : vector<16xf32>
            %broadcast_in_dim3A_449 = arith.constant 28 : i32
            %broadcast_in_dim3A_450 = vector.broadcast %broadcast_in_dim3A_449 : i32 to vector<16xi32>
            %gather3A_451 = tpu.vector_load_idx %arg10[%broadcast_in_dim3A_450, %select_n3A_155] : memref<32x1024xf32, #tpu.memory_space<vmem>>[vector<16xi32>, vector<16xi32>], vector<16xf32>,
            %gather3A_452 = tpu.vector_load_idx %arg12[%iota3A, %broadcast_in_dim3A_450] : memref<16x129xf32, #tpu.memory_space<vmem>>[vector<16xi32>, vector<16xi32>], vector<16xf32>,
            %slice3A_453 = vector.extract_strided_slice %get3A_3 {offsets = [12], sizes = [1], strides = [1]} : vector<16xf32> to vector<1xf32>
            %squeeze3A_454 = vector.extract %slice3A_453[0] : f32 from vector<1xf32>
            %mul3A_455 = arith.mulf %gather3A_451, %gather3A_452 : vector<16xf32>
            %mul3A_456 = vector.broadcast %squeeze3A_454 : f32 to vector<16xf32>
            %mul3A_457 = arith.mulf %mul3A_455, %mul3A_456 : vector<16xf32>
            %add3A_458 = arith.addf %add3A_448, %mul3A_457 : vector<16xf32>
            %broadcast_in_dim3A_459 = arith.constant 29 : i32
            %broadcast_in_dim3A_460 = vector.broadcast %broadcast_in_dim3A_459 : i32 to vector<16xi32>
            %gather3A_461 = tpu.vector_load_idx %arg10[%broadcast_in_dim3A_460, %select_n3A_155] : memref<32x1024xf32, #tpu.memory_space<vmem>>[vector<16xi32>, vector<16xi32>], vector<16xf32>,
            %gather3A_462 = tpu.vector_load_idx %arg12[%iota3A, %broadcast_in_dim3A_460] : memref<16x129xf32, #tpu.memory_space<vmem>>[vector<16xi32>, vector<16xi32>], vector<16xf32>,
            %slice3A_463 = vector.extract_strided_slice %get3A_3 {offsets = [13], sizes = [1], strides = [1]} : vector<16xf32> to vector<1xf32>
            %squeeze3A_464 = vector.extract %slice3A_463[0] : f32 from vector<1xf32>
            %mul3A_465 = arith.mulf %gather3A_461, %gather3A_462 : vector<16xf32>
            %mul3A_466 = vector.broadcast %squeeze3A_464 : f32 to vector<16xf32>
            %mul3A_467 = arith.mulf %mul3A_465, %mul3A_466 : vector<16xf32>
            %add3A_468 = arith.addf %add3A_458, %mul3A_467 : vector<16xf32>
            %broadcast_in_dim3A_469 = arith.constant 30 : i32
            %broadcast_in_dim3A_470 = vector.broadcast %broadcast_in_dim3A_469 : i32 to vector<16xi32>
            %gather3A_471 = tpu.vector_load_idx %arg10[%broadcast_in_dim3A_470, %select_n3A_155] : memref<32x1024xf32, #tpu.memory_space<vmem>>[vector<16xi32>, vector<16xi32>], vector<16xf32>,
            %gather3A_472 = tpu.vector_load_idx %arg12[%iota3A, %broadcast_in_dim3A_470] : memref<16x129xf32, #tpu.memory_space<vmem>>[vector<16xi32>, vector<16xi32>], vector<16xf32>,
            %slice3A_473 = vector.extract_strided_slice %get3A_3 {offsets = [14], sizes = [1], strides = [1]} : vector<16xf32> to vector<1xf32>
            %squeeze3A_474 = vector.extract %slice3A_473[0] : f32 from vector<1xf32>
            %mul3A_475 = arith.mulf %gather3A_471, %gather3A_472 : vector<16xf32>
            %mul3A_476 = vector.broadcast %squeeze3A_474 : f32 to vector<16xf32>
            %mul3A_477 = arith.mulf %mul3A_475, %mul3A_476 : vector<16xf32>
            %add3A_478 = arith.addf %add3A_468, %mul3A_477 : vector<16xf32>
            %broadcast_in_dim3A_479 = arith.constant 31 : i32
            %broadcast_in_dim3A_480 = vector.broadcast %broadcast_in_dim3A_479 : i32 to vector<16xi32>
            %gather3A_481 = tpu.vector_load_idx %arg10[%broadcast_in_dim3A_480, %select_n3A_155] : memref<32x1024xf32, #tpu.memory_space<vmem>>[vector<16xi32>, vector<16xi32>], vector<16xf32>,
            %gather3A_482 = tpu.vector_load_idx %arg12[%iota3A, %broadcast_in_dim3A_480] : memref<16x129xf32, #tpu.memory_space<vmem>>[vector<16xi32>, vector<16xi32>], vector<16xf32>,
            %slice3A_483 = vector.extract_strided_slice %get3A_3 {offsets = [15], sizes = [1], strides = [1]} : vector<16xf32> to vector<1xf32>
            %squeeze3A_484 = vector.extract %slice3A_483[0] : f32 from vector<1xf32>
            %mul3A_485 = arith.mulf %gather3A_481, %gather3A_482 : vector<16xf32>
            %mul3A_486 = vector.broadcast %squeeze3A_484 : f32 to vector<16xf32>
            %mul3A_487 = arith.mulf %mul3A_485, %mul3A_486 : vector<16xf32>
            %add3A_488 = arith.addf %add3A_478, %mul3A_487 : vector<16xf32>
            %add3A_489 = vector.broadcast %squeeze3A : f32 to vector<16xf32>
            %add3A_490 = arith.addf %add3A_488, %add3A_489 : vector<16xf32>
            %neg3A = arith.constant 0.000000e+00 : f32
            %neg3A_491 = vector.broadcast %neg3A : f32 to vector<16xf32>
            %neg3A_492 = arith.subf %neg3A_491, %add3A_490 : vector<16xf32>
            %exp3A = math.exp %neg3A_492 : vector<16xf32>
            %add3A_493 = arith.constant 1.000000e+00 : f32
            %add3A_494 = vector.broadcast %add3A_493 : f32 to vector<16xf32>
            %add3A_495 = arith.addf %add3A_494, %exp3A : vector<16xf32>
            %div3A_496 = arith.constant 1.000000e+00 : f32
            %div3A_497 = vector.broadcast %div3A_496 : f32 to vector<16xf32>
            %div3A_498 = arith.divf %div3A_497, %add3A_495 : vector<16xf32>
            tpu.vector_store_idx %arg13[%iota3A, %broadcast_in_dim3A_6], %div3A_498 : memref<16x128xf32, #tpu.memory_space<vmem>>[vector<16xi32>, vector<16xi32>], vector<16xf32>,
            %dma_start3A_499 = arith.constant 0 : i32
            %dma_start3A_500 = arith.constant 0 : i32
            %dma_start3A_501 = tpu.memref_slice %arg6[%dma_start3A_499, %dma_start3A_500] : memref<16448x128xf32, #tpu.memory_space<hbm>> -> memref<16448x128xf32, #tpu.memory_space<hbm>>
            tpu.enqueue_indirect_dma source(%arg13 : memref<16x128xf32, #tpu.memory_space<vmem>>) target(%dma_start3A_501 : memref<16448x128xf32, #tpu.memory_space<hbm>>) offsets(%arg15 : memref<16xi32, #tpu.memory_space<vmem>>) semaphore(%arg21 : memref<!tpu.dma_semaphore, #tpu.memory_space<semaphore_mem>>)
          } else {
          }
          %eq3A_120 = arith.constant 1 : i32
          %eq3A_121 = arith.cmpi eq, %and3A_114, %eq3A_120 : i32
          %convert_element_type3A_122 = arith.extui %eq3A_121 : i1 to i32
          %cond3A_123 = arith.constant 0 : i32
          %cond3A_124 = arith.cmpi ne, %convert_element_type3A_122, %cond3A_123 : i32
          scf.if %cond3A_124 {
            %ge3A = arith.constant 32 : i32
            %ge3A_127 = arith.cmpi sge, %while3A_110, %ge3A : i32
            %convert_element_type3A_128 = arith.extui %ge3A_127 : i1 to i32
            %cond3A_129 = arith.constant 0 : i32
            %cond3A_130 = arith.cmpi ne, %convert_element_type3A_128, %cond3A_129 : i32
            scf.if %cond3A_130 {
              %dma_wait3A_502 = arith.constant 0 : i32
              %dma_wait3A_503 = arith.constant 0 : i32
              %dma_wait3A_504 = tpu.memref_slice %arg6[%dma_wait3A_502, %dma_wait3A_503] : memref<16448x128xf32, #tpu.memory_space<hbm>> -> memref<16448x128xf32, #tpu.memory_space<hbm>>
              tpu.wait_indirect_dma semaphore(%arg22 : memref<!tpu.dma_semaphore, #tpu.memory_space<semaphore_mem>>) src(%arg14 : memref<16x128xf32, #tpu.memory_space<vmem>>) dst(%dma_wait3A_504 : memref<16448x128xf32, #tpu.memory_space<hbm>>)
            } else {
            }
            %iota3A_131 = tpu.iota {dimensions = array<i32: 0>} : vector<16xi32>
            %get3A_132 = arith.index_cast %while3A_110 : i32 to index
            %get3A_133 = tpu.vector_load %arg9[%get3A_132] {strides = array<i32>} : memref<16384xi32, #tpu.memory_space<vmem>>, vector<16xi32>,
            %add3A_134 = vector.broadcast %while3A_110 : i32 to vector<16xi32>
            %add3A_135 = arith.addi %add3A_134, %iota3A_131 : vector<16xi32>
            %lt3A_136 = vector.broadcast %while3A_94#1 : i32 to vector<16xi32>
            %lt3A_137 = arith.cmpi slt, %add3A_135, %lt3A_136 : vector<16xi32>
            %shift_right_logical3A_138 = arith.constant 10 : i32
            %shift_right_logical3A_139 = vector.broadcast %shift_right_logical3A_138 : i32 to vector<16xi32>
            %shift_right_logical3A_140 = arith.shrui %get3A_133, %shift_right_logical3A_139 : vector<16xi32>
            %and3A_141 = arith.constant 32767 : i32
            %and3A_142 = vector.broadcast %and3A_141 : i32 to vector<16xi32>
            %and3A_143 = arith.andi %shift_right_logical3A_140, %and3A_142 : vector<16xi32>
            %add3A_144 = arith.constant 16384 : i32
            %add3A_145 = vector.broadcast %add3A_144 : i32 to vector<16xi32>
            %add3A_146 = arith.addi %add3A_145, %iota3A_131 : vector<16xi32>
            %select_n3A_147 = arith.select %lt3A_137, %and3A_143, %add3A_146 : vector<16xi1>, vector<16xi32>
            %and3A_148 = arith.constant 1023 : i32
            %and3A_149 = vector.broadcast %and3A_148 : i32 to vector<16xi32>
            %and3A_150 = arith.andi %get3A_133, %and3A_149 : vector<16xi32>
            %add3A_151 = vector.broadcast %select_n3A_98 : i32 to vector<16xi32>
            %add3A_152 = arith.addi %and3A_150, %add3A_151 : vector<16xi32>
            %jit3A_153 = arith.constant 0 : i32
            %broadcast_in_dim3A_154 = vector.broadcast %jit3A_153 : i32 to vector<16xi32>
            %select_n3A_155 = arith.select %lt3A_137, %add3A_152, %broadcast_in_dim3A_154 : vector<16xi1>, vector<16xi32>
            %swap3A = arith.constant 0 : index
            %swap3A_156 = tpu.vector_load %arg16[%swap3A] {strides = array<i32>} : memref<16xi32, #tpu.memory_space<vmem>>, vector<16xi32>,
            tpu.vector_store %arg16[%swap3A], %select_n3A_147 {strides = array<i32>} : memref<16xi32, #tpu.memory_space<vmem>>, vector<16xi32>,
            %dma_start3A = arith.constant 0 : i32
            %dma_start3A_157 = arith.constant 0 : i32
            %dma_start3A_158 = tpu.memref_slice %arg12[%dma_start3A, %dma_start3A_157] : memref<16x129xf32, #tpu.memory_space<vmem>> -> memref<16x128xf32, #tpu.memory_space<vmem>>
            %dma_start3A_159 = arith.constant 0 : i32
            %dma_start3A_160 = arith.constant 0 : i32
            %dma_start3A_161 = tpu.memref_slice %arg4[%dma_start3A_159, %dma_start3A_160] : memref<16448x128xf32, #tpu.memory_space<hbm>> -> memref<16448x128xf32, #tpu.memory_space<hbm>>
            tpu.enqueue_indirect_dma source(%dma_start3A_161 : memref<16448x128xf32, #tpu.memory_space<hbm>>) target(%dma_start3A_158 : memref<16x128xf32, #tpu.memory_space<vmem>>) offsets(%arg16 : memref<16xi32, #tpu.memory_space<vmem>>) semaphore(%arg20 : memref<!tpu.dma_semaphore, #tpu.memory_space<semaphore_mem>>)
            %dma_wait3A_162 = arith.constant 0 : i32
            %dma_wait3A_163 = arith.constant 0 : i32
            %dma_wait3A_164 = tpu.memref_slice %arg12[%dma_wait3A_162, %dma_wait3A_163] : memref<16x129xf32, #tpu.memory_space<vmem>> -> memref<16x128xf32, #tpu.memory_space<vmem>>
            %dma_wait3A_165 = arith.constant 0 : i32
            %dma_wait3A_166 = arith.constant 0 : i32
            %dma_wait3A_167 = tpu.memref_slice %arg4[%dma_wait3A_165, %dma_wait3A_166] : memref<16448x128xf32, #tpu.memory_space<hbm>> -> memref<16448x128xf32, #tpu.memory_space<hbm>>
            tpu.wait_indirect_dma semaphore(%arg20 : memref<!tpu.dma_semaphore, #tpu.memory_space<semaphore_mem>>) src(%dma_wait3A_167 : memref<16448x128xf32, #tpu.memory_space<hbm>>) dst(%dma_wait3A_164 : memref<16x128xf32, #tpu.memory_space<vmem>>)
            %broadcast_in_dim3A_168 = arith.constant 0.000000e+00 : f32
            %broadcast_in_dim3A_169 = vector.broadcast %broadcast_in_dim3A_168 : f32 to vector<16xf32>
            %broadcast_in_dim3A_170 = arith.constant 0 : i32
            %broadcast_in_dim3A_171 = vector.broadcast %broadcast_in_dim3A_170 : i32 to vector<16xi32>
            %gather3A = tpu.vector_load_idx %arg10[%broadcast_in_dim3A_171, %select_n3A_155] : memref<32x1024xf32, #tpu.memory_space<vmem>>[vector<16xi32>, vector<16xi32>], vector<16xf32>,
            %gather3A_172 = tpu.vector_load_idx %arg12[%iota3A, %broadcast_in_dim3A_171] : memref<16x129xf32, #tpu.memory_space<vmem>>[vector<16xi32>, vector<16xi32>], vector<16xf32>,
            %slice3A_173 = vector.extract_strided_slice %get3A_1 {offsets = [0], sizes = [1], strides = [1]} : vector<16xf32> to vector<1xf32>
            %squeeze3A_174 = vector.extract %slice3A_173[0] : f32 from vector<1xf32>
            %mul3A_175 = arith.mulf %gather3A, %gather3A_172 : vector<16xf32>
            %mul3A_176 = vector.broadcast %squeeze3A_174 : f32 to vector<16xf32>
            %mul3A_177 = arith.mulf %mul3A_175, %mul3A_176 : vector<16xf32>
            %add3A_178 = arith.addf %broadcast_in_dim3A_169, %mul3A_177 : vector<16xf32>
            %broadcast_in_dim3A_179 = arith.constant 1 : i32
            %broadcast_in_dim3A_180 = vector.broadcast %broadcast_in_dim3A_179 : i32 to vector<16xi32>
            %gather3A_181 = tpu.vector_load_idx %arg10[%broadcast_in_dim3A_180, %select_n3A_155] : memref<32x1024xf32, #tpu.memory_space<vmem>>[vector<16xi32>, vector<16xi32>], vector<16xf32>,
            %gather3A_182 = tpu.vector_load_idx %arg12[%iota3A, %broadcast_in_dim3A_180] : memref<16x129xf32, #tpu.memory_space<vmem>>[vector<16xi32>, vector<16xi32>], vector<16xf32>,
            %slice3A_183 = vector.extract_strided_slice %get3A_1 {offsets = [1], sizes = [1], strides = [1]} : vector<16xf32> to vector<1xf32>
            %squeeze3A_184 = vector.extract %slice3A_183[0] : f32 from vector<1xf32>
            %mul3A_185 = arith.mulf %gather3A_181, %gather3A_182 : vector<16xf32>
            %mul3A_186 = vector.broadcast %squeeze3A_184 : f32 to vector<16xf32>
            %mul3A_187 = arith.mulf %mul3A_185, %mul3A_186 : vector<16xf32>
            %add3A_188 = arith.addf %add3A_178, %mul3A_187 : vector<16xf32>
            %broadcast_in_dim3A_189 = arith.constant 2 : i32
            %broadcast_in_dim3A_190 = vector.broadcast %broadcast_in_dim3A_189 : i32 to vector<16xi32>
            %gather3A_191 = tpu.vector_load_idx %arg10[%broadcast_in_dim3A_190, %select_n3A_155] : memref<32x1024xf32, #tpu.memory_space<vmem>>[vector<16xi32>, vector<16xi32>], vector<16xf32>,
            %gather3A_192 = tpu.vector_load_idx %arg12[%iota3A, %broadcast_in_dim3A_190] : memref<16x129xf32, #tpu.memory_space<vmem>>[vector<16xi32>, vector<16xi32>], vector<16xf32>,
            %slice3A_193 = vector.extract_strided_slice %get3A_1 {offsets = [2], sizes = [1], strides = [1]} : vector<16xf32> to vector<1xf32>
            %squeeze3A_194 = vector.extract %slice3A_193[0] : f32 from vector<1xf32>
            %mul3A_195 = arith.mulf %gather3A_191, %gather3A_192 : vector<16xf32>
            %mul3A_196 = vector.broadcast %squeeze3A_194 : f32 to vector<16xf32>
            %mul3A_197 = arith.mulf %mul3A_195, %mul3A_196 : vector<16xf32>
            %add3A_198 = arith.addf %add3A_188, %mul3A_197 : vector<16xf32>
            %broadcast_in_dim3A_199 = arith.constant 3 : i32
            %broadcast_in_dim3A_200 = vector.broadcast %broadcast_in_dim3A_199 : i32 to vector<16xi32>
            %gather3A_201 = tpu.vector_load_idx %arg10[%broadcast_in_dim3A_200, %select_n3A_155] : memref<32x1024xf32, #tpu.memory_space<vmem>>[vector<16xi32>, vector<16xi32>], vector<16xf32>,
            %gather3A_202 = tpu.vector_load_idx %arg12[%iota3A, %broadcast_in_dim3A_200] : memref<16x129xf32, #tpu.memory_space<vmem>>[vector<16xi32>, vector<16xi32>], vector<16xf32>,
            %slice3A_203 = vector.extract_strided_slice %get3A_1 {offsets = [3], sizes = [1], strides = [1]} : vector<16xf32> to vector<1xf32>
            %squeeze3A_204 = vector.extract %slice3A_203[0] : f32 from vector<1xf32>
            %mul3A_205 = arith.mulf %gather3A_201, %gather3A_202 : vector<16xf32>
            %mul3A_206 = vector.broadcast %squeeze3A_204 : f32 to vector<16xf32>
            %mul3A_207 = arith.mulf %mul3A_205, %mul3A_206 : vector<16xf32>
            %add3A_208 = arith.addf %add3A_198, %mul3A_207 : vector<16xf32>
            %broadcast_in_dim3A_209 = arith.constant 4 : i32
            %broadcast_in_dim3A_210 = vector.broadcast %broadcast_in_dim3A_209 : i32 to vector<16xi32>
            %gather3A_211 = tpu.vector_load_idx %arg10[%broadcast_in_dim3A_210, %select_n3A_155] : memref<32x1024xf32, #tpu.memory_space<vmem>>[vector<16xi32>, vector<16xi32>], vector<16xf32>,
            %gather3A_212 = tpu.vector_load_idx %arg12[%iota3A, %broadcast_in_dim3A_210] : memref<16x129xf32, #tpu.memory_space<vmem>>[vector<16xi32>, vector<16xi32>], vector<16xf32>,
            %slice3A_213 = vector.extract_strided_slice %get3A_1 {offsets = [4], sizes = [1], strides = [1]} : vector<16xf32> to vector<1xf32>
            %squeeze3A_214 = vector.extract %slice3A_213[0] : f32 from vector<1xf32>
            %mul3A_215 = arith.mulf %gather3A_211, %gather3A_212 : vector<16xf32>
            %mul3A_216 = vector.broadcast %squeeze3A_214 : f32 to vector<16xf32>
            %mul3A_217 = arith.mulf %mul3A_215, %mul3A_216 : vector<16xf32>
            %add3A_218 = arith.addf %add3A_208, %mul3A_217 : vector<16xf32>
            %broadcast_in_dim3A_219 = arith.constant 5 : i32
            %broadcast_in_dim3A_220 = vector.broadcast %broadcast_in_dim3A_219 : i32 to vector<16xi32>
            %gather3A_221 = tpu.vector_load_idx %arg10[%broadcast_in_dim3A_220, %select_n3A_155] : memref<32x1024xf32, #tpu.memory_space<vmem>>[vector<16xi32>, vector<16xi32>], vector<16xf32>,
            %gather3A_222 = tpu.vector_load_idx %arg12[%iota3A, %broadcast_in_dim3A_220] : memref<16x129xf32, #tpu.memory_space<vmem>>[vector<16xi32>, vector<16xi32>], vector<16xf32>,
            %slice3A_223 = vector.extract_strided_slice %get3A_1 {offsets = [5], sizes = [1], strides = [1]} : vector<16xf32> to vector<1xf32>
            %squeeze3A_224 = vector.extract %slice3A_223[0] : f32 from vector<1xf32>
            %mul3A_225 = arith.mulf %gather3A_221, %gather3A_222 : vector<16xf32>
            %mul3A_226 = vector.broadcast %squeeze3A_224 : f32 to vector<16xf32>
            %mul3A_227 = arith.mulf %mul3A_225, %mul3A_226 : vector<16xf32>
            %add3A_228 = arith.addf %add3A_218, %mul3A_227 : vector<16xf32>
            %broadcast_in_dim3A_229 = arith.constant 6 : i32
            %broadcast_in_dim3A_230 = vector.broadcast %broadcast_in_dim3A_229 : i32 to vector<16xi32>
            %gather3A_231 = tpu.vector_load_idx %arg10[%broadcast_in_dim3A_230, %select_n3A_155] : memref<32x1024xf32, #tpu.memory_space<vmem>>[vector<16xi32>, vector<16xi32>], vector<16xf32>,
            %gather3A_232 = tpu.vector_load_idx %arg12[%iota3A, %broadcast_in_dim3A_230] : memref<16x129xf32, #tpu.memory_space<vmem>>[vector<16xi32>, vector<16xi32>], vector<16xf32>,
            %slice3A_233 = vector.extract_strided_slice %get3A_1 {offsets = [6], sizes = [1], strides = [1]} : vector<16xf32> to vector<1xf32>
            %squeeze3A_234 = vector.extract %slice3A_233[0] : f32 from vector<1xf32>
            %mul3A_235 = arith.mulf %gather3A_231, %gather3A_232 : vector<16xf32>
            %mul3A_236 = vector.broadcast %squeeze3A_234 : f32 to vector<16xf32>
            %mul3A_237 = arith.mulf %mul3A_235, %mul3A_236 : vector<16xf32>
            %add3A_238 = arith.addf %add3A_228, %mul3A_237 : vector<16xf32>
            %broadcast_in_dim3A_239 = arith.constant 7 : i32
            %broadcast_in_dim3A_240 = vector.broadcast %broadcast_in_dim3A_239 : i32 to vector<16xi32>
            %gather3A_241 = tpu.vector_load_idx %arg10[%broadcast_in_dim3A_240, %select_n3A_155] : memref<32x1024xf32, #tpu.memory_space<vmem>>[vector<16xi32>, vector<16xi32>], vector<16xf32>,
            %gather3A_242 = tpu.vector_load_idx %arg12[%iota3A, %broadcast_in_dim3A_240] : memref<16x129xf32, #tpu.memory_space<vmem>>[vector<16xi32>, vector<16xi32>], vector<16xf32>,
            %slice3A_243 = vector.extract_strided_slice %get3A_1 {offsets = [7], sizes = [1], strides = [1]} : vector<16xf32> to vector<1xf32>
            %squeeze3A_244 = vector.extract %slice3A_243[0] : f32 from vector<1xf32>
            %mul3A_245 = arith.mulf %gather3A_241, %gather3A_242 : vector<16xf32>
            %mul3A_246 = vector.broadcast %squeeze3A_244 : f32 to vector<16xf32>
            %mul3A_247 = arith.mulf %mul3A_245, %mul3A_246 : vector<16xf32>
            %add3A_248 = arith.addf %add3A_238, %mul3A_247 : vector<16xf32>
            %broadcast_in_dim3A_249 = arith.constant 8 : i32
            %broadcast_in_dim3A_250 = vector.broadcast %broadcast_in_dim3A_249 : i32 to vector<16xi32>
            %gather3A_251 = tpu.vector_load_idx %arg10[%broadcast_in_dim3A_250, %select_n3A_155] : memref<32x1024xf32, #tpu.memory_space<vmem>>[vector<16xi32>, vector<16xi32>], vector<16xf32>,
            %gather3A_252 = tpu.vector_load_idx %arg12[%iota3A, %broadcast_in_dim3A_250] : memref<16x129xf32, #tpu.memory_space<vmem>>[vector<16xi32>, vector<16xi32>], vector<16xf32>,
            %slice3A_253 = vector.extract_strided_slice %get3A_1 {offsets = [8], sizes = [1], strides = [1]} : vector<16xf32> to vector<1xf32>
            %squeeze3A_254 = vector.extract %slice3A_253[0] : f32 from vector<1xf32>
            %mul3A_255 = arith.mulf %gather3A_251, %gather3A_252 : vector<16xf32>
            %mul3A_256 = vector.broadcast %squeeze3A_254 : f32 to vector<16xf32>
            %mul3A_257 = arith.mulf %mul3A_255, %mul3A_256 : vector<16xf32>
            %add3A_258 = arith.addf %add3A_248, %mul3A_257 : vector<16xf32>
            %broadcast_in_dim3A_259 = arith.constant 9 : i32
            %broadcast_in_dim3A_260 = vector.broadcast %broadcast_in_dim3A_259 : i32 to vector<16xi32>
            %gather3A_261 = tpu.vector_load_idx %arg10[%broadcast_in_dim3A_260, %select_n3A_155] : memref<32x1024xf32, #tpu.memory_space<vmem>>[vector<16xi32>, vector<16xi32>], vector<16xf32>,
            %gather3A_262 = tpu.vector_load_idx %arg12[%iota3A, %broadcast_in_dim3A_260] : memref<16x129xf32, #tpu.memory_space<vmem>>[vector<16xi32>, vector<16xi32>], vector<16xf32>,
            %slice3A_263 = vector.extract_strided_slice %get3A_1 {offsets = [9], sizes = [1], strides = [1]} : vector<16xf32> to vector<1xf32>
            %squeeze3A_264 = vector.extract %slice3A_263[0] : f32 from vector<1xf32>
            %mul3A_265 = arith.mulf %gather3A_261, %gather3A_262 : vector<16xf32>
            %mul3A_266 = vector.broadcast %squeeze3A_264 : f32 to vector<16xf32>
            %mul3A_267 = arith.mulf %mul3A_265, %mul3A_266 : vector<16xf32>
            %add3A_268 = arith.addf %add3A_258, %mul3A_267 : vector<16xf32>
            %broadcast_in_dim3A_269 = arith.constant 10 : i32
            %broadcast_in_dim3A_270 = vector.broadcast %broadcast_in_dim3A_269 : i32 to vector<16xi32>
            %gather3A_271 = tpu.vector_load_idx %arg10[%broadcast_in_dim3A_270, %select_n3A_155] : memref<32x1024xf32, #tpu.memory_space<vmem>>[vector<16xi32>, vector<16xi32>], vector<16xf32>,
            %gather3A_272 = tpu.vector_load_idx %arg12[%iota3A, %broadcast_in_dim3A_270] : memref<16x129xf32, #tpu.memory_space<vmem>>[vector<16xi32>, vector<16xi32>], vector<16xf32>,
            %slice3A_273 = vector.extract_strided_slice %get3A_1 {offsets = [10], sizes = [1], strides = [1]} : vector<16xf32> to vector<1xf32>
            %squeeze3A_274 = vector.extract %slice3A_273[0] : f32 from vector<1xf32>
            %mul3A_275 = arith.mulf %gather3A_271, %gather3A_272 : vector<16xf32>
            %mul3A_276 = vector.broadcast %squeeze3A_274 : f32 to vector<16xf32>
            %mul3A_277 = arith.mulf %mul3A_275, %mul3A_276 : vector<16xf32>
            %add3A_278 = arith.addf %add3A_268, %mul3A_277 : vector<16xf32>
            %broadcast_in_dim3A_279 = arith.constant 11 : i32
            %broadcast_in_dim3A_280 = vector.broadcast %broadcast_in_dim3A_279 : i32 to vector<16xi32>
            %gather3A_281 = tpu.vector_load_idx %arg10[%broadcast_in_dim3A_280, %select_n3A_155] : memref<32x1024xf32, #tpu.memory_space<vmem>>[vector<16xi32>, vector<16xi32>], vector<16xf32>,
            %gather3A_282 = tpu.vector_load_idx %arg12[%iota3A, %broadcast_in_dim3A_280] : memref<16x129xf32, #tpu.memory_space<vmem>>[vector<16xi32>, vector<16xi32>], vector<16xf32>,
            %slice3A_283 = vector.extract_strided_slice %get3A_1 {offsets = [11], sizes = [1], strides = [1]} : vector<16xf32> to vector<1xf32>
            %squeeze3A_284 = vector.extract %slice3A_283[0] : f32 from vector<1xf32>
            %mul3A_285 = arith.mulf %gather3A_281, %gather3A_282 : vector<16xf32>
            %mul3A_286 = vector.broadcast %squeeze3A_284 : f32 to vector<16xf32>
            %mul3A_287 = arith.mulf %mul3A_285, %mul3A_286 : vector<16xf32>
            %add3A_288 = arith.addf %add3A_278, %mul3A_287 : vector<16xf32>
            %broadcast_in_dim3A_289 = arith.constant 12 : i32
            %broadcast_in_dim3A_290 = vector.broadcast %broadcast_in_dim3A_289 : i32 to vector<16xi32>
            %gather3A_291 = tpu.vector_load_idx %arg10[%broadcast_in_dim3A_290, %select_n3A_155] : memref<32x1024xf32, #tpu.memory_space<vmem>>[vector<16xi32>, vector<16xi32>], vector<16xf32>,
            %gather3A_292 = tpu.vector_load_idx %arg12[%iota3A, %broadcast_in_dim3A_290] : memref<16x129xf32, #tpu.memory_space<vmem>>[vector<16xi32>, vector<16xi32>], vector<16xf32>,
            %slice3A_293 = vector.extract_strided_slice %get3A_1 {offsets = [12], sizes = [1], strides = [1]} : vector<16xf32> to vector<1xf32>
            %squeeze3A_294 = vector.extract %slice3A_293[0] : f32 from vector<1xf32>
            %mul3A_295 = arith.mulf %gather3A_291, %gather3A_292 : vector<16xf32>
            %mul3A_296 = vector.broadcast %squeeze3A_294 : f32 to vector<16xf32>
            %mul3A_297 = arith.mulf %mul3A_295, %mul3A_296 : vector<16xf32>
            %add3A_298 = arith.addf %add3A_288, %mul3A_297 : vector<16xf32>
            %broadcast_in_dim3A_299 = arith.constant 13 : i32
            %broadcast_in_dim3A_300 = vector.broadcast %broadcast_in_dim3A_299 : i32 to vector<16xi32>
            %gather3A_301 = tpu.vector_load_idx %arg10[%broadcast_in_dim3A_300, %select_n3A_155] : memref<32x1024xf32, #tpu.memory_space<vmem>>[vector<16xi32>, vector<16xi32>], vector<16xf32>,
            %gather3A_302 = tpu.vector_load_idx %arg12[%iota3A, %broadcast_in_dim3A_300] : memref<16x129xf32, #tpu.memory_space<vmem>>[vector<16xi32>, vector<16xi32>], vector<16xf32>,
            %slice3A_303 = vector.extract_strided_slice %get3A_1 {offsets = [13], sizes = [1], strides = [1]} : vector<16xf32> to vector<1xf32>
            %squeeze3A_304 = vector.extract %slice3A_303[0] : f32 from vector<1xf32>
            %mul3A_305 = arith.mulf %gather3A_301, %gather3A_302 : vector<16xf32>
            %mul3A_306 = vector.broadcast %squeeze3A_304 : f32 to vector<16xf32>
            %mul3A_307 = arith.mulf %mul3A_305, %mul3A_306 : vector<16xf32>
            %add3A_308 = arith.addf %add3A_298, %mul3A_307 : vector<16xf32>
            %broadcast_in_dim3A_309 = arith.constant 14 : i32
            %broadcast_in_dim3A_310 = vector.broadcast %broadcast_in_dim3A_309 : i32 to vector<16xi32>
            %gather3A_311 = tpu.vector_load_idx %arg10[%broadcast_in_dim3A_310, %select_n3A_155] : memref<32x1024xf32, #tpu.memory_space<vmem>>[vector<16xi32>, vector<16xi32>], vector<16xf32>,
            %gather3A_312 = tpu.vector_load_idx %arg12[%iota3A, %broadcast_in_dim3A_310] : memref<16x129xf32, #tpu.memory_space<vmem>>[vector<16xi32>, vector<16xi32>], vector<16xf32>,
            %slice3A_313 = vector.extract_strided_slice %get3A_1 {offsets = [14], sizes = [1], strides = [1]} : vector<16xf32> to vector<1xf32>
            %squeeze3A_314 = vector.extract %slice3A_313[0] : f32 from vector<1xf32>
            %mul3A_315 = arith.mulf %gather3A_311, %gather3A_312 : vector<16xf32>
            %mul3A_316 = vector.broadcast %squeeze3A_314 : f32 to vector<16xf32>
            %mul3A_317 = arith.mulf %mul3A_315, %mul3A_316 : vector<16xf32>
            %add3A_318 = arith.addf %add3A_308, %mul3A_317 : vector<16xf32>
            %broadcast_in_dim3A_319 = arith.constant 15 : i32
            %broadcast_in_dim3A_320 = vector.broadcast %broadcast_in_dim3A_319 : i32 to vector<16xi32>
            %gather3A_321 = tpu.vector_load_idx %arg10[%broadcast_in_dim3A_320, %select_n3A_155] : memref<32x1024xf32, #tpu.memory_space<vmem>>[vector<16xi32>, vector<16xi32>], vector<16xf32>,
            %gather3A_322 = tpu.vector_load_idx %arg12[%iota3A, %broadcast_in_dim3A_320] : memref<16x129xf32, #tpu.memory_space<vmem>>[vector<16xi32>, vector<16xi32>], vector<16xf32>,
            %slice3A_323 = vector.extract_strided_slice %get3A_1 {offsets = [15], sizes = [1], strides = [1]} : vector<16xf32> to vector<1xf32>
            %squeeze3A_324 = vector.extract %slice3A_323[0] : f32 from vector<1xf32>
            %mul3A_325 = arith.mulf %gather3A_321, %gather3A_322 : vector<16xf32>
            %mul3A_326 = vector.broadcast %squeeze3A_324 : f32 to vector<16xf32>
            %mul3A_327 = arith.mulf %mul3A_325, %mul3A_326 : vector<16xf32>
            %add3A_328 = arith.addf %add3A_318, %mul3A_327 : vector<16xf32>
            %broadcast_in_dim3A_329 = arith.constant 16 : i32
            %broadcast_in_dim3A_330 = vector.broadcast %broadcast_in_dim3A_329 : i32 to vector<16xi32>
            %gather3A_331 = tpu.vector_load_idx %arg10[%broadcast_in_dim3A_330, %select_n3A_155] : memref<32x1024xf32, #tpu.memory_space<vmem>>[vector<16xi32>, vector<16xi32>], vector<16xf32>,
            %gather3A_332 = tpu.vector_load_idx %arg12[%iota3A, %broadcast_in_dim3A_330] : memref<16x129xf32, #tpu.memory_space<vmem>>[vector<16xi32>, vector<16xi32>], vector<16xf32>,
            %slice3A_333 = vector.extract_strided_slice %get3A_3 {offsets = [0], sizes = [1], strides = [1]} : vector<16xf32> to vector<1xf32>
            %squeeze3A_334 = vector.extract %slice3A_333[0] : f32 from vector<1xf32>
            %mul3A_335 = arith.mulf %gather3A_331, %gather3A_332 : vector<16xf32>
            %mul3A_336 = vector.broadcast %squeeze3A_334 : f32 to vector<16xf32>
            %mul3A_337 = arith.mulf %mul3A_335, %mul3A_336 : vector<16xf32>
            %add3A_338 = arith.addf %add3A_328, %mul3A_337 : vector<16xf32>
            %broadcast_in_dim3A_339 = arith.constant 17 : i32
            %broadcast_in_dim3A_340 = vector.broadcast %broadcast_in_dim3A_339 : i32 to vector<16xi32>
            %gather3A_341 = tpu.vector_load_idx %arg10[%broadcast_in_dim3A_340, %select_n3A_155] : memref<32x1024xf32, #tpu.memory_space<vmem>>[vector<16xi32>, vector<16xi32>], vector<16xf32>,
            %gather3A_342 = tpu.vector_load_idx %arg12[%iota3A, %broadcast_in_dim3A_340] : memref<16x129xf32, #tpu.memory_space<vmem>>[vector<16xi32>, vector<16xi32>], vector<16xf32>,
            %slice3A_343 = vector.extract_strided_slice %get3A_3 {offsets = [1], sizes = [1], strides = [1]} : vector<16xf32> to vector<1xf32>
            %squeeze3A_344 = vector.extract %slice3A_343[0] : f32 from vector<1xf32>
            %mul3A_345 = arith.mulf %gather3A_341, %gather3A_342 : vector<16xf32>
            %mul3A_346 = vector.broadcast %squeeze3A_344 : f32 to vector<16xf32>
            %mul3A_347 = arith.mulf %mul3A_345, %mul3A_346 : vector<16xf32>
            %add3A_348 = arith.addf %add3A_338, %mul3A_347 : vector<16xf32>
            %broadcast_in_dim3A_349 = arith.constant 18 : i32
            %broadcast_in_dim3A_350 = vector.broadcast %broadcast_in_dim3A_349 : i32 to vector<16xi32>
            %gather3A_351 = tpu.vector_load_idx %arg10[%broadcast_in_dim3A_350, %select_n3A_155] : memref<32x1024xf32, #tpu.memory_space<vmem>>[vector<16xi32>, vector<16xi32>], vector<16xf32>,
            %gather3A_352 = tpu.vector_load_idx %arg12[%iota3A, %broadcast_in_dim3A_350] : memref<16x129xf32, #tpu.memory_space<vmem>>[vector<16xi32>, vector<16xi32>], vector<16xf32>,
            %slice3A_353 = vector.extract_strided_slice %get3A_3 {offsets = [2], sizes = [1], strides = [1]} : vector<16xf32> to vector<1xf32>
            %squeeze3A_354 = vector.extract %slice3A_353[0] : f32 from vector<1xf32>
            %mul3A_355 = arith.mulf %gather3A_351, %gather3A_352 : vector<16xf32>
            %mul3A_356 = vector.broadcast %squeeze3A_354 : f32 to vector<16xf32>
            %mul3A_357 = arith.mulf %mul3A_355, %mul3A_356 : vector<16xf32>
            %add3A_358 = arith.addf %add3A_348, %mul3A_357 : vector<16xf32>
            %broadcast_in_dim3A_359 = arith.constant 19 : i32
            %broadcast_in_dim3A_360 = vector.broadcast %broadcast_in_dim3A_359 : i32 to vector<16xi32>
            %gather3A_361 = tpu.vector_load_idx %arg10[%broadcast_in_dim3A_360, %select_n3A_155] : memref<32x1024xf32, #tpu.memory_space<vmem>>[vector<16xi32>, vector<16xi32>], vector<16xf32>,
            %gather3A_362 = tpu.vector_load_idx %arg12[%iota3A, %broadcast_in_dim3A_360] : memref<16x129xf32, #tpu.memory_space<vmem>>[vector<16xi32>, vector<16xi32>], vector<16xf32>,
            %slice3A_363 = vector.extract_strided_slice %get3A_3 {offsets = [3], sizes = [1], strides = [1]} : vector<16xf32> to vector<1xf32>
            %squeeze3A_364 = vector.extract %slice3A_363[0] : f32 from vector<1xf32>
            %mul3A_365 = arith.mulf %gather3A_361, %gather3A_362 : vector<16xf32>
            %mul3A_366 = vector.broadcast %squeeze3A_364 : f32 to vector<16xf32>
            %mul3A_367 = arith.mulf %mul3A_365, %mul3A_366 : vector<16xf32>
            %add3A_368 = arith.addf %add3A_358, %mul3A_367 : vector<16xf32>
            %broadcast_in_dim3A_369 = arith.constant 20 : i32
            %broadcast_in_dim3A_370 = vector.broadcast %broadcast_in_dim3A_369 : i32 to vector<16xi32>
            %gather3A_371 = tpu.vector_load_idx %arg10[%broadcast_in_dim3A_370, %select_n3A_155] : memref<32x1024xf32, #tpu.memory_space<vmem>>[vector<16xi32>, vector<16xi32>], vector<16xf32>,
            %gather3A_372 = tpu.vector_load_idx %arg12[%iota3A, %broadcast_in_dim3A_370] : memref<16x129xf32, #tpu.memory_space<vmem>>[vector<16xi32>, vector<16xi32>], vector<16xf32>,
            %slice3A_373 = vector.extract_strided_slice %get3A_3 {offsets = [4], sizes = [1], strides = [1]} : vector<16xf32> to vector<1xf32>
            %squeeze3A_374 = vector.extract %slice3A_373[0] : f32 from vector<1xf32>
            %mul3A_375 = arith.mulf %gather3A_371, %gather3A_372 : vector<16xf32>
            %mul3A_376 = vector.broadcast %squeeze3A_374 : f32 to vector<16xf32>
            %mul3A_377 = arith.mulf %mul3A_375, %mul3A_376 : vector<16xf32>
            %add3A_378 = arith.addf %add3A_368, %mul3A_377 : vector<16xf32>
            %broadcast_in_dim3A_379 = arith.constant 21 : i32
            %broadcast_in_dim3A_380 = vector.broadcast %broadcast_in_dim3A_379 : i32 to vector<16xi32>
            %gather3A_381 = tpu.vector_load_idx %arg10[%broadcast_in_dim3A_380, %select_n3A_155] : memref<32x1024xf32, #tpu.memory_space<vmem>>[vector<16xi32>, vector<16xi32>], vector<16xf32>,
            %gather3A_382 = tpu.vector_load_idx %arg12[%iota3A, %broadcast_in_dim3A_380] : memref<16x129xf32, #tpu.memory_space<vmem>>[vector<16xi32>, vector<16xi32>], vector<16xf32>,
            %slice3A_383 = vector.extract_strided_slice %get3A_3 {offsets = [5], sizes = [1], strides = [1]} : vector<16xf32> to vector<1xf32>
            %squeeze3A_384 = vector.extract %slice3A_383[0] : f32 from vector<1xf32>
            %mul3A_385 = arith.mulf %gather3A_381, %gather3A_382 : vector<16xf32>
            %mul3A_386 = vector.broadcast %squeeze3A_384 : f32 to vector<16xf32>
            %mul3A_387 = arith.mulf %mul3A_385, %mul3A_386 : vector<16xf32>
            %add3A_388 = arith.addf %add3A_378, %mul3A_387 : vector<16xf32>
            %broadcast_in_dim3A_389 = arith.constant 22 : i32
            %broadcast_in_dim3A_390 = vector.broadcast %broadcast_in_dim3A_389 : i32 to vector<16xi32>
            %gather3A_391 = tpu.vector_load_idx %arg10[%broadcast_in_dim3A_390, %select_n3A_155] : memref<32x1024xf32, #tpu.memory_space<vmem>>[vector<16xi32>, vector<16xi32>], vector<16xf32>,
            %gather3A_392 = tpu.vector_load_idx %arg12[%iota3A, %broadcast_in_dim3A_390] : memref<16x129xf32, #tpu.memory_space<vmem>>[vector<16xi32>, vector<16xi32>], vector<16xf32>,
            %slice3A_393 = vector.extract_strided_slice %get3A_3 {offsets = [6], sizes = [1], strides = [1]} : vector<16xf32> to vector<1xf32>
            %squeeze3A_394 = vector.extract %slice3A_393[0] : f32 from vector<1xf32>
            %mul3A_395 = arith.mulf %gather3A_391, %gather3A_392 : vector<16xf32>
            %mul3A_396 = vector.broadcast %squeeze3A_394 : f32 to vector<16xf32>
            %mul3A_397 = arith.mulf %mul3A_395, %mul3A_396 : vector<16xf32>
            %add3A_398 = arith.addf %add3A_388, %mul3A_397 : vector<16xf32>
            %broadcast_in_dim3A_399 = arith.constant 23 : i32
            %broadcast_in_dim3A_400 = vector.broadcast %broadcast_in_dim3A_399 : i32 to vector<16xi32>
            %gather3A_401 = tpu.vector_load_idx %arg10[%broadcast_in_dim3A_400, %select_n3A_155] : memref<32x1024xf32, #tpu.memory_space<vmem>>[vector<16xi32>, vector<16xi32>], vector<16xf32>,
            %gather3A_402 = tpu.vector_load_idx %arg12[%iota3A, %broadcast_in_dim3A_400] : memref<16x129xf32, #tpu.memory_space<vmem>>[vector<16xi32>, vector<16xi32>], vector<16xf32>,
            %slice3A_403 = vector.extract_strided_slice %get3A_3 {offsets = [7], sizes = [1], strides = [1]} : vector<16xf32> to vector<1xf32>
            %squeeze3A_404 = vector.extract %slice3A_403[0] : f32 from vector<1xf32>
            %mul3A_405 = arith.mulf %gather3A_401, %gather3A_402 : vector<16xf32>
            %mul3A_406 = vector.broadcast %squeeze3A_404 : f32 to vector<16xf32>
            %mul3A_407 = arith.mulf %mul3A_405, %mul3A_406 : vector<16xf32>
            %add3A_408 = arith.addf %add3A_398, %mul3A_407 : vector<16xf32>
            %broadcast_in_dim3A_409 = arith.constant 24 : i32
            %broadcast_in_dim3A_410 = vector.broadcast %broadcast_in_dim3A_409 : i32 to vector<16xi32>
            %gather3A_411 = tpu.vector_load_idx %arg10[%broadcast_in_dim3A_410, %select_n3A_155] : memref<32x1024xf32, #tpu.memory_space<vmem>>[vector<16xi32>, vector<16xi32>], vector<16xf32>,
            %gather3A_412 = tpu.vector_load_idx %arg12[%iota3A, %broadcast_in_dim3A_410] : memref<16x129xf32, #tpu.memory_space<vmem>>[vector<16xi32>, vector<16xi32>], vector<16xf32>,
            %slice3A_413 = vector.extract_strided_slice %get3A_3 {offsets = [8], sizes = [1], strides = [1]} : vector<16xf32> to vector<1xf32>
            %squeeze3A_414 = vector.extract %slice3A_413[0] : f32 from vector<1xf32>
            %mul3A_415 = arith.mulf %gather3A_411, %gather3A_412 : vector<16xf32>
            %mul3A_416 = vector.broadcast %squeeze3A_414 : f32 to vector<16xf32>
            %mul3A_417 = arith.mulf %mul3A_415, %mul3A_416 : vector<16xf32>
            %add3A_418 = arith.addf %add3A_408, %mul3A_417 : vector<16xf32>
            %broadcast_in_dim3A_419 = arith.constant 25 : i32
            %broadcast_in_dim3A_420 = vector.broadcast %broadcast_in_dim3A_419 : i32 to vector<16xi32>
            %gather3A_421 = tpu.vector_load_idx %arg10[%broadcast_in_dim3A_420, %select_n3A_155] : memref<32x1024xf32, #tpu.memory_space<vmem>>[vector<16xi32>, vector<16xi32>], vector<16xf32>,
            %gather3A_422 = tpu.vector_load_idx %arg12[%iota3A, %broadcast_in_dim3A_420] : memref<16x129xf32, #tpu.memory_space<vmem>>[vector<16xi32>, vector<16xi32>], vector<16xf32>,
            %slice3A_423 = vector.extract_strided_slice %get3A_3 {offsets = [9], sizes = [1], strides = [1]} : vector<16xf32> to vector<1xf32>
            %squeeze3A_424 = vector.extract %slice3A_423[0] : f32 from vector<1xf32>
            %mul3A_425 = arith.mulf %gather3A_421, %gather3A_422 : vector<16xf32>
            %mul3A_426 = vector.broadcast %squeeze3A_424 : f32 to vector<16xf32>
            %mul3A_427 = arith.mulf %mul3A_425, %mul3A_426 : vector<16xf32>
            %add3A_428 = arith.addf %add3A_418, %mul3A_427 : vector<16xf32>
            %broadcast_in_dim3A_429 = arith.constant 26 : i32
            %broadcast_in_dim3A_430 = vector.broadcast %broadcast_in_dim3A_429 : i32 to vector<16xi32>
            %gather3A_431 = tpu.vector_load_idx %arg10[%broadcast_in_dim3A_430, %select_n3A_155] : memref<32x1024xf32, #tpu.memory_space<vmem>>[vector<16xi32>, vector<16xi32>], vector<16xf32>,
            %gather3A_432 = tpu.vector_load_idx %arg12[%iota3A, %broadcast_in_dim3A_430] : memref<16x129xf32, #tpu.memory_space<vmem>>[vector<16xi32>, vector<16xi32>], vector<16xf32>,
            %slice3A_433 = vector.extract_strided_slice %get3A_3 {offsets = [10], sizes = [1], strides = [1]} : vector<16xf32> to vector<1xf32>
            %squeeze3A_434 = vector.extract %slice3A_433[0] : f32 from vector<1xf32>
            %mul3A_435 = arith.mulf %gather3A_431, %gather3A_432 : vector<16xf32>
            %mul3A_436 = vector.broadcast %squeeze3A_434 : f32 to vector<16xf32>
            %mul3A_437 = arith.mulf %mul3A_435, %mul3A_436 : vector<16xf32>
            %add3A_438 = arith.addf %add3A_428, %mul3A_437 : vector<16xf32>
            %broadcast_in_dim3A_439 = arith.constant 27 : i32
            %broadcast_in_dim3A_440 = vector.broadcast %broadcast_in_dim3A_439 : i32 to vector<16xi32>
            %gather3A_441 = tpu.vector_load_idx %arg10[%broadcast_in_dim3A_440, %select_n3A_155] : memref<32x1024xf32, #tpu.memory_space<vmem>>[vector<16xi32>, vector<16xi32>], vector<16xf32>,
            %gather3A_442 = tpu.vector_load_idx %arg12[%iota3A, %broadcast_in_dim3A_440] : memref<16x129xf32, #tpu.memory_space<vmem>>[vector<16xi32>, vector<16xi32>], vector<16xf32>,
            %slice3A_443 = vector.extract_strided_slice %get3A_3 {offsets = [11], sizes = [1], strides = [1]} : vector<16xf32> to vector<1xf32>
            %squeeze3A_444 = vector.extract %slice3A_443[0] : f32 from vector<1xf32>
            %mul3A_445 = arith.mulf %gather3A_441, %gather3A_442 : vector<16xf32>
            %mul3A_446 = vector.broadcast %squeeze3A_444 : f32 to vector<16xf32>
            %mul3A_447 = arith.mulf %mul3A_445, %mul3A_446 : vector<16xf32>
            %add3A_448 = arith.addf %add3A_438, %mul3A_447 : vector<16xf32>
            %broadcast_in_dim3A_449 = arith.constant 28 : i32
            %broadcast_in_dim3A_450 = vector.broadcast %broadcast_in_dim3A_449 : i32 to vector<16xi32>
            %gather3A_451 = tpu.vector_load_idx %arg10[%broadcast_in_dim3A_450, %select_n3A_155] : memref<32x1024xf32, #tpu.memory_space<vmem>>[vector<16xi32>, vector<16xi32>], vector<16xf32>,
            %gather3A_452 = tpu.vector_load_idx %arg12[%iota3A, %broadcast_in_dim3A_450] : memref<16x129xf32, #tpu.memory_space<vmem>>[vector<16xi32>, vector<16xi32>], vector<16xf32>,
            %slice3A_453 = vector.extract_strided_slice %get3A_3 {offsets = [12], sizes = [1], strides = [1]} : vector<16xf32> to vector<1xf32>
            %squeeze3A_454 = vector.extract %slice3A_453[0] : f32 from vector<1xf32>
            %mul3A_455 = arith.mulf %gather3A_451, %gather3A_452 : vector<16xf32>
            %mul3A_456 = vector.broadcast %squeeze3A_454 : f32 to vector<16xf32>
            %mul3A_457 = arith.mulf %mul3A_455, %mul3A_456 : vector<16xf32>
            %add3A_458 = arith.addf %add3A_448, %mul3A_457 : vector<16xf32>
            %broadcast_in_dim3A_459 = arith.constant 29 : i32
            %broadcast_in_dim3A_460 = vector.broadcast %broadcast_in_dim3A_459 : i32 to vector<16xi32>
            %gather3A_461 = tpu.vector_load_idx %arg10[%broadcast_in_dim3A_460, %select_n3A_155] : memref<32x1024xf32, #tpu.memory_space<vmem>>[vector<16xi32>, vector<16xi32>], vector<16xf32>,
            %gather3A_462 = tpu.vector_load_idx %arg12[%iota3A, %broadcast_in_dim3A_460] : memref<16x129xf32, #tpu.memory_space<vmem>>[vector<16xi32>, vector<16xi32>], vector<16xf32>,
            %slice3A_463 = vector.extract_strided_slice %get3A_3 {offsets = [13], sizes = [1], strides = [1]} : vector<16xf32> to vector<1xf32>
            %squeeze3A_464 = vector.extract %slice3A_463[0] : f32 from vector<1xf32>
            %mul3A_465 = arith.mulf %gather3A_461, %gather3A_462 : vector<16xf32>
            %mul3A_466 = vector.broadcast %squeeze3A_464 : f32 to vector<16xf32>
            %mul3A_467 = arith.mulf %mul3A_465, %mul3A_466 : vector<16xf32>
            %add3A_468 = arith.addf %add3A_458, %mul3A_467 : vector<16xf32>
            %broadcast_in_dim3A_469 = arith.constant 30 : i32
            %broadcast_in_dim3A_470 = vector.broadcast %broadcast_in_dim3A_469 : i32 to vector<16xi32>
            %gather3A_471 = tpu.vector_load_idx %arg10[%broadcast_in_dim3A_470, %select_n3A_155] : memref<32x1024xf32, #tpu.memory_space<vmem>>[vector<16xi32>, vector<16xi32>], vector<16xf32>,
            %gather3A_472 = tpu.vector_load_idx %arg12[%iota3A, %broadcast_in_dim3A_470] : memref<16x129xf32, #tpu.memory_space<vmem>>[vector<16xi32>, vector<16xi32>], vector<16xf32>,
            %slice3A_473 = vector.extract_strided_slice %get3A_3 {offsets = [14], sizes = [1], strides = [1]} : vector<16xf32> to vector<1xf32>
            %squeeze3A_474 = vector.extract %slice3A_473[0] : f32 from vector<1xf32>
            %mul3A_475 = arith.mulf %gather3A_471, %gather3A_472 : vector<16xf32>
            %mul3A_476 = vector.broadcast %squeeze3A_474 : f32 to vector<16xf32>
            %mul3A_477 = arith.mulf %mul3A_475, %mul3A_476 : vector<16xf32>
            %add3A_478 = arith.addf %add3A_468, %mul3A_477 : vector<16xf32>
            %broadcast_in_dim3A_479 = arith.constant 31 : i32
            %broadcast_in_dim3A_480 = vector.broadcast %broadcast_in_dim3A_479 : i32 to vector<16xi32>
            %gather3A_481 = tpu.vector_load_idx %arg10[%broadcast_in_dim3A_480, %select_n3A_155] : memref<32x1024xf32, #tpu.memory_space<vmem>>[vector<16xi32>, vector<16xi32>], vector<16xf32>,
            %gather3A_482 = tpu.vector_load_idx %arg12[%iota3A, %broadcast_in_dim3A_480] : memref<16x129xf32, #tpu.memory_space<vmem>>[vector<16xi32>, vector<16xi32>], vector<16xf32>,
            %slice3A_483 = vector.extract_strided_slice %get3A_3 {offsets = [15], sizes = [1], strides = [1]} : vector<16xf32> to vector<1xf32>
            %squeeze3A_484 = vector.extract %slice3A_483[0] : f32 from vector<1xf32>
            %mul3A_485 = arith.mulf %gather3A_481, %gather3A_482 : vector<16xf32>
            %mul3A_486 = vector.broadcast %squeeze3A_484 : f32 to vector<16xf32>
            %mul3A_487 = arith.mulf %mul3A_485, %mul3A_486 : vector<16xf32>
            %add3A_488 = arith.addf %add3A_478, %mul3A_487 : vector<16xf32>
            %add3A_489 = vector.broadcast %squeeze3A : f32 to vector<16xf32>
            %add3A_490 = arith.addf %add3A_488, %add3A_489 : vector<16xf32>
            %neg3A = arith.constant 0.000000e+00 : f32
            %neg3A_491 = vector.broadcast %neg3A : f32 to vector<16xf32>
            %neg3A_492 = arith.subf %neg3A_491, %add3A_490 : vector<16xf32>
            %exp3A = math.exp %neg3A_492 : vector<16xf32>
            %add3A_493 = arith.constant 1.000000e+00 : f32
            %add3A_494 = vector.broadcast %add3A_493 : f32 to vector<16xf32>
            %add3A_495 = arith.addf %add3A_494, %exp3A : vector<16xf32>
            %div3A_496 = arith.constant 1.000000e+00 : f32
            %div3A_497 = vector.broadcast %div3A_496 : f32 to vector<16xf32>
            %div3A_498 = arith.divf %div3A_497, %add3A_495 : vector<16xf32>
            tpu.vector_store_idx %arg14[%iota3A, %broadcast_in_dim3A_6], %div3A_498 : memref<16x128xf32, #tpu.memory_space<vmem>>[vector<16xi32>, vector<16xi32>], vector<16xf32>,
            %dma_start3A_499 = arith.constant 0 : i32
            %dma_start3A_500 = arith.constant 0 : i32
            %dma_start3A_501 = tpu.memref_slice %arg6[%dma_start3A_499, %dma_start3A_500] : memref<16448x128xf32, #tpu.memory_space<hbm>> -> memref<16448x128xf32, #tpu.memory_space<hbm>>
            tpu.enqueue_indirect_dma source(%arg14 : memref<16x128xf32, #tpu.memory_space<vmem>>) target(%dma_start3A_501 : memref<16448x128xf32, #tpu.memory_space<hbm>>) offsets(%arg16 : memref<16xi32, #tpu.memory_space<vmem>>) semaphore(%arg22 : memref<!tpu.dma_semaphore, #tpu.memory_space<semaphore_mem>>)
          } else {
          }
          %add3A_125 = arith.constant 16 : i32
          %add3A_126 = arith.addi %while3A_110, %add3A_125 : i32
          scf.yield %add3A_126 : i32
        }
        %gt3A = arith.constant 0 : i32
        %gt3A_101 = arith.cmpi sgt, %while3A_94#1, %gt3A : i32
        %convert_element_type3A_102 = arith.extui %gt3A_101 : i1 to i32
        %cond3A_103 = arith.constant 0 : i32
        %cond3A_104 = arith.cmpi ne, %convert_element_type3A_102, %cond3A_103 : i32
        scf.if %cond3A_104 {
          %dma_wait3A_110 = arith.constant 0 : i32
          %dma_wait3A_111 = arith.constant 0 : i32
          %dma_wait3A_112 = tpu.memref_slice %arg6[%dma_wait3A_110, %dma_wait3A_111] : memref<16448x128xf32, #tpu.memory_space<hbm>> -> memref<16448x128xf32, #tpu.memory_space<hbm>>
          tpu.wait_indirect_dma semaphore(%arg21 : memref<!tpu.dma_semaphore, #tpu.memory_space<semaphore_mem>>) src(%arg13 : memref<16x128xf32, #tpu.memory_space<vmem>>) dst(%dma_wait3A_112 : memref<16448x128xf32, #tpu.memory_space<hbm>>)
        } else {
        }
        %gt3A_105 = arith.constant 16 : i32
        %gt3A_106 = arith.cmpi sgt, %while3A_94#1, %gt3A_105 : i32
        %convert_element_type3A_107 = arith.extui %gt3A_106 : i1 to i32
        %cond3A_108 = arith.constant 0 : i32
        %cond3A_109 = arith.cmpi ne, %convert_element_type3A_107, %cond3A_108 : i32
        scf.if %cond3A_109 {
          %dma_wait3A_110 = arith.constant 0 : i32
          %dma_wait3A_111 = arith.constant 0 : i32
          %dma_wait3A_112 = tpu.memref_slice %arg6[%dma_wait3A_110, %dma_wait3A_111] : memref<16448x128xf32, #tpu.memory_space<hbm>> -> memref<16448x128xf32, #tpu.memory_space<hbm>>
          tpu.wait_indirect_dma semaphore(%arg22 : memref<!tpu.dma_semaphore, #tpu.memory_space<semaphore_mem>>) src(%arg14 : memref<16x128xf32, #tpu.memory_space<vmem>>) dst(%dma_wait3A_112 : memref<16448x128xf32, #tpu.memory_space<hbm>>)
        } else {
        }
      } else {
      }
      %lt3A_53 = arith.constant 977 : i32
      %lt3A_54 = arith.cmpi slt, %add3A_42, %lt3A_53 : i32
      %convert_element_type3A_55 = arith.extui %lt3A_54 : i1 to i32
      %cond3A_56 = arith.constant 0 : i32
      %cond3A_57 = arith.cmpi ne, %convert_element_type3A_55, %cond3A_56 : i32
      scf.if %cond3A_57 {
        %eq3A = arith.constant 976 : i32
        %eq3A_63 = arith.cmpi eq, %add3A_42, %eq3A : i32
        %mul3A_64 = arith.constant 1024 : i32
        %mul3A_65 = arith.muli %add3A_42, %mul3A_64 : i32
        %jit3A = arith.constant 999040 : i32
        %select_n3A = arith.select %eq3A_63, %jit3A, %mul3A_65 : i32
        %multiple_of3A = tpu.assume_multiple %select_n3A, 128 : i32
        %dma_start3A = arith.constant 0 : i32
        %dma_start3A_66 = tpu.memref_slice %arg3[%dma_start3A, %multiple_of3A] : memref<32x1000000xf32, #tpu.memory_space<hbm>> -> memref<32x1024xf32, #tpu.memory_space<hbm>>
        %dma_start3A_67 = arith.constant 0 : i32
        %dma_start3A_68 = tpu.memref_slice %arg3[%dma_start3A_67, %multiple_of3A] : memref<32x1000000xf32, #tpu.memory_space<hbm>> -> memref<32x1024xf32, #tpu.memory_space<hbm>>
        tpu.enqueue_dma source(%dma_start3A_68 : memref<32x1024xf32, #tpu.memory_space<hbm>>) target(%arg10 : memref<32x1024xf32, #tpu.memory_space<vmem>>) target_semaphore(%arg18 : memref<!tpu.dma_semaphore, #tpu.memory_space<semaphore_mem>>)
      } else {
      }
      %lt3A_58 = arith.constant 977 : i32
      %lt3A_59 = arith.cmpi slt, %add3A_35, %lt3A_58 : i32
      %convert_element_type3A_60 = arith.extui %lt3A_59 : i1 to i32
      %cond3A_61 = arith.constant 0 : i32
      %cond3A_62 = arith.cmpi ne, %convert_element_type3A_60, %cond3A_61 : i32
      scf.if %cond3A_62 {
        %eq3A = arith.constant 976 : i32
        %eq3A_63 = arith.cmpi eq, %add3A_35, %eq3A : i32
        %mul3A_64 = arith.constant 1024 : i32
        %mul3A_65 = arith.muli %add3A_35, %mul3A_64 : i32
        %jit3A = arith.constant 999040 : i32
        %select_n3A = arith.select %eq3A_63, %jit3A, %mul3A_65 : i32
        %multiple_of3A = tpu.assume_multiple %select_n3A, 128 : i32
        %dma_wait3A = arith.constant 0 : i32
        %dma_wait3A_66 = tpu.memref_slice %arg3[%dma_wait3A, %multiple_of3A] : memref<32x1000000xf32, #tpu.memory_space<hbm>> -> memref<32x1024xf32, #tpu.memory_space<hbm>>
        %dma_wait3A_67 = arith.constant 0 : i32
        %dma_wait3A_68 = tpu.memref_slice %arg3[%dma_wait3A_67, %multiple_of3A] : memref<32x1000000xf32, #tpu.memory_space<hbm>> -> memref<32x1024xf32, #tpu.memory_space<hbm>>
        tpu.wait_dma2 semaphore(%arg19 : memref<!tpu.dma_semaphore, #tpu.memory_space<semaphore_mem>>) src(%dma_wait3A_68 : memref<32x1024xf32, #tpu.memory_space<hbm>>) dst(%arg11 : memref<32x1024xf32, #tpu.memory_space<vmem>>)
        %shift_right_logical3A = arith.constant 5 : i32
        %shift_right_logical3A_69 = arith.shrui %add3A_35, %shift_right_logical3A : i32
        %add3A_70 = arith.constant 16 : i32
        %add3A_71 = arith.addi %scan3A_14, %add3A_70 : i32
        %sub3A = arith.constant 1 : i32
        %sub3A_72 = arith.subi %add3A_71, %sub3A : i32
        %jit3A_73 = arith.constant 16 : i32
        %div3A = arith.divsi %sub3A_72, %jit3A_73 : i32
        %sign3A = arith.constant 0 : i32
        %sign3A_74 = arith.cmpi sgt, %sub3A_72, %sign3A : i32
        %sign3A_75 = arith.extui %sign3A_74 : i1 to i32
        %sign3A_76 = arith.constant 0 : i32
        %sign3A_77 = arith.cmpi slt, %sub3A_72, %sign3A_76 : i32
        %sign3A_78 = arith.extui %sign3A_77 : i1 to i32
        %sign3A_79 = arith.subi %sign3A_75, %sign3A_78 : i32
        %sign3A_80 = arith.constant 0 : i32
        %sign3A_81 = arith.cmpi sgt, %jit3A_73, %sign3A_80 : i32
        %sign3A_82 = arith.extui %sign3A_81 : i1 to i32
        %sign3A_83 = arith.constant 0 : i32
        %sign3A_84 = arith.cmpi slt, %jit3A_73, %sign3A_83 : i32
        %sign3A_85 = arith.extui %sign3A_84 : i1 to i32
        %sign3A_86 = arith.subi %sign3A_82, %sign3A_85 : i32
        %ne3A = arith.cmpi ne, %sign3A_79, %sign3A_86 : i32
        %rem3A = arith.remsi %sub3A_72, %jit3A_73 : i32
        %ne3A_87 = arith.constant 0 : i32
        %ne3A_88 = arith.cmpi ne, %rem3A, %ne3A_87 : i32
        %and3A = arith.andi %ne3A, %ne3A_88 : i1
        %sub3A_89 = arith.constant 1 : i32
        %sub3A_90 = arith.subi %div3A, %sub3A_89 : i32
        %select_n3A_91 = arith.select %and3A, %sub3A_90, %div3A : i32
        %iota3A_92 = tpu.iota {dimensions = array<i32: 0>} : vector<16xi32>
        %while3A = arith.constant 0 : i32
        %while3A_93 = arith.constant 0 : i32
        %while3A_94:2 = scf.while (%while3A_110 = %while3A, %while3A_111 = %while3A_93) : (i32, i32) -> (i32, i32) {
          %lt3A_112 = arith.cmpi slt, %while3A_110, %select_n3A_91 : i32
          scf.condition(%lt3A_112) %while3A_110, %while3A_111 : i32, i32
        } do {
        ^bb0(%while3A_110: i32, %while3A_111: i32):
          %add3A_112 = arith.constant 1 : i32
          %add3A_113 = arith.addi %while3A_110, %add3A_112 : i32
          %mul3A_114 = arith.constant 16 : i32
          %mul3A_115 = arith.muli %while3A_110, %mul3A_114 : i32
          %get3A_116 = arith.index_cast %mul3A_115 : i32 to index
          %get3A_117 = tpu.vector_load %arg8[%get3A_116] {strides = array<i32>} : memref<16384xi32, #tpu.memory_space<vmem>>, vector<16xi32>,
          %mul3A_118 = arith.constant 16 : i32
          %mul3A_119 = arith.muli %while3A_110, %mul3A_118 : i32
          %add3A_120 = vector.broadcast %mul3A_119 : i32 to vector<16xi32>
          %add3A_121 = arith.addi %add3A_120, %iota3A_92 : vector<16xi32>
          %lt3A_122 = vector.broadcast %scan3A_14 : i32 to vector<16xi32>
          %lt3A_123 = arith.cmpi slt, %add3A_121, %lt3A_122 : vector<16xi32>
          %shift_right_logical3A_124 = arith.constant 25 : i32
          %shift_right_logical3A_125 = vector.broadcast %shift_right_logical3A_124 : i32 to vector<16xi32>
          %shift_right_logical3A_126 = arith.shrui %get3A_117, %shift_right_logical3A_125 : vector<16xi32>
          %eq3A_127 = vector.broadcast %shift_right_logical3A_69 : i32 to vector<16xi32>
          %eq3A_128 = arith.cmpi eq, %shift_right_logical3A_126, %eq3A_127 : vector<16xi32>
          %and3A_129 = arith.andi %lt3A_123, %eq3A_128 : vector<16xi1>
          %jit3A_130 = arith.constant 1 : i32
          %jit3A_131 = arith.constant 0 : i32
          %broadcast_in_dim3A_132 = vector.broadcast %jit3A_130 : i32 to vector<16xi32>
          %broadcast_in_dim3A_133 = vector.broadcast %jit3A_131 : i32 to vector<16xi32>
          %select_n3A_134 = arith.select %and3A_129, %broadcast_in_dim3A_132, %broadcast_in_dim3A_133 : vector<16xi1>, vector<16xi32>
          %broadcast_in_dim3A_135 = arith.constant true
          %broadcast_in_dim3A_136 = vector.broadcast %broadcast_in_dim3A_135 : i1 to vector<16xi1>
          %masked_cumsum3A = tpu.scan <sum>, %select_n3A_134 masked %broadcast_in_dim3A_136 : vector<16xi32>, vector<16xi1> -> vector<16xi32>
          %slice3A_137 = vector.extract_strided_slice %masked_cumsum3A {offsets = [15], sizes = [1], strides = [1]} : vector<16xi32> to vector<1xi32>
          %squeeze3A_138 = vector.extract %slice3A_137[0] : i32 from vector<1xi32>
          %add3A_139 = vector.broadcast %while3A_111 : i32 to vector<16xi32>
          %add3A_140 = arith.addi %add3A_139, %masked_cumsum3A : vector<16xi32>
          %sub3A_141 = arith.constant 1 : i32
          %sub3A_142 = vector.broadcast %sub3A_141 : i32 to vector<16xi32>
          %sub3A_143 = arith.subi %add3A_140, %sub3A_142 : vector<16xi32>
          tpu.vector_store_idx %arg9[%sub3A_143], %get3A_117 masked %and3A_129 : memref<16384xi32, #tpu.memory_space<vmem>>[vector<16xi32>], vector<16xi32>, vector<16xi1>
          %add3A_144 = arith.addi %while3A_111, %squeeze3A_138 : i32
          scf.yield %add3A_113, %add3A_144 : i32, i32
        }
        %eq3A_95 = arith.constant 976 : i32
        %eq3A_96 = arith.cmpi eq, %add3A_35, %eq3A_95 : i32
        %jit3A_97 = arith.constant 0 : i32
        %select_n3A_98 = arith.select %eq3A_96, %scan3A_17, %jit3A_97 : i32
        %while3A_99 = arith.constant 0 : i32
        %while3A_100 = scf.while (%while3A_110 = %while3A_99) : (i32) -> i32 {
          %lt3A_111 = arith.cmpi slt, %while3A_110, %while3A_94#1 : i32
          scf.condition(%lt3A_111) %while3A_110 : i32
        } do {
        ^bb0(%while3A_110: i32):
          %shift_right_logical3A_111 = arith.constant 4 : i32
          %shift_right_logical3A_112 = arith.shrui %while3A_110, %shift_right_logical3A_111 : i32
          %and3A_113 = arith.constant 1 : i32
          %and3A_114 = arith.andi %shift_right_logical3A_112, %and3A_113 : i32
          %eq3A_115 = arith.constant 0 : i32
          %eq3A_116 = arith.cmpi eq, %and3A_114, %eq3A_115 : i32
          %convert_element_type3A_117 = arith.extui %eq3A_116 : i1 to i32
          %cond3A_118 = arith.constant 0 : i32
          %cond3A_119 = arith.cmpi ne, %convert_element_type3A_117, %cond3A_118 : i32
          scf.if %cond3A_119 {
            %ge3A = arith.constant 32 : i32
            %ge3A_127 = arith.cmpi sge, %while3A_110, %ge3A : i32
            %convert_element_type3A_128 = arith.extui %ge3A_127 : i1 to i32
            %cond3A_129 = arith.constant 0 : i32
            %cond3A_130 = arith.cmpi ne, %convert_element_type3A_128, %cond3A_129 : i32
            scf.if %cond3A_130 {
              %dma_wait3A_502 = arith.constant 0 : i32
              %dma_wait3A_503 = arith.constant 0 : i32
              %dma_wait3A_504 = tpu.memref_slice %arg6[%dma_wait3A_502, %dma_wait3A_503] : memref<16448x128xf32, #tpu.memory_space<hbm>> -> memref<16448x128xf32, #tpu.memory_space<hbm>>
              tpu.wait_indirect_dma semaphore(%arg21 : memref<!tpu.dma_semaphore, #tpu.memory_space<semaphore_mem>>) src(%arg13 : memref<16x128xf32, #tpu.memory_space<vmem>>) dst(%dma_wait3A_504 : memref<16448x128xf32, #tpu.memory_space<hbm>>)
            } else {
            }
            %iota3A_131 = tpu.iota {dimensions = array<i32: 0>} : vector<16xi32>
            %get3A_132 = arith.index_cast %while3A_110 : i32 to index
            %get3A_133 = tpu.vector_load %arg9[%get3A_132] {strides = array<i32>} : memref<16384xi32, #tpu.memory_space<vmem>>, vector<16xi32>,
            %add3A_134 = vector.broadcast %while3A_110 : i32 to vector<16xi32>
            %add3A_135 = arith.addi %add3A_134, %iota3A_131 : vector<16xi32>
            %lt3A_136 = vector.broadcast %while3A_94#1 : i32 to vector<16xi32>
            %lt3A_137 = arith.cmpi slt, %add3A_135, %lt3A_136 : vector<16xi32>
            %shift_right_logical3A_138 = arith.constant 10 : i32
            %shift_right_logical3A_139 = vector.broadcast %shift_right_logical3A_138 : i32 to vector<16xi32>
            %shift_right_logical3A_140 = arith.shrui %get3A_133, %shift_right_logical3A_139 : vector<16xi32>
            %and3A_141 = arith.constant 32767 : i32
            %and3A_142 = vector.broadcast %and3A_141 : i32 to vector<16xi32>
            %and3A_143 = arith.andi %shift_right_logical3A_140, %and3A_142 : vector<16xi32>
            %add3A_144 = arith.constant 16384 : i32
            %add3A_145 = vector.broadcast %add3A_144 : i32 to vector<16xi32>
            %add3A_146 = arith.addi %add3A_145, %iota3A_131 : vector<16xi32>
            %select_n3A_147 = arith.select %lt3A_137, %and3A_143, %add3A_146 : vector<16xi1>, vector<16xi32>
            %and3A_148 = arith.constant 1023 : i32
            %and3A_149 = vector.broadcast %and3A_148 : i32 to vector<16xi32>
            %and3A_150 = arith.andi %get3A_133, %and3A_149 : vector<16xi32>
            %add3A_151 = vector.broadcast %select_n3A_98 : i32 to vector<16xi32>
            %add3A_152 = arith.addi %and3A_150, %add3A_151 : vector<16xi32>
            %jit3A_153 = arith.constant 0 : i32
            %broadcast_in_dim3A_154 = vector.broadcast %jit3A_153 : i32 to vector<16xi32>
            %select_n3A_155 = arith.select %lt3A_137, %add3A_152, %broadcast_in_dim3A_154 : vector<16xi1>, vector<16xi32>
            %swap3A = arith.constant 0 : index
            %swap3A_156 = tpu.vector_load %arg15[%swap3A] {strides = array<i32>} : memref<16xi32, #tpu.memory_space<vmem>>, vector<16xi32>,
            tpu.vector_store %arg15[%swap3A], %select_n3A_147 {strides = array<i32>} : memref<16xi32, #tpu.memory_space<vmem>>, vector<16xi32>,
            %dma_start3A = arith.constant 0 : i32
            %dma_start3A_157 = arith.constant 0 : i32
            %dma_start3A_158 = tpu.memref_slice %arg12[%dma_start3A, %dma_start3A_157] : memref<16x129xf32, #tpu.memory_space<vmem>> -> memref<16x128xf32, #tpu.memory_space<vmem>>
            %dma_start3A_159 = arith.constant 0 : i32
            %dma_start3A_160 = arith.constant 0 : i32
            %dma_start3A_161 = tpu.memref_slice %arg4[%dma_start3A_159, %dma_start3A_160] : memref<16448x128xf32, #tpu.memory_space<hbm>> -> memref<16448x128xf32, #tpu.memory_space<hbm>>
            tpu.enqueue_indirect_dma source(%dma_start3A_161 : memref<16448x128xf32, #tpu.memory_space<hbm>>) target(%dma_start3A_158 : memref<16x128xf32, #tpu.memory_space<vmem>>) offsets(%arg15 : memref<16xi32, #tpu.memory_space<vmem>>) semaphore(%arg20 : memref<!tpu.dma_semaphore, #tpu.memory_space<semaphore_mem>>)
            %dma_wait3A_162 = arith.constant 0 : i32
            %dma_wait3A_163 = arith.constant 0 : i32
            %dma_wait3A_164 = tpu.memref_slice %arg12[%dma_wait3A_162, %dma_wait3A_163] : memref<16x129xf32, #tpu.memory_space<vmem>> -> memref<16x128xf32, #tpu.memory_space<vmem>>
            %dma_wait3A_165 = arith.constant 0 : i32
            %dma_wait3A_166 = arith.constant 0 : i32
            %dma_wait3A_167 = tpu.memref_slice %arg4[%dma_wait3A_165, %dma_wait3A_166] : memref<16448x128xf32, #tpu.memory_space<hbm>> -> memref<16448x128xf32, #tpu.memory_space<hbm>>
            tpu.wait_indirect_dma semaphore(%arg20 : memref<!tpu.dma_semaphore, #tpu.memory_space<semaphore_mem>>) src(%dma_wait3A_167 : memref<16448x128xf32, #tpu.memory_space<hbm>>) dst(%dma_wait3A_164 : memref<16x128xf32, #tpu.memory_space<vmem>>)
            %broadcast_in_dim3A_168 = arith.constant 0.000000e+00 : f32
            %broadcast_in_dim3A_169 = vector.broadcast %broadcast_in_dim3A_168 : f32 to vector<16xf32>
            %broadcast_in_dim3A_170 = arith.constant 0 : i32
            %broadcast_in_dim3A_171 = vector.broadcast %broadcast_in_dim3A_170 : i32 to vector<16xi32>
            %gather3A = tpu.vector_load_idx %arg11[%broadcast_in_dim3A_171, %select_n3A_155] : memref<32x1024xf32, #tpu.memory_space<vmem>>[vector<16xi32>, vector<16xi32>], vector<16xf32>,
            %gather3A_172 = tpu.vector_load_idx %arg12[%iota3A, %broadcast_in_dim3A_171] : memref<16x129xf32, #tpu.memory_space<vmem>>[vector<16xi32>, vector<16xi32>], vector<16xf32>,
            %slice3A_173 = vector.extract_strided_slice %get3A_1 {offsets = [0], sizes = [1], strides = [1]} : vector<16xf32> to vector<1xf32>
            %squeeze3A_174 = vector.extract %slice3A_173[0] : f32 from vector<1xf32>
            %mul3A_175 = arith.mulf %gather3A, %gather3A_172 : vector<16xf32>
            %mul3A_176 = vector.broadcast %squeeze3A_174 : f32 to vector<16xf32>
            %mul3A_177 = arith.mulf %mul3A_175, %mul3A_176 : vector<16xf32>
            %add3A_178 = arith.addf %broadcast_in_dim3A_169, %mul3A_177 : vector<16xf32>
            %broadcast_in_dim3A_179 = arith.constant 1 : i32
            %broadcast_in_dim3A_180 = vector.broadcast %broadcast_in_dim3A_179 : i32 to vector<16xi32>
            %gather3A_181 = tpu.vector_load_idx %arg11[%broadcast_in_dim3A_180, %select_n3A_155] : memref<32x1024xf32, #tpu.memory_space<vmem>>[vector<16xi32>, vector<16xi32>], vector<16xf32>,
            %gather3A_182 = tpu.vector_load_idx %arg12[%iota3A, %broadcast_in_dim3A_180] : memref<16x129xf32, #tpu.memory_space<vmem>>[vector<16xi32>, vector<16xi32>], vector<16xf32>,
            %slice3A_183 = vector.extract_strided_slice %get3A_1 {offsets = [1], sizes = [1], strides = [1]} : vector<16xf32> to vector<1xf32>
            %squeeze3A_184 = vector.extract %slice3A_183[0] : f32 from vector<1xf32>
            %mul3A_185 = arith.mulf %gather3A_181, %gather3A_182 : vector<16xf32>
            %mul3A_186 = vector.broadcast %squeeze3A_184 : f32 to vector<16xf32>
            %mul3A_187 = arith.mulf %mul3A_185, %mul3A_186 : vector<16xf32>
            %add3A_188 = arith.addf %add3A_178, %mul3A_187 : vector<16xf32>
            %broadcast_in_dim3A_189 = arith.constant 2 : i32
            %broadcast_in_dim3A_190 = vector.broadcast %broadcast_in_dim3A_189 : i32 to vector<16xi32>
            %gather3A_191 = tpu.vector_load_idx %arg11[%broadcast_in_dim3A_190, %select_n3A_155] : memref<32x1024xf32, #tpu.memory_space<vmem>>[vector<16xi32>, vector<16xi32>], vector<16xf32>,
            %gather3A_192 = tpu.vector_load_idx %arg12[%iota3A, %broadcast_in_dim3A_190] : memref<16x129xf32, #tpu.memory_space<vmem>>[vector<16xi32>, vector<16xi32>], vector<16xf32>,
            %slice3A_193 = vector.extract_strided_slice %get3A_1 {offsets = [2], sizes = [1], strides = [1]} : vector<16xf32> to vector<1xf32>
            %squeeze3A_194 = vector.extract %slice3A_193[0] : f32 from vector<1xf32>
            %mul3A_195 = arith.mulf %gather3A_191, %gather3A_192 : vector<16xf32>
            %mul3A_196 = vector.broadcast %squeeze3A_194 : f32 to vector<16xf32>
            %mul3A_197 = arith.mulf %mul3A_195, %mul3A_196 : vector<16xf32>
            %add3A_198 = arith.addf %add3A_188, %mul3A_197 : vector<16xf32>
            %broadcast_in_dim3A_199 = arith.constant 3 : i32
            %broadcast_in_dim3A_200 = vector.broadcast %broadcast_in_dim3A_199 : i32 to vector<16xi32>
            %gather3A_201 = tpu.vector_load_idx %arg11[%broadcast_in_dim3A_200, %select_n3A_155] : memref<32x1024xf32, #tpu.memory_space<vmem>>[vector<16xi32>, vector<16xi32>], vector<16xf32>,
            %gather3A_202 = tpu.vector_load_idx %arg12[%iota3A, %broadcast_in_dim3A_200] : memref<16x129xf32, #tpu.memory_space<vmem>>[vector<16xi32>, vector<16xi32>], vector<16xf32>,
            %slice3A_203 = vector.extract_strided_slice %get3A_1 {offsets = [3], sizes = [1], strides = [1]} : vector<16xf32> to vector<1xf32>
            %squeeze3A_204 = vector.extract %slice3A_203[0] : f32 from vector<1xf32>
            %mul3A_205 = arith.mulf %gather3A_201, %gather3A_202 : vector<16xf32>
            %mul3A_206 = vector.broadcast %squeeze3A_204 : f32 to vector<16xf32>
            %mul3A_207 = arith.mulf %mul3A_205, %mul3A_206 : vector<16xf32>
            %add3A_208 = arith.addf %add3A_198, %mul3A_207 : vector<16xf32>
            %broadcast_in_dim3A_209 = arith.constant 4 : i32
            %broadcast_in_dim3A_210 = vector.broadcast %broadcast_in_dim3A_209 : i32 to vector<16xi32>
            %gather3A_211 = tpu.vector_load_idx %arg11[%broadcast_in_dim3A_210, %select_n3A_155] : memref<32x1024xf32, #tpu.memory_space<vmem>>[vector<16xi32>, vector<16xi32>], vector<16xf32>,
            %gather3A_212 = tpu.vector_load_idx %arg12[%iota3A, %broadcast_in_dim3A_210] : memref<16x129xf32, #tpu.memory_space<vmem>>[vector<16xi32>, vector<16xi32>], vector<16xf32>,
            %slice3A_213 = vector.extract_strided_slice %get3A_1 {offsets = [4], sizes = [1], strides = [1]} : vector<16xf32> to vector<1xf32>
            %squeeze3A_214 = vector.extract %slice3A_213[0] : f32 from vector<1xf32>
            %mul3A_215 = arith.mulf %gather3A_211, %gather3A_212 : vector<16xf32>
            %mul3A_216 = vector.broadcast %squeeze3A_214 : f32 to vector<16xf32>
            %mul3A_217 = arith.mulf %mul3A_215, %mul3A_216 : vector<16xf32>
            %add3A_218 = arith.addf %add3A_208, %mul3A_217 : vector<16xf32>
            %broadcast_in_dim3A_219 = arith.constant 5 : i32
            %broadcast_in_dim3A_220 = vector.broadcast %broadcast_in_dim3A_219 : i32 to vector<16xi32>
            %gather3A_221 = tpu.vector_load_idx %arg11[%broadcast_in_dim3A_220, %select_n3A_155] : memref<32x1024xf32, #tpu.memory_space<vmem>>[vector<16xi32>, vector<16xi32>], vector<16xf32>,
            %gather3A_222 = tpu.vector_load_idx %arg12[%iota3A, %broadcast_in_dim3A_220] : memref<16x129xf32, #tpu.memory_space<vmem>>[vector<16xi32>, vector<16xi32>], vector<16xf32>,
            %slice3A_223 = vector.extract_strided_slice %get3A_1 {offsets = [5], sizes = [1], strides = [1]} : vector<16xf32> to vector<1xf32>
            %squeeze3A_224 = vector.extract %slice3A_223[0] : f32 from vector<1xf32>
            %mul3A_225 = arith.mulf %gather3A_221, %gather3A_222 : vector<16xf32>
            %mul3A_226 = vector.broadcast %squeeze3A_224 : f32 to vector<16xf32>
            %mul3A_227 = arith.mulf %mul3A_225, %mul3A_226 : vector<16xf32>
            %add3A_228 = arith.addf %add3A_218, %mul3A_227 : vector<16xf32>
            %broadcast_in_dim3A_229 = arith.constant 6 : i32
            %broadcast_in_dim3A_230 = vector.broadcast %broadcast_in_dim3A_229 : i32 to vector<16xi32>
            %gather3A_231 = tpu.vector_load_idx %arg11[%broadcast_in_dim3A_230, %select_n3A_155] : memref<32x1024xf32, #tpu.memory_space<vmem>>[vector<16xi32>, vector<16xi32>], vector<16xf32>,
            %gather3A_232 = tpu.vector_load_idx %arg12[%iota3A, %broadcast_in_dim3A_230] : memref<16x129xf32, #tpu.memory_space<vmem>>[vector<16xi32>, vector<16xi32>], vector<16xf32>,
            %slice3A_233 = vector.extract_strided_slice %get3A_1 {offsets = [6], sizes = [1], strides = [1]} : vector<16xf32> to vector<1xf32>
            %squeeze3A_234 = vector.extract %slice3A_233[0] : f32 from vector<1xf32>
            %mul3A_235 = arith.mulf %gather3A_231, %gather3A_232 : vector<16xf32>
            %mul3A_236 = vector.broadcast %squeeze3A_234 : f32 to vector<16xf32>
            %mul3A_237 = arith.mulf %mul3A_235, %mul3A_236 : vector<16xf32>
            %add3A_238 = arith.addf %add3A_228, %mul3A_237 : vector<16xf32>
            %broadcast_in_dim3A_239 = arith.constant 7 : i32
            %broadcast_in_dim3A_240 = vector.broadcast %broadcast_in_dim3A_239 : i32 to vector<16xi32>
            %gather3A_241 = tpu.vector_load_idx %arg11[%broadcast_in_dim3A_240, %select_n3A_155] : memref<32x1024xf32, #tpu.memory_space<vmem>>[vector<16xi32>, vector<16xi32>], vector<16xf32>,
            %gather3A_242 = tpu.vector_load_idx %arg12[%iota3A, %broadcast_in_dim3A_240] : memref<16x129xf32, #tpu.memory_space<vmem>>[vector<16xi32>, vector<16xi32>], vector<16xf32>,
            %slice3A_243 = vector.extract_strided_slice %get3A_1 {offsets = [7], sizes = [1], strides = [1]} : vector<16xf32> to vector<1xf32>
            %squeeze3A_244 = vector.extract %slice3A_243[0] : f32 from vector<1xf32>
            %mul3A_245 = arith.mulf %gather3A_241, %gather3A_242 : vector<16xf32>
            %mul3A_246 = vector.broadcast %squeeze3A_244 : f32 to vector<16xf32>
            %mul3A_247 = arith.mulf %mul3A_245, %mul3A_246 : vector<16xf32>
            %add3A_248 = arith.addf %add3A_238, %mul3A_247 : vector<16xf32>
            %broadcast_in_dim3A_249 = arith.constant 8 : i32
            %broadcast_in_dim3A_250 = vector.broadcast %broadcast_in_dim3A_249 : i32 to vector<16xi32>
            %gather3A_251 = tpu.vector_load_idx %arg11[%broadcast_in_dim3A_250, %select_n3A_155] : memref<32x1024xf32, #tpu.memory_space<vmem>>[vector<16xi32>, vector<16xi32>], vector<16xf32>,
            %gather3A_252 = tpu.vector_load_idx %arg12[%iota3A, %broadcast_in_dim3A_250] : memref<16x129xf32, #tpu.memory_space<vmem>>[vector<16xi32>, vector<16xi32>], vector<16xf32>,
            %slice3A_253 = vector.extract_strided_slice %get3A_1 {offsets = [8], sizes = [1], strides = [1]} : vector<16xf32> to vector<1xf32>
            %squeeze3A_254 = vector.extract %slice3A_253[0] : f32 from vector<1xf32>
            %mul3A_255 = arith.mulf %gather3A_251, %gather3A_252 : vector<16xf32>
            %mul3A_256 = vector.broadcast %squeeze3A_254 : f32 to vector<16xf32>
            %mul3A_257 = arith.mulf %mul3A_255, %mul3A_256 : vector<16xf32>
            %add3A_258 = arith.addf %add3A_248, %mul3A_257 : vector<16xf32>
            %broadcast_in_dim3A_259 = arith.constant 9 : i32
            %broadcast_in_dim3A_260 = vector.broadcast %broadcast_in_dim3A_259 : i32 to vector<16xi32>
            %gather3A_261 = tpu.vector_load_idx %arg11[%broadcast_in_dim3A_260, %select_n3A_155] : memref<32x1024xf32, #tpu.memory_space<vmem>>[vector<16xi32>, vector<16xi32>], vector<16xf32>,
            %gather3A_262 = tpu.vector_load_idx %arg12[%iota3A, %broadcast_in_dim3A_260] : memref<16x129xf32, #tpu.memory_space<vmem>>[vector<16xi32>, vector<16xi32>], vector<16xf32>,
            %slice3A_263 = vector.extract_strided_slice %get3A_1 {offsets = [9], sizes = [1], strides = [1]} : vector<16xf32> to vector<1xf32>
            %squeeze3A_264 = vector.extract %slice3A_263[0] : f32 from vector<1xf32>
            %mul3A_265 = arith.mulf %gather3A_261, %gather3A_262 : vector<16xf32>
            %mul3A_266 = vector.broadcast %squeeze3A_264 : f32 to vector<16xf32>
            %mul3A_267 = arith.mulf %mul3A_265, %mul3A_266 : vector<16xf32>
            %add3A_268 = arith.addf %add3A_258, %mul3A_267 : vector<16xf32>
            %broadcast_in_dim3A_269 = arith.constant 10 : i32
            %broadcast_in_dim3A_270 = vector.broadcast %broadcast_in_dim3A_269 : i32 to vector<16xi32>
            %gather3A_271 = tpu.vector_load_idx %arg11[%broadcast_in_dim3A_270, %select_n3A_155] : memref<32x1024xf32, #tpu.memory_space<vmem>>[vector<16xi32>, vector<16xi32>], vector<16xf32>,
            %gather3A_272 = tpu.vector_load_idx %arg12[%iota3A, %broadcast_in_dim3A_270] : memref<16x129xf32, #tpu.memory_space<vmem>>[vector<16xi32>, vector<16xi32>], vector<16xf32>,
            %slice3A_273 = vector.extract_strided_slice %get3A_1 {offsets = [10], sizes = [1], strides = [1]} : vector<16xf32> to vector<1xf32>
            %squeeze3A_274 = vector.extract %slice3A_273[0] : f32 from vector<1xf32>
            %mul3A_275 = arith.mulf %gather3A_271, %gather3A_272 : vector<16xf32>
            %mul3A_276 = vector.broadcast %squeeze3A_274 : f32 to vector<16xf32>
            %mul3A_277 = arith.mulf %mul3A_275, %mul3A_276 : vector<16xf32>
            %add3A_278 = arith.addf %add3A_268, %mul3A_277 : vector<16xf32>
            %broadcast_in_dim3A_279 = arith.constant 11 : i32
            %broadcast_in_dim3A_280 = vector.broadcast %broadcast_in_dim3A_279 : i32 to vector<16xi32>
            %gather3A_281 = tpu.vector_load_idx %arg11[%broadcast_in_dim3A_280, %select_n3A_155] : memref<32x1024xf32, #tpu.memory_space<vmem>>[vector<16xi32>, vector<16xi32>], vector<16xf32>,
            %gather3A_282 = tpu.vector_load_idx %arg12[%iota3A, %broadcast_in_dim3A_280] : memref<16x129xf32, #tpu.memory_space<vmem>>[vector<16xi32>, vector<16xi32>], vector<16xf32>,
            %slice3A_283 = vector.extract_strided_slice %get3A_1 {offsets = [11], sizes = [1], strides = [1]} : vector<16xf32> to vector<1xf32>
            %squeeze3A_284 = vector.extract %slice3A_283[0] : f32 from vector<1xf32>
            %mul3A_285 = arith.mulf %gather3A_281, %gather3A_282 : vector<16xf32>
            %mul3A_286 = vector.broadcast %squeeze3A_284 : f32 to vector<16xf32>
            %mul3A_287 = arith.mulf %mul3A_285, %mul3A_286 : vector<16xf32>
            %add3A_288 = arith.addf %add3A_278, %mul3A_287 : vector<16xf32>
            %broadcast_in_dim3A_289 = arith.constant 12 : i32
            %broadcast_in_dim3A_290 = vector.broadcast %broadcast_in_dim3A_289 : i32 to vector<16xi32>
            %gather3A_291 = tpu.vector_load_idx %arg11[%broadcast_in_dim3A_290, %select_n3A_155] : memref<32x1024xf32, #tpu.memory_space<vmem>>[vector<16xi32>, vector<16xi32>], vector<16xf32>,
            %gather3A_292 = tpu.vector_load_idx %arg12[%iota3A, %broadcast_in_dim3A_290] : memref<16x129xf32, #tpu.memory_space<vmem>>[vector<16xi32>, vector<16xi32>], vector<16xf32>,
            %slice3A_293 = vector.extract_strided_slice %get3A_1 {offsets = [12], sizes = [1], strides = [1]} : vector<16xf32> to vector<1xf32>
            %squeeze3A_294 = vector.extract %slice3A_293[0] : f32 from vector<1xf32>
            %mul3A_295 = arith.mulf %gather3A_291, %gather3A_292 : vector<16xf32>
            %mul3A_296 = vector.broadcast %squeeze3A_294 : f32 to vector<16xf32>
            %mul3A_297 = arith.mulf %mul3A_295, %mul3A_296 : vector<16xf32>
            %add3A_298 = arith.addf %add3A_288, %mul3A_297 : vector<16xf32>
            %broadcast_in_dim3A_299 = arith.constant 13 : i32
            %broadcast_in_dim3A_300 = vector.broadcast %broadcast_in_dim3A_299 : i32 to vector<16xi32>
            %gather3A_301 = tpu.vector_load_idx %arg11[%broadcast_in_dim3A_300, %select_n3A_155] : memref<32x1024xf32, #tpu.memory_space<vmem>>[vector<16xi32>, vector<16xi32>], vector<16xf32>,
            %gather3A_302 = tpu.vector_load_idx %arg12[%iota3A, %broadcast_in_dim3A_300] : memref<16x129xf32, #tpu.memory_space<vmem>>[vector<16xi32>, vector<16xi32>], vector<16xf32>,
            %slice3A_303 = vector.extract_strided_slice %get3A_1 {offsets = [13], sizes = [1], strides = [1]} : vector<16xf32> to vector<1xf32>
            %squeeze3A_304 = vector.extract %slice3A_303[0] : f32 from vector<1xf32>
            %mul3A_305 = arith.mulf %gather3A_301, %gather3A_302 : vector<16xf32>
            %mul3A_306 = vector.broadcast %squeeze3A_304 : f32 to vector<16xf32>
            %mul3A_307 = arith.mulf %mul3A_305, %mul3A_306 : vector<16xf32>
            %add3A_308 = arith.addf %add3A_298, %mul3A_307 : vector<16xf32>
            %broadcast_in_dim3A_309 = arith.constant 14 : i32
            %broadcast_in_dim3A_310 = vector.broadcast %broadcast_in_dim3A_309 : i32 to vector<16xi32>
            %gather3A_311 = tpu.vector_load_idx %arg11[%broadcast_in_dim3A_310, %select_n3A_155] : memref<32x1024xf32, #tpu.memory_space<vmem>>[vector<16xi32>, vector<16xi32>], vector<16xf32>,
            %gather3A_312 = tpu.vector_load_idx %arg12[%iota3A, %broadcast_in_dim3A_310] : memref<16x129xf32, #tpu.memory_space<vmem>>[vector<16xi32>, vector<16xi32>], vector<16xf32>,
            %slice3A_313 = vector.extract_strided_slice %get3A_1 {offsets = [14], sizes = [1], strides = [1]} : vector<16xf32> to vector<1xf32>
            %squeeze3A_314 = vector.extract %slice3A_313[0] : f32 from vector<1xf32>
            %mul3A_315 = arith.mulf %gather3A_311, %gather3A_312 : vector<16xf32>
            %mul3A_316 = vector.broadcast %squeeze3A_314 : f32 to vector<16xf32>
            %mul3A_317 = arith.mulf %mul3A_315, %mul3A_316 : vector<16xf32>
            %add3A_318 = arith.addf %add3A_308, %mul3A_317 : vector<16xf32>
            %broadcast_in_dim3A_319 = arith.constant 15 : i32
            %broadcast_in_dim3A_320 = vector.broadcast %broadcast_in_dim3A_319 : i32 to vector<16xi32>
            %gather3A_321 = tpu.vector_load_idx %arg11[%broadcast_in_dim3A_320, %select_n3A_155] : memref<32x1024xf32, #tpu.memory_space<vmem>>[vector<16xi32>, vector<16xi32>], vector<16xf32>,
            %gather3A_322 = tpu.vector_load_idx %arg12[%iota3A, %broadcast_in_dim3A_320] : memref<16x129xf32, #tpu.memory_space<vmem>>[vector<16xi32>, vector<16xi32>], vector<16xf32>,
            %slice3A_323 = vector.extract_strided_slice %get3A_1 {offsets = [15], sizes = [1], strides = [1]} : vector<16xf32> to vector<1xf32>
            %squeeze3A_324 = vector.extract %slice3A_323[0] : f32 from vector<1xf32>
            %mul3A_325 = arith.mulf %gather3A_321, %gather3A_322 : vector<16xf32>
            %mul3A_326 = vector.broadcast %squeeze3A_324 : f32 to vector<16xf32>
            %mul3A_327 = arith.mulf %mul3A_325, %mul3A_326 : vector<16xf32>
            %add3A_328 = arith.addf %add3A_318, %mul3A_327 : vector<16xf32>
            %broadcast_in_dim3A_329 = arith.constant 16 : i32
            %broadcast_in_dim3A_330 = vector.broadcast %broadcast_in_dim3A_329 : i32 to vector<16xi32>
            %gather3A_331 = tpu.vector_load_idx %arg11[%broadcast_in_dim3A_330, %select_n3A_155] : memref<32x1024xf32, #tpu.memory_space<vmem>>[vector<16xi32>, vector<16xi32>], vector<16xf32>,
            %gather3A_332 = tpu.vector_load_idx %arg12[%iota3A, %broadcast_in_dim3A_330] : memref<16x129xf32, #tpu.memory_space<vmem>>[vector<16xi32>, vector<16xi32>], vector<16xf32>,
            %slice3A_333 = vector.extract_strided_slice %get3A_3 {offsets = [0], sizes = [1], strides = [1]} : vector<16xf32> to vector<1xf32>
            %squeeze3A_334 = vector.extract %slice3A_333[0] : f32 from vector<1xf32>
            %mul3A_335 = arith.mulf %gather3A_331, %gather3A_332 : vector<16xf32>
            %mul3A_336 = vector.broadcast %squeeze3A_334 : f32 to vector<16xf32>
            %mul3A_337 = arith.mulf %mul3A_335, %mul3A_336 : vector<16xf32>
            %add3A_338 = arith.addf %add3A_328, %mul3A_337 : vector<16xf32>
            %broadcast_in_dim3A_339 = arith.constant 17 : i32
            %broadcast_in_dim3A_340 = vector.broadcast %broadcast_in_dim3A_339 : i32 to vector<16xi32>
            %gather3A_341 = tpu.vector_load_idx %arg11[%broadcast_in_dim3A_340, %select_n3A_155] : memref<32x1024xf32, #tpu.memory_space<vmem>>[vector<16xi32>, vector<16xi32>], vector<16xf32>,
            %gather3A_342 = tpu.vector_load_idx %arg12[%iota3A, %broadcast_in_dim3A_340] : memref<16x129xf32, #tpu.memory_space<vmem>>[vector<16xi32>, vector<16xi32>], vector<16xf32>,
            %slice3A_343 = vector.extract_strided_slice %get3A_3 {offsets = [1], sizes = [1], strides = [1]} : vector<16xf32> to vector<1xf32>
            %squeeze3A_344 = vector.extract %slice3A_343[0] : f32 from vector<1xf32>
            %mul3A_345 = arith.mulf %gather3A_341, %gather3A_342 : vector<16xf32>
            %mul3A_346 = vector.broadcast %squeeze3A_344 : f32 to vector<16xf32>
            %mul3A_347 = arith.mulf %mul3A_345, %mul3A_346 : vector<16xf32>
            %add3A_348 = arith.addf %add3A_338, %mul3A_347 : vector<16xf32>
            %broadcast_in_dim3A_349 = arith.constant 18 : i32
            %broadcast_in_dim3A_350 = vector.broadcast %broadcast_in_dim3A_349 : i32 to vector<16xi32>
            %gather3A_351 = tpu.vector_load_idx %arg11[%broadcast_in_dim3A_350, %select_n3A_155] : memref<32x1024xf32, #tpu.memory_space<vmem>>[vector<16xi32>, vector<16xi32>], vector<16xf32>,
            %gather3A_352 = tpu.vector_load_idx %arg12[%iota3A, %broadcast_in_dim3A_350] : memref<16x129xf32, #tpu.memory_space<vmem>>[vector<16xi32>, vector<16xi32>], vector<16xf32>,
            %slice3A_353 = vector.extract_strided_slice %get3A_3 {offsets = [2], sizes = [1], strides = [1]} : vector<16xf32> to vector<1xf32>
            %squeeze3A_354 = vector.extract %slice3A_353[0] : f32 from vector<1xf32>
            %mul3A_355 = arith.mulf %gather3A_351, %gather3A_352 : vector<16xf32>
            %mul3A_356 = vector.broadcast %squeeze3A_354 : f32 to vector<16xf32>
            %mul3A_357 = arith.mulf %mul3A_355, %mul3A_356 : vector<16xf32>
            %add3A_358 = arith.addf %add3A_348, %mul3A_357 : vector<16xf32>
            %broadcast_in_dim3A_359 = arith.constant 19 : i32
            %broadcast_in_dim3A_360 = vector.broadcast %broadcast_in_dim3A_359 : i32 to vector<16xi32>
            %gather3A_361 = tpu.vector_load_idx %arg11[%broadcast_in_dim3A_360, %select_n3A_155] : memref<32x1024xf32, #tpu.memory_space<vmem>>[vector<16xi32>, vector<16xi32>], vector<16xf32>,
            %gather3A_362 = tpu.vector_load_idx %arg12[%iota3A, %broadcast_in_dim3A_360] : memref<16x129xf32, #tpu.memory_space<vmem>>[vector<16xi32>, vector<16xi32>], vector<16xf32>,
            %slice3A_363 = vector.extract_strided_slice %get3A_3 {offsets = [3], sizes = [1], strides = [1]} : vector<16xf32> to vector<1xf32>
            %squeeze3A_364 = vector.extract %slice3A_363[0] : f32 from vector<1xf32>
            %mul3A_365 = arith.mulf %gather3A_361, %gather3A_362 : vector<16xf32>
            %mul3A_366 = vector.broadcast %squeeze3A_364 : f32 to vector<16xf32>
            %mul3A_367 = arith.mulf %mul3A_365, %mul3A_366 : vector<16xf32>
            %add3A_368 = arith.addf %add3A_358, %mul3A_367 : vector<16xf32>
            %broadcast_in_dim3A_369 = arith.constant 20 : i32
            %broadcast_in_dim3A_370 = vector.broadcast %broadcast_in_dim3A_369 : i32 to vector<16xi32>
            %gather3A_371 = tpu.vector_load_idx %arg11[%broadcast_in_dim3A_370, %select_n3A_155] : memref<32x1024xf32, #tpu.memory_space<vmem>>[vector<16xi32>, vector<16xi32>], vector<16xf32>,
            %gather3A_372 = tpu.vector_load_idx %arg12[%iota3A, %broadcast_in_dim3A_370] : memref<16x129xf32, #tpu.memory_space<vmem>>[vector<16xi32>, vector<16xi32>], vector<16xf32>,
            %slice3A_373 = vector.extract_strided_slice %get3A_3 {offsets = [4], sizes = [1], strides = [1]} : vector<16xf32> to vector<1xf32>
            %squeeze3A_374 = vector.extract %slice3A_373[0] : f32 from vector<1xf32>
            %mul3A_375 = arith.mulf %gather3A_371, %gather3A_372 : vector<16xf32>
            %mul3A_376 = vector.broadcast %squeeze3A_374 : f32 to vector<16xf32>
            %mul3A_377 = arith.mulf %mul3A_375, %mul3A_376 : vector<16xf32>
            %add3A_378 = arith.addf %add3A_368, %mul3A_377 : vector<16xf32>
            %broadcast_in_dim3A_379 = arith.constant 21 : i32
            %broadcast_in_dim3A_380 = vector.broadcast %broadcast_in_dim3A_379 : i32 to vector<16xi32>
            %gather3A_381 = tpu.vector_load_idx %arg11[%broadcast_in_dim3A_380, %select_n3A_155] : memref<32x1024xf32, #tpu.memory_space<vmem>>[vector<16xi32>, vector<16xi32>], vector<16xf32>,
            %gather3A_382 = tpu.vector_load_idx %arg12[%iota3A, %broadcast_in_dim3A_380] : memref<16x129xf32, #tpu.memory_space<vmem>>[vector<16xi32>, vector<16xi32>], vector<16xf32>,
            %slice3A_383 = vector.extract_strided_slice %get3A_3 {offsets = [5], sizes = [1], strides = [1]} : vector<16xf32> to vector<1xf32>
            %squeeze3A_384 = vector.extract %slice3A_383[0] : f32 from vector<1xf32>
            %mul3A_385 = arith.mulf %gather3A_381, %gather3A_382 : vector<16xf32>
            %mul3A_386 = vector.broadcast %squeeze3A_384 : f32 to vector<16xf32>
            %mul3A_387 = arith.mulf %mul3A_385, %mul3A_386 : vector<16xf32>
            %add3A_388 = arith.addf %add3A_378, %mul3A_387 : vector<16xf32>
            %broadcast_in_dim3A_389 = arith.constant 22 : i32
            %broadcast_in_dim3A_390 = vector.broadcast %broadcast_in_dim3A_389 : i32 to vector<16xi32>
            %gather3A_391 = tpu.vector_load_idx %arg11[%broadcast_in_dim3A_390, %select_n3A_155] : memref<32x1024xf32, #tpu.memory_space<vmem>>[vector<16xi32>, vector<16xi32>], vector<16xf32>,
            %gather3A_392 = tpu.vector_load_idx %arg12[%iota3A, %broadcast_in_dim3A_390] : memref<16x129xf32, #tpu.memory_space<vmem>>[vector<16xi32>, vector<16xi32>], vector<16xf32>,
            %slice3A_393 = vector.extract_strided_slice %get3A_3 {offsets = [6], sizes = [1], strides = [1]} : vector<16xf32> to vector<1xf32>
            %squeeze3A_394 = vector.extract %slice3A_393[0] : f32 from vector<1xf32>
            %mul3A_395 = arith.mulf %gather3A_391, %gather3A_392 : vector<16xf32>
            %mul3A_396 = vector.broadcast %squeeze3A_394 : f32 to vector<16xf32>
            %mul3A_397 = arith.mulf %mul3A_395, %mul3A_396 : vector<16xf32>
            %add3A_398 = arith.addf %add3A_388, %mul3A_397 : vector<16xf32>
            %broadcast_in_dim3A_399 = arith.constant 23 : i32
            %broadcast_in_dim3A_400 = vector.broadcast %broadcast_in_dim3A_399 : i32 to vector<16xi32>
            %gather3A_401 = tpu.vector_load_idx %arg11[%broadcast_in_dim3A_400, %select_n3A_155] : memref<32x1024xf32, #tpu.memory_space<vmem>>[vector<16xi32>, vector<16xi32>], vector<16xf32>,
            %gather3A_402 = tpu.vector_load_idx %arg12[%iota3A, %broadcast_in_dim3A_400] : memref<16x129xf32, #tpu.memory_space<vmem>>[vector<16xi32>, vector<16xi32>], vector<16xf32>,
            %slice3A_403 = vector.extract_strided_slice %get3A_3 {offsets = [7], sizes = [1], strides = [1]} : vector<16xf32> to vector<1xf32>
            %squeeze3A_404 = vector.extract %slice3A_403[0] : f32 from vector<1xf32>
            %mul3A_405 = arith.mulf %gather3A_401, %gather3A_402 : vector<16xf32>
            %mul3A_406 = vector.broadcast %squeeze3A_404 : f32 to vector<16xf32>
            %mul3A_407 = arith.mulf %mul3A_405, %mul3A_406 : vector<16xf32>
            %add3A_408 = arith.addf %add3A_398, %mul3A_407 : vector<16xf32>
            %broadcast_in_dim3A_409 = arith.constant 24 : i32
            %broadcast_in_dim3A_410 = vector.broadcast %broadcast_in_dim3A_409 : i32 to vector<16xi32>
            %gather3A_411 = tpu.vector_load_idx %arg11[%broadcast_in_dim3A_410, %select_n3A_155] : memref<32x1024xf32, #tpu.memory_space<vmem>>[vector<16xi32>, vector<16xi32>], vector<16xf32>,
            %gather3A_412 = tpu.vector_load_idx %arg12[%iota3A, %broadcast_in_dim3A_410] : memref<16x129xf32, #tpu.memory_space<vmem>>[vector<16xi32>, vector<16xi32>], vector<16xf32>,
            %slice3A_413 = vector.extract_strided_slice %get3A_3 {offsets = [8], sizes = [1], strides = [1]} : vector<16xf32> to vector<1xf32>
            %squeeze3A_414 = vector.extract %slice3A_413[0] : f32 from vector<1xf32>
            %mul3A_415 = arith.mulf %gather3A_411, %gather3A_412 : vector<16xf32>
            %mul3A_416 = vector.broadcast %squeeze3A_414 : f32 to vector<16xf32>
            %mul3A_417 = arith.mulf %mul3A_415, %mul3A_416 : vector<16xf32>
            %add3A_418 = arith.addf %add3A_408, %mul3A_417 : vector<16xf32>
            %broadcast_in_dim3A_419 = arith.constant 25 : i32
            %broadcast_in_dim3A_420 = vector.broadcast %broadcast_in_dim3A_419 : i32 to vector<16xi32>
            %gather3A_421 = tpu.vector_load_idx %arg11[%broadcast_in_dim3A_420, %select_n3A_155] : memref<32x1024xf32, #tpu.memory_space<vmem>>[vector<16xi32>, vector<16xi32>], vector<16xf32>,
            %gather3A_422 = tpu.vector_load_idx %arg12[%iota3A, %broadcast_in_dim3A_420] : memref<16x129xf32, #tpu.memory_space<vmem>>[vector<16xi32>, vector<16xi32>], vector<16xf32>,
            %slice3A_423 = vector.extract_strided_slice %get3A_3 {offsets = [9], sizes = [1], strides = [1]} : vector<16xf32> to vector<1xf32>
            %squeeze3A_424 = vector.extract %slice3A_423[0] : f32 from vector<1xf32>
            %mul3A_425 = arith.mulf %gather3A_421, %gather3A_422 : vector<16xf32>
            %mul3A_426 = vector.broadcast %squeeze3A_424 : f32 to vector<16xf32>
            %mul3A_427 = arith.mulf %mul3A_425, %mul3A_426 : vector<16xf32>
            %add3A_428 = arith.addf %add3A_418, %mul3A_427 : vector<16xf32>
            %broadcast_in_dim3A_429 = arith.constant 26 : i32
            %broadcast_in_dim3A_430 = vector.broadcast %broadcast_in_dim3A_429 : i32 to vector<16xi32>
            %gather3A_431 = tpu.vector_load_idx %arg11[%broadcast_in_dim3A_430, %select_n3A_155] : memref<32x1024xf32, #tpu.memory_space<vmem>>[vector<16xi32>, vector<16xi32>], vector<16xf32>,
            %gather3A_432 = tpu.vector_load_idx %arg12[%iota3A, %broadcast_in_dim3A_430] : memref<16x129xf32, #tpu.memory_space<vmem>>[vector<16xi32>, vector<16xi32>], vector<16xf32>,
            %slice3A_433 = vector.extract_strided_slice %get3A_3 {offsets = [10], sizes = [1], strides = [1]} : vector<16xf32> to vector<1xf32>
            %squeeze3A_434 = vector.extract %slice3A_433[0] : f32 from vector<1xf32>
            %mul3A_435 = arith.mulf %gather3A_431, %gather3A_432 : vector<16xf32>
            %mul3A_436 = vector.broadcast %squeeze3A_434 : f32 to vector<16xf32>
            %mul3A_437 = arith.mulf %mul3A_435, %mul3A_436 : vector<16xf32>
            %add3A_438 = arith.addf %add3A_428, %mul3A_437 : vector<16xf32>
            %broadcast_in_dim3A_439 = arith.constant 27 : i32
            %broadcast_in_dim3A_440 = vector.broadcast %broadcast_in_dim3A_439 : i32 to vector<16xi32>
            %gather3A_441 = tpu.vector_load_idx %arg11[%broadcast_in_dim3A_440, %select_n3A_155] : memref<32x1024xf32, #tpu.memory_space<vmem>>[vector<16xi32>, vector<16xi32>], vector<16xf32>,
            %gather3A_442 = tpu.vector_load_idx %arg12[%iota3A, %broadcast_in_dim3A_440] : memref<16x129xf32, #tpu.memory_space<vmem>>[vector<16xi32>, vector<16xi32>], vector<16xf32>,
            %slice3A_443 = vector.extract_strided_slice %get3A_3 {offsets = [11], sizes = [1], strides = [1]} : vector<16xf32> to vector<1xf32>
            %squeeze3A_444 = vector.extract %slice3A_443[0] : f32 from vector<1xf32>
            %mul3A_445 = arith.mulf %gather3A_441, %gather3A_442 : vector<16xf32>
            %mul3A_446 = vector.broadcast %squeeze3A_444 : f32 to vector<16xf32>
            %mul3A_447 = arith.mulf %mul3A_445, %mul3A_446 : vector<16xf32>
            %add3A_448 = arith.addf %add3A_438, %mul3A_447 : vector<16xf32>
            %broadcast_in_dim3A_449 = arith.constant 28 : i32
            %broadcast_in_dim3A_450 = vector.broadcast %broadcast_in_dim3A_449 : i32 to vector<16xi32>
            %gather3A_451 = tpu.vector_load_idx %arg11[%broadcast_in_dim3A_450, %select_n3A_155] : memref<32x1024xf32, #tpu.memory_space<vmem>>[vector<16xi32>, vector<16xi32>], vector<16xf32>,
            %gather3A_452 = tpu.vector_load_idx %arg12[%iota3A, %broadcast_in_dim3A_450] : memref<16x129xf32, #tpu.memory_space<vmem>>[vector<16xi32>, vector<16xi32>], vector<16xf32>,
            %slice3A_453 = vector.extract_strided_slice %get3A_3 {offsets = [12], sizes = [1], strides = [1]} : vector<16xf32> to vector<1xf32>
            %squeeze3A_454 = vector.extract %slice3A_453[0] : f32 from vector<1xf32>
            %mul3A_455 = arith.mulf %gather3A_451, %gather3A_452 : vector<16xf32>
            %mul3A_456 = vector.broadcast %squeeze3A_454 : f32 to vector<16xf32>
            %mul3A_457 = arith.mulf %mul3A_455, %mul3A_456 : vector<16xf32>
            %add3A_458 = arith.addf %add3A_448, %mul3A_457 : vector<16xf32>
            %broadcast_in_dim3A_459 = arith.constant 29 : i32
            %broadcast_in_dim3A_460 = vector.broadcast %broadcast_in_dim3A_459 : i32 to vector<16xi32>
            %gather3A_461 = tpu.vector_load_idx %arg11[%broadcast_in_dim3A_460, %select_n3A_155] : memref<32x1024xf32, #tpu.memory_space<vmem>>[vector<16xi32>, vector<16xi32>], vector<16xf32>,
            %gather3A_462 = tpu.vector_load_idx %arg12[%iota3A, %broadcast_in_dim3A_460] : memref<16x129xf32, #tpu.memory_space<vmem>>[vector<16xi32>, vector<16xi32>], vector<16xf32>,
            %slice3A_463 = vector.extract_strided_slice %get3A_3 {offsets = [13], sizes = [1], strides = [1]} : vector<16xf32> to vector<1xf32>
            %squeeze3A_464 = vector.extract %slice3A_463[0] : f32 from vector<1xf32>
            %mul3A_465 = arith.mulf %gather3A_461, %gather3A_462 : vector<16xf32>
            %mul3A_466 = vector.broadcast %squeeze3A_464 : f32 to vector<16xf32>
            %mul3A_467 = arith.mulf %mul3A_465, %mul3A_466 : vector<16xf32>
            %add3A_468 = arith.addf %add3A_458, %mul3A_467 : vector<16xf32>
            %broadcast_in_dim3A_469 = arith.constant 30 : i32
            %broadcast_in_dim3A_470 = vector.broadcast %broadcast_in_dim3A_469 : i32 to vector<16xi32>
            %gather3A_471 = tpu.vector_load_idx %arg11[%broadcast_in_dim3A_470, %select_n3A_155] : memref<32x1024xf32, #tpu.memory_space<vmem>>[vector<16xi32>, vector<16xi32>], vector<16xf32>,
            %gather3A_472 = tpu.vector_load_idx %arg12[%iota3A, %broadcast_in_dim3A_470] : memref<16x129xf32, #tpu.memory_space<vmem>>[vector<16xi32>, vector<16xi32>], vector<16xf32>,
            %slice3A_473 = vector.extract_strided_slice %get3A_3 {offsets = [14], sizes = [1], strides = [1]} : vector<16xf32> to vector<1xf32>
            %squeeze3A_474 = vector.extract %slice3A_473[0] : f32 from vector<1xf32>
            %mul3A_475 = arith.mulf %gather3A_471, %gather3A_472 : vector<16xf32>
            %mul3A_476 = vector.broadcast %squeeze3A_474 : f32 to vector<16xf32>
            %mul3A_477 = arith.mulf %mul3A_475, %mul3A_476 : vector<16xf32>
            %add3A_478 = arith.addf %add3A_468, %mul3A_477 : vector<16xf32>
            %broadcast_in_dim3A_479 = arith.constant 31 : i32
            %broadcast_in_dim3A_480 = vector.broadcast %broadcast_in_dim3A_479 : i32 to vector<16xi32>
            %gather3A_481 = tpu.vector_load_idx %arg11[%broadcast_in_dim3A_480, %select_n3A_155] : memref<32x1024xf32, #tpu.memory_space<vmem>>[vector<16xi32>, vector<16xi32>], vector<16xf32>,
            %gather3A_482 = tpu.vector_load_idx %arg12[%iota3A, %broadcast_in_dim3A_480] : memref<16x129xf32, #tpu.memory_space<vmem>>[vector<16xi32>, vector<16xi32>], vector<16xf32>,
            %slice3A_483 = vector.extract_strided_slice %get3A_3 {offsets = [15], sizes = [1], strides = [1]} : vector<16xf32> to vector<1xf32>
            %squeeze3A_484 = vector.extract %slice3A_483[0] : f32 from vector<1xf32>
            %mul3A_485 = arith.mulf %gather3A_481, %gather3A_482 : vector<16xf32>
            %mul3A_486 = vector.broadcast %squeeze3A_484 : f32 to vector<16xf32>
            %mul3A_487 = arith.mulf %mul3A_485, %mul3A_486 : vector<16xf32>
            %add3A_488 = arith.addf %add3A_478, %mul3A_487 : vector<16xf32>
            %add3A_489 = vector.broadcast %squeeze3A : f32 to vector<16xf32>
            %add3A_490 = arith.addf %add3A_488, %add3A_489 : vector<16xf32>
            %neg3A = arith.constant 0.000000e+00 : f32
            %neg3A_491 = vector.broadcast %neg3A : f32 to vector<16xf32>
            %neg3A_492 = arith.subf %neg3A_491, %add3A_490 : vector<16xf32>
            %exp3A = math.exp %neg3A_492 : vector<16xf32>
            %add3A_493 = arith.constant 1.000000e+00 : f32
            %add3A_494 = vector.broadcast %add3A_493 : f32 to vector<16xf32>
            %add3A_495 = arith.addf %add3A_494, %exp3A : vector<16xf32>
            %div3A_496 = arith.constant 1.000000e+00 : f32
            %div3A_497 = vector.broadcast %div3A_496 : f32 to vector<16xf32>
            %div3A_498 = arith.divf %div3A_497, %add3A_495 : vector<16xf32>
            tpu.vector_store_idx %arg13[%iota3A, %broadcast_in_dim3A_6], %div3A_498 : memref<16x128xf32, #tpu.memory_space<vmem>>[vector<16xi32>, vector<16xi32>], vector<16xf32>,
            %dma_start3A_499 = arith.constant 0 : i32
            %dma_start3A_500 = arith.constant 0 : i32
            %dma_start3A_501 = tpu.memref_slice %arg6[%dma_start3A_499, %dma_start3A_500] : memref<16448x128xf32, #tpu.memory_space<hbm>> -> memref<16448x128xf32, #tpu.memory_space<hbm>>
            tpu.enqueue_indirect_dma source(%arg13 : memref<16x128xf32, #tpu.memory_space<vmem>>) target(%dma_start3A_501 : memref<16448x128xf32, #tpu.memory_space<hbm>>) offsets(%arg15 : memref<16xi32, #tpu.memory_space<vmem>>) semaphore(%arg21 : memref<!tpu.dma_semaphore, #tpu.memory_space<semaphore_mem>>)
          } else {
          }
          %eq3A_120 = arith.constant 1 : i32
          %eq3A_121 = arith.cmpi eq, %and3A_114, %eq3A_120 : i32
          %convert_element_type3A_122 = arith.extui %eq3A_121 : i1 to i32
          %cond3A_123 = arith.constant 0 : i32
          %cond3A_124 = arith.cmpi ne, %convert_element_type3A_122, %cond3A_123 : i32
          scf.if %cond3A_124 {
            %ge3A = arith.constant 32 : i32
            %ge3A_127 = arith.cmpi sge, %while3A_110, %ge3A : i32
            %convert_element_type3A_128 = arith.extui %ge3A_127 : i1 to i32
            %cond3A_129 = arith.constant 0 : i32
            %cond3A_130 = arith.cmpi ne, %convert_element_type3A_128, %cond3A_129 : i32
            scf.if %cond3A_130 {
              %dma_wait3A_502 = arith.constant 0 : i32
              %dma_wait3A_503 = arith.constant 0 : i32
              %dma_wait3A_504 = tpu.memref_slice %arg6[%dma_wait3A_502, %dma_wait3A_503] : memref<16448x128xf32, #tpu.memory_space<hbm>> -> memref<16448x128xf32, #tpu.memory_space<hbm>>
              tpu.wait_indirect_dma semaphore(%arg22 : memref<!tpu.dma_semaphore, #tpu.memory_space<semaphore_mem>>) src(%arg14 : memref<16x128xf32, #tpu.memory_space<vmem>>) dst(%dma_wait3A_504 : memref<16448x128xf32, #tpu.memory_space<hbm>>)
            } else {
            }
            %iota3A_131 = tpu.iota {dimensions = array<i32: 0>} : vector<16xi32>
            %get3A_132 = arith.index_cast %while3A_110 : i32 to index
            %get3A_133 = tpu.vector_load %arg9[%get3A_132] {strides = array<i32>} : memref<16384xi32, #tpu.memory_space<vmem>>, vector<16xi32>,
            %add3A_134 = vector.broadcast %while3A_110 : i32 to vector<16xi32>
            %add3A_135 = arith.addi %add3A_134, %iota3A_131 : vector<16xi32>
            %lt3A_136 = vector.broadcast %while3A_94#1 : i32 to vector<16xi32>
            %lt3A_137 = arith.cmpi slt, %add3A_135, %lt3A_136 : vector<16xi32>
            %shift_right_logical3A_138 = arith.constant 10 : i32
            %shift_right_logical3A_139 = vector.broadcast %shift_right_logical3A_138 : i32 to vector<16xi32>
            %shift_right_logical3A_140 = arith.shrui %get3A_133, %shift_right_logical3A_139 : vector<16xi32>
            %and3A_141 = arith.constant 32767 : i32
            %and3A_142 = vector.broadcast %and3A_141 : i32 to vector<16xi32>
            %and3A_143 = arith.andi %shift_right_logical3A_140, %and3A_142 : vector<16xi32>
            %add3A_144 = arith.constant 16384 : i32
            %add3A_145 = vector.broadcast %add3A_144 : i32 to vector<16xi32>
            %add3A_146 = arith.addi %add3A_145, %iota3A_131 : vector<16xi32>
            %select_n3A_147 = arith.select %lt3A_137, %and3A_143, %add3A_146 : vector<16xi1>, vector<16xi32>
            %and3A_148 = arith.constant 1023 : i32
            %and3A_149 = vector.broadcast %and3A_148 : i32 to vector<16xi32>
            %and3A_150 = arith.andi %get3A_133, %and3A_149 : vector<16xi32>
            %add3A_151 = vector.broadcast %select_n3A_98 : i32 to vector<16xi32>
            %add3A_152 = arith.addi %and3A_150, %add3A_151 : vector<16xi32>
            %jit3A_153 = arith.constant 0 : i32
            %broadcast_in_dim3A_154 = vector.broadcast %jit3A_153 : i32 to vector<16xi32>
            %select_n3A_155 = arith.select %lt3A_137, %add3A_152, %broadcast_in_dim3A_154 : vector<16xi1>, vector<16xi32>
            %swap3A = arith.constant 0 : index
            %swap3A_156 = tpu.vector_load %arg16[%swap3A] {strides = array<i32>} : memref<16xi32, #tpu.memory_space<vmem>>, vector<16xi32>,
            tpu.vector_store %arg16[%swap3A], %select_n3A_147 {strides = array<i32>} : memref<16xi32, #tpu.memory_space<vmem>>, vector<16xi32>,
            %dma_start3A = arith.constant 0 : i32
            %dma_start3A_157 = arith.constant 0 : i32
            %dma_start3A_158 = tpu.memref_slice %arg12[%dma_start3A, %dma_start3A_157] : memref<16x129xf32, #tpu.memory_space<vmem>> -> memref<16x128xf32, #tpu.memory_space<vmem>>
            %dma_start3A_159 = arith.constant 0 : i32
            %dma_start3A_160 = arith.constant 0 : i32
            %dma_start3A_161 = tpu.memref_slice %arg4[%dma_start3A_159, %dma_start3A_160] : memref<16448x128xf32, #tpu.memory_space<hbm>> -> memref<16448x128xf32, #tpu.memory_space<hbm>>
            tpu.enqueue_indirect_dma source(%dma_start3A_161 : memref<16448x128xf32, #tpu.memory_space<hbm>>) target(%dma_start3A_158 : memref<16x128xf32, #tpu.memory_space<vmem>>) offsets(%arg16 : memref<16xi32, #tpu.memory_space<vmem>>) semaphore(%arg20 : memref<!tpu.dma_semaphore, #tpu.memory_space<semaphore_mem>>)
            %dma_wait3A_162 = arith.constant 0 : i32
            %dma_wait3A_163 = arith.constant 0 : i32
            %dma_wait3A_164 = tpu.memref_slice %arg12[%dma_wait3A_162, %dma_wait3A_163] : memref<16x129xf32, #tpu.memory_space<vmem>> -> memref<16x128xf32, #tpu.memory_space<vmem>>
            %dma_wait3A_165 = arith.constant 0 : i32
            %dma_wait3A_166 = arith.constant 0 : i32
            %dma_wait3A_167 = tpu.memref_slice %arg4[%dma_wait3A_165, %dma_wait3A_166] : memref<16448x128xf32, #tpu.memory_space<hbm>> -> memref<16448x128xf32, #tpu.memory_space<hbm>>
            tpu.wait_indirect_dma semaphore(%arg20 : memref<!tpu.dma_semaphore, #tpu.memory_space<semaphore_mem>>) src(%dma_wait3A_167 : memref<16448x128xf32, #tpu.memory_space<hbm>>) dst(%dma_wait3A_164 : memref<16x128xf32, #tpu.memory_space<vmem>>)
            %broadcast_in_dim3A_168 = arith.constant 0.000000e+00 : f32
            %broadcast_in_dim3A_169 = vector.broadcast %broadcast_in_dim3A_168 : f32 to vector<16xf32>
            %broadcast_in_dim3A_170 = arith.constant 0 : i32
            %broadcast_in_dim3A_171 = vector.broadcast %broadcast_in_dim3A_170 : i32 to vector<16xi32>
            %gather3A = tpu.vector_load_idx %arg11[%broadcast_in_dim3A_171, %select_n3A_155] : memref<32x1024xf32, #tpu.memory_space<vmem>>[vector<16xi32>, vector<16xi32>], vector<16xf32>,
            %gather3A_172 = tpu.vector_load_idx %arg12[%iota3A, %broadcast_in_dim3A_171] : memref<16x129xf32, #tpu.memory_space<vmem>>[vector<16xi32>, vector<16xi32>], vector<16xf32>,
            %slice3A_173 = vector.extract_strided_slice %get3A_1 {offsets = [0], sizes = [1], strides = [1]} : vector<16xf32> to vector<1xf32>
            %squeeze3A_174 = vector.extract %slice3A_173[0] : f32 from vector<1xf32>
            %mul3A_175 = arith.mulf %gather3A, %gather3A_172 : vector<16xf32>
            %mul3A_176 = vector.broadcast %squeeze3A_174 : f32 to vector<16xf32>
            %mul3A_177 = arith.mulf %mul3A_175, %mul3A_176 : vector<16xf32>
            %add3A_178 = arith.addf %broadcast_in_dim3A_169, %mul3A_177 : vector<16xf32>
            %broadcast_in_dim3A_179 = arith.constant 1 : i32
            %broadcast_in_dim3A_180 = vector.broadcast %broadcast_in_dim3A_179 : i32 to vector<16xi32>
            %gather3A_181 = tpu.vector_load_idx %arg11[%broadcast_in_dim3A_180, %select_n3A_155] : memref<32x1024xf32, #tpu.memory_space<vmem>>[vector<16xi32>, vector<16xi32>], vector<16xf32>,
            %gather3A_182 = tpu.vector_load_idx %arg12[%iota3A, %broadcast_in_dim3A_180] : memref<16x129xf32, #tpu.memory_space<vmem>>[vector<16xi32>, vector<16xi32>], vector<16xf32>,
            %slice3A_183 = vector.extract_strided_slice %get3A_1 {offsets = [1], sizes = [1], strides = [1]} : vector<16xf32> to vector<1xf32>
            %squeeze3A_184 = vector.extract %slice3A_183[0] : f32 from vector<1xf32>
            %mul3A_185 = arith.mulf %gather3A_181, %gather3A_182 : vector<16xf32>
            %mul3A_186 = vector.broadcast %squeeze3A_184 : f32 to vector<16xf32>
            %mul3A_187 = arith.mulf %mul3A_185, %mul3A_186 : vector<16xf32>
            %add3A_188 = arith.addf %add3A_178, %mul3A_187 : vector<16xf32>
            %broadcast_in_dim3A_189 = arith.constant 2 : i32
            %broadcast_in_dim3A_190 = vector.broadcast %broadcast_in_dim3A_189 : i32 to vector<16xi32>
            %gather3A_191 = tpu.vector_load_idx %arg11[%broadcast_in_dim3A_190, %select_n3A_155] : memref<32x1024xf32, #tpu.memory_space<vmem>>[vector<16xi32>, vector<16xi32>], vector<16xf32>,
            %gather3A_192 = tpu.vector_load_idx %arg12[%iota3A, %broadcast_in_dim3A_190] : memref<16x129xf32, #tpu.memory_space<vmem>>[vector<16xi32>, vector<16xi32>], vector<16xf32>,
            %slice3A_193 = vector.extract_strided_slice %get3A_1 {offsets = [2], sizes = [1], strides = [1]} : vector<16xf32> to vector<1xf32>
            %squeeze3A_194 = vector.extract %slice3A_193[0] : f32 from vector<1xf32>
            %mul3A_195 = arith.mulf %gather3A_191, %gather3A_192 : vector<16xf32>
            %mul3A_196 = vector.broadcast %squeeze3A_194 : f32 to vector<16xf32>
            %mul3A_197 = arith.mulf %mul3A_195, %mul3A_196 : vector<16xf32>
            %add3A_198 = arith.addf %add3A_188, %mul3A_197 : vector<16xf32>
            %broadcast_in_dim3A_199 = arith.constant 3 : i32
            %broadcast_in_dim3A_200 = vector.broadcast %broadcast_in_dim3A_199 : i32 to vector<16xi32>
            %gather3A_201 = tpu.vector_load_idx %arg11[%broadcast_in_dim3A_200, %select_n3A_155] : memref<32x1024xf32, #tpu.memory_space<vmem>>[vector<16xi32>, vector<16xi32>], vector<16xf32>,
            %gather3A_202 = tpu.vector_load_idx %arg12[%iota3A, %broadcast_in_dim3A_200] : memref<16x129xf32, #tpu.memory_space<vmem>>[vector<16xi32>, vector<16xi32>], vector<16xf32>,
            %slice3A_203 = vector.extract_strided_slice %get3A_1 {offsets = [3], sizes = [1], strides = [1]} : vector<16xf32> to vector<1xf32>
            %squeeze3A_204 = vector.extract %slice3A_203[0] : f32 from vector<1xf32>
            %mul3A_205 = arith.mulf %gather3A_201, %gather3A_202 : vector<16xf32>
            %mul3A_206 = vector.broadcast %squeeze3A_204 : f32 to vector<16xf32>
            %mul3A_207 = arith.mulf %mul3A_205, %mul3A_206 : vector<16xf32>
            %add3A_208 = arith.addf %add3A_198, %mul3A_207 : vector<16xf32>
            %broadcast_in_dim3A_209 = arith.constant 4 : i32
            %broadcast_in_dim3A_210 = vector.broadcast %broadcast_in_dim3A_209 : i32 to vector<16xi32>
            %gather3A_211 = tpu.vector_load_idx %arg11[%broadcast_in_dim3A_210, %select_n3A_155] : memref<32x1024xf32, #tpu.memory_space<vmem>>[vector<16xi32>, vector<16xi32>], vector<16xf32>,
            %gather3A_212 = tpu.vector_load_idx %arg12[%iota3A, %broadcast_in_dim3A_210] : memref<16x129xf32, #tpu.memory_space<vmem>>[vector<16xi32>, vector<16xi32>], vector<16xf32>,
            %slice3A_213 = vector.extract_strided_slice %get3A_1 {offsets = [4], sizes = [1], strides = [1]} : vector<16xf32> to vector<1xf32>
            %squeeze3A_214 = vector.extract %slice3A_213[0] : f32 from vector<1xf32>
            %mul3A_215 = arith.mulf %gather3A_211, %gather3A_212 : vector<16xf32>
            %mul3A_216 = vector.broadcast %squeeze3A_214 : f32 to vector<16xf32>
            %mul3A_217 = arith.mulf %mul3A_215, %mul3A_216 : vector<16xf32>
            %add3A_218 = arith.addf %add3A_208, %mul3A_217 : vector<16xf32>
            %broadcast_in_dim3A_219 = arith.constant 5 : i32
            %broadcast_in_dim3A_220 = vector.broadcast %broadcast_in_dim3A_219 : i32 to vector<16xi32>
            %gather3A_221 = tpu.vector_load_idx %arg11[%broadcast_in_dim3A_220, %select_n3A_155] : memref<32x1024xf32, #tpu.memory_space<vmem>>[vector<16xi32>, vector<16xi32>], vector<16xf32>,
            %gather3A_222 = tpu.vector_load_idx %arg12[%iota3A, %broadcast_in_dim3A_220] : memref<16x129xf32, #tpu.memory_space<vmem>>[vector<16xi32>, vector<16xi32>], vector<16xf32>,
            %slice3A_223 = vector.extract_strided_slice %get3A_1 {offsets = [5], sizes = [1], strides = [1]} : vector<16xf32> to vector<1xf32>
            %squeeze3A_224 = vector.extract %slice3A_223[0] : f32 from vector<1xf32>
            %mul3A_225 = arith.mulf %gather3A_221, %gather3A_222 : vector<16xf32>
            %mul3A_226 = vector.broadcast %squeeze3A_224 : f32 to vector<16xf32>
            %mul3A_227 = arith.mulf %mul3A_225, %mul3A_226 : vector<16xf32>
            %add3A_228 = arith.addf %add3A_218, %mul3A_227 : vector<16xf32>
            %broadcast_in_dim3A_229 = arith.constant 6 : i32
            %broadcast_in_dim3A_230 = vector.broadcast %broadcast_in_dim3A_229 : i32 to vector<16xi32>
            %gather3A_231 = tpu.vector_load_idx %arg11[%broadcast_in_dim3A_230, %select_n3A_155] : memref<32x1024xf32, #tpu.memory_space<vmem>>[vector<16xi32>, vector<16xi32>], vector<16xf32>,
            %gather3A_232 = tpu.vector_load_idx %arg12[%iota3A, %broadcast_in_dim3A_230] : memref<16x129xf32, #tpu.memory_space<vmem>>[vector<16xi32>, vector<16xi32>], vector<16xf32>,
            %slice3A_233 = vector.extract_strided_slice %get3A_1 {offsets = [6], sizes = [1], strides = [1]} : vector<16xf32> to vector<1xf32>
            %squeeze3A_234 = vector.extract %slice3A_233[0] : f32 from vector<1xf32>
            %mul3A_235 = arith.mulf %gather3A_231, %gather3A_232 : vector<16xf32>
            %mul3A_236 = vector.broadcast %squeeze3A_234 : f32 to vector<16xf32>
            %mul3A_237 = arith.mulf %mul3A_235, %mul3A_236 : vector<16xf32>
            %add3A_238 = arith.addf %add3A_228, %mul3A_237 : vector<16xf32>
            %broadcast_in_dim3A_239 = arith.constant 7 : i32
            %broadcast_in_dim3A_240 = vector.broadcast %broadcast_in_dim3A_239 : i32 to vector<16xi32>
            %gather3A_241 = tpu.vector_load_idx %arg11[%broadcast_in_dim3A_240, %select_n3A_155] : memref<32x1024xf32, #tpu.memory_space<vmem>>[vector<16xi32>, vector<16xi32>], vector<16xf32>,
            %gather3A_242 = tpu.vector_load_idx %arg12[%iota3A, %broadcast_in_dim3A_240] : memref<16x129xf32, #tpu.memory_space<vmem>>[vector<16xi32>, vector<16xi32>], vector<16xf32>,
            %slice3A_243 = vector.extract_strided_slice %get3A_1 {offsets = [7], sizes = [1], strides = [1]} : vector<16xf32> to vector<1xf32>
            %squeeze3A_244 = vector.extract %slice3A_243[0] : f32 from vector<1xf32>
            %mul3A_245 = arith.mulf %gather3A_241, %gather3A_242 : vector<16xf32>
            %mul3A_246 = vector.broadcast %squeeze3A_244 : f32 to vector<16xf32>
            %mul3A_247 = arith.mulf %mul3A_245, %mul3A_246 : vector<16xf32>
            %add3A_248 = arith.addf %add3A_238, %mul3A_247 : vector<16xf32>
            %broadcast_in_dim3A_249 = arith.constant 8 : i32
            %broadcast_in_dim3A_250 = vector.broadcast %broadcast_in_dim3A_249 : i32 to vector<16xi32>
            %gather3A_251 = tpu.vector_load_idx %arg11[%broadcast_in_dim3A_250, %select_n3A_155] : memref<32x1024xf32, #tpu.memory_space<vmem>>[vector<16xi32>, vector<16xi32>], vector<16xf32>,
            %gather3A_252 = tpu.vector_load_idx %arg12[%iota3A, %broadcast_in_dim3A_250] : memref<16x129xf32, #tpu.memory_space<vmem>>[vector<16xi32>, vector<16xi32>], vector<16xf32>,
            %slice3A_253 = vector.extract_strided_slice %get3A_1 {offsets = [8], sizes = [1], strides = [1]} : vector<16xf32> to vector<1xf32>
            %squeeze3A_254 = vector.extract %slice3A_253[0] : f32 from vector<1xf32>
            %mul3A_255 = arith.mulf %gather3A_251, %gather3A_252 : vector<16xf32>
            %mul3A_256 = vector.broadcast %squeeze3A_254 : f32 to vector<16xf32>
            %mul3A_257 = arith.mulf %mul3A_255, %mul3A_256 : vector<16xf32>
            %add3A_258 = arith.addf %add3A_248, %mul3A_257 : vector<16xf32>
            %broadcast_in_dim3A_259 = arith.constant 9 : i32
            %broadcast_in_dim3A_260 = vector.broadcast %broadcast_in_dim3A_259 : i32 to vector<16xi32>
            %gather3A_261 = tpu.vector_load_idx %arg11[%broadcast_in_dim3A_260, %select_n3A_155] : memref<32x1024xf32, #tpu.memory_space<vmem>>[vector<16xi32>, vector<16xi32>], vector<16xf32>,
            %gather3A_262 = tpu.vector_load_idx %arg12[%iota3A, %broadcast_in_dim3A_260] : memref<16x129xf32, #tpu.memory_space<vmem>>[vector<16xi32>, vector<16xi32>], vector<16xf32>,
            %slice3A_263 = vector.extract_strided_slice %get3A_1 {offsets = [9], sizes = [1], strides = [1]} : vector<16xf32> to vector<1xf32>
            %squeeze3A_264 = vector.extract %slice3A_263[0] : f32 from vector<1xf32>
            %mul3A_265 = arith.mulf %gather3A_261, %gather3A_262 : vector<16xf32>
            %mul3A_266 = vector.broadcast %squeeze3A_264 : f32 to vector<16xf32>
            %mul3A_267 = arith.mulf %mul3A_265, %mul3A_266 : vector<16xf32>
            %add3A_268 = arith.addf %add3A_258, %mul3A_267 : vector<16xf32>
            %broadcast_in_dim3A_269 = arith.constant 10 : i32
            %broadcast_in_dim3A_270 = vector.broadcast %broadcast_in_dim3A_269 : i32 to vector<16xi32>
            %gather3A_271 = tpu.vector_load_idx %arg11[%broadcast_in_dim3A_270, %select_n3A_155] : memref<32x1024xf32, #tpu.memory_space<vmem>>[vector<16xi32>, vector<16xi32>], vector<16xf32>,
            %gather3A_272 = tpu.vector_load_idx %arg12[%iota3A, %broadcast_in_dim3A_270] : memref<16x129xf32, #tpu.memory_space<vmem>>[vector<16xi32>, vector<16xi32>], vector<16xf32>,
            %slice3A_273 = vector.extract_strided_slice %get3A_1 {offsets = [10], sizes = [1], strides = [1]} : vector<16xf32> to vector<1xf32>
            %squeeze3A_274 = vector.extract %slice3A_273[0] : f32 from vector<1xf32>
            %mul3A_275 = arith.mulf %gather3A_271, %gather3A_272 : vector<16xf32>
            %mul3A_276 = vector.broadcast %squeeze3A_274 : f32 to vector<16xf32>
            %mul3A_277 = arith.mulf %mul3A_275, %mul3A_276 : vector<16xf32>
            %add3A_278 = arith.addf %add3A_268, %mul3A_277 : vector<16xf32>
            %broadcast_in_dim3A_279 = arith.constant 11 : i32
            %broadcast_in_dim3A_280 = vector.broadcast %broadcast_in_dim3A_279 : i32 to vector<16xi32>
            %gather3A_281 = tpu.vector_load_idx %arg11[%broadcast_in_dim3A_280, %select_n3A_155] : memref<32x1024xf32, #tpu.memory_space<vmem>>[vector<16xi32>, vector<16xi32>], vector<16xf32>,
            %gather3A_282 = tpu.vector_load_idx %arg12[%iota3A, %broadcast_in_dim3A_280] : memref<16x129xf32, #tpu.memory_space<vmem>>[vector<16xi32>, vector<16xi32>], vector<16xf32>,
            %slice3A_283 = vector.extract_strided_slice %get3A_1 {offsets = [11], sizes = [1], strides = [1]} : vector<16xf32> to vector<1xf32>
            %squeeze3A_284 = vector.extract %slice3A_283[0] : f32 from vector<1xf32>
            %mul3A_285 = arith.mulf %gather3A_281, %gather3A_282 : vector<16xf32>
            %mul3A_286 = vector.broadcast %squeeze3A_284 : f32 to vector<16xf32>
            %mul3A_287 = arith.mulf %mul3A_285, %mul3A_286 : vector<16xf32>
            %add3A_288 = arith.addf %add3A_278, %mul3A_287 : vector<16xf32>
            %broadcast_in_dim3A_289 = arith.constant 12 : i32
            %broadcast_in_dim3A_290 = vector.broadcast %broadcast_in_dim3A_289 : i32 to vector<16xi32>
            %gather3A_291 = tpu.vector_load_idx %arg11[%broadcast_in_dim3A_290, %select_n3A_155] : memref<32x1024xf32, #tpu.memory_space<vmem>>[vector<16xi32>, vector<16xi32>], vector<16xf32>,
            %gather3A_292 = tpu.vector_load_idx %arg12[%iota3A, %broadcast_in_dim3A_290] : memref<16x129xf32, #tpu.memory_space<vmem>>[vector<16xi32>, vector<16xi32>], vector<16xf32>,
            %slice3A_293 = vector.extract_strided_slice %get3A_1 {offsets = [12], sizes = [1], strides = [1]} : vector<16xf32> to vector<1xf32>
            %squeeze3A_294 = vector.extract %slice3A_293[0] : f32 from vector<1xf32>
            %mul3A_295 = arith.mulf %gather3A_291, %gather3A_292 : vector<16xf32>
            %mul3A_296 = vector.broadcast %squeeze3A_294 : f32 to vector<16xf32>
            %mul3A_297 = arith.mulf %mul3A_295, %mul3A_296 : vector<16xf32>
            %add3A_298 = arith.addf %add3A_288, %mul3A_297 : vector<16xf32>
            %broadcast_in_dim3A_299 = arith.constant 13 : i32
            %broadcast_in_dim3A_300 = vector.broadcast %broadcast_in_dim3A_299 : i32 to vector<16xi32>
            %gather3A_301 = tpu.vector_load_idx %arg11[%broadcast_in_dim3A_300, %select_n3A_155] : memref<32x1024xf32, #tpu.memory_space<vmem>>[vector<16xi32>, vector<16xi32>], vector<16xf32>,
            %gather3A_302 = tpu.vector_load_idx %arg12[%iota3A, %broadcast_in_dim3A_300] : memref<16x129xf32, #tpu.memory_space<vmem>>[vector<16xi32>, vector<16xi32>], vector<16xf32>,
            %slice3A_303 = vector.extract_strided_slice %get3A_1 {offsets = [13], sizes = [1], strides = [1]} : vector<16xf32> to vector<1xf32>
            %squeeze3A_304 = vector.extract %slice3A_303[0] : f32 from vector<1xf32>
            %mul3A_305 = arith.mulf %gather3A_301, %gather3A_302 : vector<16xf32>
            %mul3A_306 = vector.broadcast %squeeze3A_304 : f32 to vector<16xf32>
            %mul3A_307 = arith.mulf %mul3A_305, %mul3A_306 : vector<16xf32>
            %add3A_308 = arith.addf %add3A_298, %mul3A_307 : vector<16xf32>
            %broadcast_in_dim3A_309 = arith.constant 14 : i32
            %broadcast_in_dim3A_310 = vector.broadcast %broadcast_in_dim3A_309 : i32 to vector<16xi32>
            %gather3A_311 = tpu.vector_load_idx %arg11[%broadcast_in_dim3A_310, %select_n3A_155] : memref<32x1024xf32, #tpu.memory_space<vmem>>[vector<16xi32>, vector<16xi32>], vector<16xf32>,
            %gather3A_312 = tpu.vector_load_idx %arg12[%iota3A, %broadcast_in_dim3A_310] : memref<16x129xf32, #tpu.memory_space<vmem>>[vector<16xi32>, vector<16xi32>], vector<16xf32>,
            %slice3A_313 = vector.extract_strided_slice %get3A_1 {offsets = [14], sizes = [1], strides = [1]} : vector<16xf32> to vector<1xf32>
            %squeeze3A_314 = vector.extract %slice3A_313[0] : f32 from vector<1xf32>
            %mul3A_315 = arith.mulf %gather3A_311, %gather3A_312 : vector<16xf32>
            %mul3A_316 = vector.broadcast %squeeze3A_314 : f32 to vector<16xf32>
            %mul3A_317 = arith.mulf %mul3A_315, %mul3A_316 : vector<16xf32>
            %add3A_318 = arith.addf %add3A_308, %mul3A_317 : vector<16xf32>
            %broadcast_in_dim3A_319 = arith.constant 15 : i32
            %broadcast_in_dim3A_320 = vector.broadcast %broadcast_in_dim3A_319 : i32 to vector<16xi32>
            %gather3A_321 = tpu.vector_load_idx %arg11[%broadcast_in_dim3A_320, %select_n3A_155] : memref<32x1024xf32, #tpu.memory_space<vmem>>[vector<16xi32>, vector<16xi32>], vector<16xf32>,
            %gather3A_322 = tpu.vector_load_idx %arg12[%iota3A, %broadcast_in_dim3A_320] : memref<16x129xf32, #tpu.memory_space<vmem>>[vector<16xi32>, vector<16xi32>], vector<16xf32>,
            %slice3A_323 = vector.extract_strided_slice %get3A_1 {offsets = [15], sizes = [1], strides = [1]} : vector<16xf32> to vector<1xf32>
            %squeeze3A_324 = vector.extract %slice3A_323[0] : f32 from vector<1xf32>
            %mul3A_325 = arith.mulf %gather3A_321, %gather3A_322 : vector<16xf32>
            %mul3A_326 = vector.broadcast %squeeze3A_324 : f32 to vector<16xf32>
            %mul3A_327 = arith.mulf %mul3A_325, %mul3A_326 : vector<16xf32>
            %add3A_328 = arith.addf %add3A_318, %mul3A_327 : vector<16xf32>
            %broadcast_in_dim3A_329 = arith.constant 16 : i32
            %broadcast_in_dim3A_330 = vector.broadcast %broadcast_in_dim3A_329 : i32 to vector<16xi32>
            %gather3A_331 = tpu.vector_load_idx %arg11[%broadcast_in_dim3A_330, %select_n3A_155] : memref<32x1024xf32, #tpu.memory_space<vmem>>[vector<16xi32>, vector<16xi32>], vector<16xf32>,
            %gather3A_332 = tpu.vector_load_idx %arg12[%iota3A, %broadcast_in_dim3A_330] : memref<16x129xf32, #tpu.memory_space<vmem>>[vector<16xi32>, vector<16xi32>], vector<16xf32>,
            %slice3A_333 = vector.extract_strided_slice %get3A_3 {offsets = [0], sizes = [1], strides = [1]} : vector<16xf32> to vector<1xf32>
            %squeeze3A_334 = vector.extract %slice3A_333[0] : f32 from vector<1xf32>
            %mul3A_335 = arith.mulf %gather3A_331, %gather3A_332 : vector<16xf32>
            %mul3A_336 = vector.broadcast %squeeze3A_334 : f32 to vector<16xf32>
            %mul3A_337 = arith.mulf %mul3A_335, %mul3A_336 : vector<16xf32>
            %add3A_338 = arith.addf %add3A_328, %mul3A_337 : vector<16xf32>
            %broadcast_in_dim3A_339 = arith.constant 17 : i32
            %broadcast_in_dim3A_340 = vector.broadcast %broadcast_in_dim3A_339 : i32 to vector<16xi32>
            %gather3A_341 = tpu.vector_load_idx %arg11[%broadcast_in_dim3A_340, %select_n3A_155] : memref<32x1024xf32, #tpu.memory_space<vmem>>[vector<16xi32>, vector<16xi32>], vector<16xf32>,
            %gather3A_342 = tpu.vector_load_idx %arg12[%iota3A, %broadcast_in_dim3A_340] : memref<16x129xf32, #tpu.memory_space<vmem>>[vector<16xi32>, vector<16xi32>], vector<16xf32>,
            %slice3A_343 = vector.extract_strided_slice %get3A_3 {offsets = [1], sizes = [1], strides = [1]} : vector<16xf32> to vector<1xf32>
            %squeeze3A_344 = vector.extract %slice3A_343[0] : f32 from vector<1xf32>
            %mul3A_345 = arith.mulf %gather3A_341, %gather3A_342 : vector<16xf32>
            %mul3A_346 = vector.broadcast %squeeze3A_344 : f32 to vector<16xf32>
            %mul3A_347 = arith.mulf %mul3A_345, %mul3A_346 : vector<16xf32>
            %add3A_348 = arith.addf %add3A_338, %mul3A_347 : vector<16xf32>
            %broadcast_in_dim3A_349 = arith.constant 18 : i32
            %broadcast_in_dim3A_350 = vector.broadcast %broadcast_in_dim3A_349 : i32 to vector<16xi32>
            %gather3A_351 = tpu.vector_load_idx %arg11[%broadcast_in_dim3A_350, %select_n3A_155] : memref<32x1024xf32, #tpu.memory_space<vmem>>[vector<16xi32>, vector<16xi32>], vector<16xf32>,
            %gather3A_352 = tpu.vector_load_idx %arg12[%iota3A, %broadcast_in_dim3A_350] : memref<16x129xf32, #tpu.memory_space<vmem>>[vector<16xi32>, vector<16xi32>], vector<16xf32>,
            %slice3A_353 = vector.extract_strided_slice %get3A_3 {offsets = [2], sizes = [1], strides = [1]} : vector<16xf32> to vector<1xf32>
            %squeeze3A_354 = vector.extract %slice3A_353[0] : f32 from vector<1xf32>
            %mul3A_355 = arith.mulf %gather3A_351, %gather3A_352 : vector<16xf32>
            %mul3A_356 = vector.broadcast %squeeze3A_354 : f32 to vector<16xf32>
            %mul3A_357 = arith.mulf %mul3A_355, %mul3A_356 : vector<16xf32>
            %add3A_358 = arith.addf %add3A_348, %mul3A_357 : vector<16xf32>
            %broadcast_in_dim3A_359 = arith.constant 19 : i32
            %broadcast_in_dim3A_360 = vector.broadcast %broadcast_in_dim3A_359 : i32 to vector<16xi32>
            %gather3A_361 = tpu.vector_load_idx %arg11[%broadcast_in_dim3A_360, %select_n3A_155] : memref<32x1024xf32, #tpu.memory_space<vmem>>[vector<16xi32>, vector<16xi32>], vector<16xf32>,
            %gather3A_362 = tpu.vector_load_idx %arg12[%iota3A, %broadcast_in_dim3A_360] : memref<16x129xf32, #tpu.memory_space<vmem>>[vector<16xi32>, vector<16xi32>], vector<16xf32>,
            %slice3A_363 = vector.extract_strided_slice %get3A_3 {offsets = [3], sizes = [1], strides = [1]} : vector<16xf32> to vector<1xf32>
            %squeeze3A_364 = vector.extract %slice3A_363[0] : f32 from vector<1xf32>
            %mul3A_365 = arith.mulf %gather3A_361, %gather3A_362 : vector<16xf32>
            %mul3A_366 = vector.broadcast %squeeze3A_364 : f32 to vector<16xf32>
            %mul3A_367 = arith.mulf %mul3A_365, %mul3A_366 : vector<16xf32>
            %add3A_368 = arith.addf %add3A_358, %mul3A_367 : vector<16xf32>
            %broadcast_in_dim3A_369 = arith.constant 20 : i32
            %broadcast_in_dim3A_370 = vector.broadcast %broadcast_in_dim3A_369 : i32 to vector<16xi32>
            %gather3A_371 = tpu.vector_load_idx %arg11[%broadcast_in_dim3A_370, %select_n3A_155] : memref<32x1024xf32, #tpu.memory_space<vmem>>[vector<16xi32>, vector<16xi32>], vector<16xf32>,
            %gather3A_372 = tpu.vector_load_idx %arg12[%iota3A, %broadcast_in_dim3A_370] : memref<16x129xf32, #tpu.memory_space<vmem>>[vector<16xi32>, vector<16xi32>], vector<16xf32>,
            %slice3A_373 = vector.extract_strided_slice %get3A_3 {offsets = [4], sizes = [1], strides = [1]} : vector<16xf32> to vector<1xf32>
            %squeeze3A_374 = vector.extract %slice3A_373[0] : f32 from vector<1xf32>
            %mul3A_375 = arith.mulf %gather3A_371, %gather3A_372 : vector<16xf32>
            %mul3A_376 = vector.broadcast %squeeze3A_374 : f32 to vector<16xf32>
            %mul3A_377 = arith.mulf %mul3A_375, %mul3A_376 : vector<16xf32>
            %add3A_378 = arith.addf %add3A_368, %mul3A_377 : vector<16xf32>
            %broadcast_in_dim3A_379 = arith.constant 21 : i32
            %broadcast_in_dim3A_380 = vector.broadcast %broadcast_in_dim3A_379 : i32 to vector<16xi32>
            %gather3A_381 = tpu.vector_load_idx %arg11[%broadcast_in_dim3A_380, %select_n3A_155] : memref<32x1024xf32, #tpu.memory_space<vmem>>[vector<16xi32>, vector<16xi32>], vector<16xf32>,
            %gather3A_382 = tpu.vector_load_idx %arg12[%iota3A, %broadcast_in_dim3A_380] : memref<16x129xf32, #tpu.memory_space<vmem>>[vector<16xi32>, vector<16xi32>], vector<16xf32>,
            %slice3A_383 = vector.extract_strided_slice %get3A_3 {offsets = [5], sizes = [1], strides = [1]} : vector<16xf32> to vector<1xf32>
            %squeeze3A_384 = vector.extract %slice3A_383[0] : f32 from vector<1xf32>
            %mul3A_385 = arith.mulf %gather3A_381, %gather3A_382 : vector<16xf32>
            %mul3A_386 = vector.broadcast %squeeze3A_384 : f32 to vector<16xf32>
            %mul3A_387 = arith.mulf %mul3A_385, %mul3A_386 : vector<16xf32>
            %add3A_388 = arith.addf %add3A_378, %mul3A_387 : vector<16xf32>
            %broadcast_in_dim3A_389 = arith.constant 22 : i32
            %broadcast_in_dim3A_390 = vector.broadcast %broadcast_in_dim3A_389 : i32 to vector<16xi32>
            %gather3A_391 = tpu.vector_load_idx %arg11[%broadcast_in_dim3A_390, %select_n3A_155] : memref<32x1024xf32, #tpu.memory_space<vmem>>[vector<16xi32>, vector<16xi32>], vector<16xf32>,
            %gather3A_392 = tpu.vector_load_idx %arg12[%iota3A, %broadcast_in_dim3A_390] : memref<16x129xf32, #tpu.memory_space<vmem>>[vector<16xi32>, vector<16xi32>], vector<16xf32>,
            %slice3A_393 = vector.extract_strided_slice %get3A_3 {offsets = [6], sizes = [1], strides = [1]} : vector<16xf32> to vector<1xf32>
            %squeeze3A_394 = vector.extract %slice3A_393[0] : f32 from vector<1xf32>
            %mul3A_395 = arith.mulf %gather3A_391, %gather3A_392 : vector<16xf32>
            %mul3A_396 = vector.broadcast %squeeze3A_394 : f32 to vector<16xf32>
            %mul3A_397 = arith.mulf %mul3A_395, %mul3A_396 : vector<16xf32>
            %add3A_398 = arith.addf %add3A_388, %mul3A_397 : vector<16xf32>
            %broadcast_in_dim3A_399 = arith.constant 23 : i32
            %broadcast_in_dim3A_400 = vector.broadcast %broadcast_in_dim3A_399 : i32 to vector<16xi32>
            %gather3A_401 = tpu.vector_load_idx %arg11[%broadcast_in_dim3A_400, %select_n3A_155] : memref<32x1024xf32, #tpu.memory_space<vmem>>[vector<16xi32>, vector<16xi32>], vector<16xf32>,
            %gather3A_402 = tpu.vector_load_idx %arg12[%iota3A, %broadcast_in_dim3A_400] : memref<16x129xf32, #tpu.memory_space<vmem>>[vector<16xi32>, vector<16xi32>], vector<16xf32>,
            %slice3A_403 = vector.extract_strided_slice %get3A_3 {offsets = [7], sizes = [1], strides = [1]} : vector<16xf32> to vector<1xf32>
            %squeeze3A_404 = vector.extract %slice3A_403[0] : f32 from vector<1xf32>
            %mul3A_405 = arith.mulf %gather3A_401, %gather3A_402 : vector<16xf32>
            %mul3A_406 = vector.broadcast %squeeze3A_404 : f32 to vector<16xf32>
            %mul3A_407 = arith.mulf %mul3A_405, %mul3A_406 : vector<16xf32>
            %add3A_408 = arith.addf %add3A_398, %mul3A_407 : vector<16xf32>
            %broadcast_in_dim3A_409 = arith.constant 24 : i32
            %broadcast_in_dim3A_410 = vector.broadcast %broadcast_in_dim3A_409 : i32 to vector<16xi32>
            %gather3A_411 = tpu.vector_load_idx %arg11[%broadcast_in_dim3A_410, %select_n3A_155] : memref<32x1024xf32, #tpu.memory_space<vmem>>[vector<16xi32>, vector<16xi32>], vector<16xf32>,
            %gather3A_412 = tpu.vector_load_idx %arg12[%iota3A, %broadcast_in_dim3A_410] : memref<16x129xf32, #tpu.memory_space<vmem>>[vector<16xi32>, vector<16xi32>], vector<16xf32>,
            %slice3A_413 = vector.extract_strided_slice %get3A_3 {offsets = [8], sizes = [1], strides = [1]} : vector<16xf32> to vector<1xf32>
            %squeeze3A_414 = vector.extract %slice3A_413[0] : f32 from vector<1xf32>
            %mul3A_415 = arith.mulf %gather3A_411, %gather3A_412 : vector<16xf32>
            %mul3A_416 = vector.broadcast %squeeze3A_414 : f32 to vector<16xf32>
            %mul3A_417 = arith.mulf %mul3A_415, %mul3A_416 : vector<16xf32>
            %add3A_418 = arith.addf %add3A_408, %mul3A_417 : vector<16xf32>
            %broadcast_in_dim3A_419 = arith.constant 25 : i32
            %broadcast_in_dim3A_420 = vector.broadcast %broadcast_in_dim3A_419 : i32 to vector<16xi32>
            %gather3A_421 = tpu.vector_load_idx %arg11[%broadcast_in_dim3A_420, %select_n3A_155] : memref<32x1024xf32, #tpu.memory_space<vmem>>[vector<16xi32>, vector<16xi32>], vector<16xf32>,
            %gather3A_422 = tpu.vector_load_idx %arg12[%iota3A, %broadcast_in_dim3A_420] : memref<16x129xf32, #tpu.memory_space<vmem>>[vector<16xi32>, vector<16xi32>], vector<16xf32>,
            %slice3A_423 = vector.extract_strided_slice %get3A_3 {offsets = [9], sizes = [1], strides = [1]} : vector<16xf32> to vector<1xf32>
            %squeeze3A_424 = vector.extract %slice3A_423[0] : f32 from vector<1xf32>
            %mul3A_425 = arith.mulf %gather3A_421, %gather3A_422 : vector<16xf32>
            %mul3A_426 = vector.broadcast %squeeze3A_424 : f32 to vector<16xf32>
            %mul3A_427 = arith.mulf %mul3A_425, %mul3A_426 : vector<16xf32>
            %add3A_428 = arith.addf %add3A_418, %mul3A_427 : vector<16xf32>
            %broadcast_in_dim3A_429 = arith.constant 26 : i32
            %broadcast_in_dim3A_430 = vector.broadcast %broadcast_in_dim3A_429 : i32 to vector<16xi32>
            %gather3A_431 = tpu.vector_load_idx %arg11[%broadcast_in_dim3A_430, %select_n3A_155] : memref<32x1024xf32, #tpu.memory_space<vmem>>[vector<16xi32>, vector<16xi32>], vector<16xf32>,
            %gather3A_432 = tpu.vector_load_idx %arg12[%iota3A, %broadcast_in_dim3A_430] : memref<16x129xf32, #tpu.memory_space<vmem>>[vector<16xi32>, vector<16xi32>], vector<16xf32>,
            %slice3A_433 = vector.extract_strided_slice %get3A_3 {offsets = [10], sizes = [1], strides = [1]} : vector<16xf32> to vector<1xf32>
            %squeeze3A_434 = vector.extract %slice3A_433[0] : f32 from vector<1xf32>
            %mul3A_435 = arith.mulf %gather3A_431, %gather3A_432 : vector<16xf32>
            %mul3A_436 = vector.broadcast %squeeze3A_434 : f32 to vector<16xf32>
            %mul3A_437 = arith.mulf %mul3A_435, %mul3A_436 : vector<16xf32>
            %add3A_438 = arith.addf %add3A_428, %mul3A_437 : vector<16xf32>
            %broadcast_in_dim3A_439 = arith.constant 27 : i32
            %broadcast_in_dim3A_440 = vector.broadcast %broadcast_in_dim3A_439 : i32 to vector<16xi32>
            %gather3A_441 = tpu.vector_load_idx %arg11[%broadcast_in_dim3A_440, %select_n3A_155] : memref<32x1024xf32, #tpu.memory_space<vmem>>[vector<16xi32>, vector<16xi32>], vector<16xf32>,
            %gather3A_442 = tpu.vector_load_idx %arg12[%iota3A, %broadcast_in_dim3A_440] : memref<16x129xf32, #tpu.memory_space<vmem>>[vector<16xi32>, vector<16xi32>], vector<16xf32>,
            %slice3A_443 = vector.extract_strided_slice %get3A_3 {offsets = [11], sizes = [1], strides = [1]} : vector<16xf32> to vector<1xf32>
            %squeeze3A_444 = vector.extract %slice3A_443[0] : f32 from vector<1xf32>
            %mul3A_445 = arith.mulf %gather3A_441, %gather3A_442 : vector<16xf32>
            %mul3A_446 = vector.broadcast %squeeze3A_444 : f32 to vector<16xf32>
            %mul3A_447 = arith.mulf %mul3A_445, %mul3A_446 : vector<16xf32>
            %add3A_448 = arith.addf %add3A_438, %mul3A_447 : vector<16xf32>
            %broadcast_in_dim3A_449 = arith.constant 28 : i32
            %broadcast_in_dim3A_450 = vector.broadcast %broadcast_in_dim3A_449 : i32 to vector<16xi32>
            %gather3A_451 = tpu.vector_load_idx %arg11[%broadcast_in_dim3A_450, %select_n3A_155] : memref<32x1024xf32, #tpu.memory_space<vmem>>[vector<16xi32>, vector<16xi32>], vector<16xf32>,
            %gather3A_452 = tpu.vector_load_idx %arg12[%iota3A, %broadcast_in_dim3A_450] : memref<16x129xf32, #tpu.memory_space<vmem>>[vector<16xi32>, vector<16xi32>], vector<16xf32>,
            %slice3A_453 = vector.extract_strided_slice %get3A_3 {offsets = [12], sizes = [1], strides = [1]} : vector<16xf32> to vector<1xf32>
            %squeeze3A_454 = vector.extract %slice3A_453[0] : f32 from vector<1xf32>
            %mul3A_455 = arith.mulf %gather3A_451, %gather3A_452 : vector<16xf32>
            %mul3A_456 = vector.broadcast %squeeze3A_454 : f32 to vector<16xf32>
            %mul3A_457 = arith.mulf %mul3A_455, %mul3A_456 : vector<16xf32>
            %add3A_458 = arith.addf %add3A_448, %mul3A_457 : vector<16xf32>
            %broadcast_in_dim3A_459 = arith.constant 29 : i32
            %broadcast_in_dim3A_460 = vector.broadcast %broadcast_in_dim3A_459 : i32 to vector<16xi32>
            %gather3A_461 = tpu.vector_load_idx %arg11[%broadcast_in_dim3A_460, %select_n3A_155] : memref<32x1024xf32, #tpu.memory_space<vmem>>[vector<16xi32>, vector<16xi32>], vector<16xf32>,
            %gather3A_462 = tpu.vector_load_idx %arg12[%iota3A, %broadcast_in_dim3A_460] : memref<16x129xf32, #tpu.memory_space<vmem>>[vector<16xi32>, vector<16xi32>], vector<16xf32>,
            %slice3A_463 = vector.extract_strided_slice %get3A_3 {offsets = [13], sizes = [1], strides = [1]} : vector<16xf32> to vector<1xf32>
            %squeeze3A_464 = vector.extract %slice3A_463[0] : f32 from vector<1xf32>
            %mul3A_465 = arith.mulf %gather3A_461, %gather3A_462 : vector<16xf32>
            %mul3A_466 = vector.broadcast %squeeze3A_464 : f32 to vector<16xf32>
            %mul3A_467 = arith.mulf %mul3A_465, %mul3A_466 : vector<16xf32>
            %add3A_468 = arith.addf %add3A_458, %mul3A_467 : vector<16xf32>
            %broadcast_in_dim3A_469 = arith.constant 30 : i32
            %broadcast_in_dim3A_470 = vector.broadcast %broadcast_in_dim3A_469 : i32 to vector<16xi32>
            %gather3A_471 = tpu.vector_load_idx %arg11[%broadcast_in_dim3A_470, %select_n3A_155] : memref<32x1024xf32, #tpu.memory_space<vmem>>[vector<16xi32>, vector<16xi32>], vector<16xf32>,
            %gather3A_472 = tpu.vector_load_idx %arg12[%iota3A, %broadcast_in_dim3A_470] : memref<16x129xf32, #tpu.memory_space<vmem>>[vector<16xi32>, vector<16xi32>], vector<16xf32>,
            %slice3A_473 = vector.extract_strided_slice %get3A_3 {offsets = [14], sizes = [1], strides = [1]} : vector<16xf32> to vector<1xf32>
            %squeeze3A_474 = vector.extract %slice3A_473[0] : f32 from vector<1xf32>
            %mul3A_475 = arith.mulf %gather3A_471, %gather3A_472 : vector<16xf32>
            %mul3A_476 = vector.broadcast %squeeze3A_474 : f32 to vector<16xf32>
            %mul3A_477 = arith.mulf %mul3A_475, %mul3A_476 : vector<16xf32>
            %add3A_478 = arith.addf %add3A_468, %mul3A_477 : vector<16xf32>
            %broadcast_in_dim3A_479 = arith.constant 31 : i32
            %broadcast_in_dim3A_480 = vector.broadcast %broadcast_in_dim3A_479 : i32 to vector<16xi32>
            %gather3A_481 = tpu.vector_load_idx %arg11[%broadcast_in_dim3A_480, %select_n3A_155] : memref<32x1024xf32, #tpu.memory_space<vmem>>[vector<16xi32>, vector<16xi32>], vector<16xf32>,
            %gather3A_482 = tpu.vector_load_idx %arg12[%iota3A, %broadcast_in_dim3A_480] : memref<16x129xf32, #tpu.memory_space<vmem>>[vector<16xi32>, vector<16xi32>], vector<16xf32>,
            %slice3A_483 = vector.extract_strided_slice %get3A_3 {offsets = [15], sizes = [1], strides = [1]} : vector<16xf32> to vector<1xf32>
            %squeeze3A_484 = vector.extract %slice3A_483[0] : f32 from vector<1xf32>
            %mul3A_485 = arith.mulf %gather3A_481, %gather3A_482 : vector<16xf32>
            %mul3A_486 = vector.broadcast %squeeze3A_484 : f32 to vector<16xf32>
            %mul3A_487 = arith.mulf %mul3A_485, %mul3A_486 : vector<16xf32>
            %add3A_488 = arith.addf %add3A_478, %mul3A_487 : vector<16xf32>
            %add3A_489 = vector.broadcast %squeeze3A : f32 to vector<16xf32>
            %add3A_490 = arith.addf %add3A_488, %add3A_489 : vector<16xf32>
            %neg3A = arith.constant 0.000000e+00 : f32
            %neg3A_491 = vector.broadcast %neg3A : f32 to vector<16xf32>
            %neg3A_492 = arith.subf %neg3A_491, %add3A_490 : vector<16xf32>
            %exp3A = math.exp %neg3A_492 : vector<16xf32>
            %add3A_493 = arith.constant 1.000000e+00 : f32
            %add3A_494 = vector.broadcast %add3A_493 : f32 to vector<16xf32>
            %add3A_495 = arith.addf %add3A_494, %exp3A : vector<16xf32>
            %div3A_496 = arith.constant 1.000000e+00 : f32
            %div3A_497 = vector.broadcast %div3A_496 : f32 to vector<16xf32>
            %div3A_498 = arith.divf %div3A_497, %add3A_495 : vector<16xf32>
            tpu.vector_store_idx %arg14[%iota3A, %broadcast_in_dim3A_6], %div3A_498 : memref<16x128xf32, #tpu.memory_space<vmem>>[vector<16xi32>, vector<16xi32>], vector<16xf32>,
            %dma_start3A_499 = arith.constant 0 : i32
            %dma_start3A_500 = arith.constant 0 : i32
            %dma_start3A_501 = tpu.memref_slice %arg6[%dma_start3A_499, %dma_start3A_500] : memref<16448x128xf32, #tpu.memory_space<hbm>> -> memref<16448x128xf32, #tpu.memory_space<hbm>>
            tpu.enqueue_indirect_dma source(%arg14 : memref<16x128xf32, #tpu.memory_space<vmem>>) target(%dma_start3A_501 : memref<16448x128xf32, #tpu.memory_space<hbm>>) offsets(%arg16 : memref<16xi32, #tpu.memory_space<vmem>>) semaphore(%arg22 : memref<!tpu.dma_semaphore, #tpu.memory_space<semaphore_mem>>)
          } else {
          }
          %add3A_125 = arith.constant 16 : i32
          %add3A_126 = arith.addi %while3A_110, %add3A_125 : i32
          scf.yield %add3A_126 : i32
        }
        %gt3A = arith.constant 0 : i32
        %gt3A_101 = arith.cmpi sgt, %while3A_94#1, %gt3A : i32
        %convert_element_type3A_102 = arith.extui %gt3A_101 : i1 to i32
        %cond3A_103 = arith.constant 0 : i32
        %cond3A_104 = arith.cmpi ne, %convert_element_type3A_102, %cond3A_103 : i32
        scf.if %cond3A_104 {
          %dma_wait3A_110 = arith.constant 0 : i32
          %dma_wait3A_111 = arith.constant 0 : i32
          %dma_wait3A_112 = tpu.memref_slice %arg6[%dma_wait3A_110, %dma_wait3A_111] : memref<16448x128xf32, #tpu.memory_space<hbm>> -> memref<16448x128xf32, #tpu.memory_space<hbm>>
          tpu.wait_indirect_dma semaphore(%arg21 : memref<!tpu.dma_semaphore, #tpu.memory_space<semaphore_mem>>) src(%arg13 : memref<16x128xf32, #tpu.memory_space<vmem>>) dst(%dma_wait3A_112 : memref<16448x128xf32, #tpu.memory_space<hbm>>)
        } else {
        }
        %gt3A_105 = arith.constant 16 : i32
        %gt3A_106 = arith.cmpi sgt, %while3A_94#1, %gt3A_105 : i32
        %convert_element_type3A_107 = arith.extui %gt3A_106 : i1 to i32
        %cond3A_108 = arith.constant 0 : i32
        %cond3A_109 = arith.cmpi ne, %convert_element_type3A_107, %cond3A_108 : i32
        scf.if %cond3A_109 {
          %dma_wait3A_110 = arith.constant 0 : i32
          %dma_wait3A_111 = arith.constant 0 : i32
          %dma_wait3A_112 = tpu.memref_slice %arg6[%dma_wait3A_110, %dma_wait3A_111] : memref<16448x128xf32, #tpu.memory_space<hbm>> -> memref<16448x128xf32, #tpu.memory_space<hbm>>
          tpu.wait_indirect_dma semaphore(%arg22 : memref<!tpu.dma_semaphore, #tpu.memory_space<semaphore_mem>>) src(%arg14 : memref<16x128xf32, #tpu.memory_space<vmem>>) dst(%dma_wait3A_112 : memref<16448x128xf32, #tpu.memory_space<hbm>>)
        } else {
        }
      } else {
      }
    }
    %scan3A_22 = arith.constant 17 : i32
    return
  }
}

#map = affine_map<(d0, d1) -> (0)>
#map1 = affine_map<(d0, d1) -> (0, 0)>
module attributes {stable_mosaic.version = 14 : i64} {
  func.func @kern(%arg0: i32, %arg1: i32, %arg2: memref<16384xi32, #tpu.memory_space<hbm>>, %arg3: memref<32x100000xf32, #tpu.memory_space<hbm>>, %arg4: memref<16448x128xf32, #tpu.memory_space<hbm>>, %arg5: memref<16384xi32, #tpu.memory_space<vmem>>, %arg6: memref<16384xi32, #tpu.memory_space<vmem>>, %arg7: memref<16384xi32, #tpu.memory_space<vmem>>, %arg8: memref<32x1024xf32, #tpu.memory_space<vmem>>, %arg9: memref<32x1024xf32, #tpu.memory_space<vmem>>, %arg10: memref<16x129xf32, #tpu.memory_space<vmem>>, %arg11: memref<16x129xf32, #tpu.memory_space<vmem>>, %arg12: memref<16xi32, #tpu.memory_space<vmem>>, %arg13: memref<16xi32, #tpu.memory_space<vmem>>, %arg14: memref<!tpu.dma_semaphore, #tpu.memory_space<semaphore_mem>>, %arg15: memref<!tpu.dma_semaphore, #tpu.memory_space<semaphore_mem>>, %arg16: memref<!tpu.dma_semaphore, #tpu.memory_space<semaphore_mem>>, %arg17: memref<!tpu.dma_semaphore, #tpu.memory_space<semaphore_mem>>) attributes {dimension_semantics = [#tpu.dimension_semantics<core_parallel>, #tpu.dimension_semantics<subcore_parallel>], iteration_bounds = array<i64: 2, 16>, scalar_prefetch = 0 : i64, scratch_operands = 13 : i64, tpu.core_type = #tpu.core_type<sc_vector_subcore>, window_params = [{transform_indices = #map}, {transform_indices = #map1}, {transform_indices = #map1}]} {
    %mul3A = arith.constant 2 : i32
    %mul3A_0 = arith.muli %arg1, %mul3A : i32
    %add3A = arith.addi %mul3A_0, %arg0 : i32
    "tpu.region"() ({
      %run_scoped3A = tpu.sem_alloc : memref<!tpu.dma_semaphore, #tpu.memory_space<semaphore_mem>>
      tpu.enqueue_dma source(%arg2 : memref<16384xi32, #tpu.memory_space<hbm>>) target(%arg5 : memref<16384xi32, #tpu.memory_space<vmem>>) target_semaphore(%run_scoped3A : memref<!tpu.dma_semaphore, #tpu.memory_space<semaphore_mem>>)
      tpu.wait_dma2 semaphore(%run_scoped3A : memref<!tpu.dma_semaphore, #tpu.memory_space<semaphore_mem>>) src(%arg2 : memref<16384xi32, #tpu.memory_space<hbm>>) dst(%arg5 : memref<16384xi32, #tpu.memory_space<vmem>>)
      tpu.yield
    }) : () -> ()
    %iota3A = tpu.iota {dimensions = array<i32: 0>} : vector<16xi32>
    %lt3A = arith.constant 98 : i32
    %lt3A_1 = arith.cmpi slt, %add3A, %lt3A : i32
    %convert_element_type3A = arith.extui %lt3A_1 : i1 to i32
    %cond3A = arith.constant 0 : i32
    %cond3A_2 = arith.cmpi ne, %convert_element_type3A, %cond3A : i32
    scf.if %cond3A_2 {
      %eq3A = arith.constant 97 : i32
      %eq3A_17 = arith.cmpi eq, %add3A, %eq3A : i32
      %mul3A_18 = arith.constant 1024 : i32
      %mul3A_19 = arith.muli %add3A, %mul3A_18 : i32
      %jit3A = arith.constant 99072 : i32
      %select_n3A = arith.select %eq3A_17, %jit3A, %mul3A_19 : i32
      %multiple_of3A = tpu.assume_multiple %select_n3A, 128 : i32
      %dma_start3A = arith.constant 0 : i32
      %dma_start3A_20 = tpu.memref_slice %arg3[%dma_start3A, %multiple_of3A] : memref<32x100000xf32, #tpu.memory_space<hbm>> -> memref<32x1024xf32, #tpu.memory_space<hbm>>
      %dma_start3A_21 = arith.constant 0 : i32
      %dma_start3A_22 = tpu.memref_slice %arg3[%dma_start3A_21, %multiple_of3A] : memref<32x100000xf32, #tpu.memory_space<hbm>> -> memref<32x1024xf32, #tpu.memory_space<hbm>>
      tpu.enqueue_dma source(%dma_start3A_22 : memref<32x1024xf32, #tpu.memory_space<hbm>>) target(%arg8 : memref<32x1024xf32, #tpu.memory_space<vmem>>) target_semaphore(%arg14 : memref<!tpu.dma_semaphore, #tpu.memory_space<semaphore_mem>>)
    } else {
    }
    %iota3A_3 = tpu.iota {dimensions = array<i32: 0>} : vector<16xi32>
    %scan3A = arith.constant 0 : i32
    %scan3A_4 = arith.constant 0 : i32
    %scan3A_5 = arith.constant 512 : i32
    %scan3A_6 = arith.addi %scan3A_4, %scan3A_5 : i32
    %scan3A_7 = arith.constant 1 : i32
    %scan3A_8 = scf.for %scan3A_17 = %scan3A_4 to %scan3A_6 step %scan3A_7 iter_args(%scan3A_18 = %scan3A) -> (i32)  : i32 {
      %mul3A_19 = arith.constant 2 : i32
      %mul3A_20 = arith.muli %mul3A_19, %scan3A_17 : i32
      %mul3A_21 = arith.constant 2 : i32
      %mul3A_22 = arith.muli %scan3A_17, %mul3A_21 : i32
      %mul3A_23 = arith.constant 16 : i32
      %mul3A_24 = arith.muli %mul3A_22, %mul3A_23 : i32
      %get3A = arith.index_cast %mul3A_24 : i32 to index
      %get3A_25 = tpu.vector_load %arg5[%get3A] {strides = array<i32>} : memref<16384xi32, #tpu.memory_space<vmem>>, vector<16xi32>,
      %shift_right_logical3A = arith.constant 10 : i32
      %shift_right_logical3A_26 = vector.broadcast %shift_right_logical3A : i32 to vector<16xi32>
      %shift_right_logical3A_27 = arith.shrui %get3A_25, %shift_right_logical3A_26 : vector<16xi32>
      %and3A = arith.constant 31 : i32
      %and3A_28 = vector.broadcast %and3A : i32 to vector<16xi32>
      %and3A_29 = arith.andi %shift_right_logical3A_27, %and3A_28 : vector<16xi32>
      %eq3A = vector.broadcast %add3A : i32 to vector<16xi32>
      %eq3A_30 = arith.cmpi eq, %and3A_29, %eq3A : vector<16xi32>
      %jit3A = arith.constant 1 : i32
      %jit3A_31 = arith.constant 0 : i32
      %broadcast_in_dim3A = vector.broadcast %jit3A : i32 to vector<16xi32>
      %broadcast_in_dim3A_32 = vector.broadcast %jit3A_31 : i32 to vector<16xi32>
      %select_n3A = arith.select %eq3A_30, %broadcast_in_dim3A, %broadcast_in_dim3A_32 : vector<16xi1>, vector<16xi32>
      %broadcast_in_dim3A_33 = arith.constant true
      %broadcast_in_dim3A_34 = vector.broadcast %broadcast_in_dim3A_33 : i1 to vector<16xi1>
      %masked_cumsum3A = tpu.scan <sum>, %select_n3A masked %broadcast_in_dim3A_34 : vector<16xi32>, vector<16xi1> -> vector<16xi32>
      %mul3A_35 = arith.constant 16 : i32
      %mul3A_36 = arith.muli %mul3A_20, %mul3A_35 : i32
      %add3A_37 = vector.broadcast %mul3A_36 : i32 to vector<16xi32>
      %add3A_38 = arith.addi %add3A_37, %iota3A_3 : vector<16xi32>
      %shift_right_logical3A_39 = arith.constant 5 : i32
      %shift_right_logical3A_40 = vector.broadcast %shift_right_logical3A_39 : i32 to vector<16xi32>
      %shift_right_logical3A_41 = arith.shrui %shift_right_logical3A_27, %shift_right_logical3A_40 : vector<16xi32>
      %shift_left3A = arith.constant 25 : i32
      %shift_left3A_42 = vector.broadcast %shift_left3A : i32 to vector<16xi32>
      %shift_left3A_43 = arith.shli %shift_right_logical3A_41, %shift_left3A_42 : vector<16xi32>
      %shift_left3A_44 = arith.constant 10 : i32
      %shift_left3A_45 = vector.broadcast %shift_left3A_44 : i32 to vector<16xi32>
      %shift_left3A_46 = arith.shli %add3A_38, %shift_left3A_45 : vector<16xi32>
      %or3A = arith.ori %shift_left3A_43, %shift_left3A_46 : vector<16xi32>
      %and3A_47 = arith.constant 1023 : i32
      %and3A_48 = vector.broadcast %and3A_47 : i32 to vector<16xi32>
      %and3A_49 = arith.andi %get3A_25, %and3A_48 : vector<16xi32>
      %or3A_50 = arith.ori %or3A, %and3A_49 : vector<16xi32>
      %slice3A = vector.extract_strided_slice %masked_cumsum3A {offsets = [15], sizes = [1], strides = [1]} : vector<16xi32> to vector<1xi32>
      %squeeze3A = vector.extract %slice3A[0] : i32 from vector<1xi32>
      %mul3A_51 = arith.constant 2 : i32
      %mul3A_52 = arith.muli %mul3A_51, %scan3A_17 : i32
      %add3A_53 = arith.constant 1 : i32
      %add3A_54 = arith.addi %mul3A_52, %add3A_53 : i32
      %mul3A_55 = arith.constant 2 : i32
      %mul3A_56 = arith.muli %scan3A_17, %mul3A_55 : i32
      %mul3A_57 = arith.constant 16 : i32
      %mul3A_58 = arith.muli %mul3A_56, %mul3A_57 : i32
      %add3A_59 = arith.constant 16 : i32
      %add3A_60 = arith.addi %mul3A_58, %add3A_59 : i32
      %get3A_61 = arith.index_cast %add3A_60 : i32 to index
      %get3A_62 = tpu.vector_load %arg5[%get3A_61] {strides = array<i32>} : memref<16384xi32, #tpu.memory_space<vmem>>, vector<16xi32>,
      %shift_right_logical3A_63 = arith.constant 10 : i32
      %shift_right_logical3A_64 = vector.broadcast %shift_right_logical3A_63 : i32 to vector<16xi32>
      %shift_right_logical3A_65 = arith.shrui %get3A_62, %shift_right_logical3A_64 : vector<16xi32>
      %and3A_66 = arith.constant 31 : i32
      %and3A_67 = vector.broadcast %and3A_66 : i32 to vector<16xi32>
      %and3A_68 = arith.andi %shift_right_logical3A_65, %and3A_67 : vector<16xi32>
      %eq3A_69 = vector.broadcast %add3A : i32 to vector<16xi32>
      %eq3A_70 = arith.cmpi eq, %and3A_68, %eq3A_69 : vector<16xi32>
      %jit3A_71 = arith.constant 1 : i32
      %jit3A_72 = arith.constant 0 : i32
      %broadcast_in_dim3A_73 = vector.broadcast %jit3A_71 : i32 to vector<16xi32>
      %broadcast_in_dim3A_74 = vector.broadcast %jit3A_72 : i32 to vector<16xi32>
      %select_n3A_75 = arith.select %eq3A_70, %broadcast_in_dim3A_73, %broadcast_in_dim3A_74 : vector<16xi1>, vector<16xi32>
      %broadcast_in_dim3A_76 = arith.constant true
      %broadcast_in_dim3A_77 = vector.broadcast %broadcast_in_dim3A_76 : i1 to vector<16xi1>
      %masked_cumsum3A_78 = tpu.scan <sum>, %select_n3A_75 masked %broadcast_in_dim3A_77 : vector<16xi32>, vector<16xi1> -> vector<16xi32>
      %mul3A_79 = arith.constant 16 : i32
      %mul3A_80 = arith.muli %add3A_54, %mul3A_79 : i32
      %add3A_81 = vector.broadcast %mul3A_80 : i32 to vector<16xi32>
      %add3A_82 = arith.addi %add3A_81, %iota3A_3 : vector<16xi32>
      %shift_right_logical3A_83 = arith.constant 5 : i32
      %shift_right_logical3A_84 = vector.broadcast %shift_right_logical3A_83 : i32 to vector<16xi32>
      %shift_right_logical3A_85 = arith.shrui %shift_right_logical3A_65, %shift_right_logical3A_84 : vector<16xi32>
      %shift_left3A_86 = arith.constant 25 : i32
      %shift_left3A_87 = vector.broadcast %shift_left3A_86 : i32 to vector<16xi32>
      %shift_left3A_88 = arith.shli %shift_right_logical3A_85, %shift_left3A_87 : vector<16xi32>
      %shift_left3A_89 = arith.constant 10 : i32
      %shift_left3A_90 = vector.broadcast %shift_left3A_89 : i32 to vector<16xi32>
      %shift_left3A_91 = arith.shli %add3A_82, %shift_left3A_90 : vector<16xi32>
      %or3A_92 = arith.ori %shift_left3A_88, %shift_left3A_91 : vector<16xi32>
      %and3A_93 = arith.constant 1023 : i32
      %and3A_94 = vector.broadcast %and3A_93 : i32 to vector<16xi32>
      %and3A_95 = arith.andi %get3A_62, %and3A_94 : vector<16xi32>
      %or3A_96 = arith.ori %or3A_92, %and3A_95 : vector<16xi32>
      %slice3A_97 = vector.extract_strided_slice %masked_cumsum3A_78 {offsets = [15], sizes = [1], strides = [1]} : vector<16xi32> to vector<1xi32>
      %squeeze3A_98 = vector.extract %slice3A_97[0] : i32 from vector<1xi32>
      %add3A_99 = vector.broadcast %scan3A_18 : i32 to vector<16xi32>
      %add3A_100 = arith.addi %add3A_99, %masked_cumsum3A : vector<16xi32>
      %sub3A = arith.constant 1 : i32
      %sub3A_101 = vector.broadcast %sub3A : i32 to vector<16xi32>
      %sub3A_102 = arith.subi %add3A_100, %sub3A_101 : vector<16xi32>
      tpu.vector_store_idx %arg6[%sub3A_102], %or3A_50 masked %eq3A_30 : memref<16384xi32, #tpu.memory_space<vmem>>[vector<16xi32>], vector<16xi32>, vector<16xi1>
      %add3A_103 = arith.addi %scan3A_18, %squeeze3A : i32
      %add3A_104 = vector.broadcast %add3A_103 : i32 to vector<16xi32>
      %add3A_105 = arith.addi %add3A_104, %masked_cumsum3A_78 : vector<16xi32>
      %sub3A_106 = arith.constant 1 : i32
      %sub3A_107 = vector.broadcast %sub3A_106 : i32 to vector<16xi32>
      %sub3A_108 = arith.subi %add3A_105, %sub3A_107 : vector<16xi32>
      tpu.vector_store_idx %arg6[%sub3A_108], %or3A_96 masked %eq3A_70 : memref<16384xi32, #tpu.memory_space<vmem>>[vector<16xi32>], vector<16xi32>, vector<16xi1>
      %add3A_109 = arith.addi %scan3A_18, %squeeze3A : i32
      %add3A_110 = arith.addi %add3A_109, %squeeze3A_98 : i32
      scf.yield %add3A_110 : i32
    }
    %scan3A_9 = arith.constant 512 : i32
    %scan3A_10 = arith.constant 0 : i32
    %scan3A_11 = arith.constant 256 : i32
    %scan3A_12 = arith.constant 0 : i32
    %scan3A_13 = arith.constant 3 : i32
    %scan3A_14 = arith.addi %scan3A_12, %scan3A_13 : i32
    %scan3A_15 = arith.constant 1 : i32
    scf.for %scan3A_17 = %scan3A_12 to %scan3A_14 step %scan3A_15  : i32 {
      %mul3A_18 = arith.constant 2 : i32
      %mul3A_19 = arith.muli %mul3A_18, %scan3A_17 : i32
      %mul3A_20 = arith.constant 32 : i32
      %mul3A_21 = arith.muli %mul3A_20, %mul3A_19 : i32
      %add3A_22 = arith.addi %add3A, %mul3A_21 : i32
      %mul3A_23 = arith.constant 2 : i32
      %mul3A_24 = arith.muli %mul3A_23, %scan3A_17 : i32
      %add3A_25 = arith.constant 1 : i32
      %add3A_26 = arith.addi %mul3A_24, %add3A_25 : i32
      %mul3A_27 = arith.constant 32 : i32
      %mul3A_28 = arith.muli %mul3A_27, %add3A_26 : i32
      %add3A_29 = arith.addi %add3A, %mul3A_28 : i32
      %mul3A_30 = arith.constant 2 : i32
      %mul3A_31 = arith.muli %mul3A_30, %scan3A_17 : i32
      %add3A_32 = arith.constant 2 : i32
      %add3A_33 = arith.addi %mul3A_31, %add3A_32 : i32
      %mul3A_34 = arith.constant 32 : i32
      %mul3A_35 = arith.muli %mul3A_34, %add3A_33 : i32
      %add3A_36 = arith.addi %add3A, %mul3A_35 : i32
      %lt3A_37 = arith.constant 98 : i32
      %lt3A_38 = arith.cmpi slt, %add3A_29, %lt3A_37 : i32
      %convert_element_type3A_39 = arith.extui %lt3A_38 : i1 to i32
      %cond3A_40 = arith.constant 0 : i32
      %cond3A_41 = arith.cmpi ne, %convert_element_type3A_39, %cond3A_40 : i32
      scf.if %cond3A_41 {
        %eq3A = arith.constant 97 : i32
        %eq3A_57 = arith.cmpi eq, %add3A_29, %eq3A : i32
        %mul3A_58 = arith.constant 1024 : i32
        %mul3A_59 = arith.muli %add3A_29, %mul3A_58 : i32
        %jit3A = arith.constant 99072 : i32
        %select_n3A = arith.select %eq3A_57, %jit3A, %mul3A_59 : i32
        %multiple_of3A = tpu.assume_multiple %select_n3A, 128 : i32
        %dma_start3A = arith.constant 0 : i32
        %dma_start3A_60 = tpu.memref_slice %arg3[%dma_start3A, %multiple_of3A] : memref<32x100000xf32, #tpu.memory_space<hbm>> -> memref<32x1024xf32, #tpu.memory_space<hbm>>
        %dma_start3A_61 = arith.constant 0 : i32
        %dma_start3A_62 = tpu.memref_slice %arg3[%dma_start3A_61, %multiple_of3A] : memref<32x100000xf32, #tpu.memory_space<hbm>> -> memref<32x1024xf32, #tpu.memory_space<hbm>>
        tpu.enqueue_dma source(%dma_start3A_62 : memref<32x1024xf32, #tpu.memory_space<hbm>>) target(%arg9 : memref<32x1024xf32, #tpu.memory_space<vmem>>) target_semaphore(%arg15 : memref<!tpu.dma_semaphore, #tpu.memory_space<semaphore_mem>>)
      } else {
      }
      %lt3A_42 = arith.constant 98 : i32
      %lt3A_43 = arith.cmpi slt, %add3A_22, %lt3A_42 : i32
      %convert_element_type3A_44 = arith.extui %lt3A_43 : i1 to i32
      %cond3A_45 = arith.constant 0 : i32
      %cond3A_46 = arith.cmpi ne, %convert_element_type3A_44, %cond3A_45 : i32
      scf.if %cond3A_46 {
        %eq3A = arith.constant 97 : i32
        %eq3A_57 = arith.cmpi eq, %add3A_22, %eq3A : i32
        %mul3A_58 = arith.constant 1024 : i32
        %mul3A_59 = arith.muli %add3A_22, %mul3A_58 : i32
        %jit3A = arith.constant 99072 : i32
        %select_n3A = arith.select %eq3A_57, %jit3A, %mul3A_59 : i32
        %multiple_of3A = tpu.assume_multiple %select_n3A, 128 : i32
        %dma_wait3A = arith.constant 0 : i32
        %dma_wait3A_60 = tpu.memref_slice %arg3[%dma_wait3A, %multiple_of3A] : memref<32x100000xf32, #tpu.memory_space<hbm>> -> memref<32x1024xf32, #tpu.memory_space<hbm>>
        %dma_wait3A_61 = arith.constant 0 : i32
        %dma_wait3A_62 = tpu.memref_slice %arg3[%dma_wait3A_61, %multiple_of3A] : memref<32x100000xf32, #tpu.memory_space<hbm>> -> memref<32x1024xf32, #tpu.memory_space<hbm>>
        tpu.wait_dma2 semaphore(%arg14 : memref<!tpu.dma_semaphore, #tpu.memory_space<semaphore_mem>>) src(%dma_wait3A_62 : memref<32x1024xf32, #tpu.memory_space<hbm>>) dst(%arg8 : memref<32x1024xf32, #tpu.memory_space<vmem>>)
        %shift_right_logical3A = arith.constant 5 : i32
        %shift_right_logical3A_63 = arith.shrui %add3A_22, %shift_right_logical3A : i32
        %add3A_64 = arith.constant 16 : i32
        %add3A_65 = arith.addi %scan3A_8, %add3A_64 : i32
        %sub3A = arith.constant 1 : i32
        %sub3A_66 = arith.subi %add3A_65, %sub3A : i32
        %jit3A_67 = arith.constant 16 : i32
        %div3A = arith.divsi %sub3A_66, %jit3A_67 : i32
        %sign3A = arith.constant 0 : i32
        %sign3A_68 = arith.cmpi sgt, %sub3A_66, %sign3A : i32
        %sign3A_69 = arith.extui %sign3A_68 : i1 to i32
        %sign3A_70 = arith.constant 0 : i32
        %sign3A_71 = arith.cmpi slt, %sub3A_66, %sign3A_70 : i32
        %sign3A_72 = arith.extui %sign3A_71 : i1 to i32
        %sign3A_73 = arith.subi %sign3A_69, %sign3A_72 : i32
        %sign3A_74 = arith.constant 0 : i32
        %sign3A_75 = arith.cmpi sgt, %jit3A_67, %sign3A_74 : i32
        %sign3A_76 = arith.extui %sign3A_75 : i1 to i32
        %sign3A_77 = arith.constant 0 : i32
        %sign3A_78 = arith.cmpi slt, %jit3A_67, %sign3A_77 : i32
        %sign3A_79 = arith.extui %sign3A_78 : i1 to i32
        %sign3A_80 = arith.subi %sign3A_76, %sign3A_79 : i32
        %ne3A = arith.cmpi ne, %sign3A_73, %sign3A_80 : i32
        %rem3A = arith.remsi %sub3A_66, %jit3A_67 : i32
        %ne3A_81 = arith.constant 0 : i32
        %ne3A_82 = arith.cmpi ne, %rem3A, %ne3A_81 : i32
        %and3A = arith.andi %ne3A, %ne3A_82 : i1
        %sub3A_83 = arith.constant 1 : i32
        %sub3A_84 = arith.subi %div3A, %sub3A_83 : i32
        %select_n3A_85 = arith.select %and3A, %sub3A_84, %div3A : i32
        %iota3A_86 = tpu.iota {dimensions = array<i32: 0>} : vector<16xi32>
        %while3A = arith.constant 0 : i32
        %while3A_87 = arith.constant 0 : i32
        %while3A_88:2 = scf.while (%while3A_104 = %while3A, %while3A_105 = %while3A_87) : (i32, i32) -> (i32, i32) {
          %lt3A_106 = arith.cmpi slt, %while3A_104, %select_n3A_85 : i32
          scf.condition(%lt3A_106) %while3A_104, %while3A_105 : i32, i32
        } do {
        ^bb0(%while3A_104: i32, %while3A_105: i32):
          %add3A_106 = arith.constant 1 : i32
          %add3A_107 = arith.addi %while3A_104, %add3A_106 : i32
          %mul3A_108 = arith.constant 16 : i32
          %mul3A_109 = arith.muli %while3A_104, %mul3A_108 : i32
          %get3A = arith.index_cast %mul3A_109 : i32 to index
          %get3A_110 = tpu.vector_load %arg6[%get3A] {strides = array<i32>} : memref<16384xi32, #tpu.memory_space<vmem>>, vector<16xi32>,
          %mul3A_111 = arith.constant 16 : i32
          %mul3A_112 = arith.muli %while3A_104, %mul3A_111 : i32
          %add3A_113 = vector.broadcast %mul3A_112 : i32 to vector<16xi32>
          %add3A_114 = arith.addi %add3A_113, %iota3A_86 : vector<16xi32>
          %lt3A_115 = vector.broadcast %scan3A_8 : i32 to vector<16xi32>
          %lt3A_116 = arith.cmpi slt, %add3A_114, %lt3A_115 : vector<16xi32>
          %shift_right_logical3A_117 = arith.constant 25 : i32
          %shift_right_logical3A_118 = vector.broadcast %shift_right_logical3A_117 : i32 to vector<16xi32>
          %shift_right_logical3A_119 = arith.shrui %get3A_110, %shift_right_logical3A_118 : vector<16xi32>
          %eq3A_120 = vector.broadcast %shift_right_logical3A_63 : i32 to vector<16xi32>
          %eq3A_121 = arith.cmpi eq, %shift_right_logical3A_119, %eq3A_120 : vector<16xi32>
          %and3A_122 = arith.andi %lt3A_116, %eq3A_121 : vector<16xi1>
          %jit3A_123 = arith.constant 1 : i32
          %jit3A_124 = arith.constant 0 : i32
          %broadcast_in_dim3A = vector.broadcast %jit3A_123 : i32 to vector<16xi32>
          %broadcast_in_dim3A_125 = vector.broadcast %jit3A_124 : i32 to vector<16xi32>
          %select_n3A_126 = arith.select %and3A_122, %broadcast_in_dim3A, %broadcast_in_dim3A_125 : vector<16xi1>, vector<16xi32>
          %broadcast_in_dim3A_127 = arith.constant true
          %broadcast_in_dim3A_128 = vector.broadcast %broadcast_in_dim3A_127 : i1 to vector<16xi1>
          %masked_cumsum3A = tpu.scan <sum>, %select_n3A_126 masked %broadcast_in_dim3A_128 : vector<16xi32>, vector<16xi1> -> vector<16xi32>
          %slice3A = vector.extract_strided_slice %masked_cumsum3A {offsets = [15], sizes = [1], strides = [1]} : vector<16xi32> to vector<1xi32>
          %squeeze3A = vector.extract %slice3A[0] : i32 from vector<1xi32>
          %add3A_129 = vector.broadcast %while3A_105 : i32 to vector<16xi32>
          %add3A_130 = arith.addi %add3A_129, %masked_cumsum3A : vector<16xi32>
          %sub3A_131 = arith.constant 1 : i32
          %sub3A_132 = vector.broadcast %sub3A_131 : i32 to vector<16xi32>
          %sub3A_133 = arith.subi %add3A_130, %sub3A_132 : vector<16xi32>
          tpu.vector_store_idx %arg7[%sub3A_133], %get3A_110 masked %and3A_122 : memref<16384xi32, #tpu.memory_space<vmem>>[vector<16xi32>], vector<16xi32>, vector<16xi1>
          %add3A_134 = arith.addi %while3A_105, %squeeze3A : i32
          scf.yield %add3A_107, %add3A_134 : i32, i32
        }
        %eq3A_89 = arith.constant 97 : i32
        %eq3A_90 = arith.cmpi eq, %add3A_22, %eq3A_89 : i32
        %jit3A_91 = arith.constant 0 : i32
        %select_n3A_92 = arith.select %eq3A_90, %scan3A_11, %jit3A_91 : i32
        %while3A_93 = arith.constant 0 : i32
        %while3A_94 = scf.while (%while3A_104 = %while3A_93) : (i32) -> i32 {
          %lt3A_105 = arith.cmpi slt, %while3A_104, %while3A_88#1 : i32
          scf.condition(%lt3A_105) %while3A_104 : i32
        } do {
        ^bb0(%while3A_104: i32):
          %shift_right_logical3A_105 = arith.constant 4 : i32
          %shift_right_logical3A_106 = arith.shrui %while3A_104, %shift_right_logical3A_105 : i32
          %and3A_107 = arith.constant 1 : i32
          %and3A_108 = arith.andi %shift_right_logical3A_106, %and3A_107 : i32
          %eq3A_109 = arith.constant 0 : i32
          %eq3A_110 = arith.cmpi eq, %and3A_108, %eq3A_109 : i32
          %convert_element_type3A_111 = arith.extui %eq3A_110 : i1 to i32
          %cond3A_112 = arith.constant 0 : i32
          %cond3A_113 = arith.cmpi ne, %convert_element_type3A_111, %cond3A_112 : i32
          scf.if %cond3A_113 {
            %ge3A = arith.constant 32 : i32
            %ge3A_121 = arith.cmpi sge, %while3A_104, %ge3A : i32
            %convert_element_type3A_122 = arith.extui %ge3A_121 : i1 to i32
            %cond3A_123 = arith.constant 0 : i32
            %cond3A_124 = arith.cmpi ne, %convert_element_type3A_122, %cond3A_123 : i32
            scf.if %cond3A_124 {
              %dma_wait3A_249 = arith.constant 0 : i32
              %dma_wait3A_250 = arith.constant 0 : i32
              %dma_wait3A_251 = tpu.memref_slice %arg10[%dma_wait3A_249, %dma_wait3A_250] : memref<16x129xf32, #tpu.memory_space<vmem>> -> memref<16x128xf32, #tpu.memory_space<vmem>>
              %dma_wait3A_252 = arith.constant 0 : i32
              %dma_wait3A_253 = arith.constant 0 : i32
              %dma_wait3A_254 = tpu.memref_slice %arg4[%dma_wait3A_252, %dma_wait3A_253] : memref<16448x128xf32, #tpu.memory_space<hbm>> -> memref<16448x128xf32, #tpu.memory_space<hbm>>
              tpu.wait_indirect_dma semaphore(%arg16 : memref<!tpu.dma_semaphore, #tpu.memory_space<semaphore_mem>>) src(%dma_wait3A_251 : memref<16x128xf32, #tpu.memory_space<vmem>>) dst(%dma_wait3A_254 : memref<16448x128xf32, #tpu.memory_space<hbm>>)
            } else {
            }
            %iota3A_125 = tpu.iota {dimensions = array<i32: 0>} : vector<16xi32>
            %get3A = arith.index_cast %while3A_104 : i32 to index
            %get3A_126 = tpu.vector_load %arg7[%get3A] {strides = array<i32>} : memref<16384xi32, #tpu.memory_space<vmem>>, vector<16xi32>,
            %add3A_127 = vector.broadcast %while3A_104 : i32 to vector<16xi32>
            %add3A_128 = arith.addi %add3A_127, %iota3A_125 : vector<16xi32>
            %lt3A_129 = vector.broadcast %while3A_88#1 : i32 to vector<16xi32>
            %lt3A_130 = arith.cmpi slt, %add3A_128, %lt3A_129 : vector<16xi32>
            %shift_right_logical3A_131 = arith.constant 10 : i32
            %shift_right_logical3A_132 = vector.broadcast %shift_right_logical3A_131 : i32 to vector<16xi32>
            %shift_right_logical3A_133 = arith.shrui %get3A_126, %shift_right_logical3A_132 : vector<16xi32>
            %and3A_134 = arith.constant 32767 : i32
            %and3A_135 = vector.broadcast %and3A_134 : i32 to vector<16xi32>
            %and3A_136 = arith.andi %shift_right_logical3A_133, %and3A_135 : vector<16xi32>
            %add3A_137 = arith.constant 16384 : i32
            %add3A_138 = vector.broadcast %add3A_137 : i32 to vector<16xi32>
            %add3A_139 = arith.addi %add3A_138, %iota3A_125 : vector<16xi32>
            %select_n3A_140 = arith.select %lt3A_130, %and3A_136, %add3A_139 : vector<16xi1>, vector<16xi32>
            %and3A_141 = arith.constant 1023 : i32
            %and3A_142 = vector.broadcast %and3A_141 : i32 to vector<16xi32>
            %and3A_143 = arith.andi %get3A_126, %and3A_142 : vector<16xi32>
            %add3A_144 = vector.broadcast %select_n3A_92 : i32 to vector<16xi32>
            %add3A_145 = arith.addi %and3A_143, %add3A_144 : vector<16xi32>
            %jit3A_146 = arith.constant 0 : i32
            %broadcast_in_dim3A = vector.broadcast %jit3A_146 : i32 to vector<16xi32>
            %select_n3A_147 = arith.select %lt3A_130, %add3A_145, %broadcast_in_dim3A : vector<16xi1>, vector<16xi32>
            %swap3A = arith.constant 0 : index
            %swap3A_148 = tpu.vector_load %arg12[%swap3A] {strides = array<i32>} : memref<16xi32, #tpu.memory_space<vmem>>, vector<16xi32>,
            tpu.vector_store %arg12[%swap3A], %select_n3A_140 {strides = array<i32>} : memref<16xi32, #tpu.memory_space<vmem>>, vector<16xi32>,
            %broadcast_in_dim3A_149 = arith.constant 0 : i32
            %broadcast_in_dim3A_150 = vector.broadcast %broadcast_in_dim3A_149 : i32 to vector<16xi32>
            %gather3A = tpu.vector_load_idx %arg8[%broadcast_in_dim3A_150, %select_n3A_147] : memref<32x1024xf32, #tpu.memory_space<vmem>>[vector<16xi32>, vector<16xi32>], vector<16xf32>,
            tpu.vector_store_idx %arg10[%iota3A, %broadcast_in_dim3A_150], %gather3A : memref<16x129xf32, #tpu.memory_space<vmem>>[vector<16xi32>, vector<16xi32>], vector<16xf32>,
            %broadcast_in_dim3A_151 = arith.constant 1 : i32
            %broadcast_in_dim3A_152 = vector.broadcast %broadcast_in_dim3A_151 : i32 to vector<16xi32>
            %gather3A_153 = tpu.vector_load_idx %arg8[%broadcast_in_dim3A_152, %select_n3A_147] : memref<32x1024xf32, #tpu.memory_space<vmem>>[vector<16xi32>, vector<16xi32>], vector<16xf32>,
            tpu.vector_store_idx %arg10[%iota3A, %broadcast_in_dim3A_152], %gather3A_153 : memref<16x129xf32, #tpu.memory_space<vmem>>[vector<16xi32>, vector<16xi32>], vector<16xf32>,
            %broadcast_in_dim3A_154 = arith.constant 2 : i32
            %broadcast_in_dim3A_155 = vector.broadcast %broadcast_in_dim3A_154 : i32 to vector<16xi32>
            %gather3A_156 = tpu.vector_load_idx %arg8[%broadcast_in_dim3A_155, %select_n3A_147] : memref<32x1024xf32, #tpu.memory_space<vmem>>[vector<16xi32>, vector<16xi32>], vector<16xf32>,
            tpu.vector_store_idx %arg10[%iota3A, %broadcast_in_dim3A_155], %gather3A_156 : memref<16x129xf32, #tpu.memory_space<vmem>>[vector<16xi32>, vector<16xi32>], vector<16xf32>,
            %broadcast_in_dim3A_157 = arith.constant 3 : i32
            %broadcast_in_dim3A_158 = vector.broadcast %broadcast_in_dim3A_157 : i32 to vector<16xi32>
            %gather3A_159 = tpu.vector_load_idx %arg8[%broadcast_in_dim3A_158, %select_n3A_147] : memref<32x1024xf32, #tpu.memory_space<vmem>>[vector<16xi32>, vector<16xi32>], vector<16xf32>,
            tpu.vector_store_idx %arg10[%iota3A, %broadcast_in_dim3A_158], %gather3A_159 : memref<16x129xf32, #tpu.memory_space<vmem>>[vector<16xi32>, vector<16xi32>], vector<16xf32>,
            %broadcast_in_dim3A_160 = arith.constant 4 : i32
            %broadcast_in_dim3A_161 = vector.broadcast %broadcast_in_dim3A_160 : i32 to vector<16xi32>
            %gather3A_162 = tpu.vector_load_idx %arg8[%broadcast_in_dim3A_161, %select_n3A_147] : memref<32x1024xf32, #tpu.memory_space<vmem>>[vector<16xi32>, vector<16xi32>], vector<16xf32>,
            tpu.vector_store_idx %arg10[%iota3A, %broadcast_in_dim3A_161], %gather3A_162 : memref<16x129xf32, #tpu.memory_space<vmem>>[vector<16xi32>, vector<16xi32>], vector<16xf32>,
            %broadcast_in_dim3A_163 = arith.constant 5 : i32
            %broadcast_in_dim3A_164 = vector.broadcast %broadcast_in_dim3A_163 : i32 to vector<16xi32>
            %gather3A_165 = tpu.vector_load_idx %arg8[%broadcast_in_dim3A_164, %select_n3A_147] : memref<32x1024xf32, #tpu.memory_space<vmem>>[vector<16xi32>, vector<16xi32>], vector<16xf32>,
            tpu.vector_store_idx %arg10[%iota3A, %broadcast_in_dim3A_164], %gather3A_165 : memref<16x129xf32, #tpu.memory_space<vmem>>[vector<16xi32>, vector<16xi32>], vector<16xf32>,
            %broadcast_in_dim3A_166 = arith.constant 6 : i32
            %broadcast_in_dim3A_167 = vector.broadcast %broadcast_in_dim3A_166 : i32 to vector<16xi32>
            %gather3A_168 = tpu.vector_load_idx %arg8[%broadcast_in_dim3A_167, %select_n3A_147] : memref<32x1024xf32, #tpu.memory_space<vmem>>[vector<16xi32>, vector<16xi32>], vector<16xf32>,
            tpu.vector_store_idx %arg10[%iota3A, %broadcast_in_dim3A_167], %gather3A_168 : memref<16x129xf32, #tpu.memory_space<vmem>>[vector<16xi32>, vector<16xi32>], vector<16xf32>,
            %broadcast_in_dim3A_169 = arith.constant 7 : i32
            %broadcast_in_dim3A_170 = vector.broadcast %broadcast_in_dim3A_169 : i32 to vector<16xi32>
            %gather3A_171 = tpu.vector_load_idx %arg8[%broadcast_in_dim3A_170, %select_n3A_147] : memref<32x1024xf32, #tpu.memory_space<vmem>>[vector<16xi32>, vector<16xi32>], vector<16xf32>,
            tpu.vector_store_idx %arg10[%iota3A, %broadcast_in_dim3A_170], %gather3A_171 : memref<16x129xf32, #tpu.memory_space<vmem>>[vector<16xi32>, vector<16xi32>], vector<16xf32>,
            %broadcast_in_dim3A_172 = arith.constant 8 : i32
            %broadcast_in_dim3A_173 = vector.broadcast %broadcast_in_dim3A_172 : i32 to vector<16xi32>
            %gather3A_174 = tpu.vector_load_idx %arg8[%broadcast_in_dim3A_173, %select_n3A_147] : memref<32x1024xf32, #tpu.memory_space<vmem>>[vector<16xi32>, vector<16xi32>], vector<16xf32>,
            tpu.vector_store_idx %arg10[%iota3A, %broadcast_in_dim3A_173], %gather3A_174 : memref<16x129xf32, #tpu.memory_space<vmem>>[vector<16xi32>, vector<16xi32>], vector<16xf32>,
            %broadcast_in_dim3A_175 = arith.constant 9 : i32
            %broadcast_in_dim3A_176 = vector.broadcast %broadcast_in_dim3A_175 : i32 to vector<16xi32>
            %gather3A_177 = tpu.vector_load_idx %arg8[%broadcast_in_dim3A_176, %select_n3A_147] : memref<32x1024xf32, #tpu.memory_space<vmem>>[vector<16xi32>, vector<16xi32>], vector<16xf32>,
            tpu.vector_store_idx %arg10[%iota3A, %broadcast_in_dim3A_176], %gather3A_177 : memref<16x129xf32, #tpu.memory_space<vmem>>[vector<16xi32>, vector<16xi32>], vector<16xf32>,
            %broadcast_in_dim3A_178 = arith.constant 10 : i32
            %broadcast_in_dim3A_179 = vector.broadcast %broadcast_in_dim3A_178 : i32 to vector<16xi32>
            %gather3A_180 = tpu.vector_load_idx %arg8[%broadcast_in_dim3A_179, %select_n3A_147] : memref<32x1024xf32, #tpu.memory_space<vmem>>[vector<16xi32>, vector<16xi32>], vector<16xf32>,
            tpu.vector_store_idx %arg10[%iota3A, %broadcast_in_dim3A_179], %gather3A_180 : memref<16x129xf32, #tpu.memory_space<vmem>>[vector<16xi32>, vector<16xi32>], vector<16xf32>,
            %broadcast_in_dim3A_181 = arith.constant 11 : i32
            %broadcast_in_dim3A_182 = vector.broadcast %broadcast_in_dim3A_181 : i32 to vector<16xi32>
            %gather3A_183 = tpu.vector_load_idx %arg8[%broadcast_in_dim3A_182, %select_n3A_147] : memref<32x1024xf32, #tpu.memory_space<vmem>>[vector<16xi32>, vector<16xi32>], vector<16xf32>,
            tpu.vector_store_idx %arg10[%iota3A, %broadcast_in_dim3A_182], %gather3A_183 : memref<16x129xf32, #tpu.memory_space<vmem>>[vector<16xi32>, vector<16xi32>], vector<16xf32>,
            %broadcast_in_dim3A_184 = arith.constant 12 : i32
            %broadcast_in_dim3A_185 = vector.broadcast %broadcast_in_dim3A_184 : i32 to vector<16xi32>
            %gather3A_186 = tpu.vector_load_idx %arg8[%broadcast_in_dim3A_185, %select_n3A_147] : memref<32x1024xf32, #tpu.memory_space<vmem>>[vector<16xi32>, vector<16xi32>], vector<16xf32>,
            tpu.vector_store_idx %arg10[%iota3A, %broadcast_in_dim3A_185], %gather3A_186 : memref<16x129xf32, #tpu.memory_space<vmem>>[vector<16xi32>, vector<16xi32>], vector<16xf32>,
            %broadcast_in_dim3A_187 = arith.constant 13 : i32
            %broadcast_in_dim3A_188 = vector.broadcast %broadcast_in_dim3A_187 : i32 to vector<16xi32>
            %gather3A_189 = tpu.vector_load_idx %arg8[%broadcast_in_dim3A_188, %select_n3A_147] : memref<32x1024xf32, #tpu.memory_space<vmem>>[vector<16xi32>, vector<16xi32>], vector<16xf32>,
            tpu.vector_store_idx %arg10[%iota3A, %broadcast_in_dim3A_188], %gather3A_189 : memref<16x129xf32, #tpu.memory_space<vmem>>[vector<16xi32>, vector<16xi32>], vector<16xf32>,
            %broadcast_in_dim3A_190 = arith.constant 14 : i32
            %broadcast_in_dim3A_191 = vector.broadcast %broadcast_in_dim3A_190 : i32 to vector<16xi32>
            %gather3A_192 = tpu.vector_load_idx %arg8[%broadcast_in_dim3A_191, %select_n3A_147] : memref<32x1024xf32, #tpu.memory_space<vmem>>[vector<16xi32>, vector<16xi32>], vector<16xf32>,
            tpu.vector_store_idx %arg10[%iota3A, %broadcast_in_dim3A_191], %gather3A_192 : memref<16x129xf32, #tpu.memory_space<vmem>>[vector<16xi32>, vector<16xi32>], vector<16xf32>,
            %broadcast_in_dim3A_193 = arith.constant 15 : i32
            %broadcast_in_dim3A_194 = vector.broadcast %broadcast_in_dim3A_193 : i32 to vector<16xi32>
            %gather3A_195 = tpu.vector_load_idx %arg8[%broadcast_in_dim3A_194, %select_n3A_147] : memref<32x1024xf32, #tpu.memory_space<vmem>>[vector<16xi32>, vector<16xi32>], vector<16xf32>,
            tpu.vector_store_idx %arg10[%iota3A, %broadcast_in_dim3A_194], %gather3A_195 : memref<16x129xf32, #tpu.memory_space<vmem>>[vector<16xi32>, vector<16xi32>], vector<16xf32>,
            %broadcast_in_dim3A_196 = arith.constant 16 : i32
            %broadcast_in_dim3A_197 = vector.broadcast %broadcast_in_dim3A_196 : i32 to vector<16xi32>
            %gather3A_198 = tpu.vector_load_idx %arg8[%broadcast_in_dim3A_197, %select_n3A_147] : memref<32x1024xf32, #tpu.memory_space<vmem>>[vector<16xi32>, vector<16xi32>], vector<16xf32>,
            tpu.vector_store_idx %arg10[%iota3A, %broadcast_in_dim3A_197], %gather3A_198 : memref<16x129xf32, #tpu.memory_space<vmem>>[vector<16xi32>, vector<16xi32>], vector<16xf32>,
            %broadcast_in_dim3A_199 = arith.constant 17 : i32
            %broadcast_in_dim3A_200 = vector.broadcast %broadcast_in_dim3A_199 : i32 to vector<16xi32>
            %gather3A_201 = tpu.vector_load_idx %arg8[%broadcast_in_dim3A_200, %select_n3A_147] : memref<32x1024xf32, #tpu.memory_space<vmem>>[vector<16xi32>, vector<16xi32>], vector<16xf32>,
            tpu.vector_store_idx %arg10[%iota3A, %broadcast_in_dim3A_200], %gather3A_201 : memref<16x129xf32, #tpu.memory_space<vmem>>[vector<16xi32>, vector<16xi32>], vector<16xf32>,
            %broadcast_in_dim3A_202 = arith.constant 18 : i32
            %broadcast_in_dim3A_203 = vector.broadcast %broadcast_in_dim3A_202 : i32 to vector<16xi32>
            %gather3A_204 = tpu.vector_load_idx %arg8[%broadcast_in_dim3A_203, %select_n3A_147] : memref<32x1024xf32, #tpu.memory_space<vmem>>[vector<16xi32>, vector<16xi32>], vector<16xf32>,
            tpu.vector_store_idx %arg10[%iota3A, %broadcast_in_dim3A_203], %gather3A_204 : memref<16x129xf32, #tpu.memory_space<vmem>>[vector<16xi32>, vector<16xi32>], vector<16xf32>,
            %broadcast_in_dim3A_205 = arith.constant 19 : i32
            %broadcast_in_dim3A_206 = vector.broadcast %broadcast_in_dim3A_205 : i32 to vector<16xi32>
            %gather3A_207 = tpu.vector_load_idx %arg8[%broadcast_in_dim3A_206, %select_n3A_147] : memref<32x1024xf32, #tpu.memory_space<vmem>>[vector<16xi32>, vector<16xi32>], vector<16xf32>,
            tpu.vector_store_idx %arg10[%iota3A, %broadcast_in_dim3A_206], %gather3A_207 : memref<16x129xf32, #tpu.memory_space<vmem>>[vector<16xi32>, vector<16xi32>], vector<16xf32>,
            %broadcast_in_dim3A_208 = arith.constant 20 : i32
            %broadcast_in_dim3A_209 = vector.broadcast %broadcast_in_dim3A_208 : i32 to vector<16xi32>
            %gather3A_210 = tpu.vector_load_idx %arg8[%broadcast_in_dim3A_209, %select_n3A_147] : memref<32x1024xf32, #tpu.memory_space<vmem>>[vector<16xi32>, vector<16xi32>], vector<16xf32>,
            tpu.vector_store_idx %arg10[%iota3A, %broadcast_in_dim3A_209], %gather3A_210 : memref<16x129xf32, #tpu.memory_space<vmem>>[vector<16xi32>, vector<16xi32>], vector<16xf32>,
            %broadcast_in_dim3A_211 = arith.constant 21 : i32
            %broadcast_in_dim3A_212 = vector.broadcast %broadcast_in_dim3A_211 : i32 to vector<16xi32>
            %gather3A_213 = tpu.vector_load_idx %arg8[%broadcast_in_dim3A_212, %select_n3A_147] : memref<32x1024xf32, #tpu.memory_space<vmem>>[vector<16xi32>, vector<16xi32>], vector<16xf32>,
            tpu.vector_store_idx %arg10[%iota3A, %broadcast_in_dim3A_212], %gather3A_213 : memref<16x129xf32, #tpu.memory_space<vmem>>[vector<16xi32>, vector<16xi32>], vector<16xf32>,
            %broadcast_in_dim3A_214 = arith.constant 22 : i32
            %broadcast_in_dim3A_215 = vector.broadcast %broadcast_in_dim3A_214 : i32 to vector<16xi32>
            %gather3A_216 = tpu.vector_load_idx %arg8[%broadcast_in_dim3A_215, %select_n3A_147] : memref<32x1024xf32, #tpu.memory_space<vmem>>[vector<16xi32>, vector<16xi32>], vector<16xf32>,
            tpu.vector_store_idx %arg10[%iota3A, %broadcast_in_dim3A_215], %gather3A_216 : memref<16x129xf32, #tpu.memory_space<vmem>>[vector<16xi32>, vector<16xi32>], vector<16xf32>,
            %broadcast_in_dim3A_217 = arith.constant 23 : i32
            %broadcast_in_dim3A_218 = vector.broadcast %broadcast_in_dim3A_217 : i32 to vector<16xi32>
            %gather3A_219 = tpu.vector_load_idx %arg8[%broadcast_in_dim3A_218, %select_n3A_147] : memref<32x1024xf32, #tpu.memory_space<vmem>>[vector<16xi32>, vector<16xi32>], vector<16xf32>,
            tpu.vector_store_idx %arg10[%iota3A, %broadcast_in_dim3A_218], %gather3A_219 : memref<16x129xf32, #tpu.memory_space<vmem>>[vector<16xi32>, vector<16xi32>], vector<16xf32>,
            %broadcast_in_dim3A_220 = arith.constant 24 : i32
            %broadcast_in_dim3A_221 = vector.broadcast %broadcast_in_dim3A_220 : i32 to vector<16xi32>
            %gather3A_222 = tpu.vector_load_idx %arg8[%broadcast_in_dim3A_221, %select_n3A_147] : memref<32x1024xf32, #tpu.memory_space<vmem>>[vector<16xi32>, vector<16xi32>], vector<16xf32>,
            tpu.vector_store_idx %arg10[%iota3A, %broadcast_in_dim3A_221], %gather3A_222 : memref<16x129xf32, #tpu.memory_space<vmem>>[vector<16xi32>, vector<16xi32>], vector<16xf32>,
            %broadcast_in_dim3A_223 = arith.constant 25 : i32
            %broadcast_in_dim3A_224 = vector.broadcast %broadcast_in_dim3A_223 : i32 to vector<16xi32>
            %gather3A_225 = tpu.vector_load_idx %arg8[%broadcast_in_dim3A_224, %select_n3A_147] : memref<32x1024xf32, #tpu.memory_space<vmem>>[vector<16xi32>, vector<16xi32>], vector<16xf32>,
            tpu.vector_store_idx %arg10[%iota3A, %broadcast_in_dim3A_224], %gather3A_225 : memref<16x129xf32, #tpu.memory_space<vmem>>[vector<16xi32>, vector<16xi32>], vector<16xf32>,
            %broadcast_in_dim3A_226 = arith.constant 26 : i32
            %broadcast_in_dim3A_227 = vector.broadcast %broadcast_in_dim3A_226 : i32 to vector<16xi32>
            %gather3A_228 = tpu.vector_load_idx %arg8[%broadcast_in_dim3A_227, %select_n3A_147] : memref<32x1024xf32, #tpu.memory_space<vmem>>[vector<16xi32>, vector<16xi32>], vector<16xf32>,
            tpu.vector_store_idx %arg10[%iota3A, %broadcast_in_dim3A_227], %gather3A_228 : memref<16x129xf32, #tpu.memory_space<vmem>>[vector<16xi32>, vector<16xi32>], vector<16xf32>,
            %broadcast_in_dim3A_229 = arith.constant 27 : i32
            %broadcast_in_dim3A_230 = vector.broadcast %broadcast_in_dim3A_229 : i32 to vector<16xi32>
            %gather3A_231 = tpu.vector_load_idx %arg8[%broadcast_in_dim3A_230, %select_n3A_147] : memref<32x1024xf32, #tpu.memory_space<vmem>>[vector<16xi32>, vector<16xi32>], vector<16xf32>,
            tpu.vector_store_idx %arg10[%iota3A, %broadcast_in_dim3A_230], %gather3A_231 : memref<16x129xf32, #tpu.memory_space<vmem>>[vector<16xi32>, vector<16xi32>], vector<16xf32>,
            %broadcast_in_dim3A_232 = arith.constant 28 : i32
            %broadcast_in_dim3A_233 = vector.broadcast %broadcast_in_dim3A_232 : i32 to vector<16xi32>
            %gather3A_234 = tpu.vector_load_idx %arg8[%broadcast_in_dim3A_233, %select_n3A_147] : memref<32x1024xf32, #tpu.memory_space<vmem>>[vector<16xi32>, vector<16xi32>], vector<16xf32>,
            tpu.vector_store_idx %arg10[%iota3A, %broadcast_in_dim3A_233], %gather3A_234 : memref<16x129xf32, #tpu.memory_space<vmem>>[vector<16xi32>, vector<16xi32>], vector<16xf32>,
            %broadcast_in_dim3A_235 = arith.constant 29 : i32
            %broadcast_in_dim3A_236 = vector.broadcast %broadcast_in_dim3A_235 : i32 to vector<16xi32>
            %gather3A_237 = tpu.vector_load_idx %arg8[%broadcast_in_dim3A_236, %select_n3A_147] : memref<32x1024xf32, #tpu.memory_space<vmem>>[vector<16xi32>, vector<16xi32>], vector<16xf32>,
            tpu.vector_store_idx %arg10[%iota3A, %broadcast_in_dim3A_236], %gather3A_237 : memref<16x129xf32, #tpu.memory_space<vmem>>[vector<16xi32>, vector<16xi32>], vector<16xf32>,
            %broadcast_in_dim3A_238 = arith.constant 30 : i32
            %broadcast_in_dim3A_239 = vector.broadcast %broadcast_in_dim3A_238 : i32 to vector<16xi32>
            %gather3A_240 = tpu.vector_load_idx %arg8[%broadcast_in_dim3A_239, %select_n3A_147] : memref<32x1024xf32, #tpu.memory_space<vmem>>[vector<16xi32>, vector<16xi32>], vector<16xf32>,
            tpu.vector_store_idx %arg10[%iota3A, %broadcast_in_dim3A_239], %gather3A_240 : memref<16x129xf32, #tpu.memory_space<vmem>>[vector<16xi32>, vector<16xi32>], vector<16xf32>,
            %broadcast_in_dim3A_241 = arith.constant 31 : i32
            %broadcast_in_dim3A_242 = vector.broadcast %broadcast_in_dim3A_241 : i32 to vector<16xi32>
            %gather3A_243 = tpu.vector_load_idx %arg8[%broadcast_in_dim3A_242, %select_n3A_147] : memref<32x1024xf32, #tpu.memory_space<vmem>>[vector<16xi32>, vector<16xi32>], vector<16xf32>,
            tpu.vector_store_idx %arg10[%iota3A, %broadcast_in_dim3A_242], %gather3A_243 : memref<16x129xf32, #tpu.memory_space<vmem>>[vector<16xi32>, vector<16xi32>], vector<16xf32>,
            %dma_start3A = arith.constant 0 : i32
            %dma_start3A_244 = arith.constant 0 : i32
            %dma_start3A_245 = tpu.memref_slice %arg10[%dma_start3A, %dma_start3A_244] : memref<16x129xf32, #tpu.memory_space<vmem>> -> memref<16x128xf32, #tpu.memory_space<vmem>>
            %dma_start3A_246 = arith.constant 0 : i32
            %dma_start3A_247 = arith.constant 0 : i32
            %dma_start3A_248 = tpu.memref_slice %arg4[%dma_start3A_246, %dma_start3A_247] : memref<16448x128xf32, #tpu.memory_space<hbm>> -> memref<16448x128xf32, #tpu.memory_space<hbm>>
            tpu.enqueue_indirect_dma source(%dma_start3A_245 : memref<16x128xf32, #tpu.memory_space<vmem>>) target(%dma_start3A_248 : memref<16448x128xf32, #tpu.memory_space<hbm>>) offsets(%arg12 : memref<16xi32, #tpu.memory_space<vmem>>) semaphore(%arg16 : memref<!tpu.dma_semaphore, #tpu.memory_space<semaphore_mem>>)
          } else {
          }
          %eq3A_114 = arith.constant 1 : i32
          %eq3A_115 = arith.cmpi eq, %and3A_108, %eq3A_114 : i32
          %convert_element_type3A_116 = arith.extui %eq3A_115 : i1 to i32
          %cond3A_117 = arith.constant 0 : i32
          %cond3A_118 = arith.cmpi ne, %convert_element_type3A_116, %cond3A_117 : i32
          scf.if %cond3A_118 {
            %ge3A = arith.constant 32 : i32
            %ge3A_121 = arith.cmpi sge, %while3A_104, %ge3A : i32
            %convert_element_type3A_122 = arith.extui %ge3A_121 : i1 to i32
            %cond3A_123 = arith.constant 0 : i32
            %cond3A_124 = arith.cmpi ne, %convert_element_type3A_122, %cond3A_123 : i32
            scf.if %cond3A_124 {
              %dma_wait3A_249 = arith.constant 0 : i32
              %dma_wait3A_250 = arith.constant 0 : i32
              %dma_wait3A_251 = tpu.memref_slice %arg11[%dma_wait3A_249, %dma_wait3A_250] : memref<16x129xf32, #tpu.memory_space<vmem>> -> memref<16x128xf32, #tpu.memory_space<vmem>>
              %dma_wait3A_252 = arith.constant 0 : i32
              %dma_wait3A_253 = arith.constant 0 : i32
              %dma_wait3A_254 = tpu.memref_slice %arg4[%dma_wait3A_252, %dma_wait3A_253] : memref<16448x128xf32, #tpu.memory_space<hbm>> -> memref<16448x128xf32, #tpu.memory_space<hbm>>
              tpu.wait_indirect_dma semaphore(%arg17 : memref<!tpu.dma_semaphore, #tpu.memory_space<semaphore_mem>>) src(%dma_wait3A_251 : memref<16x128xf32, #tpu.memory_space<vmem>>) dst(%dma_wait3A_254 : memref<16448x128xf32, #tpu.memory_space<hbm>>)
            } else {
            }
            %iota3A_125 = tpu.iota {dimensions = array<i32: 0>} : vector<16xi32>
            %get3A = arith.index_cast %while3A_104 : i32 to index
            %get3A_126 = tpu.vector_load %arg7[%get3A] {strides = array<i32>} : memref<16384xi32, #tpu.memory_space<vmem>>, vector<16xi32>,
            %add3A_127 = vector.broadcast %while3A_104 : i32 to vector<16xi32>
            %add3A_128 = arith.addi %add3A_127, %iota3A_125 : vector<16xi32>
            %lt3A_129 = vector.broadcast %while3A_88#1 : i32 to vector<16xi32>
            %lt3A_130 = arith.cmpi slt, %add3A_128, %lt3A_129 : vector<16xi32>
            %shift_right_logical3A_131 = arith.constant 10 : i32
            %shift_right_logical3A_132 = vector.broadcast %shift_right_logical3A_131 : i32 to vector<16xi32>
            %shift_right_logical3A_133 = arith.shrui %get3A_126, %shift_right_logical3A_132 : vector<16xi32>
            %and3A_134 = arith.constant 32767 : i32
            %and3A_135 = vector.broadcast %and3A_134 : i32 to vector<16xi32>
            %and3A_136 = arith.andi %shift_right_logical3A_133, %and3A_135 : vector<16xi32>
            %add3A_137 = arith.constant 16384 : i32
            %add3A_138 = vector.broadcast %add3A_137 : i32 to vector<16xi32>
            %add3A_139 = arith.addi %add3A_138, %iota3A_125 : vector<16xi32>
            %select_n3A_140 = arith.select %lt3A_130, %and3A_136, %add3A_139 : vector<16xi1>, vector<16xi32>
            %and3A_141 = arith.constant 1023 : i32
            %and3A_142 = vector.broadcast %and3A_141 : i32 to vector<16xi32>
            %and3A_143 = arith.andi %get3A_126, %and3A_142 : vector<16xi32>
            %add3A_144 = vector.broadcast %select_n3A_92 : i32 to vector<16xi32>
            %add3A_145 = arith.addi %and3A_143, %add3A_144 : vector<16xi32>
            %jit3A_146 = arith.constant 0 : i32
            %broadcast_in_dim3A = vector.broadcast %jit3A_146 : i32 to vector<16xi32>
            %select_n3A_147 = arith.select %lt3A_130, %add3A_145, %broadcast_in_dim3A : vector<16xi1>, vector<16xi32>
            %swap3A = arith.constant 0 : index
            %swap3A_148 = tpu.vector_load %arg13[%swap3A] {strides = array<i32>} : memref<16xi32, #tpu.memory_space<vmem>>, vector<16xi32>,
            tpu.vector_store %arg13[%swap3A], %select_n3A_140 {strides = array<i32>} : memref<16xi32, #tpu.memory_space<vmem>>, vector<16xi32>,
            %broadcast_in_dim3A_149 = arith.constant 0 : i32
            %broadcast_in_dim3A_150 = vector.broadcast %broadcast_in_dim3A_149 : i32 to vector<16xi32>
            %gather3A = tpu.vector_load_idx %arg8[%broadcast_in_dim3A_150, %select_n3A_147] : memref<32x1024xf32, #tpu.memory_space<vmem>>[vector<16xi32>, vector<16xi32>], vector<16xf32>,
            tpu.vector_store_idx %arg11[%iota3A, %broadcast_in_dim3A_150], %gather3A : memref<16x129xf32, #tpu.memory_space<vmem>>[vector<16xi32>, vector<16xi32>], vector<16xf32>,
            %broadcast_in_dim3A_151 = arith.constant 1 : i32
            %broadcast_in_dim3A_152 = vector.broadcast %broadcast_in_dim3A_151 : i32 to vector<16xi32>
            %gather3A_153 = tpu.vector_load_idx %arg8[%broadcast_in_dim3A_152, %select_n3A_147] : memref<32x1024xf32, #tpu.memory_space<vmem>>[vector<16xi32>, vector<16xi32>], vector<16xf32>,
            tpu.vector_store_idx %arg11[%iota3A, %broadcast_in_dim3A_152], %gather3A_153 : memref<16x129xf32, #tpu.memory_space<vmem>>[vector<16xi32>, vector<16xi32>], vector<16xf32>,
            %broadcast_in_dim3A_154 = arith.constant 2 : i32
            %broadcast_in_dim3A_155 = vector.broadcast %broadcast_in_dim3A_154 : i32 to vector<16xi32>
            %gather3A_156 = tpu.vector_load_idx %arg8[%broadcast_in_dim3A_155, %select_n3A_147] : memref<32x1024xf32, #tpu.memory_space<vmem>>[vector<16xi32>, vector<16xi32>], vector<16xf32>,
            tpu.vector_store_idx %arg11[%iota3A, %broadcast_in_dim3A_155], %gather3A_156 : memref<16x129xf32, #tpu.memory_space<vmem>>[vector<16xi32>, vector<16xi32>], vector<16xf32>,
            %broadcast_in_dim3A_157 = arith.constant 3 : i32
            %broadcast_in_dim3A_158 = vector.broadcast %broadcast_in_dim3A_157 : i32 to vector<16xi32>
            %gather3A_159 = tpu.vector_load_idx %arg8[%broadcast_in_dim3A_158, %select_n3A_147] : memref<32x1024xf32, #tpu.memory_space<vmem>>[vector<16xi32>, vector<16xi32>], vector<16xf32>,
            tpu.vector_store_idx %arg11[%iota3A, %broadcast_in_dim3A_158], %gather3A_159 : memref<16x129xf32, #tpu.memory_space<vmem>>[vector<16xi32>, vector<16xi32>], vector<16xf32>,
            %broadcast_in_dim3A_160 = arith.constant 4 : i32
            %broadcast_in_dim3A_161 = vector.broadcast %broadcast_in_dim3A_160 : i32 to vector<16xi32>
            %gather3A_162 = tpu.vector_load_idx %arg8[%broadcast_in_dim3A_161, %select_n3A_147] : memref<32x1024xf32, #tpu.memory_space<vmem>>[vector<16xi32>, vector<16xi32>], vector<16xf32>,
            tpu.vector_store_idx %arg11[%iota3A, %broadcast_in_dim3A_161], %gather3A_162 : memref<16x129xf32, #tpu.memory_space<vmem>>[vector<16xi32>, vector<16xi32>], vector<16xf32>,
            %broadcast_in_dim3A_163 = arith.constant 5 : i32
            %broadcast_in_dim3A_164 = vector.broadcast %broadcast_in_dim3A_163 : i32 to vector<16xi32>
            %gather3A_165 = tpu.vector_load_idx %arg8[%broadcast_in_dim3A_164, %select_n3A_147] : memref<32x1024xf32, #tpu.memory_space<vmem>>[vector<16xi32>, vector<16xi32>], vector<16xf32>,
            tpu.vector_store_idx %arg11[%iota3A, %broadcast_in_dim3A_164], %gather3A_165 : memref<16x129xf32, #tpu.memory_space<vmem>>[vector<16xi32>, vector<16xi32>], vector<16xf32>,
            %broadcast_in_dim3A_166 = arith.constant 6 : i32
            %broadcast_in_dim3A_167 = vector.broadcast %broadcast_in_dim3A_166 : i32 to vector<16xi32>
            %gather3A_168 = tpu.vector_load_idx %arg8[%broadcast_in_dim3A_167, %select_n3A_147] : memref<32x1024xf32, #tpu.memory_space<vmem>>[vector<16xi32>, vector<16xi32>], vector<16xf32>,
            tpu.vector_store_idx %arg11[%iota3A, %broadcast_in_dim3A_167], %gather3A_168 : memref<16x129xf32, #tpu.memory_space<vmem>>[vector<16xi32>, vector<16xi32>], vector<16xf32>,
            %broadcast_in_dim3A_169 = arith.constant 7 : i32
            %broadcast_in_dim3A_170 = vector.broadcast %broadcast_in_dim3A_169 : i32 to vector<16xi32>
            %gather3A_171 = tpu.vector_load_idx %arg8[%broadcast_in_dim3A_170, %select_n3A_147] : memref<32x1024xf32, #tpu.memory_space<vmem>>[vector<16xi32>, vector<16xi32>], vector<16xf32>,
            tpu.vector_store_idx %arg11[%iota3A, %broadcast_in_dim3A_170], %gather3A_171 : memref<16x129xf32, #tpu.memory_space<vmem>>[vector<16xi32>, vector<16xi32>], vector<16xf32>,
            %broadcast_in_dim3A_172 = arith.constant 8 : i32
            %broadcast_in_dim3A_173 = vector.broadcast %broadcast_in_dim3A_172 : i32 to vector<16xi32>
            %gather3A_174 = tpu.vector_load_idx %arg8[%broadcast_in_dim3A_173, %select_n3A_147] : memref<32x1024xf32, #tpu.memory_space<vmem>>[vector<16xi32>, vector<16xi32>], vector<16xf32>,
            tpu.vector_store_idx %arg11[%iota3A, %broadcast_in_dim3A_173], %gather3A_174 : memref<16x129xf32, #tpu.memory_space<vmem>>[vector<16xi32>, vector<16xi32>], vector<16xf32>,
            %broadcast_in_dim3A_175 = arith.constant 9 : i32
            %broadcast_in_dim3A_176 = vector.broadcast %broadcast_in_dim3A_175 : i32 to vector<16xi32>
            %gather3A_177 = tpu.vector_load_idx %arg8[%broadcast_in_dim3A_176, %select_n3A_147] : memref<32x1024xf32, #tpu.memory_space<vmem>>[vector<16xi32>, vector<16xi32>], vector<16xf32>,
            tpu.vector_store_idx %arg11[%iota3A, %broadcast_in_dim3A_176], %gather3A_177 : memref<16x129xf32, #tpu.memory_space<vmem>>[vector<16xi32>, vector<16xi32>], vector<16xf32>,
            %broadcast_in_dim3A_178 = arith.constant 10 : i32
            %broadcast_in_dim3A_179 = vector.broadcast %broadcast_in_dim3A_178 : i32 to vector<16xi32>
            %gather3A_180 = tpu.vector_load_idx %arg8[%broadcast_in_dim3A_179, %select_n3A_147] : memref<32x1024xf32, #tpu.memory_space<vmem>>[vector<16xi32>, vector<16xi32>], vector<16xf32>,
            tpu.vector_store_idx %arg11[%iota3A, %broadcast_in_dim3A_179], %gather3A_180 : memref<16x129xf32, #tpu.memory_space<vmem>>[vector<16xi32>, vector<16xi32>], vector<16xf32>,
            %broadcast_in_dim3A_181 = arith.constant 11 : i32
            %broadcast_in_dim3A_182 = vector.broadcast %broadcast_in_dim3A_181 : i32 to vector<16xi32>
            %gather3A_183 = tpu.vector_load_idx %arg8[%broadcast_in_dim3A_182, %select_n3A_147] : memref<32x1024xf32, #tpu.memory_space<vmem>>[vector<16xi32>, vector<16xi32>], vector<16xf32>,
            tpu.vector_store_idx %arg11[%iota3A, %broadcast_in_dim3A_182], %gather3A_183 : memref<16x129xf32, #tpu.memory_space<vmem>>[vector<16xi32>, vector<16xi32>], vector<16xf32>,
            %broadcast_in_dim3A_184 = arith.constant 12 : i32
            %broadcast_in_dim3A_185 = vector.broadcast %broadcast_in_dim3A_184 : i32 to vector<16xi32>
            %gather3A_186 = tpu.vector_load_idx %arg8[%broadcast_in_dim3A_185, %select_n3A_147] : memref<32x1024xf32, #tpu.memory_space<vmem>>[vector<16xi32>, vector<16xi32>], vector<16xf32>,
            tpu.vector_store_idx %arg11[%iota3A, %broadcast_in_dim3A_185], %gather3A_186 : memref<16x129xf32, #tpu.memory_space<vmem>>[vector<16xi32>, vector<16xi32>], vector<16xf32>,
            %broadcast_in_dim3A_187 = arith.constant 13 : i32
            %broadcast_in_dim3A_188 = vector.broadcast %broadcast_in_dim3A_187 : i32 to vector<16xi32>
            %gather3A_189 = tpu.vector_load_idx %arg8[%broadcast_in_dim3A_188, %select_n3A_147] : memref<32x1024xf32, #tpu.memory_space<vmem>>[vector<16xi32>, vector<16xi32>], vector<16xf32>,
            tpu.vector_store_idx %arg11[%iota3A, %broadcast_in_dim3A_188], %gather3A_189 : memref<16x129xf32, #tpu.memory_space<vmem>>[vector<16xi32>, vector<16xi32>], vector<16xf32>,
            %broadcast_in_dim3A_190 = arith.constant 14 : i32
            %broadcast_in_dim3A_191 = vector.broadcast %broadcast_in_dim3A_190 : i32 to vector<16xi32>
            %gather3A_192 = tpu.vector_load_idx %arg8[%broadcast_in_dim3A_191, %select_n3A_147] : memref<32x1024xf32, #tpu.memory_space<vmem>>[vector<16xi32>, vector<16xi32>], vector<16xf32>,
            tpu.vector_store_idx %arg11[%iota3A, %broadcast_in_dim3A_191], %gather3A_192 : memref<16x129xf32, #tpu.memory_space<vmem>>[vector<16xi32>, vector<16xi32>], vector<16xf32>,
            %broadcast_in_dim3A_193 = arith.constant 15 : i32
            %broadcast_in_dim3A_194 = vector.broadcast %broadcast_in_dim3A_193 : i32 to vector<16xi32>
            %gather3A_195 = tpu.vector_load_idx %arg8[%broadcast_in_dim3A_194, %select_n3A_147] : memref<32x1024xf32, #tpu.memory_space<vmem>>[vector<16xi32>, vector<16xi32>], vector<16xf32>,
            tpu.vector_store_idx %arg11[%iota3A, %broadcast_in_dim3A_194], %gather3A_195 : memref<16x129xf32, #tpu.memory_space<vmem>>[vector<16xi32>, vector<16xi32>], vector<16xf32>,
            %broadcast_in_dim3A_196 = arith.constant 16 : i32
            %broadcast_in_dim3A_197 = vector.broadcast %broadcast_in_dim3A_196 : i32 to vector<16xi32>
            %gather3A_198 = tpu.vector_load_idx %arg8[%broadcast_in_dim3A_197, %select_n3A_147] : memref<32x1024xf32, #tpu.memory_space<vmem>>[vector<16xi32>, vector<16xi32>], vector<16xf32>,
            tpu.vector_store_idx %arg11[%iota3A, %broadcast_in_dim3A_197], %gather3A_198 : memref<16x129xf32, #tpu.memory_space<vmem>>[vector<16xi32>, vector<16xi32>], vector<16xf32>,
            %broadcast_in_dim3A_199 = arith.constant 17 : i32
            %broadcast_in_dim3A_200 = vector.broadcast %broadcast_in_dim3A_199 : i32 to vector<16xi32>
            %gather3A_201 = tpu.vector_load_idx %arg8[%broadcast_in_dim3A_200, %select_n3A_147] : memref<32x1024xf32, #tpu.memory_space<vmem>>[vector<16xi32>, vector<16xi32>], vector<16xf32>,
            tpu.vector_store_idx %arg11[%iota3A, %broadcast_in_dim3A_200], %gather3A_201 : memref<16x129xf32, #tpu.memory_space<vmem>>[vector<16xi32>, vector<16xi32>], vector<16xf32>,
            %broadcast_in_dim3A_202 = arith.constant 18 : i32
            %broadcast_in_dim3A_203 = vector.broadcast %broadcast_in_dim3A_202 : i32 to vector<16xi32>
            %gather3A_204 = tpu.vector_load_idx %arg8[%broadcast_in_dim3A_203, %select_n3A_147] : memref<32x1024xf32, #tpu.memory_space<vmem>>[vector<16xi32>, vector<16xi32>], vector<16xf32>,
            tpu.vector_store_idx %arg11[%iota3A, %broadcast_in_dim3A_203], %gather3A_204 : memref<16x129xf32, #tpu.memory_space<vmem>>[vector<16xi32>, vector<16xi32>], vector<16xf32>,
            %broadcast_in_dim3A_205 = arith.constant 19 : i32
            %broadcast_in_dim3A_206 = vector.broadcast %broadcast_in_dim3A_205 : i32 to vector<16xi32>
            %gather3A_207 = tpu.vector_load_idx %arg8[%broadcast_in_dim3A_206, %select_n3A_147] : memref<32x1024xf32, #tpu.memory_space<vmem>>[vector<16xi32>, vector<16xi32>], vector<16xf32>,
            tpu.vector_store_idx %arg11[%iota3A, %broadcast_in_dim3A_206], %gather3A_207 : memref<16x129xf32, #tpu.memory_space<vmem>>[vector<16xi32>, vector<16xi32>], vector<16xf32>,
            %broadcast_in_dim3A_208 = arith.constant 20 : i32
            %broadcast_in_dim3A_209 = vector.broadcast %broadcast_in_dim3A_208 : i32 to vector<16xi32>
            %gather3A_210 = tpu.vector_load_idx %arg8[%broadcast_in_dim3A_209, %select_n3A_147] : memref<32x1024xf32, #tpu.memory_space<vmem>>[vector<16xi32>, vector<16xi32>], vector<16xf32>,
            tpu.vector_store_idx %arg11[%iota3A, %broadcast_in_dim3A_209], %gather3A_210 : memref<16x129xf32, #tpu.memory_space<vmem>>[vector<16xi32>, vector<16xi32>], vector<16xf32>,
            %broadcast_in_dim3A_211 = arith.constant 21 : i32
            %broadcast_in_dim3A_212 = vector.broadcast %broadcast_in_dim3A_211 : i32 to vector<16xi32>
            %gather3A_213 = tpu.vector_load_idx %arg8[%broadcast_in_dim3A_212, %select_n3A_147] : memref<32x1024xf32, #tpu.memory_space<vmem>>[vector<16xi32>, vector<16xi32>], vector<16xf32>,
            tpu.vector_store_idx %arg11[%iota3A, %broadcast_in_dim3A_212], %gather3A_213 : memref<16x129xf32, #tpu.memory_space<vmem>>[vector<16xi32>, vector<16xi32>], vector<16xf32>,
            %broadcast_in_dim3A_214 = arith.constant 22 : i32
            %broadcast_in_dim3A_215 = vector.broadcast %broadcast_in_dim3A_214 : i32 to vector<16xi32>
            %gather3A_216 = tpu.vector_load_idx %arg8[%broadcast_in_dim3A_215, %select_n3A_147] : memref<32x1024xf32, #tpu.memory_space<vmem>>[vector<16xi32>, vector<16xi32>], vector<16xf32>,
            tpu.vector_store_idx %arg11[%iota3A, %broadcast_in_dim3A_215], %gather3A_216 : memref<16x129xf32, #tpu.memory_space<vmem>>[vector<16xi32>, vector<16xi32>], vector<16xf32>,
            %broadcast_in_dim3A_217 = arith.constant 23 : i32
            %broadcast_in_dim3A_218 = vector.broadcast %broadcast_in_dim3A_217 : i32 to vector<16xi32>
            %gather3A_219 = tpu.vector_load_idx %arg8[%broadcast_in_dim3A_218, %select_n3A_147] : memref<32x1024xf32, #tpu.memory_space<vmem>>[vector<16xi32>, vector<16xi32>], vector<16xf32>,
            tpu.vector_store_idx %arg11[%iota3A, %broadcast_in_dim3A_218], %gather3A_219 : memref<16x129xf32, #tpu.memory_space<vmem>>[vector<16xi32>, vector<16xi32>], vector<16xf32>,
            %broadcast_in_dim3A_220 = arith.constant 24 : i32
            %broadcast_in_dim3A_221 = vector.broadcast %broadcast_in_dim3A_220 : i32 to vector<16xi32>
            %gather3A_222 = tpu.vector_load_idx %arg8[%broadcast_in_dim3A_221, %select_n3A_147] : memref<32x1024xf32, #tpu.memory_space<vmem>>[vector<16xi32>, vector<16xi32>], vector<16xf32>,
            tpu.vector_store_idx %arg11[%iota3A, %broadcast_in_dim3A_221], %gather3A_222 : memref<16x129xf32, #tpu.memory_space<vmem>>[vector<16xi32>, vector<16xi32>], vector<16xf32>,
            %broadcast_in_dim3A_223 = arith.constant 25 : i32
            %broadcast_in_dim3A_224 = vector.broadcast %broadcast_in_dim3A_223 : i32 to vector<16xi32>
            %gather3A_225 = tpu.vector_load_idx %arg8[%broadcast_in_dim3A_224, %select_n3A_147] : memref<32x1024xf32, #tpu.memory_space<vmem>>[vector<16xi32>, vector<16xi32>], vector<16xf32>,
            tpu.vector_store_idx %arg11[%iota3A, %broadcast_in_dim3A_224], %gather3A_225 : memref<16x129xf32, #tpu.memory_space<vmem>>[vector<16xi32>, vector<16xi32>], vector<16xf32>,
            %broadcast_in_dim3A_226 = arith.constant 26 : i32
            %broadcast_in_dim3A_227 = vector.broadcast %broadcast_in_dim3A_226 : i32 to vector<16xi32>
            %gather3A_228 = tpu.vector_load_idx %arg8[%broadcast_in_dim3A_227, %select_n3A_147] : memref<32x1024xf32, #tpu.memory_space<vmem>>[vector<16xi32>, vector<16xi32>], vector<16xf32>,
            tpu.vector_store_idx %arg11[%iota3A, %broadcast_in_dim3A_227], %gather3A_228 : memref<16x129xf32, #tpu.memory_space<vmem>>[vector<16xi32>, vector<16xi32>], vector<16xf32>,
            %broadcast_in_dim3A_229 = arith.constant 27 : i32
            %broadcast_in_dim3A_230 = vector.broadcast %broadcast_in_dim3A_229 : i32 to vector<16xi32>
            %gather3A_231 = tpu.vector_load_idx %arg8[%broadcast_in_dim3A_230, %select_n3A_147] : memref<32x1024xf32, #tpu.memory_space<vmem>>[vector<16xi32>, vector<16xi32>], vector<16xf32>,
            tpu.vector_store_idx %arg11[%iota3A, %broadcast_in_dim3A_230], %gather3A_231 : memref<16x129xf32, #tpu.memory_space<vmem>>[vector<16xi32>, vector<16xi32>], vector<16xf32>,
            %broadcast_in_dim3A_232 = arith.constant 28 : i32
            %broadcast_in_dim3A_233 = vector.broadcast %broadcast_in_dim3A_232 : i32 to vector<16xi32>
            %gather3A_234 = tpu.vector_load_idx %arg8[%broadcast_in_dim3A_233, %select_n3A_147] : memref<32x1024xf32, #tpu.memory_space<vmem>>[vector<16xi32>, vector<16xi32>], vector<16xf32>,
            tpu.vector_store_idx %arg11[%iota3A, %broadcast_in_dim3A_233], %gather3A_234 : memref<16x129xf32, #tpu.memory_space<vmem>>[vector<16xi32>, vector<16xi32>], vector<16xf32>,
            %broadcast_in_dim3A_235 = arith.constant 29 : i32
            %broadcast_in_dim3A_236 = vector.broadcast %broadcast_in_dim3A_235 : i32 to vector<16xi32>
            %gather3A_237 = tpu.vector_load_idx %arg8[%broadcast_in_dim3A_236, %select_n3A_147] : memref<32x1024xf32, #tpu.memory_space<vmem>>[vector<16xi32>, vector<16xi32>], vector<16xf32>,
            tpu.vector_store_idx %arg11[%iota3A, %broadcast_in_dim3A_236], %gather3A_237 : memref<16x129xf32, #tpu.memory_space<vmem>>[vector<16xi32>, vector<16xi32>], vector<16xf32>,
            %broadcast_in_dim3A_238 = arith.constant 30 : i32
            %broadcast_in_dim3A_239 = vector.broadcast %broadcast_in_dim3A_238 : i32 to vector<16xi32>
            %gather3A_240 = tpu.vector_load_idx %arg8[%broadcast_in_dim3A_239, %select_n3A_147] : memref<32x1024xf32, #tpu.memory_space<vmem>>[vector<16xi32>, vector<16xi32>], vector<16xf32>,
            tpu.vector_store_idx %arg11[%iota3A, %broadcast_in_dim3A_239], %gather3A_240 : memref<16x129xf32, #tpu.memory_space<vmem>>[vector<16xi32>, vector<16xi32>], vector<16xf32>,
            %broadcast_in_dim3A_241 = arith.constant 31 : i32
            %broadcast_in_dim3A_242 = vector.broadcast %broadcast_in_dim3A_241 : i32 to vector<16xi32>
            %gather3A_243 = tpu.vector_load_idx %arg8[%broadcast_in_dim3A_242, %select_n3A_147] : memref<32x1024xf32, #tpu.memory_space<vmem>>[vector<16xi32>, vector<16xi32>], vector<16xf32>,
            tpu.vector_store_idx %arg11[%iota3A, %broadcast_in_dim3A_242], %gather3A_243 : memref<16x129xf32, #tpu.memory_space<vmem>>[vector<16xi32>, vector<16xi32>], vector<16xf32>,
            %dma_start3A = arith.constant 0 : i32
            %dma_start3A_244 = arith.constant 0 : i32
            %dma_start3A_245 = tpu.memref_slice %arg11[%dma_start3A, %dma_start3A_244] : memref<16x129xf32, #tpu.memory_space<vmem>> -> memref<16x128xf32, #tpu.memory_space<vmem>>
            %dma_start3A_246 = arith.constant 0 : i32
            %dma_start3A_247 = arith.constant 0 : i32
            %dma_start3A_248 = tpu.memref_slice %arg4[%dma_start3A_246, %dma_start3A_247] : memref<16448x128xf32, #tpu.memory_space<hbm>> -> memref<16448x128xf32, #tpu.memory_space<hbm>>
            tpu.enqueue_indirect_dma source(%dma_start3A_245 : memref<16x128xf32, #tpu.memory_space<vmem>>) target(%dma_start3A_248 : memref<16448x128xf32, #tpu.memory_space<hbm>>) offsets(%arg13 : memref<16xi32, #tpu.memory_space<vmem>>) semaphore(%arg17 : memref<!tpu.dma_semaphore, #tpu.memory_space<semaphore_mem>>)
          } else {
          }
          %add3A_119 = arith.constant 16 : i32
          %add3A_120 = arith.addi %while3A_104, %add3A_119 : i32
          scf.yield %add3A_120 : i32
        }
        %gt3A = arith.constant 0 : i32
        %gt3A_95 = arith.cmpi sgt, %while3A_88#1, %gt3A : i32
        %convert_element_type3A_96 = arith.extui %gt3A_95 : i1 to i32
        %cond3A_97 = arith.constant 0 : i32
        %cond3A_98 = arith.cmpi ne, %convert_element_type3A_96, %cond3A_97 : i32
        scf.if %cond3A_98 {
          %dma_wait3A_104 = arith.constant 0 : i32
          %dma_wait3A_105 = arith.constant 0 : i32
          %dma_wait3A_106 = tpu.memref_slice %arg10[%dma_wait3A_104, %dma_wait3A_105] : memref<16x129xf32, #tpu.memory_space<vmem>> -> memref<16x128xf32, #tpu.memory_space<vmem>>
          %dma_wait3A_107 = arith.constant 0 : i32
          %dma_wait3A_108 = arith.constant 0 : i32
          %dma_wait3A_109 = tpu.memref_slice %arg4[%dma_wait3A_107, %dma_wait3A_108] : memref<16448x128xf32, #tpu.memory_space<hbm>> -> memref<16448x128xf32, #tpu.memory_space<hbm>>
          tpu.wait_indirect_dma semaphore(%arg16 : memref<!tpu.dma_semaphore, #tpu.memory_space<semaphore_mem>>) src(%dma_wait3A_106 : memref<16x128xf32, #tpu.memory_space<vmem>>) dst(%dma_wait3A_109 : memref<16448x128xf32, #tpu.memory_space<hbm>>)
        } else {
        }
        %gt3A_99 = arith.constant 16 : i32
        %gt3A_100 = arith.cmpi sgt, %while3A_88#1, %gt3A_99 : i32
        %convert_element_type3A_101 = arith.extui %gt3A_100 : i1 to i32
        %cond3A_102 = arith.constant 0 : i32
        %cond3A_103 = arith.cmpi ne, %convert_element_type3A_101, %cond3A_102 : i32
        scf.if %cond3A_103 {
          %dma_wait3A_104 = arith.constant 0 : i32
          %dma_wait3A_105 = arith.constant 0 : i32
          %dma_wait3A_106 = tpu.memref_slice %arg11[%dma_wait3A_104, %dma_wait3A_105] : memref<16x129xf32, #tpu.memory_space<vmem>> -> memref<16x128xf32, #tpu.memory_space<vmem>>
          %dma_wait3A_107 = arith.constant 0 : i32
          %dma_wait3A_108 = arith.constant 0 : i32
          %dma_wait3A_109 = tpu.memref_slice %arg4[%dma_wait3A_107, %dma_wait3A_108] : memref<16448x128xf32, #tpu.memory_space<hbm>> -> memref<16448x128xf32, #tpu.memory_space<hbm>>
          tpu.wait_indirect_dma semaphore(%arg17 : memref<!tpu.dma_semaphore, #tpu.memory_space<semaphore_mem>>) src(%dma_wait3A_106 : memref<16x128xf32, #tpu.memory_space<vmem>>) dst(%dma_wait3A_109 : memref<16448x128xf32, #tpu.memory_space<hbm>>)
        } else {
        }
      } else {
      }
      %lt3A_47 = arith.constant 98 : i32
      %lt3A_48 = arith.cmpi slt, %add3A_36, %lt3A_47 : i32
      %convert_element_type3A_49 = arith.extui %lt3A_48 : i1 to i32
      %cond3A_50 = arith.constant 0 : i32
      %cond3A_51 = arith.cmpi ne, %convert_element_type3A_49, %cond3A_50 : i32
      scf.if %cond3A_51 {
        %eq3A = arith.constant 97 : i32
        %eq3A_57 = arith.cmpi eq, %add3A_36, %eq3A : i32
        %mul3A_58 = arith.constant 1024 : i32
        %mul3A_59 = arith.muli %add3A_36, %mul3A_58 : i32
        %jit3A = arith.constant 99072 : i32
        %select_n3A = arith.select %eq3A_57, %jit3A, %mul3A_59 : i32
        %multiple_of3A = tpu.assume_multiple %select_n3A, 128 : i32
        %dma_start3A = arith.constant 0 : i32
        %dma_start3A_60 = tpu.memref_slice %arg3[%dma_start3A, %multiple_of3A] : memref<32x100000xf32, #tpu.memory_space<hbm>> -> memref<32x1024xf32, #tpu.memory_space<hbm>>
        %dma_start3A_61 = arith.constant 0 : i32
        %dma_start3A_62 = tpu.memref_slice %arg3[%dma_start3A_61, %multiple_of3A] : memref<32x100000xf32, #tpu.memory_space<hbm>> -> memref<32x1024xf32, #tpu.memory_space<hbm>>
        tpu.enqueue_dma source(%dma_start3A_62 : memref<32x1024xf32, #tpu.memory_space<hbm>>) target(%arg8 : memref<32x1024xf32, #tpu.memory_space<vmem>>) target_semaphore(%arg14 : memref<!tpu.dma_semaphore, #tpu.memory_space<semaphore_mem>>)
      } else {
      }
      %lt3A_52 = arith.constant 98 : i32
      %lt3A_53 = arith.cmpi slt, %add3A_29, %lt3A_52 : i32
      %convert_element_type3A_54 = arith.extui %lt3A_53 : i1 to i32
      %cond3A_55 = arith.constant 0 : i32
      %cond3A_56 = arith.cmpi ne, %convert_element_type3A_54, %cond3A_55 : i32
      scf.if %cond3A_56 {
        %eq3A = arith.constant 97 : i32
        %eq3A_57 = arith.cmpi eq, %add3A_29, %eq3A : i32
        %mul3A_58 = arith.constant 1024 : i32
        %mul3A_59 = arith.muli %add3A_29, %mul3A_58 : i32
        %jit3A = arith.constant 99072 : i32
        %select_n3A = arith.select %eq3A_57, %jit3A, %mul3A_59 : i32
        %multiple_of3A = tpu.assume_multiple %select_n3A, 128 : i32
        %dma_wait3A = arith.constant 0 : i32
        %dma_wait3A_60 = tpu.memref_slice %arg3[%dma_wait3A, %multiple_of3A] : memref<32x100000xf32, #tpu.memory_space<hbm>> -> memref<32x1024xf32, #tpu.memory_space<hbm>>
        %dma_wait3A_61 = arith.constant 0 : i32
        %dma_wait3A_62 = tpu.memref_slice %arg3[%dma_wait3A_61, %multiple_of3A] : memref<32x100000xf32, #tpu.memory_space<hbm>> -> memref<32x1024xf32, #tpu.memory_space<hbm>>
        tpu.wait_dma2 semaphore(%arg15 : memref<!tpu.dma_semaphore, #tpu.memory_space<semaphore_mem>>) src(%dma_wait3A_62 : memref<32x1024xf32, #tpu.memory_space<hbm>>) dst(%arg9 : memref<32x1024xf32, #tpu.memory_space<vmem>>)
        %shift_right_logical3A = arith.constant 5 : i32
        %shift_right_logical3A_63 = arith.shrui %add3A_29, %shift_right_logical3A : i32
        %add3A_64 = arith.constant 16 : i32
        %add3A_65 = arith.addi %scan3A_8, %add3A_64 : i32
        %sub3A = arith.constant 1 : i32
        %sub3A_66 = arith.subi %add3A_65, %sub3A : i32
        %jit3A_67 = arith.constant 16 : i32
        %div3A = arith.divsi %sub3A_66, %jit3A_67 : i32
        %sign3A = arith.constant 0 : i32
        %sign3A_68 = arith.cmpi sgt, %sub3A_66, %sign3A : i32
        %sign3A_69 = arith.extui %sign3A_68 : i1 to i32
        %sign3A_70 = arith.constant 0 : i32
        %sign3A_71 = arith.cmpi slt, %sub3A_66, %sign3A_70 : i32
        %sign3A_72 = arith.extui %sign3A_71 : i1 to i32
        %sign3A_73 = arith.subi %sign3A_69, %sign3A_72 : i32
        %sign3A_74 = arith.constant 0 : i32
        %sign3A_75 = arith.cmpi sgt, %jit3A_67, %sign3A_74 : i32
        %sign3A_76 = arith.extui %sign3A_75 : i1 to i32
        %sign3A_77 = arith.constant 0 : i32
        %sign3A_78 = arith.cmpi slt, %jit3A_67, %sign3A_77 : i32
        %sign3A_79 = arith.extui %sign3A_78 : i1 to i32
        %sign3A_80 = arith.subi %sign3A_76, %sign3A_79 : i32
        %ne3A = arith.cmpi ne, %sign3A_73, %sign3A_80 : i32
        %rem3A = arith.remsi %sub3A_66, %jit3A_67 : i32
        %ne3A_81 = arith.constant 0 : i32
        %ne3A_82 = arith.cmpi ne, %rem3A, %ne3A_81 : i32
        %and3A = arith.andi %ne3A, %ne3A_82 : i1
        %sub3A_83 = arith.constant 1 : i32
        %sub3A_84 = arith.subi %div3A, %sub3A_83 : i32
        %select_n3A_85 = arith.select %and3A, %sub3A_84, %div3A : i32
        %iota3A_86 = tpu.iota {dimensions = array<i32: 0>} : vector<16xi32>
        %while3A = arith.constant 0 : i32
        %while3A_87 = arith.constant 0 : i32
        %while3A_88:2 = scf.while (%while3A_104 = %while3A, %while3A_105 = %while3A_87) : (i32, i32) -> (i32, i32) {
          %lt3A_106 = arith.cmpi slt, %while3A_104, %select_n3A_85 : i32
          scf.condition(%lt3A_106) %while3A_104, %while3A_105 : i32, i32
        } do {
        ^bb0(%while3A_104: i32, %while3A_105: i32):
          %add3A_106 = arith.constant 1 : i32
          %add3A_107 = arith.addi %while3A_104, %add3A_106 : i32
          %mul3A_108 = arith.constant 16 : i32
          %mul3A_109 = arith.muli %while3A_104, %mul3A_108 : i32
          %get3A = arith.index_cast %mul3A_109 : i32 to index
          %get3A_110 = tpu.vector_load %arg6[%get3A] {strides = array<i32>} : memref<16384xi32, #tpu.memory_space<vmem>>, vector<16xi32>,
          %mul3A_111 = arith.constant 16 : i32
          %mul3A_112 = arith.muli %while3A_104, %mul3A_111 : i32
          %add3A_113 = vector.broadcast %mul3A_112 : i32 to vector<16xi32>
          %add3A_114 = arith.addi %add3A_113, %iota3A_86 : vector<16xi32>
          %lt3A_115 = vector.broadcast %scan3A_8 : i32 to vector<16xi32>
          %lt3A_116 = arith.cmpi slt, %add3A_114, %lt3A_115 : vector<16xi32>
          %shift_right_logical3A_117 = arith.constant 25 : i32
          %shift_right_logical3A_118 = vector.broadcast %shift_right_logical3A_117 : i32 to vector<16xi32>
          %shift_right_logical3A_119 = arith.shrui %get3A_110, %shift_right_logical3A_118 : vector<16xi32>
          %eq3A_120 = vector.broadcast %shift_right_logical3A_63 : i32 to vector<16xi32>
          %eq3A_121 = arith.cmpi eq, %shift_right_logical3A_119, %eq3A_120 : vector<16xi32>
          %and3A_122 = arith.andi %lt3A_116, %eq3A_121 : vector<16xi1>
          %jit3A_123 = arith.constant 1 : i32
          %jit3A_124 = arith.constant 0 : i32
          %broadcast_in_dim3A = vector.broadcast %jit3A_123 : i32 to vector<16xi32>
          %broadcast_in_dim3A_125 = vector.broadcast %jit3A_124 : i32 to vector<16xi32>
          %select_n3A_126 = arith.select %and3A_122, %broadcast_in_dim3A, %broadcast_in_dim3A_125 : vector<16xi1>, vector<16xi32>
          %broadcast_in_dim3A_127 = arith.constant true
          %broadcast_in_dim3A_128 = vector.broadcast %broadcast_in_dim3A_127 : i1 to vector<16xi1>
          %masked_cumsum3A = tpu.scan <sum>, %select_n3A_126 masked %broadcast_in_dim3A_128 : vector<16xi32>, vector<16xi1> -> vector<16xi32>
          %slice3A = vector.extract_strided_slice %masked_cumsum3A {offsets = [15], sizes = [1], strides = [1]} : vector<16xi32> to vector<1xi32>
          %squeeze3A = vector.extract %slice3A[0] : i32 from vector<1xi32>
          %add3A_129 = vector.broadcast %while3A_105 : i32 to vector<16xi32>
          %add3A_130 = arith.addi %add3A_129, %masked_cumsum3A : vector<16xi32>
          %sub3A_131 = arith.constant 1 : i32
          %sub3A_132 = vector.broadcast %sub3A_131 : i32 to vector<16xi32>
          %sub3A_133 = arith.subi %add3A_130, %sub3A_132 : vector<16xi32>
          tpu.vector_store_idx %arg7[%sub3A_133], %get3A_110 masked %and3A_122 : memref<16384xi32, #tpu.memory_space<vmem>>[vector<16xi32>], vector<16xi32>, vector<16xi1>
          %add3A_134 = arith.addi %while3A_105, %squeeze3A : i32
          scf.yield %add3A_107, %add3A_134 : i32, i32
        }
        %eq3A_89 = arith.constant 97 : i32
        %eq3A_90 = arith.cmpi eq, %add3A_29, %eq3A_89 : i32
        %jit3A_91 = arith.constant 0 : i32
        %select_n3A_92 = arith.select %eq3A_90, %scan3A_11, %jit3A_91 : i32
        %while3A_93 = arith.constant 0 : i32
        %while3A_94 = scf.while (%while3A_104 = %while3A_93) : (i32) -> i32 {
          %lt3A_105 = arith.cmpi slt, %while3A_104, %while3A_88#1 : i32
          scf.condition(%lt3A_105) %while3A_104 : i32
        } do {
        ^bb0(%while3A_104: i32):
          %shift_right_logical3A_105 = arith.constant 4 : i32
          %shift_right_logical3A_106 = arith.shrui %while3A_104, %shift_right_logical3A_105 : i32
          %and3A_107 = arith.constant 1 : i32
          %and3A_108 = arith.andi %shift_right_logical3A_106, %and3A_107 : i32
          %eq3A_109 = arith.constant 0 : i32
          %eq3A_110 = arith.cmpi eq, %and3A_108, %eq3A_109 : i32
          %convert_element_type3A_111 = arith.extui %eq3A_110 : i1 to i32
          %cond3A_112 = arith.constant 0 : i32
          %cond3A_113 = arith.cmpi ne, %convert_element_type3A_111, %cond3A_112 : i32
          scf.if %cond3A_113 {
            %ge3A = arith.constant 32 : i32
            %ge3A_121 = arith.cmpi sge, %while3A_104, %ge3A : i32
            %convert_element_type3A_122 = arith.extui %ge3A_121 : i1 to i32
            %cond3A_123 = arith.constant 0 : i32
            %cond3A_124 = arith.cmpi ne, %convert_element_type3A_122, %cond3A_123 : i32
            scf.if %cond3A_124 {
              %dma_wait3A_249 = arith.constant 0 : i32
              %dma_wait3A_250 = arith.constant 0 : i32
              %dma_wait3A_251 = tpu.memref_slice %arg10[%dma_wait3A_249, %dma_wait3A_250] : memref<16x129xf32, #tpu.memory_space<vmem>> -> memref<16x128xf32, #tpu.memory_space<vmem>>
              %dma_wait3A_252 = arith.constant 0 : i32
              %dma_wait3A_253 = arith.constant 0 : i32
              %dma_wait3A_254 = tpu.memref_slice %arg4[%dma_wait3A_252, %dma_wait3A_253] : memref<16448x128xf32, #tpu.memory_space<hbm>> -> memref<16448x128xf32, #tpu.memory_space<hbm>>
              tpu.wait_indirect_dma semaphore(%arg16 : memref<!tpu.dma_semaphore, #tpu.memory_space<semaphore_mem>>) src(%dma_wait3A_251 : memref<16x128xf32, #tpu.memory_space<vmem>>) dst(%dma_wait3A_254 : memref<16448x128xf32, #tpu.memory_space<hbm>>)
            } else {
            }
            %iota3A_125 = tpu.iota {dimensions = array<i32: 0>} : vector<16xi32>
            %get3A = arith.index_cast %while3A_104 : i32 to index
            %get3A_126 = tpu.vector_load %arg7[%get3A] {strides = array<i32>} : memref<16384xi32, #tpu.memory_space<vmem>>, vector<16xi32>,
            %add3A_127 = vector.broadcast %while3A_104 : i32 to vector<16xi32>
            %add3A_128 = arith.addi %add3A_127, %iota3A_125 : vector<16xi32>
            %lt3A_129 = vector.broadcast %while3A_88#1 : i32 to vector<16xi32>
            %lt3A_130 = arith.cmpi slt, %add3A_128, %lt3A_129 : vector<16xi32>
            %shift_right_logical3A_131 = arith.constant 10 : i32
            %shift_right_logical3A_132 = vector.broadcast %shift_right_logical3A_131 : i32 to vector<16xi32>
            %shift_right_logical3A_133 = arith.shrui %get3A_126, %shift_right_logical3A_132 : vector<16xi32>
            %and3A_134 = arith.constant 32767 : i32
            %and3A_135 = vector.broadcast %and3A_134 : i32 to vector<16xi32>
            %and3A_136 = arith.andi %shift_right_logical3A_133, %and3A_135 : vector<16xi32>
            %add3A_137 = arith.constant 16384 : i32
            %add3A_138 = vector.broadcast %add3A_137 : i32 to vector<16xi32>
            %add3A_139 = arith.addi %add3A_138, %iota3A_125 : vector<16xi32>
            %select_n3A_140 = arith.select %lt3A_130, %and3A_136, %add3A_139 : vector<16xi1>, vector<16xi32>
            %and3A_141 = arith.constant 1023 : i32
            %and3A_142 = vector.broadcast %and3A_141 : i32 to vector<16xi32>
            %and3A_143 = arith.andi %get3A_126, %and3A_142 : vector<16xi32>
            %add3A_144 = vector.broadcast %select_n3A_92 : i32 to vector<16xi32>
            %add3A_145 = arith.addi %and3A_143, %add3A_144 : vector<16xi32>
            %jit3A_146 = arith.constant 0 : i32
            %broadcast_in_dim3A = vector.broadcast %jit3A_146 : i32 to vector<16xi32>
            %select_n3A_147 = arith.select %lt3A_130, %add3A_145, %broadcast_in_dim3A : vector<16xi1>, vector<16xi32>
            %swap3A = arith.constant 0 : index
            %swap3A_148 = tpu.vector_load %arg12[%swap3A] {strides = array<i32>} : memref<16xi32, #tpu.memory_space<vmem>>, vector<16xi32>,
            tpu.vector_store %arg12[%swap3A], %select_n3A_140 {strides = array<i32>} : memref<16xi32, #tpu.memory_space<vmem>>, vector<16xi32>,
            %broadcast_in_dim3A_149 = arith.constant 0 : i32
            %broadcast_in_dim3A_150 = vector.broadcast %broadcast_in_dim3A_149 : i32 to vector<16xi32>
            %gather3A = tpu.vector_load_idx %arg9[%broadcast_in_dim3A_150, %select_n3A_147] : memref<32x1024xf32, #tpu.memory_space<vmem>>[vector<16xi32>, vector<16xi32>], vector<16xf32>,
            tpu.vector_store_idx %arg10[%iota3A, %broadcast_in_dim3A_150], %gather3A : memref<16x129xf32, #tpu.memory_space<vmem>>[vector<16xi32>, vector<16xi32>], vector<16xf32>,
            %broadcast_in_dim3A_151 = arith.constant 1 : i32
            %broadcast_in_dim3A_152 = vector.broadcast %broadcast_in_dim3A_151 : i32 to vector<16xi32>
            %gather3A_153 = tpu.vector_load_idx %arg9[%broadcast_in_dim3A_152, %select_n3A_147] : memref<32x1024xf32, #tpu.memory_space<vmem>>[vector<16xi32>, vector<16xi32>], vector<16xf32>,
            tpu.vector_store_idx %arg10[%iota3A, %broadcast_in_dim3A_152], %gather3A_153 : memref<16x129xf32, #tpu.memory_space<vmem>>[vector<16xi32>, vector<16xi32>], vector<16xf32>,
            %broadcast_in_dim3A_154 = arith.constant 2 : i32
            %broadcast_in_dim3A_155 = vector.broadcast %broadcast_in_dim3A_154 : i32 to vector<16xi32>
            %gather3A_156 = tpu.vector_load_idx %arg9[%broadcast_in_dim3A_155, %select_n3A_147] : memref<32x1024xf32, #tpu.memory_space<vmem>>[vector<16xi32>, vector<16xi32>], vector<16xf32>,
            tpu.vector_store_idx %arg10[%iota3A, %broadcast_in_dim3A_155], %gather3A_156 : memref<16x129xf32, #tpu.memory_space<vmem>>[vector<16xi32>, vector<16xi32>], vector<16xf32>,
            %broadcast_in_dim3A_157 = arith.constant 3 : i32
            %broadcast_in_dim3A_158 = vector.broadcast %broadcast_in_dim3A_157 : i32 to vector<16xi32>
            %gather3A_159 = tpu.vector_load_idx %arg9[%broadcast_in_dim3A_158, %select_n3A_147] : memref<32x1024xf32, #tpu.memory_space<vmem>>[vector<16xi32>, vector<16xi32>], vector<16xf32>,
            tpu.vector_store_idx %arg10[%iota3A, %broadcast_in_dim3A_158], %gather3A_159 : memref<16x129xf32, #tpu.memory_space<vmem>>[vector<16xi32>, vector<16xi32>], vector<16xf32>,
            %broadcast_in_dim3A_160 = arith.constant 4 : i32
            %broadcast_in_dim3A_161 = vector.broadcast %broadcast_in_dim3A_160 : i32 to vector<16xi32>
            %gather3A_162 = tpu.vector_load_idx %arg9[%broadcast_in_dim3A_161, %select_n3A_147] : memref<32x1024xf32, #tpu.memory_space<vmem>>[vector<16xi32>, vector<16xi32>], vector<16xf32>,
            tpu.vector_store_idx %arg10[%iota3A, %broadcast_in_dim3A_161], %gather3A_162 : memref<16x129xf32, #tpu.memory_space<vmem>>[vector<16xi32>, vector<16xi32>], vector<16xf32>,
            %broadcast_in_dim3A_163 = arith.constant 5 : i32
            %broadcast_in_dim3A_164 = vector.broadcast %broadcast_in_dim3A_163 : i32 to vector<16xi32>
            %gather3A_165 = tpu.vector_load_idx %arg9[%broadcast_in_dim3A_164, %select_n3A_147] : memref<32x1024xf32, #tpu.memory_space<vmem>>[vector<16xi32>, vector<16xi32>], vector<16xf32>,
            tpu.vector_store_idx %arg10[%iota3A, %broadcast_in_dim3A_164], %gather3A_165 : memref<16x129xf32, #tpu.memory_space<vmem>>[vector<16xi32>, vector<16xi32>], vector<16xf32>,
            %broadcast_in_dim3A_166 = arith.constant 6 : i32
            %broadcast_in_dim3A_167 = vector.broadcast %broadcast_in_dim3A_166 : i32 to vector<16xi32>
            %gather3A_168 = tpu.vector_load_idx %arg9[%broadcast_in_dim3A_167, %select_n3A_147] : memref<32x1024xf32, #tpu.memory_space<vmem>>[vector<16xi32>, vector<16xi32>], vector<16xf32>,
            tpu.vector_store_idx %arg10[%iota3A, %broadcast_in_dim3A_167], %gather3A_168 : memref<16x129xf32, #tpu.memory_space<vmem>>[vector<16xi32>, vector<16xi32>], vector<16xf32>,
            %broadcast_in_dim3A_169 = arith.constant 7 : i32
            %broadcast_in_dim3A_170 = vector.broadcast %broadcast_in_dim3A_169 : i32 to vector<16xi32>
            %gather3A_171 = tpu.vector_load_idx %arg9[%broadcast_in_dim3A_170, %select_n3A_147] : memref<32x1024xf32, #tpu.memory_space<vmem>>[vector<16xi32>, vector<16xi32>], vector<16xf32>,
            tpu.vector_store_idx %arg10[%iota3A, %broadcast_in_dim3A_170], %gather3A_171 : memref<16x129xf32, #tpu.memory_space<vmem>>[vector<16xi32>, vector<16xi32>], vector<16xf32>,
            %broadcast_in_dim3A_172 = arith.constant 8 : i32
            %broadcast_in_dim3A_173 = vector.broadcast %broadcast_in_dim3A_172 : i32 to vector<16xi32>
            %gather3A_174 = tpu.vector_load_idx %arg9[%broadcast_in_dim3A_173, %select_n3A_147] : memref<32x1024xf32, #tpu.memory_space<vmem>>[vector<16xi32>, vector<16xi32>], vector<16xf32>,
            tpu.vector_store_idx %arg10[%iota3A, %broadcast_in_dim3A_173], %gather3A_174 : memref<16x129xf32, #tpu.memory_space<vmem>>[vector<16xi32>, vector<16xi32>], vector<16xf32>,
            %broadcast_in_dim3A_175 = arith.constant 9 : i32
            %broadcast_in_dim3A_176 = vector.broadcast %broadcast_in_dim3A_175 : i32 to vector<16xi32>
            %gather3A_177 = tpu.vector_load_idx %arg9[%broadcast_in_dim3A_176, %select_n3A_147] : memref<32x1024xf32, #tpu.memory_space<vmem>>[vector<16xi32>, vector<16xi32>], vector<16xf32>,
            tpu.vector_store_idx %arg10[%iota3A, %broadcast_in_dim3A_176], %gather3A_177 : memref<16x129xf32, #tpu.memory_space<vmem>>[vector<16xi32>, vector<16xi32>], vector<16xf32>,
            %broadcast_in_dim3A_178 = arith.constant 10 : i32
            %broadcast_in_dim3A_179 = vector.broadcast %broadcast_in_dim3A_178 : i32 to vector<16xi32>
            %gather3A_180 = tpu.vector_load_idx %arg9[%broadcast_in_dim3A_179, %select_n3A_147] : memref<32x1024xf32, #tpu.memory_space<vmem>>[vector<16xi32>, vector<16xi32>], vector<16xf32>,
            tpu.vector_store_idx %arg10[%iota3A, %broadcast_in_dim3A_179], %gather3A_180 : memref<16x129xf32, #tpu.memory_space<vmem>>[vector<16xi32>, vector<16xi32>], vector<16xf32>,
            %broadcast_in_dim3A_181 = arith.constant 11 : i32
            %broadcast_in_dim3A_182 = vector.broadcast %broadcast_in_dim3A_181 : i32 to vector<16xi32>
            %gather3A_183 = tpu.vector_load_idx %arg9[%broadcast_in_dim3A_182, %select_n3A_147] : memref<32x1024xf32, #tpu.memory_space<vmem>>[vector<16xi32>, vector<16xi32>], vector<16xf32>,
            tpu.vector_store_idx %arg10[%iota3A, %broadcast_in_dim3A_182], %gather3A_183 : memref<16x129xf32, #tpu.memory_space<vmem>>[vector<16xi32>, vector<16xi32>], vector<16xf32>,
            %broadcast_in_dim3A_184 = arith.constant 12 : i32
            %broadcast_in_dim3A_185 = vector.broadcast %broadcast_in_dim3A_184 : i32 to vector<16xi32>
            %gather3A_186 = tpu.vector_load_idx %arg9[%broadcast_in_dim3A_185, %select_n3A_147] : memref<32x1024xf32, #tpu.memory_space<vmem>>[vector<16xi32>, vector<16xi32>], vector<16xf32>,
            tpu.vector_store_idx %arg10[%iota3A, %broadcast_in_dim3A_185], %gather3A_186 : memref<16x129xf32, #tpu.memory_space<vmem>>[vector<16xi32>, vector<16xi32>], vector<16xf32>,
            %broadcast_in_dim3A_187 = arith.constant 13 : i32
            %broadcast_in_dim3A_188 = vector.broadcast %broadcast_in_dim3A_187 : i32 to vector<16xi32>
            %gather3A_189 = tpu.vector_load_idx %arg9[%broadcast_in_dim3A_188, %select_n3A_147] : memref<32x1024xf32, #tpu.memory_space<vmem>>[vector<16xi32>, vector<16xi32>], vector<16xf32>,
            tpu.vector_store_idx %arg10[%iota3A, %broadcast_in_dim3A_188], %gather3A_189 : memref<16x129xf32, #tpu.memory_space<vmem>>[vector<16xi32>, vector<16xi32>], vector<16xf32>,
            %broadcast_in_dim3A_190 = arith.constant 14 : i32
            %broadcast_in_dim3A_191 = vector.broadcast %broadcast_in_dim3A_190 : i32 to vector<16xi32>
            %gather3A_192 = tpu.vector_load_idx %arg9[%broadcast_in_dim3A_191, %select_n3A_147] : memref<32x1024xf32, #tpu.memory_space<vmem>>[vector<16xi32>, vector<16xi32>], vector<16xf32>,
            tpu.vector_store_idx %arg10[%iota3A, %broadcast_in_dim3A_191], %gather3A_192 : memref<16x129xf32, #tpu.memory_space<vmem>>[vector<16xi32>, vector<16xi32>], vector<16xf32>,
            %broadcast_in_dim3A_193 = arith.constant 15 : i32
            %broadcast_in_dim3A_194 = vector.broadcast %broadcast_in_dim3A_193 : i32 to vector<16xi32>
            %gather3A_195 = tpu.vector_load_idx %arg9[%broadcast_in_dim3A_194, %select_n3A_147] : memref<32x1024xf32, #tpu.memory_space<vmem>>[vector<16xi32>, vector<16xi32>], vector<16xf32>,
            tpu.vector_store_idx %arg10[%iota3A, %broadcast_in_dim3A_194], %gather3A_195 : memref<16x129xf32, #tpu.memory_space<vmem>>[vector<16xi32>, vector<16xi32>], vector<16xf32>,
            %broadcast_in_dim3A_196 = arith.constant 16 : i32
            %broadcast_in_dim3A_197 = vector.broadcast %broadcast_in_dim3A_196 : i32 to vector<16xi32>
            %gather3A_198 = tpu.vector_load_idx %arg9[%broadcast_in_dim3A_197, %select_n3A_147] : memref<32x1024xf32, #tpu.memory_space<vmem>>[vector<16xi32>, vector<16xi32>], vector<16xf32>,
            tpu.vector_store_idx %arg10[%iota3A, %broadcast_in_dim3A_197], %gather3A_198 : memref<16x129xf32, #tpu.memory_space<vmem>>[vector<16xi32>, vector<16xi32>], vector<16xf32>,
            %broadcast_in_dim3A_199 = arith.constant 17 : i32
            %broadcast_in_dim3A_200 = vector.broadcast %broadcast_in_dim3A_199 : i32 to vector<16xi32>
            %gather3A_201 = tpu.vector_load_idx %arg9[%broadcast_in_dim3A_200, %select_n3A_147] : memref<32x1024xf32, #tpu.memory_space<vmem>>[vector<16xi32>, vector<16xi32>], vector<16xf32>,
            tpu.vector_store_idx %arg10[%iota3A, %broadcast_in_dim3A_200], %gather3A_201 : memref<16x129xf32, #tpu.memory_space<vmem>>[vector<16xi32>, vector<16xi32>], vector<16xf32>,
            %broadcast_in_dim3A_202 = arith.constant 18 : i32
            %broadcast_in_dim3A_203 = vector.broadcast %broadcast_in_dim3A_202 : i32 to vector<16xi32>
            %gather3A_204 = tpu.vector_load_idx %arg9[%broadcast_in_dim3A_203, %select_n3A_147] : memref<32x1024xf32, #tpu.memory_space<vmem>>[vector<16xi32>, vector<16xi32>], vector<16xf32>,
            tpu.vector_store_idx %arg10[%iota3A, %broadcast_in_dim3A_203], %gather3A_204 : memref<16x129xf32, #tpu.memory_space<vmem>>[vector<16xi32>, vector<16xi32>], vector<16xf32>,
            %broadcast_in_dim3A_205 = arith.constant 19 : i32
            %broadcast_in_dim3A_206 = vector.broadcast %broadcast_in_dim3A_205 : i32 to vector<16xi32>
            %gather3A_207 = tpu.vector_load_idx %arg9[%broadcast_in_dim3A_206, %select_n3A_147] : memref<32x1024xf32, #tpu.memory_space<vmem>>[vector<16xi32>, vector<16xi32>], vector<16xf32>,
            tpu.vector_store_idx %arg10[%iota3A, %broadcast_in_dim3A_206], %gather3A_207 : memref<16x129xf32, #tpu.memory_space<vmem>>[vector<16xi32>, vector<16xi32>], vector<16xf32>,
            %broadcast_in_dim3A_208 = arith.constant 20 : i32
            %broadcast_in_dim3A_209 = vector.broadcast %broadcast_in_dim3A_208 : i32 to vector<16xi32>
            %gather3A_210 = tpu.vector_load_idx %arg9[%broadcast_in_dim3A_209, %select_n3A_147] : memref<32x1024xf32, #tpu.memory_space<vmem>>[vector<16xi32>, vector<16xi32>], vector<16xf32>,
            tpu.vector_store_idx %arg10[%iota3A, %broadcast_in_dim3A_209], %gather3A_210 : memref<16x129xf32, #tpu.memory_space<vmem>>[vector<16xi32>, vector<16xi32>], vector<16xf32>,
            %broadcast_in_dim3A_211 = arith.constant 21 : i32
            %broadcast_in_dim3A_212 = vector.broadcast %broadcast_in_dim3A_211 : i32 to vector<16xi32>
            %gather3A_213 = tpu.vector_load_idx %arg9[%broadcast_in_dim3A_212, %select_n3A_147] : memref<32x1024xf32, #tpu.memory_space<vmem>>[vector<16xi32>, vector<16xi32>], vector<16xf32>,
            tpu.vector_store_idx %arg10[%iota3A, %broadcast_in_dim3A_212], %gather3A_213 : memref<16x129xf32, #tpu.memory_space<vmem>>[vector<16xi32>, vector<16xi32>], vector<16xf32>,
            %broadcast_in_dim3A_214 = arith.constant 22 : i32
            %broadcast_in_dim3A_215 = vector.broadcast %broadcast_in_dim3A_214 : i32 to vector<16xi32>
            %gather3A_216 = tpu.vector_load_idx %arg9[%broadcast_in_dim3A_215, %select_n3A_147] : memref<32x1024xf32, #tpu.memory_space<vmem>>[vector<16xi32>, vector<16xi32>], vector<16xf32>,
            tpu.vector_store_idx %arg10[%iota3A, %broadcast_in_dim3A_215], %gather3A_216 : memref<16x129xf32, #tpu.memory_space<vmem>>[vector<16xi32>, vector<16xi32>], vector<16xf32>,
            %broadcast_in_dim3A_217 = arith.constant 23 : i32
            %broadcast_in_dim3A_218 = vector.broadcast %broadcast_in_dim3A_217 : i32 to vector<16xi32>
            %gather3A_219 = tpu.vector_load_idx %arg9[%broadcast_in_dim3A_218, %select_n3A_147] : memref<32x1024xf32, #tpu.memory_space<vmem>>[vector<16xi32>, vector<16xi32>], vector<16xf32>,
            tpu.vector_store_idx %arg10[%iota3A, %broadcast_in_dim3A_218], %gather3A_219 : memref<16x129xf32, #tpu.memory_space<vmem>>[vector<16xi32>, vector<16xi32>], vector<16xf32>,
            %broadcast_in_dim3A_220 = arith.constant 24 : i32
            %broadcast_in_dim3A_221 = vector.broadcast %broadcast_in_dim3A_220 : i32 to vector<16xi32>
            %gather3A_222 = tpu.vector_load_idx %arg9[%broadcast_in_dim3A_221, %select_n3A_147] : memref<32x1024xf32, #tpu.memory_space<vmem>>[vector<16xi32>, vector<16xi32>], vector<16xf32>,
            tpu.vector_store_idx %arg10[%iota3A, %broadcast_in_dim3A_221], %gather3A_222 : memref<16x129xf32, #tpu.memory_space<vmem>>[vector<16xi32>, vector<16xi32>], vector<16xf32>,
            %broadcast_in_dim3A_223 = arith.constant 25 : i32
            %broadcast_in_dim3A_224 = vector.broadcast %broadcast_in_dim3A_223 : i32 to vector<16xi32>
            %gather3A_225 = tpu.vector_load_idx %arg9[%broadcast_in_dim3A_224, %select_n3A_147] : memref<32x1024xf32, #tpu.memory_space<vmem>>[vector<16xi32>, vector<16xi32>], vector<16xf32>,
            tpu.vector_store_idx %arg10[%iota3A, %broadcast_in_dim3A_224], %gather3A_225 : memref<16x129xf32, #tpu.memory_space<vmem>>[vector<16xi32>, vector<16xi32>], vector<16xf32>,
            %broadcast_in_dim3A_226 = arith.constant 26 : i32
            %broadcast_in_dim3A_227 = vector.broadcast %broadcast_in_dim3A_226 : i32 to vector<16xi32>
            %gather3A_228 = tpu.vector_load_idx %arg9[%broadcast_in_dim3A_227, %select_n3A_147] : memref<32x1024xf32, #tpu.memory_space<vmem>>[vector<16xi32>, vector<16xi32>], vector<16xf32>,
            tpu.vector_store_idx %arg10[%iota3A, %broadcast_in_dim3A_227], %gather3A_228 : memref<16x129xf32, #tpu.memory_space<vmem>>[vector<16xi32>, vector<16xi32>], vector<16xf32>,
            %broadcast_in_dim3A_229 = arith.constant 27 : i32
            %broadcast_in_dim3A_230 = vector.broadcast %broadcast_in_dim3A_229 : i32 to vector<16xi32>
            %gather3A_231 = tpu.vector_load_idx %arg9[%broadcast_in_dim3A_230, %select_n3A_147] : memref<32x1024xf32, #tpu.memory_space<vmem>>[vector<16xi32>, vector<16xi32>], vector<16xf32>,
            tpu.vector_store_idx %arg10[%iota3A, %broadcast_in_dim3A_230], %gather3A_231 : memref<16x129xf32, #tpu.memory_space<vmem>>[vector<16xi32>, vector<16xi32>], vector<16xf32>,
            %broadcast_in_dim3A_232 = arith.constant 28 : i32
            %broadcast_in_dim3A_233 = vector.broadcast %broadcast_in_dim3A_232 : i32 to vector<16xi32>
            %gather3A_234 = tpu.vector_load_idx %arg9[%broadcast_in_dim3A_233, %select_n3A_147] : memref<32x1024xf32, #tpu.memory_space<vmem>>[vector<16xi32>, vector<16xi32>], vector<16xf32>,
            tpu.vector_store_idx %arg10[%iota3A, %broadcast_in_dim3A_233], %gather3A_234 : memref<16x129xf32, #tpu.memory_space<vmem>>[vector<16xi32>, vector<16xi32>], vector<16xf32>,
            %broadcast_in_dim3A_235 = arith.constant 29 : i32
            %broadcast_in_dim3A_236 = vector.broadcast %broadcast_in_dim3A_235 : i32 to vector<16xi32>
            %gather3A_237 = tpu.vector_load_idx %arg9[%broadcast_in_dim3A_236, %select_n3A_147] : memref<32x1024xf32, #tpu.memory_space<vmem>>[vector<16xi32>, vector<16xi32>], vector<16xf32>,
            tpu.vector_store_idx %arg10[%iota3A, %broadcast_in_dim3A_236], %gather3A_237 : memref<16x129xf32, #tpu.memory_space<vmem>>[vector<16xi32>, vector<16xi32>], vector<16xf32>,
            %broadcast_in_dim3A_238 = arith.constant 30 : i32
            %broadcast_in_dim3A_239 = vector.broadcast %broadcast_in_dim3A_238 : i32 to vector<16xi32>
            %gather3A_240 = tpu.vector_load_idx %arg9[%broadcast_in_dim3A_239, %select_n3A_147] : memref<32x1024xf32, #tpu.memory_space<vmem>>[vector<16xi32>, vector<16xi32>], vector<16xf32>,
            tpu.vector_store_idx %arg10[%iota3A, %broadcast_in_dim3A_239], %gather3A_240 : memref<16x129xf32, #tpu.memory_space<vmem>>[vector<16xi32>, vector<16xi32>], vector<16xf32>,
            %broadcast_in_dim3A_241 = arith.constant 31 : i32
            %broadcast_in_dim3A_242 = vector.broadcast %broadcast_in_dim3A_241 : i32 to vector<16xi32>
            %gather3A_243 = tpu.vector_load_idx %arg9[%broadcast_in_dim3A_242, %select_n3A_147] : memref<32x1024xf32, #tpu.memory_space<vmem>>[vector<16xi32>, vector<16xi32>], vector<16xf32>,
            tpu.vector_store_idx %arg10[%iota3A, %broadcast_in_dim3A_242], %gather3A_243 : memref<16x129xf32, #tpu.memory_space<vmem>>[vector<16xi32>, vector<16xi32>], vector<16xf32>,
            %dma_start3A = arith.constant 0 : i32
            %dma_start3A_244 = arith.constant 0 : i32
            %dma_start3A_245 = tpu.memref_slice %arg10[%dma_start3A, %dma_start3A_244] : memref<16x129xf32, #tpu.memory_space<vmem>> -> memref<16x128xf32, #tpu.memory_space<vmem>>
            %dma_start3A_246 = arith.constant 0 : i32
            %dma_start3A_247 = arith.constant 0 : i32
            %dma_start3A_248 = tpu.memref_slice %arg4[%dma_start3A_246, %dma_start3A_247] : memref<16448x128xf32, #tpu.memory_space<hbm>> -> memref<16448x128xf32, #tpu.memory_space<hbm>>
            tpu.enqueue_indirect_dma source(%dma_start3A_245 : memref<16x128xf32, #tpu.memory_space<vmem>>) target(%dma_start3A_248 : memref<16448x128xf32, #tpu.memory_space<hbm>>) offsets(%arg12 : memref<16xi32, #tpu.memory_space<vmem>>) semaphore(%arg16 : memref<!tpu.dma_semaphore, #tpu.memory_space<semaphore_mem>>)
          } else {
          }
          %eq3A_114 = arith.constant 1 : i32
          %eq3A_115 = arith.cmpi eq, %and3A_108, %eq3A_114 : i32
          %convert_element_type3A_116 = arith.extui %eq3A_115 : i1 to i32
          %cond3A_117 = arith.constant 0 : i32
          %cond3A_118 = arith.cmpi ne, %convert_element_type3A_116, %cond3A_117 : i32
          scf.if %cond3A_118 {
            %ge3A = arith.constant 32 : i32
            %ge3A_121 = arith.cmpi sge, %while3A_104, %ge3A : i32
            %convert_element_type3A_122 = arith.extui %ge3A_121 : i1 to i32
            %cond3A_123 = arith.constant 0 : i32
            %cond3A_124 = arith.cmpi ne, %convert_element_type3A_122, %cond3A_123 : i32
            scf.if %cond3A_124 {
              %dma_wait3A_249 = arith.constant 0 : i32
              %dma_wait3A_250 = arith.constant 0 : i32
              %dma_wait3A_251 = tpu.memref_slice %arg11[%dma_wait3A_249, %dma_wait3A_250] : memref<16x129xf32, #tpu.memory_space<vmem>> -> memref<16x128xf32, #tpu.memory_space<vmem>>
              %dma_wait3A_252 = arith.constant 0 : i32
              %dma_wait3A_253 = arith.constant 0 : i32
              %dma_wait3A_254 = tpu.memref_slice %arg4[%dma_wait3A_252, %dma_wait3A_253] : memref<16448x128xf32, #tpu.memory_space<hbm>> -> memref<16448x128xf32, #tpu.memory_space<hbm>>
              tpu.wait_indirect_dma semaphore(%arg17 : memref<!tpu.dma_semaphore, #tpu.memory_space<semaphore_mem>>) src(%dma_wait3A_251 : memref<16x128xf32, #tpu.memory_space<vmem>>) dst(%dma_wait3A_254 : memref<16448x128xf32, #tpu.memory_space<hbm>>)
            } else {
            }
            %iota3A_125 = tpu.iota {dimensions = array<i32: 0>} : vector<16xi32>
            %get3A = arith.index_cast %while3A_104 : i32 to index
            %get3A_126 = tpu.vector_load %arg7[%get3A] {strides = array<i32>} : memref<16384xi32, #tpu.memory_space<vmem>>, vector<16xi32>,
            %add3A_127 = vector.broadcast %while3A_104 : i32 to vector<16xi32>
            %add3A_128 = arith.addi %add3A_127, %iota3A_125 : vector<16xi32>
            %lt3A_129 = vector.broadcast %while3A_88#1 : i32 to vector<16xi32>
            %lt3A_130 = arith.cmpi slt, %add3A_128, %lt3A_129 : vector<16xi32>
            %shift_right_logical3A_131 = arith.constant 10 : i32
            %shift_right_logical3A_132 = vector.broadcast %shift_right_logical3A_131 : i32 to vector<16xi32>
            %shift_right_logical3A_133 = arith.shrui %get3A_126, %shift_right_logical3A_132 : vector<16xi32>
            %and3A_134 = arith.constant 32767 : i32
            %and3A_135 = vector.broadcast %and3A_134 : i32 to vector<16xi32>
            %and3A_136 = arith.andi %shift_right_logical3A_133, %and3A_135 : vector<16xi32>
            %add3A_137 = arith.constant 16384 : i32
            %add3A_138 = vector.broadcast %add3A_137 : i32 to vector<16xi32>
            %add3A_139 = arith.addi %add3A_138, %iota3A_125 : vector<16xi32>
            %select_n3A_140 = arith.select %lt3A_130, %and3A_136, %add3A_139 : vector<16xi1>, vector<16xi32>
            %and3A_141 = arith.constant 1023 : i32
            %and3A_142 = vector.broadcast %and3A_141 : i32 to vector<16xi32>
            %and3A_143 = arith.andi %get3A_126, %and3A_142 : vector<16xi32>
            %add3A_144 = vector.broadcast %select_n3A_92 : i32 to vector<16xi32>
            %add3A_145 = arith.addi %and3A_143, %add3A_144 : vector<16xi32>
            %jit3A_146 = arith.constant 0 : i32
            %broadcast_in_dim3A = vector.broadcast %jit3A_146 : i32 to vector<16xi32>
            %select_n3A_147 = arith.select %lt3A_130, %add3A_145, %broadcast_in_dim3A : vector<16xi1>, vector<16xi32>
            %swap3A = arith.constant 0 : index
            %swap3A_148 = tpu.vector_load %arg13[%swap3A] {strides = array<i32>} : memref<16xi32, #tpu.memory_space<vmem>>, vector<16xi32>,
            tpu.vector_store %arg13[%swap3A], %select_n3A_140 {strides = array<i32>} : memref<16xi32, #tpu.memory_space<vmem>>, vector<16xi32>,
            %broadcast_in_dim3A_149 = arith.constant 0 : i32
            %broadcast_in_dim3A_150 = vector.broadcast %broadcast_in_dim3A_149 : i32 to vector<16xi32>
            %gather3A = tpu.vector_load_idx %arg9[%broadcast_in_dim3A_150, %select_n3A_147] : memref<32x1024xf32, #tpu.memory_space<vmem>>[vector<16xi32>, vector<16xi32>], vector<16xf32>,
            tpu.vector_store_idx %arg11[%iota3A, %broadcast_in_dim3A_150], %gather3A : memref<16x129xf32, #tpu.memory_space<vmem>>[vector<16xi32>, vector<16xi32>], vector<16xf32>,
            %broadcast_in_dim3A_151 = arith.constant 1 : i32
            %broadcast_in_dim3A_152 = vector.broadcast %broadcast_in_dim3A_151 : i32 to vector<16xi32>
            %gather3A_153 = tpu.vector_load_idx %arg9[%broadcast_in_dim3A_152, %select_n3A_147] : memref<32x1024xf32, #tpu.memory_space<vmem>>[vector<16xi32>, vector<16xi32>], vector<16xf32>,
            tpu.vector_store_idx %arg11[%iota3A, %broadcast_in_dim3A_152], %gather3A_153 : memref<16x129xf32, #tpu.memory_space<vmem>>[vector<16xi32>, vector<16xi32>], vector<16xf32>,
            %broadcast_in_dim3A_154 = arith.constant 2 : i32
            %broadcast_in_dim3A_155 = vector.broadcast %broadcast_in_dim3A_154 : i32 to vector<16xi32>
            %gather3A_156 = tpu.vector_load_idx %arg9[%broadcast_in_dim3A_155, %select_n3A_147] : memref<32x1024xf32, #tpu.memory_space<vmem>>[vector<16xi32>, vector<16xi32>], vector<16xf32>,
            tpu.vector_store_idx %arg11[%iota3A, %broadcast_in_dim3A_155], %gather3A_156 : memref<16x129xf32, #tpu.memory_space<vmem>>[vector<16xi32>, vector<16xi32>], vector<16xf32>,
            %broadcast_in_dim3A_157 = arith.constant 3 : i32
            %broadcast_in_dim3A_158 = vector.broadcast %broadcast_in_dim3A_157 : i32 to vector<16xi32>
            %gather3A_159 = tpu.vector_load_idx %arg9[%broadcast_in_dim3A_158, %select_n3A_147] : memref<32x1024xf32, #tpu.memory_space<vmem>>[vector<16xi32>, vector<16xi32>], vector<16xf32>,
            tpu.vector_store_idx %arg11[%iota3A, %broadcast_in_dim3A_158], %gather3A_159 : memref<16x129xf32, #tpu.memory_space<vmem>>[vector<16xi32>, vector<16xi32>], vector<16xf32>,
            %broadcast_in_dim3A_160 = arith.constant 4 : i32
            %broadcast_in_dim3A_161 = vector.broadcast %broadcast_in_dim3A_160 : i32 to vector<16xi32>
            %gather3A_162 = tpu.vector_load_idx %arg9[%broadcast_in_dim3A_161, %select_n3A_147] : memref<32x1024xf32, #tpu.memory_space<vmem>>[vector<16xi32>, vector<16xi32>], vector<16xf32>,
            tpu.vector_store_idx %arg11[%iota3A, %broadcast_in_dim3A_161], %gather3A_162 : memref<16x129xf32, #tpu.memory_space<vmem>>[vector<16xi32>, vector<16xi32>], vector<16xf32>,
            %broadcast_in_dim3A_163 = arith.constant 5 : i32
            %broadcast_in_dim3A_164 = vector.broadcast %broadcast_in_dim3A_163 : i32 to vector<16xi32>
            %gather3A_165 = tpu.vector_load_idx %arg9[%broadcast_in_dim3A_164, %select_n3A_147] : memref<32x1024xf32, #tpu.memory_space<vmem>>[vector<16xi32>, vector<16xi32>], vector<16xf32>,
            tpu.vector_store_idx %arg11[%iota3A, %broadcast_in_dim3A_164], %gather3A_165 : memref<16x129xf32, #tpu.memory_space<vmem>>[vector<16xi32>, vector<16xi32>], vector<16xf32>,
            %broadcast_in_dim3A_166 = arith.constant 6 : i32
            %broadcast_in_dim3A_167 = vector.broadcast %broadcast_in_dim3A_166 : i32 to vector<16xi32>
            %gather3A_168 = tpu.vector_load_idx %arg9[%broadcast_in_dim3A_167, %select_n3A_147] : memref<32x1024xf32, #tpu.memory_space<vmem>>[vector<16xi32>, vector<16xi32>], vector<16xf32>,
            tpu.vector_store_idx %arg11[%iota3A, %broadcast_in_dim3A_167], %gather3A_168 : memref<16x129xf32, #tpu.memory_space<vmem>>[vector<16xi32>, vector<16xi32>], vector<16xf32>,
            %broadcast_in_dim3A_169 = arith.constant 7 : i32
            %broadcast_in_dim3A_170 = vector.broadcast %broadcast_in_dim3A_169 : i32 to vector<16xi32>
            %gather3A_171 = tpu.vector_load_idx %arg9[%broadcast_in_dim3A_170, %select_n3A_147] : memref<32x1024xf32, #tpu.memory_space<vmem>>[vector<16xi32>, vector<16xi32>], vector<16xf32>,
            tpu.vector_store_idx %arg11[%iota3A, %broadcast_in_dim3A_170], %gather3A_171 : memref<16x129xf32, #tpu.memory_space<vmem>>[vector<16xi32>, vector<16xi32>], vector<16xf32>,
            %broadcast_in_dim3A_172 = arith.constant 8 : i32
            %broadcast_in_dim3A_173 = vector.broadcast %broadcast_in_dim3A_172 : i32 to vector<16xi32>
            %gather3A_174 = tpu.vector_load_idx %arg9[%broadcast_in_dim3A_173, %select_n3A_147] : memref<32x1024xf32, #tpu.memory_space<vmem>>[vector<16xi32>, vector<16xi32>], vector<16xf32>,
            tpu.vector_store_idx %arg11[%iota3A, %broadcast_in_dim3A_173], %gather3A_174 : memref<16x129xf32, #tpu.memory_space<vmem>>[vector<16xi32>, vector<16xi32>], vector<16xf32>,
            %broadcast_in_dim3A_175 = arith.constant 9 : i32
            %broadcast_in_dim3A_176 = vector.broadcast %broadcast_in_dim3A_175 : i32 to vector<16xi32>
            %gather3A_177 = tpu.vector_load_idx %arg9[%broadcast_in_dim3A_176, %select_n3A_147] : memref<32x1024xf32, #tpu.memory_space<vmem>>[vector<16xi32>, vector<16xi32>], vector<16xf32>,
            tpu.vector_store_idx %arg11[%iota3A, %broadcast_in_dim3A_176], %gather3A_177 : memref<16x129xf32, #tpu.memory_space<vmem>>[vector<16xi32>, vector<16xi32>], vector<16xf32>,
            %broadcast_in_dim3A_178 = arith.constant 10 : i32
            %broadcast_in_dim3A_179 = vector.broadcast %broadcast_in_dim3A_178 : i32 to vector<16xi32>
            %gather3A_180 = tpu.vector_load_idx %arg9[%broadcast_in_dim3A_179, %select_n3A_147] : memref<32x1024xf32, #tpu.memory_space<vmem>>[vector<16xi32>, vector<16xi32>], vector<16xf32>,
            tpu.vector_store_idx %arg11[%iota3A, %broadcast_in_dim3A_179], %gather3A_180 : memref<16x129xf32, #tpu.memory_space<vmem>>[vector<16xi32>, vector<16xi32>], vector<16xf32>,
            %broadcast_in_dim3A_181 = arith.constant 11 : i32
            %broadcast_in_dim3A_182 = vector.broadcast %broadcast_in_dim3A_181 : i32 to vector<16xi32>
            %gather3A_183 = tpu.vector_load_idx %arg9[%broadcast_in_dim3A_182, %select_n3A_147] : memref<32x1024xf32, #tpu.memory_space<vmem>>[vector<16xi32>, vector<16xi32>], vector<16xf32>,
            tpu.vector_store_idx %arg11[%iota3A, %broadcast_in_dim3A_182], %gather3A_183 : memref<16x129xf32, #tpu.memory_space<vmem>>[vector<16xi32>, vector<16xi32>], vector<16xf32>,
            %broadcast_in_dim3A_184 = arith.constant 12 : i32
            %broadcast_in_dim3A_185 = vector.broadcast %broadcast_in_dim3A_184 : i32 to vector<16xi32>
            %gather3A_186 = tpu.vector_load_idx %arg9[%broadcast_in_dim3A_185, %select_n3A_147] : memref<32x1024xf32, #tpu.memory_space<vmem>>[vector<16xi32>, vector<16xi32>], vector<16xf32>,
            tpu.vector_store_idx %arg11[%iota3A, %broadcast_in_dim3A_185], %gather3A_186 : memref<16x129xf32, #tpu.memory_space<vmem>>[vector<16xi32>, vector<16xi32>], vector<16xf32>,
            %broadcast_in_dim3A_187 = arith.constant 13 : i32
            %broadcast_in_dim3A_188 = vector.broadcast %broadcast_in_dim3A_187 : i32 to vector<16xi32>
            %gather3A_189 = tpu.vector_load_idx %arg9[%broadcast_in_dim3A_188, %select_n3A_147] : memref<32x1024xf32, #tpu.memory_space<vmem>>[vector<16xi32>, vector<16xi32>], vector<16xf32>,
            tpu.vector_store_idx %arg11[%iota3A, %broadcast_in_dim3A_188], %gather3A_189 : memref<16x129xf32, #tpu.memory_space<vmem>>[vector<16xi32>, vector<16xi32>], vector<16xf32>,
            %broadcast_in_dim3A_190 = arith.constant 14 : i32
            %broadcast_in_dim3A_191 = vector.broadcast %broadcast_in_dim3A_190 : i32 to vector<16xi32>
            %gather3A_192 = tpu.vector_load_idx %arg9[%broadcast_in_dim3A_191, %select_n3A_147] : memref<32x1024xf32, #tpu.memory_space<vmem>>[vector<16xi32>, vector<16xi32>], vector<16xf32>,
            tpu.vector_store_idx %arg11[%iota3A, %broadcast_in_dim3A_191], %gather3A_192 : memref<16x129xf32, #tpu.memory_space<vmem>>[vector<16xi32>, vector<16xi32>], vector<16xf32>,
            %broadcast_in_dim3A_193 = arith.constant 15 : i32
            %broadcast_in_dim3A_194 = vector.broadcast %broadcast_in_dim3A_193 : i32 to vector<16xi32>
            %gather3A_195 = tpu.vector_load_idx %arg9[%broadcast_in_dim3A_194, %select_n3A_147] : memref<32x1024xf32, #tpu.memory_space<vmem>>[vector<16xi32>, vector<16xi32>], vector<16xf32>,
            tpu.vector_store_idx %arg11[%iota3A, %broadcast_in_dim3A_194], %gather3A_195 : memref<16x129xf32, #tpu.memory_space<vmem>>[vector<16xi32>, vector<16xi32>], vector<16xf32>,
            %broadcast_in_dim3A_196 = arith.constant 16 : i32
            %broadcast_in_dim3A_197 = vector.broadcast %broadcast_in_dim3A_196 : i32 to vector<16xi32>
            %gather3A_198 = tpu.vector_load_idx %arg9[%broadcast_in_dim3A_197, %select_n3A_147] : memref<32x1024xf32, #tpu.memory_space<vmem>>[vector<16xi32>, vector<16xi32>], vector<16xf32>,
            tpu.vector_store_idx %arg11[%iota3A, %broadcast_in_dim3A_197], %gather3A_198 : memref<16x129xf32, #tpu.memory_space<vmem>>[vector<16xi32>, vector<16xi32>], vector<16xf32>,
            %broadcast_in_dim3A_199 = arith.constant 17 : i32
            %broadcast_in_dim3A_200 = vector.broadcast %broadcast_in_dim3A_199 : i32 to vector<16xi32>
            %gather3A_201 = tpu.vector_load_idx %arg9[%broadcast_in_dim3A_200, %select_n3A_147] : memref<32x1024xf32, #tpu.memory_space<vmem>>[vector<16xi32>, vector<16xi32>], vector<16xf32>,
            tpu.vector_store_idx %arg11[%iota3A, %broadcast_in_dim3A_200], %gather3A_201 : memref<16x129xf32, #tpu.memory_space<vmem>>[vector<16xi32>, vector<16xi32>], vector<16xf32>,
            %broadcast_in_dim3A_202 = arith.constant 18 : i32
            %broadcast_in_dim3A_203 = vector.broadcast %broadcast_in_dim3A_202 : i32 to vector<16xi32>
            %gather3A_204 = tpu.vector_load_idx %arg9[%broadcast_in_dim3A_203, %select_n3A_147] : memref<32x1024xf32, #tpu.memory_space<vmem>>[vector<16xi32>, vector<16xi32>], vector<16xf32>,
            tpu.vector_store_idx %arg11[%iota3A, %broadcast_in_dim3A_203], %gather3A_204 : memref<16x129xf32, #tpu.memory_space<vmem>>[vector<16xi32>, vector<16xi32>], vector<16xf32>,
            %broadcast_in_dim3A_205 = arith.constant 19 : i32
            %broadcast_in_dim3A_206 = vector.broadcast %broadcast_in_dim3A_205 : i32 to vector<16xi32>
            %gather3A_207 = tpu.vector_load_idx %arg9[%broadcast_in_dim3A_206, %select_n3A_147] : memref<32x1024xf32, #tpu.memory_space<vmem>>[vector<16xi32>, vector<16xi32>], vector<16xf32>,
            tpu.vector_store_idx %arg11[%iota3A, %broadcast_in_dim3A_206], %gather3A_207 : memref<16x129xf32, #tpu.memory_space<vmem>>[vector<16xi32>, vector<16xi32>], vector<16xf32>,
            %broadcast_in_dim3A_208 = arith.constant 20 : i32
            %broadcast_in_dim3A_209 = vector.broadcast %broadcast_in_dim3A_208 : i32 to vector<16xi32>
            %gather3A_210 = tpu.vector_load_idx %arg9[%broadcast_in_dim3A_209, %select_n3A_147] : memref<32x1024xf32, #tpu.memory_space<vmem>>[vector<16xi32>, vector<16xi32>], vector<16xf32>,
            tpu.vector_store_idx %arg11[%iota3A, %broadcast_in_dim3A_209], %gather3A_210 : memref<16x129xf32, #tpu.memory_space<vmem>>[vector<16xi32>, vector<16xi32>], vector<16xf32>,
            %broadcast_in_dim3A_211 = arith.constant 21 : i32
            %broadcast_in_dim3A_212 = vector.broadcast %broadcast_in_dim3A_211 : i32 to vector<16xi32>
            %gather3A_213 = tpu.vector_load_idx %arg9[%broadcast_in_dim3A_212, %select_n3A_147] : memref<32x1024xf32, #tpu.memory_space<vmem>>[vector<16xi32>, vector<16xi32>], vector<16xf32>,
            tpu.vector_store_idx %arg11[%iota3A, %broadcast_in_dim3A_212], %gather3A_213 : memref<16x129xf32, #tpu.memory_space<vmem>>[vector<16xi32>, vector<16xi32>], vector<16xf32>,
            %broadcast_in_dim3A_214 = arith.constant 22 : i32
            %broadcast_in_dim3A_215 = vector.broadcast %broadcast_in_dim3A_214 : i32 to vector<16xi32>
            %gather3A_216 = tpu.vector_load_idx %arg9[%broadcast_in_dim3A_215, %select_n3A_147] : memref<32x1024xf32, #tpu.memory_space<vmem>>[vector<16xi32>, vector<16xi32>], vector<16xf32>,
            tpu.vector_store_idx %arg11[%iota3A, %broadcast_in_dim3A_215], %gather3A_216 : memref<16x129xf32, #tpu.memory_space<vmem>>[vector<16xi32>, vector<16xi32>], vector<16xf32>,
            %broadcast_in_dim3A_217 = arith.constant 23 : i32
            %broadcast_in_dim3A_218 = vector.broadcast %broadcast_in_dim3A_217 : i32 to vector<16xi32>
            %gather3A_219 = tpu.vector_load_idx %arg9[%broadcast_in_dim3A_218, %select_n3A_147] : memref<32x1024xf32, #tpu.memory_space<vmem>>[vector<16xi32>, vector<16xi32>], vector<16xf32>,
            tpu.vector_store_idx %arg11[%iota3A, %broadcast_in_dim3A_218], %gather3A_219 : memref<16x129xf32, #tpu.memory_space<vmem>>[vector<16xi32>, vector<16xi32>], vector<16xf32>,
            %broadcast_in_dim3A_220 = arith.constant 24 : i32
            %broadcast_in_dim3A_221 = vector.broadcast %broadcast_in_dim3A_220 : i32 to vector<16xi32>
            %gather3A_222 = tpu.vector_load_idx %arg9[%broadcast_in_dim3A_221, %select_n3A_147] : memref<32x1024xf32, #tpu.memory_space<vmem>>[vector<16xi32>, vector<16xi32>], vector<16xf32>,
            tpu.vector_store_idx %arg11[%iota3A, %broadcast_in_dim3A_221], %gather3A_222 : memref<16x129xf32, #tpu.memory_space<vmem>>[vector<16xi32>, vector<16xi32>], vector<16xf32>,
            %broadcast_in_dim3A_223 = arith.constant 25 : i32
            %broadcast_in_dim3A_224 = vector.broadcast %broadcast_in_dim3A_223 : i32 to vector<16xi32>
            %gather3A_225 = tpu.vector_load_idx %arg9[%broadcast_in_dim3A_224, %select_n3A_147] : memref<32x1024xf32, #tpu.memory_space<vmem>>[vector<16xi32>, vector<16xi32>], vector<16xf32>,
            tpu.vector_store_idx %arg11[%iota3A, %broadcast_in_dim3A_224], %gather3A_225 : memref<16x129xf32, #tpu.memory_space<vmem>>[vector<16xi32>, vector<16xi32>], vector<16xf32>,
            %broadcast_in_dim3A_226 = arith.constant 26 : i32
            %broadcast_in_dim3A_227 = vector.broadcast %broadcast_in_dim3A_226 : i32 to vector<16xi32>
            %gather3A_228 = tpu.vector_load_idx %arg9[%broadcast_in_dim3A_227, %select_n3A_147] : memref<32x1024xf32, #tpu.memory_space<vmem>>[vector<16xi32>, vector<16xi32>], vector<16xf32>,
            tpu.vector_store_idx %arg11[%iota3A, %broadcast_in_dim3A_227], %gather3A_228 : memref<16x129xf32, #tpu.memory_space<vmem>>[vector<16xi32>, vector<16xi32>], vector<16xf32>,
            %broadcast_in_dim3A_229 = arith.constant 27 : i32
            %broadcast_in_dim3A_230 = vector.broadcast %broadcast_in_dim3A_229 : i32 to vector<16xi32>
            %gather3A_231 = tpu.vector_load_idx %arg9[%broadcast_in_dim3A_230, %select_n3A_147] : memref<32x1024xf32, #tpu.memory_space<vmem>>[vector<16xi32>, vector<16xi32>], vector<16xf32>,
            tpu.vector_store_idx %arg11[%iota3A, %broadcast_in_dim3A_230], %gather3A_231 : memref<16x129xf32, #tpu.memory_space<vmem>>[vector<16xi32>, vector<16xi32>], vector<16xf32>,
            %broadcast_in_dim3A_232 = arith.constant 28 : i32
            %broadcast_in_dim3A_233 = vector.broadcast %broadcast_in_dim3A_232 : i32 to vector<16xi32>
            %gather3A_234 = tpu.vector_load_idx %arg9[%broadcast_in_dim3A_233, %select_n3A_147] : memref<32x1024xf32, #tpu.memory_space<vmem>>[vector<16xi32>, vector<16xi32>], vector<16xf32>,
            tpu.vector_store_idx %arg11[%iota3A, %broadcast_in_dim3A_233], %gather3A_234 : memref<16x129xf32, #tpu.memory_space<vmem>>[vector<16xi32>, vector<16xi32>], vector<16xf32>,
            %broadcast_in_dim3A_235 = arith.constant 29 : i32
            %broadcast_in_dim3A_236 = vector.broadcast %broadcast_in_dim3A_235 : i32 to vector<16xi32>
            %gather3A_237 = tpu.vector_load_idx %arg9[%broadcast_in_dim3A_236, %select_n3A_147] : memref<32x1024xf32, #tpu.memory_space<vmem>>[vector<16xi32>, vector<16xi32>], vector<16xf32>,
            tpu.vector_store_idx %arg11[%iota3A, %broadcast_in_dim3A_236], %gather3A_237 : memref<16x129xf32, #tpu.memory_space<vmem>>[vector<16xi32>, vector<16xi32>], vector<16xf32>,
            %broadcast_in_dim3A_238 = arith.constant 30 : i32
            %broadcast_in_dim3A_239 = vector.broadcast %broadcast_in_dim3A_238 : i32 to vector<16xi32>
            %gather3A_240 = tpu.vector_load_idx %arg9[%broadcast_in_dim3A_239, %select_n3A_147] : memref<32x1024xf32, #tpu.memory_space<vmem>>[vector<16xi32>, vector<16xi32>], vector<16xf32>,
            tpu.vector_store_idx %arg11[%iota3A, %broadcast_in_dim3A_239], %gather3A_240 : memref<16x129xf32, #tpu.memory_space<vmem>>[vector<16xi32>, vector<16xi32>], vector<16xf32>,
            %broadcast_in_dim3A_241 = arith.constant 31 : i32
            %broadcast_in_dim3A_242 = vector.broadcast %broadcast_in_dim3A_241 : i32 to vector<16xi32>
            %gather3A_243 = tpu.vector_load_idx %arg9[%broadcast_in_dim3A_242, %select_n3A_147] : memref<32x1024xf32, #tpu.memory_space<vmem>>[vector<16xi32>, vector<16xi32>], vector<16xf32>,
            tpu.vector_store_idx %arg11[%iota3A, %broadcast_in_dim3A_242], %gather3A_243 : memref<16x129xf32, #tpu.memory_space<vmem>>[vector<16xi32>, vector<16xi32>], vector<16xf32>,
            %dma_start3A = arith.constant 0 : i32
            %dma_start3A_244 = arith.constant 0 : i32
            %dma_start3A_245 = tpu.memref_slice %arg11[%dma_start3A, %dma_start3A_244] : memref<16x129xf32, #tpu.memory_space<vmem>> -> memref<16x128xf32, #tpu.memory_space<vmem>>
            %dma_start3A_246 = arith.constant 0 : i32
            %dma_start3A_247 = arith.constant 0 : i32
            %dma_start3A_248 = tpu.memref_slice %arg4[%dma_start3A_246, %dma_start3A_247] : memref<16448x128xf32, #tpu.memory_space<hbm>> -> memref<16448x128xf32, #tpu.memory_space<hbm>>
            tpu.enqueue_indirect_dma source(%dma_start3A_245 : memref<16x128xf32, #tpu.memory_space<vmem>>) target(%dma_start3A_248 : memref<16448x128xf32, #tpu.memory_space<hbm>>) offsets(%arg13 : memref<16xi32, #tpu.memory_space<vmem>>) semaphore(%arg17 : memref<!tpu.dma_semaphore, #tpu.memory_space<semaphore_mem>>)
          } else {
          }
          %add3A_119 = arith.constant 16 : i32
          %add3A_120 = arith.addi %while3A_104, %add3A_119 : i32
          scf.yield %add3A_120 : i32
        }
        %gt3A = arith.constant 0 : i32
        %gt3A_95 = arith.cmpi sgt, %while3A_88#1, %gt3A : i32
        %convert_element_type3A_96 = arith.extui %gt3A_95 : i1 to i32
        %cond3A_97 = arith.constant 0 : i32
        %cond3A_98 = arith.cmpi ne, %convert_element_type3A_96, %cond3A_97 : i32
        scf.if %cond3A_98 {
          %dma_wait3A_104 = arith.constant 0 : i32
          %dma_wait3A_105 = arith.constant 0 : i32
          %dma_wait3A_106 = tpu.memref_slice %arg10[%dma_wait3A_104, %dma_wait3A_105] : memref<16x129xf32, #tpu.memory_space<vmem>> -> memref<16x128xf32, #tpu.memory_space<vmem>>
          %dma_wait3A_107 = arith.constant 0 : i32
          %dma_wait3A_108 = arith.constant 0 : i32
          %dma_wait3A_109 = tpu.memref_slice %arg4[%dma_wait3A_107, %dma_wait3A_108] : memref<16448x128xf32, #tpu.memory_space<hbm>> -> memref<16448x128xf32, #tpu.memory_space<hbm>>
          tpu.wait_indirect_dma semaphore(%arg16 : memref<!tpu.dma_semaphore, #tpu.memory_space<semaphore_mem>>) src(%dma_wait3A_106 : memref<16x128xf32, #tpu.memory_space<vmem>>) dst(%dma_wait3A_109 : memref<16448x128xf32, #tpu.memory_space<hbm>>)
        } else {
        }
        %gt3A_99 = arith.constant 16 : i32
        %gt3A_100 = arith.cmpi sgt, %while3A_88#1, %gt3A_99 : i32
        %convert_element_type3A_101 = arith.extui %gt3A_100 : i1 to i32
        %cond3A_102 = arith.constant 0 : i32
        %cond3A_103 = arith.cmpi ne, %convert_element_type3A_101, %cond3A_102 : i32
        scf.if %cond3A_103 {
          %dma_wait3A_104 = arith.constant 0 : i32
          %dma_wait3A_105 = arith.constant 0 : i32
          %dma_wait3A_106 = tpu.memref_slice %arg11[%dma_wait3A_104, %dma_wait3A_105] : memref<16x129xf32, #tpu.memory_space<vmem>> -> memref<16x128xf32, #tpu.memory_space<vmem>>
          %dma_wait3A_107 = arith.constant 0 : i32
          %dma_wait3A_108 = arith.constant 0 : i32
          %dma_wait3A_109 = tpu.memref_slice %arg4[%dma_wait3A_107, %dma_wait3A_108] : memref<16448x128xf32, #tpu.memory_space<hbm>> -> memref<16448x128xf32, #tpu.memory_space<hbm>>
          tpu.wait_indirect_dma semaphore(%arg17 : memref<!tpu.dma_semaphore, #tpu.memory_space<semaphore_mem>>) src(%dma_wait3A_106 : memref<16x128xf32, #tpu.memory_space<vmem>>) dst(%dma_wait3A_109 : memref<16448x128xf32, #tpu.memory_space<hbm>>)
        } else {
        }
      } else {
      }
    }
    %scan3A_16 = arith.constant 3 : i32
    return
  }
}

</mosaic_0001>

<sc_bundles>
// kernel: kernel.4.cloned.1.call-start
scs
__scs_entry_jumppad:
0x0: {  	(pc) =	sbr.rel $0x88, $3  }
0x1: {  	(tag) =	ssettag $0x0;
	lr =	simm.s32 $0x1  }
0x2: {  	[smem:$0x3F9B] =	sst lr;
	_ =	strace $0xD0000000  }
0x3: {  	_ = 	snop  }
0x4: {  	_ = 	snop  }
0x5: {  	_ = 	snop  }
0x6: {  	_ = 	snop  }
0x7: {  	_ = 	snop  }
__scs_overlays_trampoline_lowered:
0x8: {  	[smem:$0x3FAA] =	sst s0  }
0x9: {  	[smem:$0x3FAB] =	sst s1  }
0xa: {  	[smem:$0x3FAC] =	sst s2  }
0xb: {  	[smem:$0x3FAD] =	sst s3  }
0xc: {  	[smem:$0x3FAE] =	sst s4  }
0xd: {  	[smem:$0x3FAF] =	sst s5  }
0xe: {  	[smem:$0x3FB0] =	sst s6  }
0xf: {  	[smem:$0x3FB1] =	sst s7  }
0x10: {  	[smem:$0x3FB2] =	sst s8  }
0x11: {  	[smem:$0x3FB3] =	sst s9;
	s0 =	simm.s32 @!p0 $0x0  }
0x12: {  	s1 =	sld [smem:$0x3F99];
	s0 =	simm.s32 @p0 $0x1  }
0x13: {  	[smem:$0x3FB4] =	sst s0;
	s0 =	simm.s32 @!p1 $0x0  }
0x14: {  	s2 =	sld [smem:$0x3F98];
	s0 =	simm.s32 @p1 $0x1  }
0x15: {  	[smem:$0x3FB5] =	sst s0;
	s0 =	simm.s32 @!p2 $0x0  }
0x16: {  	s3 =	sld [smem:$0x3FDB];
	s0 =	simm.s32 @p2 $0x1  }
0x17: {  	s4 =	simm.s32 $0x1BF5;
	[smem:$0x3FB7] =	sst s0  }
0x18: {  	s0 =	sld [smem:$0x3F9A];
	_ =	swait.ge [sflag:s4], $0x0  }
0x19: {  	s7 =	sld [smem:$0x3F9B]  }
0x1a: {  	s8 =	sadd.s32 $0xFFFFE003, lr  }
0x1b: {  	s9 =	sadd.s32 $0xFFFFFEF7, lr;
	s5 =	simm.s32 $0xFFFFFFFF;
	p2 =	slt.u32 s8, $0xFFFFF086  }
0x1c: {  	p1 =	slt.u32 s9, $0xF7A;
	s5 =	simm.s32 @!p2 $0x0  }
0x1d: {  	s5 =	simm.s32 @p1 $0x1;
	p0 =	seq.s32 s7, s2  }
0x1e: {  	s7 =	smul.u32 @!p0 $0xF7A, s2;
	p2 =	seq.s32 @!p0 s5, $0x0  }
0x1f: {  	s9 =	smul.u32 $0xF7A, s1;
	s8 =	simm.s32 @!p0 $0x1BF5;
	p2 =	por !p2, p0  }
0x20: {  	[sflag:s8] =	ssyncset.s32 @!p0 $0xFFFFF086;
	s6 =	sadd.s32 @!p0 s3, s7;
	s7 =	simm.s32 @!p0 $0x108  }
0x21: {  	s3 =	sadd.s32 s3, s9;
	s6 =	sadd.s32 @!p0 $0x88, s6;
	s7 =	simm.s32 @p2 $0x1082  }
0x22: {  	[simem:s7], [sflag:s8] =	dma.local @!p0 [hbm:s6], $0xF7A  }
0x23: {  	s9 =	sor.u32 $0xD0000000, s2;
	s6 =	simm.s32 $0x108;
	_ =	swait.ge @!p0 [sflag:s8], $0x0  }
0x24: {  	s3 =	sadd.s32 $0x88, s3;
	s6 =	simm.s32 @!p1 $0x1082;
	[sflag:s4] =	ssyncset.s32 $0xFFFFF086  }
0x25: {  	[simem:s6], [sflag:s4] =	dma.local [hbm:s3], $0xF7A  }
0x26: {  	[smem:$0x3F9B] =	sst s1;
	(tag) =	ssettag s2;
	_ =	strace s9  }
0x27: {  	s1 =	sld [smem:$0x3FAB]  }
0x28: {  	s2 =	sld [smem:$0x3FAC]  }
0x29: {  	s4 =	sld [smem:$0x3FAE]  }
0x2a: {  	p0 =	seq.s32 s5, $0x0;
	s5 =	sld [smem:$0x3FAF]  }
0x2b: {  	s6 =	sld [smem:$0x3FB0]  }
0x2c: {  	s7 =	sld [smem:$0x3FB1]  }
0x2d: {  	s3 =	simm.s32 $0x108;
	s8 =	sld [smem:$0x3FB2]  }
0x2e: {  	s3 =	simm.s32 @!p0 $0x1082;
	s9 =	sld [smem:$0x3FB3]  }
0x2f: {  	lr =	sadd.s32 s0, s3;
	s0 =	sld [smem:$0x3FAA]  }
0x30: {  	s3 =	sld [smem:$0x3FAD]  }
0x31: {  	[smem:$0x3FB6] =	sst s10  }
0x32: {  	s10 =	sld [smem:$0x3FB4];
	_ =	sdelay $0x3  }
0x33: {  	p0 =	seq.s32 s10, $0x1;
	s10 =	sld [smem:$0x3FB6];
	_ =	sdelay $0x3  }
0x34: {  	[smem:$0x3FB6] =	sst s10  }
0x35: {  	s10 =	sld [smem:$0x3FB5];
	_ =	sdelay $0x3  }
0x36: {  	p1 =	seq.s32 s10, $0x1;
	s10 =	sld [smem:$0x3FB6];
	_ =	sdelay $0x3  }
0x37: {  	[smem:$0x3FB6] =	sst s10  }
0x38: {  	s10 =	sld [smem:$0x3FB7]  }
0x39: {  	_ = 	snop;
	(pc) =	sbr.ind lr, $3  }
0x3a: {  	_ = 	snop  }
0x3b: {  	_ = 	snop  }
0x3c: {  	p2 =	seq.s32 s10, $0x1;
	s10 =	sld [smem:$0x3FB6]  }
0x3d: {  	_ =	shalt  }
0x3e: {  	_ =	shalt  }
0x3f: {  	_ =	shalt  }
0x40: {  	_ =	shalt  }
0x41: {  	_ =	shalt  }
0x42: {  	_ =	shalt  }
0x43: {  	_ =	shalt  }
0x44: {  	_ =	shalt  }
0x45: {  	_ =	shalt  }
0x46: {  	_ =	shalt  }
0x47: {  	_ =	shalt  }
0x48: {  	_ =	shalt  }
0x49: {  	_ =	shalt  }
0x4a: {  	_ =	shalt  }
0x4b: {  	_ =	shalt  }
0x4c: {  	_ =	shalt  }
0x4d: {  	_ =	shalt  }
0x4e: {  	_ =	shalt  }
0x4f: {  	_ =	shalt  }
0x50: {  	_ =	shalt  }
0x51: {  	_ =	shalt  }
0x52: {  	_ =	shalt  }
0x53: {  	_ =	shalt  }
0x54: {  	_ =	shalt  }
0x55: {  	_ =	shalt  }
0x56: {  	_ =	shalt  }
0x57: {  	_ =	shalt  }
0x58: {  	_ =	shalt  }
0x59: {  	_ =	shalt  }
0x5a: {  	_ =	shalt  }
0x5b: {  	_ =	shalt  }
0x5c: {  	_ =	shalt  }
0x5d: {  	_ =	shalt  }
0x5e: {  	_ =	shalt  }
0x5f: {  	_ =	shalt  }
0x60: {  	_ =	shalt  }
0x61: {  	_ =	shalt  }
0x62: {  	_ =	shalt  }
0x63: {  	_ =	shalt  }
0x64: {  	_ =	shalt  }
0x65: {  	_ =	shalt  }
0x66: {  	_ =	shalt  }
0x67: {  	_ =	shalt  }
0x68: {  	_ =	shalt  }
0x69: {  	_ =	shalt  }
0x6a: {  	_ =	shalt  }
0x6b: {  	_ =	shalt  }
0x6c: {  	_ =	shalt  }
0x6d: {  	_ =	shalt  }
0x6e: {  	_ =	shalt  }
0x6f: {  	_ =	shalt  }
0x70: {  	_ =	shalt  }
0x71: {  	_ =	shalt  }
0x72: {  	_ =	shalt  }
0x73: {  	_ =	shalt  }
0x74: {  	_ =	shalt  }
0x75: {  	_ =	shalt  }
0x76: {  	_ =	shalt  }
0x77: {  	_ =	shalt  }
0x78: {  	_ =	shalt  }
0x79: {  	_ =	shalt  }
0x7a: {  	_ =	shalt  }
0x7b: {  	_ =	shalt  }
0x7c: {  	_ =	shalt  }
0x7d: {  	_ =	shalt  }
0x7e: {  	_ =	shalt  }
0x7f: {  	_ =	shalt  }
0x80: {  	_ =	shalt  }
0x81: {  	_ =	shalt  }
0x82: {  	_ =	shalt  }
0x83: {  	_ =	shalt  }
0x84: {  	_ =	shalt  }
0x85: {  	_ =	shalt  }
0x86: {  	_ =	shalt  }
0x87: {  	_ =	shalt  }
.Lfunc_end0:
.L_simem_size_0:
called_computation_lowered:
.L_overlay_start_0:
0x88: {  	s2 =	sld [smem:$0x3FD9]  }
0x89: {  	s3 =	sld [smem:$0x3FFE];
	_ =	sdelay $0x1  }
0x8a: {  	s1 =	srdreg.scid  }
0x8b: {  	s0 =	sand.u32 $0x1, s1  }
0x8c: {  	s17 =	sshll.u32 s0, $0xA;
	s2 =	sadd.s32 s3, s2  }
0x8d: {  	s2 =	sadd.s32 s2, s17  }
0x8e: {  	[smem:$0x3FC2] =	sst s2  }
0x8f: {  	_ = 	snop  }
0x90: {  	s2 =	sld [smem:$0x3FC8]  }
0x91: {  	s18 =	sld [smem:$0x3FC6];
	(tm) =	ssettm $0x1  }
0x92: {  	s4 =	sld [smem:$0x3FFB];
	_ =	sdelay $0x3  }
0x93: {  	_ =	strace s4  }
0x94: {  	s4 =	sld [smem:$0x3FFC];
	_ =	sdelay $0x3  }
0x95: {  	_ =	strace s4  }
0x96: {  	s4 =	sld [smem:$0x3FFD];
	_ =	sdelay $0x3  }
0x97: {  	_ =	strace s4  }
0x98: {  	_ =	strace $0x8FFFFFFF  }
0x99: {  	s19 =	sld [smem:$0x3FDB];
	_ =	sdelay $0x1  }
0x9a: {  	s5 =	simm.s32 $_scs_section_size  }
0x9b: {  	s6 =	simm.s32 $_size__tile_overlayer_lowered;
	s7 =	simm.s32 $_tile_overlayer_lowered  }
0x9c: {  	s22 =	simm.s32 $0x1BFF;
	s21 =	sshll.u32 s7, $0x1;
	s4 =	sadd.s32 s5, s19  }
0x9d: {  	s8 =	simm.s32 $0x0;
	s20 =	sshll.u32 s6, $0x1;
	s6 =	sadd.s32 s21, s4  }
0x9e: {  	[timem:s8], [sflag:s22] =	dma.local [hbm:s6], s20  }
0x9f: {  	_ =	swait.ge [sflag:s22], s20  }
0xa0: {  	s5 =	ssub.s32 $0x0, s20;
	[sflag:s22] =	ssyncset.done $0x0  }
0xa1: {  	[sflag:s22] =	ssyncadd.s32 s5;
	_ =	sdelay $0x1  }
0xa2: {  	s23 =	simm.s32 $0x1B8B  }
0xa3: {  	_ =	swait.ge [sflag:s23], $0x1  }
0xa4: {  	[sflag:s23] =	ssyncset.done $0x0  }
0xa5: {  	s25 =	simm.s32 $0x1B8E;
	s24 =	sld [smem:$0x3FFE];
	[sflag:s23] =	ssyncadd.s32 $0xFFFFFFFF  }
0xa6: {  	s26 =	simm.s32 $execute0_lowered;
	[smem:$0x3FD2] =	sst s25  }
0xa7: {  	s6 =	sshll.u32 s26, $0x1;
	_ =	strace $0x80000046;
	[dreg:$0x1] =	wrdreg $0xFFFFFFFF  }
0xa8: {  	s28 =	simm.s32 $_size_execute0_lowered;
	s4 =	sadd.s32 s4, s6;
	[dreg:$0x0] =	wrdreg $0x0  }
0xa9: {  	s6 =	sshll.u32 s28, $0x1;
	[dreg:$0x2] =	wrdreg s4  }
0xaa: {  	[dreg:$0x3] =	wrdreg s6  }
0xab: {  	[dreg:$0x4] =	wrdreg $0xC0  }
0xac: {  	_ =	task [dreg:s8], $0x5FFFF  }
0xad: {  	[dreg:$0x1] =	wrdreg $0xFFFFFFFF  }
0xae: {  	[dreg:$0x0] =	wrdreg $0x60  }
0xaf: {  	[dreg:$0x2] =	wrdreg s2  }
0xb0: {  	[dreg:$0x3] =	wrdreg s18  }
0xb1: {  	[dreg:$0x4] =	wrdreg s24  }
0xb2: {  	[dreg:$0x5] =	wrdreg $0x9  }
0xb3: {  	_ =	task.clear_ibuf [dreg:s8], $0x6FFFF;
	_ =	strace $0x90000046  }
0xb4: {  	s29 =	simm.s32 $0x9;
	_ =	strace $0x80000048  }
0xb5: {  	_ =	swait.ge [sflag:s29], $0x1  }
0xb6: {  	[sflag:s29] =	ssyncadd.s32 $0xFFFFFFFF  }
0xb7: {  	_ =	strace $0x90000048  }
0xb8: {  	_ =	sfence  }
0xb9: {  	s30 =	sld [smem:$0x0];
	_ =	sdelay $0x2  }
0xba: {  	s31 =	sshll.u32 s1, $0xD;
	s1 =	sshrl.u32 s1, $0x2  }
0xbb: {  	s3 =	sand.u32 $0x4000, s31;
	s1 =	sadd.s32 s1, s30  }
0xbc: {  	s0 =	sor.u32 s3, s0;
	s1 =	sshll.u32 s1, $0x11  }
0xbd: {  	s0 =	sor.u32 s1, s0  }
0xbe: {  	s0 =	sadd.s32 $0x8F2B, s0  }
0xbf: {  	[sflag:s0] =	ssyncadd.remote.s32 $0x1  }
0xc0: {  	_ =	sfence.sel $0xFFFF  }
0xc1: {  	[dreg:$0x0] =	wrdreg $0xFFFFFFFF;
	(pc) =	sbr.abs _section_cstart, $3  }
0xc2: {  	[dreg:$0x1] =	wrdreg $0xFFFFFFFF  }
0xc3: {  	_ =	task.clear_ibuf [dreg:s8], $0x2FFFF;
	_ =	strace $0x9FFFFFFF  }
0xc4: {  	(tm) =	ssettm $0x7FFFFFFF  }
0xc5: {  	_ =	shalt  }
tec
execute0_lowered:
.L_overlay_start_1:
0x0: {  	(tag) =	ssettag $0x1  }
0x1: {  	v0 =	vlaneseq.u32;
	v3 =	vimm.s32 $0x0;
	v4 =	vimm.s32 $0xB80  }
0x2: {  	vm14 =	vcmask $0x300;
	vm12 =	vcmask $0x704;
	v5 =	vimm.s32 $0xB81  }
0x3: {  	vm13 =	vcmask $0xB08;
	vm11 =	vcmask $0xF0C;
	vm10 =	vcmask $0x1310  }
0x4: {  	vm9 =	vcmask $0x1714;
	vm8 =	vcmask $0x1B18;
	vm7 =	vcmask $0x1F1C  }
0x5: {  	vm6 =	vcmask $0x2320;
	vm5 =	vcmask $0x2724;
	vm4 =	vcmask $0x2B28  }
0x6: {  	vm3 =	vcmask $0x2F2C;
	vm2 =	vcmask $0x3330;
	vm0 =	vcmask $0x3734  }
0x7: {  	vm1 =	vcmask $0x3B38;
	v8 =	vimm.s32 $0xB83;
	v9 =	vimm.s32 $0xB84  }
0x8: {  	v10 =	vimm.s32 $0xB85;
	v11 =	vimm.s32 $0xB86;
	v12 =	vimm.s32 $0xB87  }
0x9: {  	v13 =	vimm.s32 $0xB88;
	v14 =	vimm.s32 $0xB89;
	v15 =	vimm.s32 $0xB8A  }
0xa: {  	v16 =	vimm.s32 $0xB8B;
	v17 =	vimm.s32 $0xB8C;
	v18 =	vimm.s32 $0xB8D  }
0xb: {  	v19 =	vimm.s32 $0xB8E;
	v20 =	vimm.s32 $0xB8F;
	v21 =	vimm.s32 $0xB90  }
0xc: {  	v22 =	vimm.s32 $0xB91;
	v23 =	vimm.s32 $0xB92;
	v24 =	vimm.s32 $0xB93  }
0xd: {  	v25 =	vimm.s32 $0xB94;
	v26 =	vimm.s32 $0xB95;
	v27 =	vimm.s32 $0xB96  }
0xe: {  	v28 =	vimm.s32 $0xB97;
	v29 =	vimm.s32 $0xB98;
	v30 =	vimm.s32 $0xB99  }
0xf: {  	v31 =	vimm.s32 $0xB9A;
	v32 =	vimm.s32 $0xB9B;
	v33 =	vimm.s32 $0xB9C  }
0x10: {  	v34 =	vimm.s32 $0xB9D;
	v35 =	vimm.s32 $0xB9E;
	v36 =	vimm.s32 $0xB9F  }
0x11: {  	v2 =	vmul.u32 $0x400, v0;
	v4 =	vsel vm14, $0x0, v4;
	v5 =	vsel vm14, $0x1, v5  }
0x12: {  	v8 =	vsel vm14, $0x3, v8;
	v9 =	vsel vm14, $0x4, v9;
	v10 =	vsel vm14, $0x5, v10  }
0x13: {  	v11 =	vsel vm14, $0x6, v11;
	v12 =	vsel vm14, $0x7, v12;
	v13 =	vsel vm14, $0x8, v13  }
0x14: {  	v14 =	vsel vm14, $0x9, v14;
	v15 =	vsel vm14, $0xA, v15;
	v16 =	vsel vm14, $0xB, v16  }
0x15: {  	v17 =	vsel vm14, $0xC, v17;
	v18 =	vsel vm14, $0xD, v18;
	v19 =	vsel vm14, $0xE, v19  }
0x16: {  	v20 =	vsel vm14, $0xF, v20;
	v21 =	vsel vm14, $0x10, v21;
	v22 =	vsel vm14, $0x11, v22  }
0x17: {  	v23 =	vsel vm14, $0x12, v23;
	v24 =	vsel vm14, $0x13, v24;
	v25 =	vsel vm14, $0x14, v25  }
0x18: {  	v26 =	vsel vm14, $0x15, v26;
	v27 =	vsel vm14, $0x16, v27;
	v28 =	vsel vm14, $0x17, v28  }
0x19: {  	v29 =	vsel vm14, $0x18, v29;
	v30 =	vsel vm14, $0x19, v30;
	v31 =	vsel vm14, $0x1A, v31  }
0x1a: {  	v32 =	vsel vm14, $0x1B, v32;
	v33 =	vsel vm14, $0x1C, v33;
	v34 =	vsel vm14, $0x1D, v34  }
0x1b: {  	v35 =	vsel vm14, $0x1E, v35;
	v36 =	vsel vm14, $0x1F, v36;
	v37 =	vand.u32 $0x7, v0  }
0x1c: {  	v38 =	vshrl.u32 v0, $0x3;
	v39 =	vor.u32 $0x8, v0;
	v4 =	vsel vm12, $0x80, v4  }
0x1d: {  	v5 =	vsel vm12, $0x81, v5;
	v8 =	vsel vm12, $0x83, v8;
	v9 =	vsel vm12, $0x84, v9  }
0x1e: {  	v10 =	vsel vm12, $0x85, v10;
	v11 =	vsel vm12, $0x86, v11;
	v12 =	vsel vm12, $0x87, v12  }
0x1f: {  	v13 =	vsel vm12, $0x88, v13;
	v14 =	vsel vm12, $0x89, v14;
	v15 =	vsel vm12, $0x8A, v15  }
0x20: {  	v16 =	vsel vm12, $0x8B, v16;
	v17 =	vsel vm12, $0x8C, v17;
	v18 =	vsel vm12, $0x8D, v18  }
0x21: {  	v19 =	vsel vm12, $0x8E, v19;
	v20 =	vsel vm12, $0x8F, v20;
	v21 =	vsel vm12, $0x90, v21  }
0x22: {  	v22 =	vsel vm12, $0x91, v22;
	v23 =	vsel vm12, $0x92, v23;
	v24 =	vsel vm12, $0x93, v24  }
0x23: {  	v25 =	vsel vm12, $0x94, v25;
	v26 =	vsel vm12, $0x95, v26;
	v27 =	vsel vm12, $0x96, v27  }
0x24: {  	s0 =	srdreg.scid;
	s1 =	stileid.u32;
	v28 =	vsel vm12, $0x97, v28;
	v29 =	vsel vm12, $0x98, v29;
	v30 =	vsel vm12, $0x99, v30  }
0x25: {  	s6 =	sand.u32 $0x1, s0;
	s9 =	sshll.u32 s1, $0x1;
	v31 =	vsel vm12, $0x9A, v31;
	v32 =	vsel vm12, $0x9B, v32;
	v33 =	vsel vm12, $0x9C, v33  }
0x26: {  	s1 =	sor.u32 s6, s9;
	v34 =	vsel vm12, $0x9D, v34;
	v35 =	vsel vm12, $0x9E, v35;
	v36 =	vsel vm12, $0x9F, v36  }
0x27: {  	v38 =	vmul.u32 $0x8, v38;
	v1 =	vmov s1;
	v4 =	vsel vm13, $0x100, v4  }
0x28: {  	v5 =	vsel vm13, $0x101, v5;
	v8 =	vsel vm13, $0x103, v8;
	v9 =	vsel vm13, $0x104, v9  }
0x29: {  	v10 =	vsel vm13, $0x105, v10;
	v11 =	vsel vm13, $0x106, v11;
	v12 =	vsel vm13, $0x107, v12  }
0x2a: {  	v13 =	vsel vm13, $0x108, v13;
	v14 =	vsel vm13, $0x109, v14;
	v15 =	vsel vm13, $0x10A, v15  }
0x2b: {  	v16 =	vsel vm13, $0x10B, v16;
	v17 =	vsel vm13, $0x10C, v17;
	v18 =	vsel vm13, $0x10D, v18  }
0x2c: {  	v19 =	vsel vm13, $0x10E, v19;
	v20 =	vsel vm13, $0x10F, v20;
	v21 =	vsel vm13, $0x110, v21  }
0x2d: {  	v22 =	vsel vm13, $0x111, v22;
	v23 =	vsel vm13, $0x112, v23;
	v24 =	vsel vm13, $0x113, v24  }
0x2e: {  	v25 =	vsel vm13, $0x114, v25;
	v26 =	vsel vm13, $0x115, v26;
	v27 =	vsel vm13, $0x116, v27  }
0x2f: {  	v28 =	vsel vm13, $0x117, v28;
	v29 =	vsel vm13, $0x118, v29;
	v30 =	vsel vm13, $0x119, v30  }
0x30: {  	v31 =	vsel vm13, $0x11A, v31;
	v32 =	vsel vm13, $0x11B, v32;
	v33 =	vsel vm13, $0x11C, v33  }
0x31: {  	v34 =	vsel vm13, $0x11D, v34;
	v35 =	vsel vm13, $0x11E, v35;
	v36 =	vsel vm13, $0x11F, v36  }
0x32: {  	v4 =	vsel vm11, $0x180, v4;
	v5 =	vsel vm11, $0x181, v5;
	v8 =	vsel vm11, $0x183, v8  }
0x33: {  	v9 =	vsel vm11, $0x184, v9;
	v10 =	vsel vm11, $0x185, v10;
	v11 =	vsel vm11, $0x186, v11  }
0x34: {  	v12 =	vsel vm11, $0x187, v12;
	v13 =	vsel vm11, $0x188, v13;
	v14 =	vsel vm11, $0x189, v14  }
0x35: {  	v15 =	vsel vm11, $0x18A, v15;
	v16 =	vsel vm11, $0x18B, v16;
	v17 =	vsel vm11, $0x18C, v17  }
0x36: {  	v18 =	vsel vm11, $0x18D, v18;
	v19 =	vsel vm11, $0x18E, v19;
	v20 =	vsel vm11, $0x18F, v20  }
0x37: {  	v21 =	vsel vm11, $0x190, v21;
	v22 =	vsel vm11, $0x191, v22;
	v23 =	vsel vm11, $0x192, v23  }
0x38: {  	v24 =	vsel vm11, $0x193, v24;
	v25 =	vsel vm11, $0x194, v25;
	v26 =	vsel vm11, $0x195, v26  }
0x39: {  	v27 =	vsel vm11, $0x196, v27;
	v28 =	vsel vm11, $0x197, v28;
	v29 =	vsel vm11, $0x198, v29  }
0x3a: {  	v30 =	vsel vm11, $0x199, v30;
	v31 =	vsel vm11, $0x19A, v31;
	v32 =	vsel vm11, $0x19B, v32  }
0x3b: {  	v33 =	vsel vm11, $0x19C, v33;
	v34 =	vsel vm11, $0x19D, v34;
	v35 =	vsel vm11, $0x19E, v35  }
0x3c: {  	v36 =	vsel vm11, $0x19F, v36;
	v4 =	vsel vm10, $0x200, v4;
	v5 =	vsel vm10, $0x201, v5  }
0x3d: {  	v8 =	vsel vm10, $0x203, v8;
	v9 =	vsel vm10, $0x204, v9;
	v10 =	vsel vm10, $0x205, v10  }
0x3e: {  	v11 =	vsel vm10, $0x206, v11;
	v12 =	vsel vm10, $0x207, v12;
	v13 =	vsel vm10, $0x208, v13  }
0x3f: {  	v14 =	vsel vm10, $0x209, v14;
	v15 =	vsel vm10, $0x20A, v15;
	v16 =	vsel vm10, $0x20B, v16  }
0x40: {  	v17 =	vsel vm10, $0x20C, v17;
	v18 =	vsel vm10, $0x20D, v18;
	v19 =	vsel vm10, $0x20E, v19  }
0x41: {  	v20 =	vsel vm10, $0x20F, v20;
	v21 =	vsel vm10, $0x210, v21;
	v22 =	vsel vm10, $0x211, v22  }
0x42: {  	v23 =	vsel vm10, $0x212, v23;
	v24 =	vsel vm10, $0x213, v24;
	v25 =	vsel vm10, $0x214, v25  }
0x43: {  	v26 =	vsel vm10, $0x215, v26;
	v27 =	vsel vm10, $0x216, v27;
	v28 =	vsel vm10, $0x217, v28  }
0x44: {  	v29 =	vsel vm10, $0x218, v29;
	v30 =	vsel vm10, $0x219, v30;
	v31 =	vsel vm10, $0x21A, v31  }
0x45: {  	v32 =	vsel vm10, $0x21B, v32;
	v33 =	vsel vm10, $0x21C, v33;
	v34 =	vsel vm10, $0x21D, v34  }
0x46: {  	v35 =	vsel vm10, $0x21E, v35;
	v36 =	vsel vm10, $0x21F, v36;
	v4 =	vsel vm9, $0x280, v4  }
0x47: {  	v5 =	vsel vm9, $0x281, v5;
	v8 =	vsel vm9, $0x283, v8;
	v9 =	vsel vm9, $0x284, v9  }
0x48: {  	v10 =	vsel vm9, $0x285, v10;
	v11 =	vsel vm9, $0x286, v11;
	v12 =	vsel vm9, $0x287, v12  }
0x49: {  	v13 =	vsel vm9, $0x288, v13;
	v14 =	vsel vm9, $0x289, v14;
	v15 =	vsel vm9, $0x28A, v15  }
0x4a: {  	v16 =	vsel vm9, $0x28B, v16;
	v17 =	vsel vm9, $0x28C, v17;
	v18 =	vsel vm9, $0x28D, v18  }
0x4b: {  	v19 =	vsel vm9, $0x28E, v19;
	v20 =	vsel vm9, $0x28F, v20;
	v21 =	vsel vm9, $0x290, v21  }
0x4c: {  	v22 =	vsel vm9, $0x291, v22;
	v23 =	vsel vm9, $0x292, v23;
	v24 =	vsel vm9, $0x293, v24  }
0x4d: {  	v25 =	vsel vm9, $0x294, v25;
	v26 =	vsel vm9, $0x295, v26;
	v27 =	vsel vm9, $0x296, v27  }
0x4e: {  	v28 =	vsel vm9, $0x297, v28;
	v29 =	vsel vm9, $0x298, v29;
	v30 =	vsel vm9, $0x299, v30  }
0x4f: {  	v31 =	vsel vm9, $0x29A, v31;
	v32 =	vsel vm9, $0x29B, v32;
	v33 =	vsel vm9, $0x29C, v33  }
0x50: {  	v34 =	vsel vm9, $0x29D, v34;
	v35 =	vsel vm9, $0x29E, v35;
	v36 =	vsel vm9, $0x29F, v36  }
0x51: {  	v4 =	vsel vm8, $0x300, v4;
	v5 =	vsel vm8, $0x301, v5;
	v8 =	vsel vm8, $0x303, v8  }
0x52: {  	v9 =	vsel vm8, $0x304, v9;
	v10 =	vsel vm8, $0x305, v10;
	v11 =	vsel vm8, $0x306, v11  }
0x53: {  	v12 =	vsel vm8, $0x307, v12;
	v13 =	vsel vm8, $0x308, v13;
	v14 =	vsel vm8, $0x309, v14  }
0x54: {  	v15 =	vsel vm8, $0x30A, v15;
	v16 =	vsel vm8, $0x30B, v16;
	v17 =	vsel vm8, $0x30C, v17  }
0x55: {  	v18 =	vsel vm8, $0x30D, v18;
	v19 =	vsel vm8, $0x30E, v19;
	v20 =	vsel vm8, $0x30F, v20  }
0x56: {  	v21 =	vsel vm8, $0x310, v21;
	v22 =	vsel vm8, $0x311, v22;
	v23 =	vsel vm8, $0x312, v23  }
0x57: {  	v24 =	vsel vm8, $0x313, v24;
	v25 =	vsel vm8, $0x314, v25;
	v26 =	vsel vm8, $0x315, v26  }
0x58: {  	v27 =	vsel vm8, $0x316, v27;
	v28 =	vsel vm8, $0x317, v28;
	v29 =	vsel vm8, $0x318, v29  }
0x59: {  	v30 =	vsel vm8, $0x319, v30;
	v31 =	vsel vm8, $0x31A, v31;
	v32 =	vsel vm8, $0x31B, v32  }
0x5a: {  	v33 =	vsel vm8, $0x31C, v33;
	v34 =	vsel vm8, $0x31D, v34;
	v35 =	vsel vm8, $0x31E, v35  }
0x5b: {  	v36 =	vsel vm8, $0x31F, v36;
	v4 =	vsel vm7, $0x380, v4;
	v5 =	vsel vm7, $0x381, v5  }
0x5c: {  	v8 =	vsel vm7, $0x383, v8;
	v9 =	vsel vm7, $0x384, v9;
	v10 =	vsel vm7, $0x385, v10  }
0x5d: {  	v11 =	vsel vm7, $0x386, v11;
	v12 =	vsel vm7, $0x387, v12;
	v13 =	vsel vm7, $0x388, v13  }
0x5e: {  	v14 =	vsel vm7, $0x389, v14;
	v15 =	vsel vm7, $0x38A, v15;
	v16 =	vsel vm7, $0x38B, v16  }
0x5f: {  	v17 =	vsel vm7, $0x38C, v17;
	v18 =	vsel vm7, $0x38D, v18;
	v19 =	vsel vm7, $0x38E, v19  }
0x60: {  	v20 =	vsel vm7, $0x38F, v20;
	v21 =	vsel vm7, $0x390, v21;
	v22 =	vsel vm7, $0x391, v22  }
0x61: {  	v23 =	vsel vm7, $0x392, v23;
	v24 =	vsel vm7, $0x393, v24;
	v25 =	vsel vm7, $0x394, v25  }
0x62: {  	v26 =	vsel vm7, $0x395, v26;
	v27 =	vsel vm7, $0x396, v27;
	v28 =	vsel vm7, $0x397, v28  }
0x63: {  	v29 =	vsel vm7, $0x398, v29;
	v30 =	vsel vm7, $0x399, v30;
	v31 =	vsel vm7, $0x39A, v31  }
0x64: {  	v32 =	vsel vm7, $0x39B, v32;
	v33 =	vsel vm7, $0x39C, v33;
	v34 =	vsel vm7, $0x39D, v34  }
0x65: {  	v35 =	vsel vm7, $0x39E, v35;
	v36 =	vsel vm7, $0x39F, v36;
	v4 =	vsel vm6, $0x800, v4  }
0x66: {  	v5 =	vsel vm6, $0x801, v5;
	v8 =	vsel vm6, $0x803, v8;
	v9 =	vsel vm6, $0x804, v9  }
0x67: {  	v10 =	vsel vm6, $0x805, v10;
	v11 =	vsel vm6, $0x806, v11;
	v12 =	vsel vm6, $0x807, v12  }
0x68: {  	v13 =	vsel vm6, $0x808, v13;
	v14 =	vsel vm6, $0x809, v14;
	v15 =	vsel vm6, $0x80A, v15  }
0x69: {  	v16 =	vsel vm6, $0x80B, v16;
	v17 =	vsel vm6, $0x80C, v17;
	v18 =	vsel vm6, $0x80D, v18  }
0x6a: {  	v19 =	vsel vm6, $0x80E, v19;
	v20 =	vsel vm6, $0x80F, v20;
	v21 =	vsel vm6, $0x810, v21  }
0x6b: {  	v22 =	vsel vm6, $0x811, v22;
	v23 =	vsel vm6, $0x812, v23;
	v24 =	vsel vm6, $0x813, v24  }
0x6c: {  	v25 =	vsel vm6, $0x814, v25;
	v26 =	vsel vm6, $0x815, v26;
	v27 =	vsel vm6, $0x816, v27  }
0x6d: {  	v28 =	vsel vm6, $0x817, v28;
	v29 =	vsel vm6, $0x818, v29;
	v30 =	vsel vm6, $0x819, v30  }
0x6e: {  	v31 =	vsel vm6, $0x81A, v31;
	v32 =	vsel vm6, $0x81B, v32;
	v33 =	vsel vm6, $0x81C, v33  }
0x6f: {  	v34 =	vsel vm6, $0x81D, v34;
	v35 =	vsel vm6, $0x81E, v35;
	v36 =	vsel vm6, $0x81F, v36  }
0x70: {  	v4 =	vsel vm5, $0x880, v4;
	v5 =	vsel vm5, $0x881, v5;
	v8 =	vsel vm5, $0x883, v8  }
0x71: {  	v9 =	vsel vm5, $0x884, v9;
	v10 =	vsel vm5, $0x885, v10;
	v11 =	vsel vm5, $0x886, v11  }
0x72: {  	v12 =	vsel vm5, $0x887, v12;
	v13 =	vsel vm5, $0x888, v13;
	v14 =	vsel vm5, $0x889, v14  }
0x73: {  	v15 =	vsel vm5, $0x88A, v15;
	v16 =	vsel vm5, $0x88B, v16;
	v17 =	vsel vm5, $0x88C, v17  }
0x74: {  	v18 =	vsel vm5, $0x88D, v18;
	v19 =	vsel vm5, $0x88E, v19;
	v20 =	vsel vm5, $0x88F, v20  }
0x75: {  	v21 =	vsel vm5, $0x890, v21;
	v22 =	vsel vm5, $0x891, v22;
	v23 =	vsel vm5, $0x892, v23  }
0x76: {  	v24 =	vsel vm5, $0x893, v24;
	v25 =	vsel vm5, $0x894, v25;
	v26 =	vsel vm5, $0x895, v26  }
0x77: {  	v27 =	vsel vm5, $0x896, v27;
	v28 =	vsel vm5, $0x897, v28;
	v29 =	vsel vm5, $0x898, v29  }
0x78: {  	v30 =	vsel vm5, $0x899, v30;
	v31 =	vsel vm5, $0x89A, v31;
	v32 =	vsel vm5, $0x89B, v32  }
0x79: {  	v33 =	vsel vm5, $0x89C, v33;
	v34 =	vsel vm5, $0x89D, v34;
	v35 =	vsel vm5, $0x89E, v35  }
0x7a: {  	v36 =	vsel vm5, $0x89F, v36;
	v4 =	vsel vm4, $0x900, v4;
	v5 =	vsel vm4, $0x901, v5  }
0x7b: {  	v8 =	vsel vm4, $0x903, v8;
	v9 =	vsel vm4, $0x904, v9;
	v10 =	vsel vm4, $0x905, v10  }
0x7c: {  	v11 =	vsel vm4, $0x906, v11;
	v12 =	vsel vm4, $0x907, v12;
	v13 =	vsel vm4, $0x908, v13  }
0x7d: {  	v14 =	vsel vm4, $0x909, v14;
	v15 =	vsel vm4, $0x90A, v15;
	v16 =	vsel vm4, $0x90B, v16  }
0x7e: {  	v17 =	vsel vm4, $0x90C, v17;
	v18 =	vsel vm4, $0x90D, v18;
	v19 =	vsel vm4, $0x90E, v19  }
0x7f: {  	v20 =	vsel vm4, $0x90F, v20;
	v21 =	vsel vm4, $0x910, v21;
	v22 =	vsel vm4, $0x911, v22  }
0x80: {  	v23 =	vsel vm4, $0x912, v23;
	v24 =	vsel vm4, $0x913, v24;
	v25 =	vsel vm4, $0x914, v25  }
0x81: {  	v26 =	vsel vm4, $0x915, v26;
	v27 =	vsel vm4, $0x916, v27;
	v28 =	vsel vm4, $0x917, v28  }
0x82: {  	v29 =	vsel vm4, $0x918, v29;
	v30 =	vsel vm4, $0x919, v30;
	v31 =	vsel vm4, $0x91A, v31  }
0x83: {  	v32 =	vsel vm4, $0x91B, v32;
	v33 =	vsel vm4, $0x91C, v33;
	v34 =	vsel vm4, $0x91D, v34  }
0x84: {  	v35 =	vsel vm4, $0x91E, v35;
	v36 =	vsel vm4, $0x91F, v36;
	v4 =	vsel vm3, $0x980, v4  }
0x85: {  	v5 =	vsel vm3, $0x981, v5;
	v8 =	vsel vm3, $0x983, v8;
	v9 =	vsel vm3, $0x984, v9  }
0x86: {  	v10 =	vsel vm3, $0x985, v10;
	v11 =	vsel vm3, $0x986, v11;
	v12 =	vsel vm3, $0x987, v12  }
0x87: {  	v13 =	vsel vm3, $0x988, v13;
	v14 =	vsel vm3, $0x989, v14;
	v15 =	vsel vm3, $0x98A, v15  }
0x88: {  	v16 =	vsel vm3, $0x98B, v16;
	v17 =	vsel vm3, $0x98C, v17;
	v18 =	vsel vm3, $0x98D, v18  }
0x89: {  	v19 =	vsel vm3, $0x98E, v19;
	v20 =	vsel vm3, $0x98F, v20;
	v21 =	vsel vm3, $0x990, v21  }
0x8a: {  	v22 =	vsel vm3, $0x991, v22;
	v23 =	vsel vm3, $0x992, v23;
	v24 =	vsel vm3, $0x993, v24  }
0x8b: {  	v25 =	vsel vm3, $0x994, v25;
	v26 =	vsel vm3, $0x995, v26;
	v27 =	vsel vm3, $0x996, v27  }
0x8c: {  	v28 =	vsel vm3, $0x997, v28;
	v29 =	vsel vm3, $0x998, v29;
	v30 =	vsel vm3, $0x999, v30  }
0x8d: {  	v31 =	vsel vm3, $0x99A, v31;
	v32 =	vsel vm3, $0x99B, v32;
	v33 =	vsel vm3, $0x99C, v33  }
0x8e: {  	v34 =	vsel vm3, $0x99D, v34;
	v35 =	vsel vm3, $0x99E, v35;
	v36 =	vsel vm3, $0x99F, v36  }
0x8f: {  	v4 =	vsel vm2, $0xA00, v4;
	v7 =	vsel vm2, $0xA01, v5;
	v8 =	vsel vm2, $0xA03, v8  }
0x90: {  	v9 =	vsel vm2, $0xA04, v9;
	v10 =	vsel vm2, $0xA05, v10;
	v11 =	vsel vm2, $0xA06, v11  }
0x91: {  	v12 =	vsel vm2, $0xA07, v12;
	v13 =	vsel vm2, $0xA08, v13;
	v14 =	vsel vm2, $0xA09, v14  }
0x92: {  	v15 =	vsel vm2, $0xA0A, v15;
	v16 =	vsel vm2, $0xA0B, v16;
	v17 =	vsel vm2, $0xA0C, v17  }
0x93: {  	v18 =	vsel vm2, $0xA0D, v18;
	v19 =	vsel vm2, $0xA0E, v19;
	v20 =	vsel vm2, $0xA0F, v20  }
0x94: {  	v21 =	vsel vm2, $0xA10, v21;
	v22 =	vsel vm2, $0xA11, v22;
	v23 =	vsel vm2, $0xA12, v23  }
0x95: {  	v24 =	vsel vm2, $0xA13, v24;
	v25 =	vsel vm2, $0xA14, v25;
	v26 =	vsel vm2, $0xA15, v26  }
0x96: {  	v27 =	vsel vm2, $0xA16, v27;
	v28 =	vsel vm2, $0xA17, v28;
	v29 =	vsel vm2, $0xA18, v29  }
0x97: {  	v30 =	vsel vm2, $0xA19, v30;
	v31 =	vsel vm2, $0xA1A, v31;
	v32 =	vsel vm2, $0xA1B, v32  }
0x98: {  	v33 =	vsel vm2, $0xA1C, v33;
	v34 =	vsel vm2, $0xA1D, v34;
	v35 =	vsel vm2, $0xA1E, v35  }
0x99: {  	v36 =	vsel vm2, $0xA1F, v36;
	v6 =	vsel vm0, $0xA80, v4;
	v4 =	vor.u32 $0x4000, v0  }
0x9a: {  	v8 =	vsel vm0, $0xA83, v8;
	v9 =	vsel vm0, $0xA84, v9;
	v10 =	vsel vm0, $0xA85, v10  }
0x9b: {  	v11 =	vsel vm0, $0xA86, v11;
	v12 =	vsel vm0, $0xA87, v12;
	v13 =	vsel vm0, $0xA88, v13  }
0x9c: {  	v14 =	vsel vm0, $0xA89, v14;
	v15 =	vsel vm0, $0xA8A, v15;
	v16 =	vsel vm0, $0xA8B, v16  }
0x9d: {  	v17 =	vsel vm0, $0xA8C, v17;
	v18 =	vsel vm0, $0xA8D, v18;
	v19 =	vsel vm0, $0xA8E, v19  }
0x9e: {  	v20 =	vsel vm0, $0xA8F, v20;
	v21 =	vsel vm0, $0xA90, v21;
	v22 =	vsel vm0, $0xA91, v22  }
0x9f: {  	v23 =	vsel vm0, $0xA92, v23;
	v24 =	vsel vm0, $0xA93, v24;
	v25 =	vsel vm0, $0xA94, v25  }
0xa0: {  	v26 =	vsel vm0, $0xA95, v26;
	v27 =	vsel vm0, $0xA96, v27;
	v28 =	vsel vm0, $0xA97, v28  }
0xa1: {  	v29 =	vsel vm0, $0xA98, v29;
	v30 =	vsel vm0, $0xA99, v30;
	v31 =	vsel vm0, $0xA9A, v31  }
0xa2: {  	v32 =	vsel vm0, $0xA9B, v32;
	v33 =	vsel vm0, $0xA9C, v33;
	v34 =	vsel vm0, $0xA9D, v34  }
0xa3: {  	v35 =	vsel vm0, $0xA9E, v35;
	v36 =	vsel vm0, $0xA9F, v36;
	v5 =	vsel vm1, $0xB00, v6  }
0xa4: {  	v6 =	vsel vm0, $0xA81, v7;
	v7 =	vimm.s32 $0xB82;
	v8 =	vsel vm1, $0xB03, v8  }
0xa5: {  	v9 =	vsel vm1, $0xB04, v9;
	v10 =	vsel vm1, $0xB05, v10;
	v7 =	vsel vm14, $0x2, v7  }
0xa6: {  	v11 =	vsel vm1, $0xB06, v11;
	v12 =	vsel vm1, $0xB07, v12;
	v7 =	vsel vm12, $0x82, v7  }
0xa7: {  	v13 =	vsel vm1, $0xB08, v13;
	v14 =	vsel vm1, $0xB09, v14;
	v7 =	vsel vm13, $0x102, v7  }
0xa8: {  	v15 =	vsel vm1, $0xB0A, v15;
	v16 =	vsel vm1, $0xB0B, v16;
	v7 =	vsel vm11, $0x182, v7  }
0xa9: {  	v17 =	vsel vm1, $0xB0C, v17;
	v18 =	vsel vm1, $0xB0D, v18;
	v7 =	vsel vm10, $0x202, v7  }
0xaa: {  	s3 =	rddreg [dreg:$0x1];
	v19 =	vsel vm1, $0xB0E, v19;
	v20 =	vsel vm1, $0xB0F, v20;
	v7 =	vsel vm9, $0x282, v7  }
0xab: {  	s30 =	rddreg [dreg:$0x2];
	s5 =	simm.s32 $0x0;
	v21 =	vsel vm1, $0xB10, v21;
	v22 =	vsel vm1, $0xB11, v22;
	v7 =	vsel vm8, $0x302, v7  }
0xac: {  	s11 =	simm.s32 $0x5;
	s13 =	simm.s32 $0xC3800;
	s14 =	simm.s32 $0xC000;
	v23 =	vsel vm1, $0xB12, v23;
	v24 =	vsel vm1, $0xB13, v24;
	v7 =	vsel vm7, $0x382, v7  }
0xad: {  	s15 =	simm.s32 $0x4000;
	s16 =	simm.s32 $0x8000;
	s17 =	simm.s32 $0x1C000;
	v25 =	vsel vm1, $0xB14, v25;
	v26 =	vsel vm1, $0xB15, v26;
	v7 =	vsel vm6, $0x802, v7  }
0xae: {  	s18 =	simm.s32 $0x1C800;
	s19 =	simm.s32 $0x3;
	s20 =	simm.s32 $0x1D000;
	v27 =	vsel vm1, $0xB16, v27;
	v28 =	vsel vm1, $0xB17, v28;
	v7 =	vsel vm5, $0x882, v7  }
.Ltmp0:
0xaf: {  	s21 =	simm.s32 $0x1D800;
	s22 =	simm.s32 $0x14000;
	v29 =	vsel vm1, $0xB18, v29;
	v30 =	vsel vm1, $0xB19, v30;
	v7 =	vsel vm4, $0x902, v7;
	(pc) =	sbr.rel .LBB2_1-.Ltmp0, $4  }
0xb0: {  	s23 =	simm.s32 $0x0;
	[smem:$0x7FF] =	sst s5;
	s2 =	ssub.s32 $0x2, s6;
	v31 =	vsel vm1, $0xB1A, v31;
	v32 =	vsel vm1, $0xB1B, v32;
	v7 =	vsel vm3, $0x982, v7  }
0xb1: {  	_ =	strace $0x80000047;
	s6 =	sadd.s32 $0xA00, s30;
	s31 =	sshrl.u32 s2, $0x1;
	v33 =	vsel vm1, $0xB1C, v33;
	v34 =	vsel vm1, $0xB1D, v34;
	v7 =	vsel vm2, $0xA02, v7  }
0xb2: {  	s9 =	ssub.s32 $0x62, s9;
	s4 =	sshll.u32 s1, $0xA;
	s0 =	ssub.s32 s2, s31;
	v35 =	vsel vm1, $0xB1E, v35;
	v36 =	vsel vm1, $0xB1F, v36;
	v7 =	vsel vm0, $0xA82, v7  }
0xb3: {  	s8 =	sor.u32 $0x40, s1;
	s7 =	sadd.s32 s3, s4;
	s10 =	smax.u32 s0, $0x1;
	v6 =	vsel vm1, $0xB01, v6;
	vm0 =	vmmov $0xff;
	v7 =	vsel vm1, $0xB02, v7  }
.LBB2_32:
0xb4: {  	s23 =	sadd.s32 $0x1, s23  }
0xb5: {  	p0 =	sne.s32 s23, s10  }
.Ltmp1:
0xb6: {  	_ = 	snop;
	(pc) =	sbr.rel @!p0 .LBB2_33-.Ltmp1, $1  }
0xb7: {  	_ =	sdelay $0x3  }
.LBB2_1:
0xb8: {  	s0 =	rddreg [dreg:$0x0]  }
0xb9: {  	[tilespmem:s5], [sflag:$0x5] =	stream.linear.gather [hbm4b:s0+s5], $0x4000, $0x38;
	[tilespmem:$0x1E100] =	vst v63  }
0xba: {  	_ =	swait.ge [sflag:s11], $0x4000  }
0xbb: {  	[sflag:s11] =	ssyncset.done $0x0  }
0xbc: {  	s29 =	simm.s32 $0x2000;
	s4 =	simm.s32 $0x10;
	[sflag:s11] =	ssyncadd.s32 $0xFFFFC000  }
0xbd: {  	[tilespmem:s14], [sflag:$0x1] =	stream.strided.gather [hbm4b:s7+s29], $0x8000, s13, s29, $0x38;
	[tilespmem:$0x1E100] =	vst v63  }
0xbe: {  	v40 =	vld [tilespmem:s4+$0xFFFFFFF0];
	_ =	sdelay $0x4  }
0xbf: {  	v42 =	vshrl.u32 v40, $0xA  }
0xc0: {  	v42 =	vand.u32 $0x1F, v42  }
0xc1: {  	vm2 =	veq.s32 v42, v1  }
0xc2: {  	v41 =	vld [tilespmem:s4+$0x0];
	v42 =	vsel vm2, $0x1, v3  }
0xc3: {  	(xrf0) =	vadd.scan.msk.s32 $0xffff, v42;
	_ =	sdelay $0x3  }
0xc4: {  	v58 =	vshrl.u32 v41, $0xA  }
0xc5: {  	v42 =	vand.u32 $0x1F, v58  }
0xc6: {  	vm1 =	veq.s32 v42, v1;
	v59, _, _ =	vpop (xrf0)  }
0xc7: {  	v42 =	vsel vm1, $0x1, v3;
	(v2sf) =	vpush v59, $0xF  }
0xc8: {  	(xrf0) =	vadd.scan.msk.s32 $0xffff, v42;
	_ =	sdelay $0x5  }
0xc9: {  	v43, _, _ =	vpop (xrf0)  }
0xca: {  	(v2sf) =	vpush v43, $0xF;
	_ =	sdelay $0x3  }
0xcb: {  	v44 =	vmov s5  }
0xcc: {  	v44 =	vadd.s32 $0xFFFFFFFF, v44  }
0xcd: {  	v44 =	vbroadcast v44, $0x0  }
0xce: {  	s30 =	spop (v2sf)  }
0xcf: {  	v45 =	vand.u32 $0x3F8000, v40;
	v42 =	vadd.s32 v59, v44;
	s0 =	sadd.s32 $0x0, s30  }
0xd0: {  	s2 =	simm.s32 $0x10;
	v46 =	vand.u32 $0x3F8000, v41;
	v60 =	vadd.s32 s5, v45;
	v62 =	vmov s0  }
0xd1: {  	v61 =	vadd.s32 s2, v46;
	v44 =	vshll.u32 v60, $0xA;
	v46 =	vadd.s32 $0xFFFFFFFF, v62  }
0xd2: {  	v40 =	vand.u32 $0x3FF, v40;
	v44 =	vadd.s32 v2, v44;
	v46 =	vbroadcast v46, $0x0  }
0xd3: {  	v40 =	vor.u32 v40, v44  }
0xd4: {  	[tilespmem:v42+s15+$0x0] =	vst.idx.msk vm2, v40;
	v40 =	vadd.s32 v43, v46  }
0xd5: {  	v45 =	vshll.u32 v61, $0xA  }
0xd6: {  	v41 =	vand.u32 $0x3FF, v41;
	v63 =	vadd.s32 v2, v45;
	s31 =	spop (v2sf)  }
0xd7: {  	s24 =	simm.s32 $0x20;
	v41 =	vor.u32 v41, v63;
	s25 =	sadd.s32 s31, s0  }
.LBB2_2:
0xd8: {  	p0 =	seq.s32 s24, $0x3FE0  }
0xd9: {  	[tilespmem:v40+s15+$0x0] =	vst.idx.msk vm1, v41;
	s4 =	sadd.s32 $0x20, s4;
	s0 =	smov.u32 s24;
	s24 =	sadd.s32 $0x20, s24  }
0xda: {  	v40 =	vld [tilespmem:s4+$0xFFFFFFF0]  }
0xdb: {  	v41 =	vld [tilespmem:s4+$0x0];
	_ =	sdelay $0x3  }
0xdc: {  	v42 =	vshrl.u32 v40, $0xA;
	v43 =	vand.u32 $0x3F8000, v40  }
0xdd: {  	v42 =	vand.u32 $0x1F, v42;
	v43 =	vadd.s32 s0, v43;
	v44 =	vshrl.u32 v41, $0xA  }
0xde: {  	vm2 =	veq.s32 v42, v1;
	v42 =	vshll.u32 v43, $0xA;
	v43 =	vand.u32 $0x1F, v44  }
0xdf: {  	s0 =	sadd.s32 $0x10, s0;
	v44 =	vsel vm2, $0x1, v3;
	vm1 =	veq.s32 v43, v1;
	v43 =	vand.u32 $0x3F8000, v41  }
0xe0: {  	v45 =	vsel vm1, $0x1, v3;
	v43 =	vadd.s32 s0, v43;
	(xrf0) =	vadd.scan.msk.s32 $0xffff, v44  }
0xe1: {  	v43 =	vshll.u32 v43, $0xA;
	(xrf0) =	vadd.scan.msk.s32 $0xffff, v45  }
0xe2: {  	v43 =	vadd.s32 v2, v43  }
0xe3: {  	v44 =	vmov s25  }
0xe4: {  	v44 =	vadd.s32 $0xFFFFFFFF, v44  }
0xe5: {  	v44 =	vbroadcast v44, $0x0  }
0xe6: {  	v45, _, _ =	vpop (xrf0)  }
0xe7: {  	v44 =	vadd.s32 v45, v44;
	(v2sf) =	vpush v45, $0xF;
	v45, _, _ =	vpop (xrf0)  }
0xe8: {  	(v2sf) =	vpush v45, $0xF;
	_ =	sdelay $0x1  }
0xe9: {  	v40 =	vand.u32 $0x3FF, v40;
	v42 =	vadd.s32 v2, v42  }
0xea: {  	v40 =	vor.u32 v40, v42  }
0xeb: {  	[tilespmem:v44+s15+$0x0] =	vst.idx.msk vm2, v40;
	_ =	sdelay $0x9  }
0xec: {  	s0 =	spop (v2sf)  }
0xed: {  	s0 =	sadd.s32 s25, s0;
	s2 =	spop (v2sf)  }
0xee: {  	v40 =	vmov s0;
	s25 =	sadd.s32 s2, s0  }
0xef: {  	v40 =	vadd.s32 $0xFFFFFFFF, v40  }
0xf0: {  	v40 =	vbroadcast v40, $0x0;
	_ =	sdelay $0x1  }
.Ltmp2:
0xf1: {  	v40 =	vadd.s32 v45, v40;
	(pc) =	sbr.rel @!p0 .LBB2_2-.Ltmp2, $3  }
0xf2: {  	_ =	sdelay $0x1  }
0xf3: {  	v41 =	vand.u32 $0x3FF, v41  }
0xf4: {  	v41 =	vor.u32 v41, v43  }
0xf5: {  	s0 =	sadd.s32 $0xF, s25  }
0xf6: {  	s2 =	sand.u32 $0xF, s0;
	s4 =	sshra.s32 s0, $0x1F  }
.Ltmp3:
0xf7: {  	p0 =	slt.s32 s0, $0x1;
	p1 =	sne.s32 s2, $0x0;
	(pc) =	sbr.rel .LBB2_4-.Ltmp3, $4  }
0xf8: {  	s31 =	sshrl.u32 s4, $0x1C;
	p0 =	por !p0, !p1  }
0xf9: {  	s2 =	simm.s32 $0x1;
	s0 =	sadd.s32 s31, s0;
	p0 =	por !p0, !p0  }
0xfa: {  	s0 =	sshra.s32 s0, $0x4;
	s2 =	simm.s32 @!p0 $0x0  }
0xfb: {  	[tilespmem:v40+s15+$0x0] =	vst.idx.msk vm1, v41;
	v40 =	vmov s25;
	s25 =	simm.s32 $0x0;
	s24 =	ssub.s32 s0, s2  }
.LBB2_30:
0xfc: {  	_ =	swait.ge [sflag:s19], $0x800  }
0xfd: {  	p0 =	slt.u32 s28, $0x11;
	[sflag:s19] =	ssyncset.done $0x0  }
0xfe: {  	s0 =	simm.s32 @!p0 $0x4;
	[sflag:s19] =	ssyncadd.s32 $0xFFFFF800  }
0xff: {  	_ =	swait.ge @!p0 [sflag:s0], $0x800  }
0x100: {  	[sflag:s0] =	ssyncset.done @!p0 $0x0  }
0x101: {  	[sflag:s0] =	ssyncadd.s32 @!p0 $0xFFFFF800  }
.LBB2_31:
0x102: {  	s25 =	sadd.s32 $0x1, s25  }
0x103: {  	p0 =	sne.s32 s25, $0x3  }
.Ltmp4:
0x104: {  	_ = 	snop;
	(pc) =	sbr.rel @!p0 .LBB2_32-.Ltmp4, $1  }
0x105: {  	_ =	sdelay $0x3  }
.LBB2_4:
0x106: {  	s29 =	sshll.u32 s25, $0x6  }
0x107: {  	s28 =	sor.u32 $0x20, s29  }
0x108: {  	s26 =	sor.u32 s1, s28  }
0x109: {  	p0 =	sgt.u32 s26, $0x61  }
0x10a: {  	p1 =	seq.s32 @!p0 s26, $0x61  }
0x10b: {  	s0 =	sshll.u32 @!p0 s26, $0xA;
	s2 =	simm.s32 @!p0 $0x2000;
	p1 =	por !p1, p0  }
0x10c: {  	s4 =	simm.s32 @!p0 $0xC3800;
	s0 =	simm.s32 @!p1 $0x18300;
	p1 =	sge.u32 s29, s9  }
0x10d: {  	s30 =	simm.s32 @!p0 $0x14000;
	s0 =	sadd.s32 @!p0 s3, s0;
	p2 =	slt.s32 @!p1 s24, $0x1  }
0x10e: {  	[tilespmem:s30], [sflag:$0x2] =	stream.strided.gather @!p0 [hbm4b:s0+s2], $0x8000, s4, s2, $0x38;
	[tilespmem:$0x1E100] =	vst v63  }
0x10f: {  	p2 =	por p1, p2  }
.Ltmp5:
0x110: {  	_ = 	snop;
	(pc) =	sbr.rel @p2 .LBB2_18-.Ltmp5, $4  }
0x111: {  	s0 =	simm.s32 @!p1 $0x1  }
0x112: {  	_ =	swait.ge @!p1 [sflag:s0], $0x8000  }
0x113: {  	[sflag:s0] =	ssyncset.done @!p1 $0x0  }
0x114: {  	[sflag:s0] =	ssyncadd.s32 @!p1 $0xFFFF8000  }
0x115: {  	p2 =	seq.s32 s24, $0x1  }
.Ltmp6:
0x116: {  	_ = 	snop;
	(pc) =	sbr.rel @p2 .LBB2_6-.Ltmp6, $3  }
0x117: {  	_ =	sdelay $0x1  }
0x118: {  	s0 =	sshll.u32 s25, $0x1;
	s31 =	simm.s32 $0x4000  }
0x119: {  	s4 =	simm.s32 $0x0;
	s2 =	sadd.s32 $0xFFFFFFFF, s24;
	p1 =	por $0x0, $0x0;
	v42 =	vmov s0;
	v41 =	vld [tilespmem:s31+$0x0]  }
0x11a: {  	_ =	sdelay $0x3  }
0x11b: {  	v43 =	vor.u32 s4, v0;
	v44 =	vshrl.u32 v41, $0x19  }
0x11c: {  	vm1 =	vlt.s32 v43, v40;
	vm2 =	veq.s32 v44, v42  }
0x11d: {  	vm1 =	vmand vm1, vm2  }
0x11e: {  	v61 =	vsel vm1, $0x1, v3  }
0x11f: {  	(xrf0) =	vadd.scan.msk.s32 $0xffff, v61;
	_ =	sdelay $0x2  }
0x120: {  	v62 =	vmov s4  }
0x121: {  	v43 =	vadd.s32 $0xFFFFFFFF, v62  }
0x122: {  	v43 =	vbroadcast v43, $0x0  }
0x123: {  	v63, _, _ =	vpop (xrf0)  }
0x124: {  	v43 =	vadd.s32 v63, v43;
	(v2sf) =	vpush v63, $0xF  }
0x125: {  	p2 =	seq.s32 s2, $0x1  }
.Ltmp7:
0x126: {  	_ = 	snop;
	(pc) =	sbr.rel @p2 .LBB2_12-.Ltmp7, $3  }
0x127: {  	_ =	sdelay $0x1  }
0x128: {  	s0 =	simm.s32 $0x4010;
	s2 =	sadd.s32 $0xFFFFFFFF, s2;
	[tilespmem:v43+s16+$0x0] =	vst.idx.msk vm1, v41  }
0x129: {  	p1 =	por $0x1, $0x1;
	s31 =	simm.s32 $0x0;
	s30 =	simm.s32 $0x0;
	v41 =	vld [tilespmem:s0+$0x0]  }
.LBB2_13:
0x12a: {  	p2 =	seq.s32 s2, $0x1;
	_ =	sdelay $0x2  }
0x12b: {  	s31 =	sadd.s32 $0x10, s31  }
0x12c: {  	v43 =	vor.u32 s31, v0;
	v44 =	vshrl.u32 v41, $0x19  }
0x12d: {  	vm1 =	vlt.s32 v43, v40;
	vm2 =	veq.s32 v44, v42  }
0x12e: {  	vm1 =	vmand vm1, vm2  }
0x12f: {  	v43 =	vsel vm1, $0x1, v3  }
0x130: {  	(xrf0) =	vadd.scan.msk.s32 $0xffff, v43;
	s12 =	spop (v2sf)  }
0x131: {  	s30 =	sadd.s32 s30, s12  }
0x132: {  	v43 =	vmov s30  }
0x133: {  	v43 =	vadd.s32 $0xFFFFFFFF, v43  }
0x134: {  	v43 =	vbroadcast v43, $0x0;
	_ =	sdelay $0x1  }
0x135: {  	v44, _, _ =	vpop (xrf0)  }
0x136: {  	v43 =	vadd.s32 v44, v43;
	(v2sf) =	vpush v44, $0xF;
	_ =	sdelay $0x1  }
.Ltmp8:
0x137: {  	(pc) =	sbr.rel @!p2 .LBB2_13-.Ltmp8, $3  }
0x138: {  	_ =	sdelay $0x1  }
0x139: {  	s0 =	sadd.s32 $0x10, s0;
	[tilespmem:v43+s16+$0x0] =	vst.idx.msk vm1, v41  }
0x13a: {  	s2 =	sadd.s32 $0xFFFFFFFF, s2;
	v41 =	vld [tilespmem:s0+$0x0]  }
.LBB2_14:
0x13b: {  	_ =	sdelay $0x1  }
0x13c: {  	s0 =	sadd.s32 @p1 $0x10, s31;
	s2 =	simm.s32 $0x0  }
0x13d: {  	s2 =	smov.u32 @p1 s0  }
0x13e: {  	v43 =	vor.u32 s2, v0;
	v44 =	vshrl.u32 v41, $0x19  }
0x13f: {  	vm1 =	vlt.s32 v43, v40;
	vm2 =	veq.s32 v44, v42  }
0x140: {  	vm1 =	vmand vm1, vm2  }
0x141: {  	v62 =	vsel vm1, $0x1, v3  }
0x142: {  	(xrf0) =	vadd.scan.msk.s32 $0xffff, v62;
	_ =	sdelay $0x5  }
0x143: {  	v42, _, _ =	vpop (xrf0)  }
0x144: {  	(v2sf) =	vpush v42, $0xF;
	_ =	sdelay $0x3  }
0x145: {  	s0 =	spop @p1 (v2sf)  }
0x146: {  	s0 =	sadd.s32 @p1 s30, s0  }
0x147: {  	s4 =	smov.u32 @p1 s0  }
0x148: {  	v63 =	vmov s4  }
0x149: {  	v43 =	vadd.s32 $0xFFFFFFFF, v63  }
0x14a: {  	v43 =	vbroadcast v43, $0x0;
	_ =	sdelay $0x1  }
0x14b: {  	v42 =	vadd.s32 v42, v43;
	_ =	sdelay $0x3  }
0x14c: {  	s31 =	spop (v2sf)  }
0x14d: {  	[tilespmem:v42+s16+$0x0] =	vst.idx.msk vm1, v41;
	s30 =	sadd.s32 s4, s31  }
0x14e: {  	p1 =	slt.s32 s30, $0x1  }
.Ltmp9:
0x14f: {  	_ = 	snop;
	(pc) =	sbr.rel @p1 .LBB2_18-.Ltmp9, $1  }
0x150: {  	_ =	sdelay $0x3  }
.Ltmp10:
0x151: {  	(pc) =	sbr.rel .LBB2_9-.Ltmp10, $2  }
0x152: {  	_ =	sdelay $0x2  }
0x153: {  	v41 =	vmov s30;
	s31 =	simm.s32 $0x0;
	s4 =	simm.s32 $0x8000  }
.LBB2_15:
0x154: {  	s0 =	simm.s32 @!p1 $0x4  }
0x155: {  	_ =	swait.ge @!p1 [sflag:s0], $0x800  }
0x156: {  	[sflag:s0] =	ssyncset.done @!p1 $0x0  }
0x157: {  	[sflag:s0] =	ssyncadd.s32 @!p1 $0xFFFFF800  }
0x158: {  	v42 =	vld [tilespmem:s4+$0x0];
	_ =	sdelay $0x3  }
0x159: {  	v43 =	vor.u32 s31, v0  }
0x15a: {  	vm1 =	vlt.s32 v43, v41;
	v50 =	vand.u32 $0x3FF, v42  }
0x15b: {  	v43 =	vnsel vm1, $0x0, v50  }
0x15c: {  	v44 =	vshll.u32 v43, $0x3  }
0x15d: {  	v45 =	vand.u32 $0x7F, v43;
	v44 =	vand.u32 $0x1C00, v44  }
0x15e: {  	v45 =	vor.u32 v45, v44  }
0x15f: {  	v42 =	vshrl.u32 v42, $0xA  }
0x160: {  	v42 =	vand.u32 $0x7FFF, v42  }
0x161: {  	v42 =	vsel vm1, v42, v4  }
0x162: {  	[tilespmem:$0x1E080] =	vst v42  }
0x163: {  	v42 =	vld.idx.msk [tilespmem:v45+s14+$0x0], $0xffff  }
0x164: {  	v46 =	vor.u32 $0x80, v45;
	_ =	sdelay $0x3  }
0x165: {  	[tilespmem:v5+s20+$0x0] =	vst.idx.msk $0xffff, v42  }
0x166: {  	v42 =	vld.idx.msk [tilespmem:v46+s14+$0x0], $0xffff  }
0x167: {  	v51 =	vor.u32 $0x100, v45;
	_ =	sdelay $0x3  }
0x168: {  	[tilespmem:v6+s20+$0x0] =	vst.idx.msk $0xffff, v42  }
0x169: {  	v42 =	vld.idx.msk [tilespmem:v51+s14+$0x0], $0xffff  }
0x16a: {  	v52 =	vor.u32 $0x180, v45;
	_ =	sdelay $0x3  }
0x16b: {  	[tilespmem:v7+s20+$0x0] =	vst.idx.msk $0xffff, v42  }
0x16c: {  	v42 =	vld.idx.msk [tilespmem:v52+s14+$0x0], $0xffff  }
0x16d: {  	v53 =	vor.u32 $0x200, v45;
	_ =	sdelay $0x3  }
0x16e: {  	[tilespmem:v8+s20+$0x0] =	vst.idx.msk $0xffff, v42  }
0x16f: {  	v42 =	vld.idx.msk [tilespmem:v53+s14+$0x0], $0xffff  }
0x170: {  	v54 =	vor.u32 $0x280, v45;
	_ =	sdelay $0x3  }
0x171: {  	[tilespmem:v9+s20+$0x0] =	vst.idx.msk $0xffff, v42  }
0x172: {  	v42 =	vld.idx.msk [tilespmem:v54+s14+$0x0], $0xffff  }
0x173: {  	v55 =	vor.u32 $0x300, v45;
	_ =	sdelay $0x3  }
0x174: {  	[tilespmem:v10+s20+$0x0] =	vst.idx.msk $0xffff, v42  }
0x175: {  	v43 =	vor.u32 v43, v44;
	v42 =	vld.idx.msk [tilespmem:v55+s14+$0x0], $0xffff  }
0x176: {  	v44 =	vor.u32 $0x380, v43;
	_ =	sdelay $0x3  }
0x177: {  	[tilespmem:v11+s20+$0x0] =	vst.idx.msk $0xffff, v42  }
0x178: {  	v42 =	vld.idx.msk [tilespmem:v44+s14+$0x0], $0xffff  }
0x179: {  	v56 =	vor.u32 $0x2000, v45;
	_ =	sdelay $0x3  }
0x17a: {  	[tilespmem:v12+s20+$0x0] =	vst.idx.msk $0xffff, v42  }
0x17b: {  	v42 =	vld.idx.msk [tilespmem:v56+s14+$0x0], $0xffff  }
0x17c: {  	v57 =	vor.u32 $0x2080, v45;
	_ =	sdelay $0x3  }
0x17d: {  	[tilespmem:v13+s20+$0x0] =	vst.idx.msk $0xffff, v42  }
0x17e: {  	v42 =	vld.idx.msk [tilespmem:v57+s14+$0x0], $0xffff  }
0x17f: {  	v58 =	vor.u32 $0x2100, v45;
	_ =	sdelay $0x3  }
0x180: {  	[tilespmem:v14+s20+$0x0] =	vst.idx.msk $0xffff, v42  }
0x181: {  	v42 =	vld.idx.msk [tilespmem:v58+s14+$0x0], $0xffff  }
0x182: {  	v59 =	vor.u32 $0x2180, v45;
	_ =	sdelay $0x3  }
0x183: {  	[tilespmem:v15+s20+$0x0] =	vst.idx.msk $0xffff, v42  }
0x184: {  	v42 =	vld.idx.msk [tilespmem:v59+s14+$0x0], $0xffff  }
0x185: {  	v60 =	vor.u32 $0x2200, v45;
	_ =	sdelay $0x3  }
0x186: {  	[tilespmem:v16+s20+$0x0] =	vst.idx.msk $0xffff, v42  }
0x187: {  	v42 =	vld.idx.msk [tilespmem:v60+s14+$0x0], $0xffff  }
0x188: {  	v61 =	vor.u32 $0x2280, v45;
	_ =	sdelay $0x3  }
0x189: {  	[tilespmem:v17+s20+$0x0] =	vst.idx.msk $0xffff, v42  }
0x18a: {  	v42 =	vld.idx.msk [tilespmem:v61+s14+$0x0], $0xffff  }
0x18b: {  	v62 =	vor.u32 $0x2300, v45;
	_ =	sdelay $0x3  }
0x18c: {  	[tilespmem:v18+s20+$0x0] =	vst.idx.msk $0xffff, v42  }
0x18d: {  	v42 =	vld.idx.msk [tilespmem:v62+s14+$0x0], $0xffff  }
0x18e: {  	v63 =	vor.u32 $0x2380, v43;
	_ =	sdelay $0x3  }
0x18f: {  	[tilespmem:v19+s20+$0x0] =	vst.idx.msk $0xffff, v42  }
0x190: {  	v42 =	vld.idx.msk [tilespmem:v63+s14+$0x0], $0xffff  }
0x191: {  	v48 =	vor.u32 $0x4000, v45;
	_ =	sdelay $0x3  }
0x192: {  	[tilespmem:v20+s20+$0x0] =	vst.idx.msk $0xffff, v42  }
0x193: {  	v42 =	vld.idx.msk [tilespmem:v48+s14+$0x0], $0xffff  }
0x194: {  	v49 =	vor.u32 $0x4080, v45;
	_ =	sdelay $0x3  }
0x195: {  	[tilespmem:v21+s20+$0x0] =	vst.idx.msk $0xffff, v42  }
0x196: {  	v42 =	vld.idx.msk [tilespmem:v49+s14+$0x0], $0xffff  }
0x197: {  	v50 =	vor.u32 $0x4100, v45;
	_ =	sdelay $0x3  }
0x198: {  	[tilespmem:v22+s20+$0x0] =	vst.idx.msk $0xffff, v42  }
0x199: {  	v42 =	vld.idx.msk [tilespmem:v50+s14+$0x0], $0xffff  }
0x19a: {  	v51 =	vor.u32 $0x4180, v45;
	_ =	sdelay $0x3  }
0x19b: {  	[tilespmem:v23+s20+$0x0] =	vst.idx.msk $0xffff, v42  }
0x19c: {  	v42 =	vld.idx.msk [tilespmem:v51+s14+$0x0], $0xffff  }
0x19d: {  	v52 =	vor.u32 $0x4200, v45;
	_ =	sdelay $0x3  }
0x19e: {  	[tilespmem:v24+s20+$0x0] =	vst.idx.msk $0xffff, v42  }
0x19f: {  	v42 =	vld.idx.msk [tilespmem:v52+s14+$0x0], $0xffff  }
0x1a0: {  	v53 =	vor.u32 $0x4280, v45;
	_ =	sdelay $0x3  }
0x1a1: {  	[tilespmem:v25+s20+$0x0] =	vst.idx.msk $0xffff, v42  }
0x1a2: {  	v42 =	vld.idx.msk [tilespmem:v53+s14+$0x0], $0xffff  }
0x1a3: {  	v54 =	vor.u32 $0x4300, v45;
	_ =	sdelay $0x3  }
0x1a4: {  	[tilespmem:v26+s20+$0x0] =	vst.idx.msk $0xffff, v42  }
0x1a5: {  	v42 =	vld.idx.msk [tilespmem:v54+s14+$0x0], $0xffff  }
0x1a6: {  	v55 =	vor.u32 $0x4380, v43;
	_ =	sdelay $0x3  }
0x1a7: {  	[tilespmem:v27+s20+$0x0] =	vst.idx.msk $0xffff, v42  }
0x1a8: {  	v42 =	vld.idx.msk [tilespmem:v55+s14+$0x0], $0xffff  }
0x1a9: {  	v56 =	vor.u32 $0x6000, v45;
	_ =	sdelay $0x3  }
0x1aa: {  	[tilespmem:v28+s20+$0x0] =	vst.idx.msk $0xffff, v42  }
0x1ab: {  	v42 =	vld.idx.msk [tilespmem:v56+s14+$0x0], $0xffff  }
0x1ac: {  	v57 =	vor.u32 $0x6080, v45;
	_ =	sdelay $0x3  }
0x1ad: {  	[tilespmem:v29+s20+$0x0] =	vst.idx.msk $0xffff, v42  }
0x1ae: {  	v42 =	vld.idx.msk [tilespmem:v57+s14+$0x0], $0xffff  }
0x1af: {  	v58 =	vor.u32 $0x6100, v45;
	_ =	sdelay $0x3  }
0x1b0: {  	[tilespmem:v30+s20+$0x0] =	vst.idx.msk $0xffff, v42  }
0x1b1: {  	v42 =	vld.idx.msk [tilespmem:v58+s14+$0x0], $0xffff  }
0x1b2: {  	v59 =	vor.u32 $0x6180, v45;
	_ =	sdelay $0x3  }
0x1b3: {  	[tilespmem:v31+s20+$0x0] =	vst.idx.msk $0xffff, v42  }
0x1b4: {  	v42 =	vld.idx.msk [tilespmem:v59+s14+$0x0], $0xffff  }
0x1b5: {  	v60 =	vor.u32 $0x6200, v45;
	_ =	sdelay $0x3  }
0x1b6: {  	[tilespmem:v32+s20+$0x0] =	vst.idx.msk $0xffff, v42  }
0x1b7: {  	v42 =	vld.idx.msk [tilespmem:v60+s14+$0x0], $0xffff  }
0x1b8: {  	v61 =	vor.u32 $0x6280, v45;
	_ =	sdelay $0x3  }
0x1b9: {  	[tilespmem:v33+s20+$0x0] =	vst.idx.msk $0xffff, v42  }
0x1ba: {  	v42 =	vld.idx.msk [tilespmem:v61+s14+$0x0], $0xffff  }
0x1bb: {  	v62 =	vor.u32 $0x6300, v45;
	_ =	sdelay $0x3  }
0x1bc: {  	[tilespmem:v34+s20+$0x0] =	vst.idx.msk $0xffff, v42  }
0x1bd: {  	v42 =	vld.idx.msk [tilespmem:v62+s14+$0x0], $0xffff  }
0x1be: {  	v43 =	vor.u32 $0x6380, v43;
	_ =	sdelay $0x3  }
0x1bf: {  	[tilespmem:v35+s20+$0x0] =	vst.idx.msk $0xffff, v42  }
0x1c0: {  	v42 =	vld.idx.msk [tilespmem:v43+s14+$0x0], $0xffff;
	_ =	sdelay $0x4  }
0x1c1: {  	[tilespmem:v36+s20+$0x0] =	vst.idx.msk $0xffff, v42  }
0x1c2: {  	v42 =	vld [tilespmem:$0x1E080];
	_ =	sdelay $0x4  }
0x1c3: {  	v63 =	vperm.xlane v42, v37;
	_ =	sdelay $0x1  }
0x1c4: {  	v42 =	vperm.xlane v42, v39;
	v43 =	vadd.s32 v38, v63;
	_ =	sdelay $0x1  }
0x1c5: {  	v42 =	vadd.s32 v38, v42;
	_ =	sdelay $0x2  }
0x1c6: {  	[hbm4b:s6+s5] =	stream.indirect_vreg.scatter [tilespmem:s20], [sflag:$0x4], $0x80, v43, vm0, $0xb8;
	[tilespmem:$0x1E100] =	vst v63  }
0x1c7: {  	_ = 	snop  }
0x1c8: {  	[hbm4b:s6+s5] =	stream.indirect_vreg.scatter [tilespmem:s21], [sflag:$0x4], $0x80, v42, vm0, $0xb8;
	[tilespmem:$0x1E100] =	vst v63  }
.LBB2_16:
0x1c9: {  	s31 =	sadd.s32 $0x10, s31  }
0x1ca: {  	p1 =	slt.s32 s31, s30  }
.Ltmp11:
0x1cb: {  	_ = 	snop;
	(pc) =	sbr.rel @!p1 .LBB2_17-.Ltmp11, $2  }
0x1cc: {  	_ =	sdelay $0x2  }
0x1cd: {  	s4 =	sadd.s32 $0x10, s4  }
.LBB2_9:
0x1ce: {  	s0 =	sand.u32 $0x10, s31  }
0x1cf: {  	p2 =	sne.s32 s0, $0x0  }
.Ltmp12:
0x1d0: {  	_ = 	snop;
	(pc) =	sbr.rel @p2 .LBB2_15-.Ltmp12, $2  }
0x1d1: {  	_ =	sdelay $0x2  }
0x1d2: {  	p1 =	slt.s32 s31, $0x20  }
0x1d3: {  	s0 =	simm.s32 @!p1 $0x3  }
0x1d4: {  	_ =	swait.ge @!p1 [sflag:s0], $0x800  }
0x1d5: {  	[sflag:s0] =	ssyncset.done @!p1 $0x0  }
0x1d6: {  	[sflag:s0] =	ssyncadd.s32 @!p1 $0xFFFFF800  }
0x1d7: {  	v42 =	vld [tilespmem:s4+$0x0];
	_ =	sdelay $0x3  }
0x1d8: {  	v43 =	vor.u32 s31, v0  }
0x1d9: {  	vm1 =	vlt.s32 v43, v41;
	v50 =	vand.u32 $0x3FF, v42  }
0x1da: {  	v43 =	vnsel vm1, $0x0, v50  }
0x1db: {  	v44 =	vshll.u32 v43, $0x3  }
0x1dc: {  	v45 =	vand.u32 $0x7F, v43;
	v44 =	vand.u32 $0x1C00, v44  }
0x1dd: {  	v45 =	vor.u32 v45, v44  }
0x1de: {  	v42 =	vshrl.u32 v42, $0xA  }
0x1df: {  	v42 =	vand.u32 $0x7FFF, v42  }
0x1e0: {  	v42 =	vsel vm1, v42, v4  }
0x1e1: {  	[tilespmem:$0x1E000] =	vst v42  }
0x1e2: {  	v42 =	vld.idx.msk [tilespmem:v45+s14+$0x0], $0xffff  }
0x1e3: {  	v46 =	vor.u32 $0x80, v45;
	_ =	sdelay $0x3  }
0x1e4: {  	[tilespmem:v5+s17+$0x0] =	vst.idx.msk $0xffff, v42  }
0x1e5: {  	v42 =	vld.idx.msk [tilespmem:v46+s14+$0x0], $0xffff  }
0x1e6: {  	v51 =	vor.u32 $0x100, v45;
	_ =	sdelay $0x3  }
0x1e7: {  	[tilespmem:v6+s17+$0x0] =	vst.idx.msk $0xffff, v42  }
0x1e8: {  	v42 =	vld.idx.msk [tilespmem:v51+s14+$0x0], $0xffff  }
0x1e9: {  	v52 =	vor.u32 $0x180, v45;
	_ =	sdelay $0x3  }
0x1ea: {  	[tilespmem:v7+s17+$0x0] =	vst.idx.msk $0xffff, v42  }
0x1eb: {  	v42 =	vld.idx.msk [tilespmem:v52+s14+$0x0], $0xffff  }
0x1ec: {  	v53 =	vor.u32 $0x200, v45;
	_ =	sdelay $0x3  }
0x1ed: {  	[tilespmem:v8+s17+$0x0] =	vst.idx.msk $0xffff, v42  }
0x1ee: {  	v42 =	vld.idx.msk [tilespmem:v53+s14+$0x0], $0xffff  }
0x1ef: {  	v54 =	vor.u32 $0x280, v45;
	_ =	sdelay $0x3  }
0x1f0: {  	[tilespmem:v9+s17+$0x0] =	vst.idx.msk $0xffff, v42  }
0x1f1: {  	v42 =	vld.idx.msk [tilespmem:v54+s14+$0x0], $0xffff  }
0x1f2: {  	v55 =	vor.u32 $0x300, v45;
	_ =	sdelay $0x3  }
0x1f3: {  	[tilespmem:v10+s17+$0x0] =	vst.idx.msk $0xffff, v42  }
0x1f4: {  	v43 =	vor.u32 v43, v44;
	v42 =	vld.idx.msk [tilespmem:v55+s14+$0x0], $0xffff  }
0x1f5: {  	v44 =	vor.u32 $0x380, v43;
	_ =	sdelay $0x3  }
0x1f6: {  	[tilespmem:v11+s17+$0x0] =	vst.idx.msk $0xffff, v42  }
0x1f7: {  	v42 =	vld.idx.msk [tilespmem:v44+s14+$0x0], $0xffff  }
0x1f8: {  	v56 =	vor.u32 $0x2000, v45;
	_ =	sdelay $0x3  }
0x1f9: {  	[tilespmem:v12+s17+$0x0] =	vst.idx.msk $0xffff, v42  }
0x1fa: {  	v42 =	vld.idx.msk [tilespmem:v56+s14+$0x0], $0xffff  }
0x1fb: {  	v57 =	vor.u32 $0x2080, v45;
	_ =	sdelay $0x3  }
0x1fc: {  	[tilespmem:v13+s17+$0x0] =	vst.idx.msk $0xffff, v42  }
0x1fd: {  	v42 =	vld.idx.msk [tilespmem:v57+s14+$0x0], $0xffff  }
0x1fe: {  	v58 =	vor.u32 $0x2100, v45;
	_ =	sdelay $0x3  }
0x1ff: {  	[tilespmem:v14+s17+$0x0] =	vst.idx.msk $0xffff, v42  }
0x200: {  	v42 =	vld.idx.msk [tilespmem:v58+s14+$0x0], $0xffff  }
0x201: {  	v59 =	vor.u32 $0x2180, v45;
	_ =	sdelay $0x3  }
0x202: {  	[tilespmem:v15+s17+$0x0] =	vst.idx.msk $0xffff, v42  }
0x203: {  	v42 =	vld.idx.msk [tilespmem:v59+s14+$0x0], $0xffff  }
0x204: {  	v60 =	vor.u32 $0x2200, v45;
	_ =	sdelay $0x3  }
0x205: {  	[tilespmem:v16+s17+$0x0] =	vst.idx.msk $0xffff, v42  }
0x206: {  	v42 =	vld.idx.msk [tilespmem:v60+s14+$0x0], $0xffff  }
0x207: {  	v61 =	vor.u32 $0x2280, v45;
	_ =	sdelay $0x3  }
0x208: {  	[tilespmem:v17+s17+$0x0] =	vst.idx.msk $0xffff, v42  }
0x209: {  	v42 =	vld.idx.msk [tilespmem:v61+s14+$0x0], $0xffff  }
0x20a: {  	v62 =	vor.u32 $0x2300, v45;
	_ =	sdelay $0x3  }
0x20b: {  	[tilespmem:v18+s17+$0x0] =	vst.idx.msk $0xffff, v42  }
0x20c: {  	v42 =	vld.idx.msk [tilespmem:v62+s14+$0x0], $0xffff  }
0x20d: {  	v63 =	vor.u32 $0x2380, v43;
	_ =	sdelay $0x3  }
0x20e: {  	[tilespmem:v19+s17+$0x0] =	vst.idx.msk $0xffff, v42  }
0x20f: {  	v42 =	vld.idx.msk [tilespmem:v63+s14+$0x0], $0xffff  }
0x210: {  	v48 =	vor.u32 $0x4000, v45;
	_ =	sdelay $0x3  }
0x211: {  	[tilespmem:v20+s17+$0x0] =	vst.idx.msk $0xffff, v42  }
0x212: {  	v42 =	vld.idx.msk [tilespmem:v48+s14+$0x0], $0xffff  }
0x213: {  	v49 =	vor.u32 $0x4080, v45;
	_ =	sdelay $0x3  }
0x214: {  	[tilespmem:v21+s17+$0x0] =	vst.idx.msk $0xffff, v42  }
0x215: {  	v42 =	vld.idx.msk [tilespmem:v49+s14+$0x0], $0xffff  }
0x216: {  	v50 =	vor.u32 $0x4100, v45;
	_ =	sdelay $0x3  }
0x217: {  	[tilespmem:v22+s17+$0x0] =	vst.idx.msk $0xffff, v42  }
0x218: {  	v42 =	vld.idx.msk [tilespmem:v50+s14+$0x0], $0xffff  }
0x219: {  	v51 =	vor.u32 $0x4180, v45;
	_ =	sdelay $0x3  }
0x21a: {  	[tilespmem:v23+s17+$0x0] =	vst.idx.msk $0xffff, v42  }
0x21b: {  	v42 =	vld.idx.msk [tilespmem:v51+s14+$0x0], $0xffff  }
0x21c: {  	v52 =	vor.u32 $0x4200, v45;
	_ =	sdelay $0x3  }
0x21d: {  	[tilespmem:v24+s17+$0x0] =	vst.idx.msk $0xffff, v42  }
0x21e: {  	v42 =	vld.idx.msk [tilespmem:v52+s14+$0x0], $0xffff  }
0x21f: {  	v53 =	vor.u32 $0x4280, v45;
	_ =	sdelay $0x3  }
0x220: {  	[tilespmem:v25+s17+$0x0] =	vst.idx.msk $0xffff, v42  }
0x221: {  	v42 =	vld.idx.msk [tilespmem:v53+s14+$0x0], $0xffff  }
0x222: {  	v54 =	vor.u32 $0x4300, v45;
	_ =	sdelay $0x3  }
0x223: {  	[tilespmem:v26+s17+$0x0] =	vst.idx.msk $0xffff, v42  }
0x224: {  	v42 =	vld.idx.msk [tilespmem:v54+s14+$0x0], $0xffff  }
0x225: {  	v55 =	vor.u32 $0x4380, v43;
	_ =	sdelay $0x3  }
0x226: {  	[tilespmem:v27+s17+$0x0] =	vst.idx.msk $0xffff, v42  }
0x227: {  	v42 =	vld.idx.msk [tilespmem:v55+s14+$0x0], $0xffff  }
0x228: {  	v56 =	vor.u32 $0x6000, v45;
	_ =	sdelay $0x3  }
0x229: {  	[tilespmem:v28+s17+$0x0] =	vst.idx.msk $0xffff, v42  }
0x22a: {  	v42 =	vld.idx.msk [tilespmem:v56+s14+$0x0], $0xffff  }
0x22b: {  	v57 =	vor.u32 $0x6080, v45;
	_ =	sdelay $0x3  }
0x22c: {  	[tilespmem:v29+s17+$0x0] =	vst.idx.msk $0xffff, v42  }
0x22d: {  	v42 =	vld.idx.msk [tilespmem:v57+s14+$0x0], $0xffff  }
0x22e: {  	v58 =	vor.u32 $0x6100, v45;
	_ =	sdelay $0x3  }
0x22f: {  	[tilespmem:v30+s17+$0x0] =	vst.idx.msk $0xffff, v42  }
0x230: {  	v42 =	vld.idx.msk [tilespmem:v58+s14+$0x0], $0xffff  }
0x231: {  	v59 =	vor.u32 $0x6180, v45;
	_ =	sdelay $0x3  }
0x232: {  	[tilespmem:v31+s17+$0x0] =	vst.idx.msk $0xffff, v42  }
0x233: {  	v42 =	vld.idx.msk [tilespmem:v59+s14+$0x0], $0xffff  }
0x234: {  	v60 =	vor.u32 $0x6200, v45;
	_ =	sdelay $0x3  }
0x235: {  	[tilespmem:v32+s17+$0x0] =	vst.idx.msk $0xffff, v42  }
0x236: {  	v42 =	vld.idx.msk [tilespmem:v60+s14+$0x0], $0xffff  }
0x237: {  	v61 =	vor.u32 $0x6280, v45;
	_ =	sdelay $0x3  }
0x238: {  	[tilespmem:v33+s17+$0x0] =	vst.idx.msk $0xffff, v42  }
0x239: {  	v42 =	vld.idx.msk [tilespmem:v61+s14+$0x0], $0xffff  }
0x23a: {  	v62 =	vor.u32 $0x6300, v45;
	_ =	sdelay $0x3  }
0x23b: {  	[tilespmem:v34+s17+$0x0] =	vst.idx.msk $0xffff, v42  }
0x23c: {  	v42 =	vld.idx.msk [tilespmem:v62+s14+$0x0], $0xffff  }
0x23d: {  	v43 =	vor.u32 $0x6380, v43;
	_ =	sdelay $0x3  }
0x23e: {  	[tilespmem:v35+s17+$0x0] =	vst.idx.msk $0xffff, v42  }
0x23f: {  	v42 =	vld.idx.msk [tilespmem:v43+s14+$0x0], $0xffff;
	_ =	sdelay $0x4  }
0x240: {  	[tilespmem:v36+s17+$0x0] =	vst.idx.msk $0xffff, v42  }
0x241: {  	v42 =	vld [tilespmem:$0x1E000];
	_ =	sdelay $0x4  }
0x242: {  	v63 =	vperm.xlane v42, v37;
	_ =	sdelay $0x1  }
0x243: {  	v42 =	vperm.xlane v42, v39;
	v43 =	vadd.s32 v38, v63;
	_ =	sdelay $0x1  }
0x244: {  	v42 =	vadd.s32 v38, v42  }
.Ltmp13:
0x245: {  	_ = 	snop;
	(pc) =	sbr.rel .LBB2_16-.Ltmp13, $4  }
0x246: {  	_ = 	snop  }
0x247: {  	[hbm4b:s6+s5] =	stream.indirect_vreg.scatter [tilespmem:s17], [sflag:$0x3], $0x80, v43, vm0, $0xb8;
	[tilespmem:$0x1E100] =	vst v63  }
0x248: {  	_ = 	snop  }
0x249: {  	[hbm4b:s6+s5] =	stream.indirect_vreg.scatter [tilespmem:s18], [sflag:$0x3], $0x80, v42, vm0, $0xb8;
	[tilespmem:$0x1E100] =	vst v63  }
.LBB2_17:
0x24a: {  	_ =	swait.ge [sflag:s19], $0x800  }
0x24b: {  	p1 =	slt.u32 s30, $0x11;
	[sflag:s19] =	ssyncset.done $0x0  }
0x24c: {  	s0 =	simm.s32 @!p1 $0x4;
	[sflag:s19] =	ssyncadd.s32 $0xFFFFF800  }
0x24d: {  	_ =	swait.ge @!p1 [sflag:s0], $0x800  }
0x24e: {  	[sflag:s0] =	ssyncset.done @!p1 $0x0  }
0x24f: {  	[sflag:s0] =	ssyncadd.s32 @!p1 $0xFFFFF800  }
.LBB2_18:
0x250: {  	s0 =	sadd.s32 s8, s29  }
0x251: {  	p1 =	sgt.u32 s0, $0x61  }
0x252: {  	s0 =	sshll.u32 @!p1 s0, $0xA;
	s2 =	simm.s32 @!p1 $0x2000  }
0x253: {  	s4 =	simm.s32 @!p1 $0xC3800;
	s12 =	simm.s32 @!p1 $0xC000;
	s0 =	sadd.s32 @!p1 s3, s0  }
0x254: {  	[tilespmem:s12], [sflag:$0x1] =	stream.strided.gather @!p1 [hbm4b:s0+s2], $0x8000, s4, s2, $0x38;
	[tilespmem:$0x1E100] =	vst v63  }
0x255: {  	p1 =	slt.s32 @!p0 s24, $0x1  }
0x256: {  	p1 =	por p0, p1  }
.Ltmp14:
0x257: {  	_ = 	snop;
	(pc) =	sbr.rel @p1 .LBB2_31-.Ltmp14, $4  }
0x258: {  	s0 =	simm.s32 @!p0 $0x2  }
0x259: {  	_ =	swait.ge @!p0 [sflag:s0], $0x8000  }
0x25a: {  	[sflag:s0] =	ssyncset.done @!p0 $0x0  }
0x25b: {  	[sflag:s0] =	ssyncadd.s32 @!p0 $0xFFFF8000  }
0x25c: {  	p1 =	sne.s32 s24, $0x1  }
.Ltmp15:
0x25d: {  	_ = 	snop;
	(pc) =	sbr.rel @!p1 .LBB2_20-.Ltmp15, $3  }
0x25e: {  	_ =	sdelay $0x1  }
0x25f: {  	s0 =	sshrl.u32 s28, $0x5;
	s2 =	simm.s32 $0x4000  }
0x260: {  	s4 =	simm.s32 $0x0;
	p0 =	por $0x0, $0x0;
	v42 =	vmov s0;
	v41 =	vld [tilespmem:s2+$0x0];
	s2 =	sadd.s32 $0xFFFFFFFF, s24  }
0x261: {  	_ =	sdelay $0x3  }
0x262: {  	v43 =	vor.u32 s4, v0;
	v44 =	vshrl.u32 v41, $0x19  }
0x263: {  	vm1 =	vlt.s32 v43, v40;
	vm2 =	veq.s32 v44, v42  }
0x264: {  	vm1 =	vmand vm1, vm2  }
0x265: {  	v61 =	vsel vm1, $0x1, v3  }
0x266: {  	(xrf0) =	vadd.scan.msk.s32 $0xffff, v61;
	_ =	sdelay $0x2  }
0x267: {  	v62 =	vmov s4  }
0x268: {  	v43 =	vadd.s32 $0xFFFFFFFF, v62  }
0x269: {  	v43 =	vbroadcast v43, $0x0  }
0x26a: {  	v63, _, _ =	vpop (xrf0)  }
0x26b: {  	v43 =	vadd.s32 v63, v43;
	(v2sf) =	vpush v63, $0xF  }
0x26c: {  	p1 =	sne.s32 s2, $0x1  }
.Ltmp16:
0x26d: {  	_ = 	snop;
	(pc) =	sbr.rel @!p1 .LBB2_22-.Ltmp16, $3  }
0x26e: {  	_ =	sdelay $0x1  }
0x26f: {  	s0 =	simm.s32 $0x4010;
	s2 =	sadd.s32 $0xFFFFFFFF, s2;
	[tilespmem:v43+s16+$0x0] =	vst.idx.msk vm1, v41  }
0x270: {  	p0 =	por $0x1, $0x1;
	s29 =	simm.s32 $0x0;
	s28 =	simm.s32 $0x0;
	v41 =	vld [tilespmem:s0+$0x0]  }
.LBB2_23:
0x271: {  	p1 =	sne.s32 s2, $0x1;
	_ =	sdelay $0x2  }
0x272: {  	s29 =	sadd.s32 $0x10, s29  }
0x273: {  	v43 =	vor.u32 s29, v0;
	v44 =	vshrl.u32 v41, $0x19  }
0x274: {  	vm1 =	vlt.s32 v43, v40;
	vm2 =	veq.s32 v44, v42  }
0x275: {  	vm1 =	vmand vm1, vm2  }
0x276: {  	v43 =	vsel vm1, $0x1, v3  }
0x277: {  	(xrf0) =	vadd.scan.msk.s32 $0xffff, v43;
	s12 =	spop (v2sf)  }
0x278: {  	s28 =	sadd.s32 s28, s12  }
0x279: {  	v43 =	vmov s28  }
0x27a: {  	v43 =	vadd.s32 $0xFFFFFFFF, v43  }
0x27b: {  	v43 =	vbroadcast v43, $0x0;
	_ =	sdelay $0x1  }
0x27c: {  	v44, _, _ =	vpop (xrf0)  }
0x27d: {  	v43 =	vadd.s32 v44, v43;
	(v2sf) =	vpush v44, $0xF;
	_ =	sdelay $0x1  }
.Ltmp17:
0x27e: {  	(pc) =	sbr.rel @p1 .LBB2_23-.Ltmp17, $3  }
0x27f: {  	_ =	sdelay $0x1  }
0x280: {  	s0 =	sadd.s32 $0x10, s0;
	[tilespmem:v43+s16+$0x0] =	vst.idx.msk vm1, v41  }
0x281: {  	s2 =	sadd.s32 $0xFFFFFFFF, s2;
	v41 =	vld [tilespmem:s0+$0x0]  }
.LBB2_24:
0x282: {  	_ =	sdelay $0x1  }
0x283: {  	s0 =	sadd.s32 @p0 $0x10, s29;
	s2 =	simm.s32 $0x0  }
0x284: {  	s2 =	smov.u32 @p0 s0  }
0x285: {  	v43 =	vor.u32 s2, v0;
	v44 =	vshrl.u32 v41, $0x19  }
0x286: {  	vm1 =	vlt.s32 v43, v40;
	vm2 =	veq.s32 v44, v42  }
0x287: {  	vm1 =	vmand vm1, vm2  }
0x288: {  	v62 =	vsel vm1, $0x1, v3  }
0x289: {  	(xrf0) =	vadd.scan.msk.s32 $0xffff, v62;
	_ =	sdelay $0x5  }
0x28a: {  	v42, _, _ =	vpop (xrf0)  }
0x28b: {  	(v2sf) =	vpush v42, $0xF;
	_ =	sdelay $0x9  }
0x28c: {  	s0 =	spop @p0 (v2sf)  }
0x28d: {  	s0 =	sadd.s32 @p0 s28, s0  }
0x28e: {  	s4 =	smov.u32 @p0 s0  }
0x28f: {  	v63 =	vmov s4  }
0x290: {  	v43 =	vadd.s32 $0xFFFFFFFF, v63  }
0x291: {  	v43 =	vbroadcast v43, $0x0;
	s31 =	spop (v2sf)  }
0x292: {  	s28 =	sadd.s32 s4, s31  }
0x293: {  	v42 =	vadd.s32 v42, v43;
	p0 =	slt.s32 s28, $0x1  }
.Ltmp18:
0x294: {  	_ = 	snop;
	(pc) =	sbr.rel @p0 .LBB2_31-.Ltmp18, $2  }
0x295: {  	_ =	sdelay $0x2  }
0x296: {  	[tilespmem:v42+s16+$0x0] =	vst.idx.msk vm1, v41  }
.Ltmp19:
0x297: {  	(pc) =	sbr.rel .LBB2_26-.Ltmp19, $4  }
0x298: {  	_ = 	snop  }
0x299: {  	p0 =	seq.s32 s26, $0x61;
	s0 =	simm.s32 $0x100  }
0x29a: {  	s0 =	simm.s32 @!p0 $0x0  }
0x29b: {  	v41 =	vmov s28;
	s4 =	simm.s32 $0x0;
	s26 =	simm.s32 $0x8000;
	v42 =	vmov s0  }
.LBB2_28:
0x29c: {  	s0 =	simm.s32 @!p0 $0x4  }
0x29d: {  	_ =	swait.ge @!p0 [sflag:s0], $0x800  }
0x29e: {  	[sflag:s0] =	ssyncset.done @!p0 $0x0  }
0x29f: {  	[sflag:s0] =	ssyncadd.s32 @!p0 $0xFFFFF800  }
0x2a0: {  	v43 =	vld [tilespmem:s26+$0x0];
	_ =	sdelay $0x4  }
0x2a1: {  	v44 =	vor.u32 s4, v0;
	v45 =	vand.u32 $0x3FF, v43  }
0x2a2: {  	vm1 =	vlt.s32 v44, v41;
	v48 =	vadd.s32 v42, v45  }
0x2a3: {  	v44 =	vnsel vm1, $0x0, v48  }
0x2a4: {  	v49 =	vshll.u32 v44, $0x3  }
0x2a5: {  	v44 =	vand.u32 $0x7F, v44;
	v45 =	vand.u32 $0x3C00, v49  }
0x2a6: {  	v44 =	vor.u32 v44, v45  }
0x2a7: {  	v43 =	vshrl.u32 v43, $0xA  }
0x2a8: {  	v43 =	vand.u32 $0x7FFF, v43  }
0x2a9: {  	v43 =	vsel vm1, v43, v4  }
0x2aa: {  	[tilespmem:$0x1E080] =	vst v43  }
0x2ab: {  	v43 =	vld.idx.msk [tilespmem:v44+s22+$0x0], $0xffff  }
0x2ac: {  	v45 =	vor.u32 $0x80, v44;
	_ =	sdelay $0x3  }
0x2ad: {  	[tilespmem:v5+s20+$0x0] =	vst.idx.msk $0xffff, v43  }
0x2ae: {  	v43 =	vld.idx.msk [tilespmem:v45+s22+$0x0], $0xffff  }
0x2af: {  	v50 =	vor.u32 $0x100, v44;
	_ =	sdelay $0x3  }
0x2b0: {  	[tilespmem:v6+s20+$0x0] =	vst.idx.msk $0xffff, v43  }
0x2b1: {  	v43 =	vld.idx.msk [tilespmem:v50+s22+$0x0], $0xffff  }
0x2b2: {  	v51 =	vor.u32 $0x180, v44;
	_ =	sdelay $0x3  }
0x2b3: {  	[tilespmem:v7+s20+$0x0] =	vst.idx.msk $0xffff, v43  }
0x2b4: {  	v43 =	vld.idx.msk [tilespmem:v51+s22+$0x0], $0xffff  }
0x2b5: {  	v52 =	vor.u32 $0x200, v44;
	_ =	sdelay $0x3  }
0x2b6: {  	[tilespmem:v8+s20+$0x0] =	vst.idx.msk $0xffff, v43  }
0x2b7: {  	v43 =	vld.idx.msk [tilespmem:v52+s22+$0x0], $0xffff  }
0x2b8: {  	v53 =	vor.u32 $0x280, v44;
	_ =	sdelay $0x3  }
0x2b9: {  	[tilespmem:v9+s20+$0x0] =	vst.idx.msk $0xffff, v43  }
0x2ba: {  	v43 =	vld.idx.msk [tilespmem:v53+s22+$0x0], $0xffff  }
0x2bb: {  	v54 =	vor.u32 $0x300, v44;
	_ =	sdelay $0x3  }
0x2bc: {  	[tilespmem:v10+s20+$0x0] =	vst.idx.msk $0xffff, v43  }
0x2bd: {  	v43 =	vld.idx.msk [tilespmem:v54+s22+$0x0], $0xffff  }
0x2be: {  	v55 =	vor.u32 $0x380, v44;
	_ =	sdelay $0x3  }
0x2bf: {  	[tilespmem:v11+s20+$0x0] =	vst.idx.msk $0xffff, v43  }
0x2c0: {  	v43 =	vld.idx.msk [tilespmem:v55+s22+$0x0], $0xffff  }
0x2c1: {  	v56 =	vadd.s32 $0x2000, v44;
	_ =	sdelay $0x3  }
0x2c2: {  	[tilespmem:v12+s20+$0x0] =	vst.idx.msk $0xffff, v43  }
0x2c3: {  	v43 =	vld.idx.msk [tilespmem:v56+s22+$0x0], $0xffff  }
0x2c4: {  	v57 =	vadd.s32 $0x2080, v44;
	_ =	sdelay $0x3  }
0x2c5: {  	[tilespmem:v13+s20+$0x0] =	vst.idx.msk $0xffff, v43  }
0x2c6: {  	v43 =	vld.idx.msk [tilespmem:v57+s22+$0x0], $0xffff  }
0x2c7: {  	v58 =	vadd.s32 $0x2100, v44;
	_ =	sdelay $0x3  }
0x2c8: {  	[tilespmem:v14+s20+$0x0] =	vst.idx.msk $0xffff, v43  }
0x2c9: {  	v43 =	vld.idx.msk [tilespmem:v58+s22+$0x0], $0xffff  }
0x2ca: {  	v59 =	vadd.s32 $0x2180, v44;
	_ =	sdelay $0x3  }
0x2cb: {  	[tilespmem:v15+s20+$0x0] =	vst.idx.msk $0xffff, v43  }
0x2cc: {  	v43 =	vld.idx.msk [tilespmem:v59+s22+$0x0], $0xffff  }
0x2cd: {  	v60 =	vadd.s32 $0x2200, v44;
	_ =	sdelay $0x3  }
0x2ce: {  	[tilespmem:v16+s20+$0x0] =	vst.idx.msk $0xffff, v43  }
0x2cf: {  	v43 =	vld.idx.msk [tilespmem:v60+s22+$0x0], $0xffff  }
0x2d0: {  	v61 =	vadd.s32 $0x2280, v44;
	_ =	sdelay $0x3  }
0x2d1: {  	[tilespmem:v17+s20+$0x0] =	vst.idx.msk $0xffff, v43  }
0x2d2: {  	v43 =	vld.idx.msk [tilespmem:v61+s22+$0x0], $0xffff  }
0x2d3: {  	v62 =	vadd.s32 $0x2300, v44;
	_ =	sdelay $0x3  }
0x2d4: {  	[tilespmem:v18+s20+$0x0] =	vst.idx.msk $0xffff, v43  }
0x2d5: {  	v43 =	vld.idx.msk [tilespmem:v62+s22+$0x0], $0xffff  }
0x2d6: {  	v63 =	vadd.s32 $0x2380, v44;
	_ =	sdelay $0x3  }
0x2d7: {  	[tilespmem:v19+s20+$0x0] =	vst.idx.msk $0xffff, v43  }
0x2d8: {  	v43 =	vld.idx.msk [tilespmem:v63+s22+$0x0], $0xffff  }
0x2d9: {  	v48 =	vor.u32 $0x4000, v44;
	_ =	sdelay $0x3  }
0x2da: {  	[tilespmem:v20+s20+$0x0] =	vst.idx.msk $0xffff, v43  }
0x2db: {  	v43 =	vld.idx.msk [tilespmem:v48+s22+$0x0], $0xffff  }
0x2dc: {  	v49 =	vor.u32 $0x4080, v44;
	_ =	sdelay $0x3  }
0x2dd: {  	[tilespmem:v21+s20+$0x0] =	vst.idx.msk $0xffff, v43  }
0x2de: {  	v43 =	vld.idx.msk [tilespmem:v49+s22+$0x0], $0xffff  }
0x2df: {  	v50 =	vor.u32 $0x4100, v44;
	_ =	sdelay $0x3  }
0x2e0: {  	[tilespmem:v22+s20+$0x0] =	vst.idx.msk $0xffff, v43  }
0x2e1: {  	v43 =	vld.idx.msk [tilespmem:v50+s22+$0x0], $0xffff  }
0x2e2: {  	v51 =	vor.u32 $0x4180, v44;
	_ =	sdelay $0x3  }
0x2e3: {  	[tilespmem:v23+s20+$0x0] =	vst.idx.msk $0xffff, v43  }
0x2e4: {  	v43 =	vld.idx.msk [tilespmem:v51+s22+$0x0], $0xffff  }
0x2e5: {  	v52 =	vor.u32 $0x4200, v44;
	_ =	sdelay $0x3  }
0x2e6: {  	[tilespmem:v24+s20+$0x0] =	vst.idx.msk $0xffff, v43  }
0x2e7: {  	v43 =	vld.idx.msk [tilespmem:v52+s22+$0x0], $0xffff  }
0x2e8: {  	v53 =	vor.u32 $0x4280, v44;
	_ =	sdelay $0x3  }
0x2e9: {  	[tilespmem:v25+s20+$0x0] =	vst.idx.msk $0xffff, v43  }
0x2ea: {  	v43 =	vld.idx.msk [tilespmem:v53+s22+$0x0], $0xffff  }
0x2eb: {  	v54 =	vor.u32 $0x4300, v44;
	_ =	sdelay $0x3  }
0x2ec: {  	[tilespmem:v26+s20+$0x0] =	vst.idx.msk $0xffff, v43  }
0x2ed: {  	v43 =	vld.idx.msk [tilespmem:v54+s22+$0x0], $0xffff  }
0x2ee: {  	v55 =	vor.u32 $0x4380, v44;
	_ =	sdelay $0x3  }
0x2ef: {  	[tilespmem:v27+s20+$0x0] =	vst.idx.msk $0xffff, v43  }
0x2f0: {  	v43 =	vld.idx.msk [tilespmem:v55+s22+$0x0], $0xffff  }
0x2f1: {  	v56 =	vadd.s32 $0x6000, v44;
	_ =	sdelay $0x3  }
0x2f2: {  	[tilespmem:v28+s20+$0x0] =	vst.idx.msk $0xffff, v43  }
0x2f3: {  	v43 =	vld.idx.msk [tilespmem:v56+s22+$0x0], $0xffff  }
0x2f4: {  	v57 =	vadd.s32 $0x6080, v44;
	_ =	sdelay $0x3  }
0x2f5: {  	[tilespmem:v29+s20+$0x0] =	vst.idx.msk $0xffff, v43  }
0x2f6: {  	v43 =	vld.idx.msk [tilespmem:v57+s22+$0x0], $0xffff  }
0x2f7: {  	v58 =	vadd.s32 $0x6100, v44;
	_ =	sdelay $0x3  }
0x2f8: {  	[tilespmem:v30+s20+$0x0] =	vst.idx.msk $0xffff, v43  }
0x2f9: {  	v43 =	vld.idx.msk [tilespmem:v58+s22+$0x0], $0xffff  }
0x2fa: {  	v59 =	vadd.s32 $0x6180, v44;
	_ =	sdelay $0x3  }
0x2fb: {  	[tilespmem:v31+s20+$0x0] =	vst.idx.msk $0xffff, v43  }
0x2fc: {  	v43 =	vld.idx.msk [tilespmem:v59+s22+$0x0], $0xffff  }
0x2fd: {  	v60 =	vadd.s32 $0x6200, v44;
	_ =	sdelay $0x3  }
0x2fe: {  	[tilespmem:v32+s20+$0x0] =	vst.idx.msk $0xffff, v43  }
0x2ff: {  	v43 =	vld.idx.msk [tilespmem:v60+s22+$0x0], $0xffff  }
0x300: {  	v61 =	vadd.s32 $0x6280, v44;
	_ =	sdelay $0x3  }
0x301: {  	[tilespmem:v33+s20+$0x0] =	vst.idx.msk $0xffff, v43  }
0x302: {  	v43 =	vld.idx.msk [tilespmem:v61+s22+$0x0], $0xffff  }
0x303: {  	v62 =	vadd.s32 $0x6300, v44;
	_ =	sdelay $0x3  }
0x304: {  	[tilespmem:v34+s20+$0x0] =	vst.idx.msk $0xffff, v43  }
0x305: {  	v43 =	vld.idx.msk [tilespmem:v62+s22+$0x0], $0xffff  }
0x306: {  	v44 =	vadd.s32 $0x6380, v44;
	_ =	sdelay $0x3  }
0x307: {  	[tilespmem:v35+s20+$0x0] =	vst.idx.msk $0xffff, v43  }
0x308: {  	v43 =	vld.idx.msk [tilespmem:v44+s22+$0x0], $0xffff;
	_ =	sdelay $0x4  }
0x309: {  	[tilespmem:v36+s20+$0x0] =	vst.idx.msk $0xffff, v43  }
0x30a: {  	v43 =	vld [tilespmem:$0x1E080];
	_ =	sdelay $0x4  }
0x30b: {  	v63 =	vperm.xlane v43, v37;
	_ =	sdelay $0x1  }
0x30c: {  	v43 =	vperm.xlane v43, v39;
	v44 =	vadd.s32 v38, v63;
	_ =	sdelay $0x1  }
0x30d: {  	v43 =	vadd.s32 v38, v43;
	_ =	sdelay $0x2  }
0x30e: {  	[hbm4b:s6+s5] =	stream.indirect_vreg.scatter [tilespmem:s20], [sflag:$0x4], $0x80, v44, vm0, $0xb8;
	[tilespmem:$0x1E100] =	vst v63  }
0x30f: {  	_ = 	snop  }
0x310: {  	[hbm4b:s6+s5] =	stream.indirect_vreg.scatter [tilespmem:s21], [sflag:$0x4], $0x80, v43, vm0, $0xb8;
	[tilespmem:$0x1E100] =	vst v63  }
.LBB2_29:
0x311: {  	s4 =	sadd.s32 $0x10, s4  }
0x312: {  	p0 =	slt.s32 s4, s28  }
.Ltmp20:
0x313: {  	_ = 	snop;
	(pc) =	sbr.rel @!p0 .LBB2_30-.Ltmp20, $2  }
0x314: {  	_ =	sdelay $0x2  }
0x315: {  	s26 =	sadd.s32 $0x10, s26  }
.LBB2_26:
0x316: {  	s0 =	sand.u32 $0x10, s4  }
0x317: {  	p1 =	sne.s32 s0, $0x0  }
.Ltmp21:
0x318: {  	_ = 	snop;
	(pc) =	sbr.rel @p1 .LBB2_28-.Ltmp21, $2  }
0x319: {  	_ =	sdelay $0x2  }
0x31a: {  	p0 =	slt.s32 s4, $0x20  }
0x31b: {  	s0 =	simm.s32 @!p0 $0x3  }
0x31c: {  	_ =	swait.ge @!p0 [sflag:s0], $0x800  }
0x31d: {  	[sflag:s0] =	ssyncset.done @!p0 $0x0  }
0x31e: {  	[sflag:s0] =	ssyncadd.s32 @!p0 $0xFFFFF800  }
0x31f: {  	v43 =	vld [tilespmem:s26+$0x0];
	_ =	sdelay $0x4  }
0x320: {  	v44 =	vor.u32 s4, v0;
	v45 =	vand.u32 $0x3FF, v43  }
0x321: {  	vm1 =	vlt.s32 v44, v41;
	v48 =	vadd.s32 v42, v45  }
0x322: {  	v44 =	vnsel vm1, $0x0, v48  }
0x323: {  	v49 =	vshll.u32 v44, $0x3  }
0x324: {  	v44 =	vand.u32 $0x7F, v44;
	v45 =	vand.u32 $0x3C00, v49  }
0x325: {  	v44 =	vor.u32 v44, v45  }
0x326: {  	v43 =	vshrl.u32 v43, $0xA  }
0x327: {  	v43 =	vand.u32 $0x7FFF, v43  }
0x328: {  	v43 =	vsel vm1, v43, v4  }
0x329: {  	[tilespmem:$0x1E000] =	vst v43  }
0x32a: {  	v43 =	vld.idx.msk [tilespmem:v44+s22+$0x0], $0xffff  }
0x32b: {  	v45 =	vor.u32 $0x80, v44;
	_ =	sdelay $0x3  }
0x32c: {  	[tilespmem:v5+s17+$0x0] =	vst.idx.msk $0xffff, v43  }
0x32d: {  	v43 =	vld.idx.msk [tilespmem:v45+s22+$0x0], $0xffff  }
0x32e: {  	v50 =	vor.u32 $0x100, v44;
	_ =	sdelay $0x3  }
0x32f: {  	[tilespmem:v6+s17+$0x0] =	vst.idx.msk $0xffff, v43  }
0x330: {  	v43 =	vld.idx.msk [tilespmem:v50+s22+$0x0], $0xffff  }
0x331: {  	v51 =	vor.u32 $0x180, v44;
	_ =	sdelay $0x3  }
0x332: {  	[tilespmem:v7+s17+$0x0] =	vst.idx.msk $0xffff, v43  }
0x333: {  	v43 =	vld.idx.msk [tilespmem:v51+s22+$0x0], $0xffff  }
0x334: {  	v52 =	vor.u32 $0x200, v44;
	_ =	sdelay $0x3  }
0x335: {  	[tilespmem:v8+s17+$0x0] =	vst.idx.msk $0xffff, v43  }
0x336: {  	v43 =	vld.idx.msk [tilespmem:v52+s22+$0x0], $0xffff  }
0x337: {  	v53 =	vor.u32 $0x280, v44;
	_ =	sdelay $0x3  }
0x338: {  	[tilespmem:v9+s17+$0x0] =	vst.idx.msk $0xffff, v43  }
0x339: {  	v43 =	vld.idx.msk [tilespmem:v53+s22+$0x0], $0xffff  }
0x33a: {  	v54 =	vor.u32 $0x300, v44;
	_ =	sdelay $0x3  }
0x33b: {  	[tilespmem:v10+s17+$0x0] =	vst.idx.msk $0xffff, v43  }
0x33c: {  	v43 =	vld.idx.msk [tilespmem:v54+s22+$0x0], $0xffff  }
0x33d: {  	v55 =	vor.u32 $0x380, v44;
	_ =	sdelay $0x3  }
0x33e: {  	[tilespmem:v11+s17+$0x0] =	vst.idx.msk $0xffff, v43  }
0x33f: {  	v43 =	vld.idx.msk [tilespmem:v55+s22+$0x0], $0xffff  }
0x340: {  	v56 =	vadd.s32 $0x2000, v44;
	_ =	sdelay $0x3  }
0x341: {  	[tilespmem:v12+s17+$0x0] =	vst.idx.msk $0xffff, v43  }
0x342: {  	v43 =	vld.idx.msk [tilespmem:v56+s22+$0x0], $0xffff  }
0x343: {  	v57 =	vadd.s32 $0x2080, v44;
	_ =	sdelay $0x3  }
0x344: {  	[tilespmem:v13+s17+$0x0] =	vst.idx.msk $0xffff, v43  }
0x345: {  	v43 =	vld.idx.msk [tilespmem:v57+s22+$0x0], $0xffff  }
0x346: {  	v58 =	vadd.s32 $0x2100, v44;
	_ =	sdelay $0x3  }
0x347: {  	[tilespmem:v14+s17+$0x0] =	vst.idx.msk $0xffff, v43  }
0x348: {  	v43 =	vld.idx.msk [tilespmem:v58+s22+$0x0], $0xffff  }
0x349: {  	v59 =	vadd.s32 $0x2180, v44;
	_ =	sdelay $0x3  }
0x34a: {  	[tilespmem:v15+s17+$0x0] =	vst.idx.msk $0xffff, v43  }
0x34b: {  	v43 =	vld.idx.msk [tilespmem:v59+s22+$0x0], $0xffff  }
0x34c: {  	v60 =	vadd.s32 $0x2200, v44;
	_ =	sdelay $0x3  }
0x34d: {  	[tilespmem:v16+s17+$0x0] =	vst.idx.msk $0xffff, v43  }
0x34e: {  	v43 =	vld.idx.msk [tilespmem:v60+s22+$0x0], $0xffff  }
0x34f: {  	v61 =	vadd.s32 $0x2280, v44;
	_ =	sdelay $0x3  }
0x350: {  	[tilespmem:v17+s17+$0x0] =	vst.idx.msk $0xffff, v43  }
0x351: {  	v43 =	vld.idx.msk [tilespmem:v61+s22+$0x0], $0xffff  }
0x352: {  	v62 =	vadd.s32 $0x2300, v44;
	_ =	sdelay $0x3  }
0x353: {  	[tilespmem:v18+s17+$0x0] =	vst.idx.msk $0xffff, v43  }
0x354: {  	v43 =	vld.idx.msk [tilespmem:v62+s22+$0x0], $0xffff  }
0x355: {  	v63 =	vadd.s32 $0x2380, v44;
	_ =	sdelay $0x3  }
0x356: {  	[tilespmem:v19+s17+$0x0] =	vst.idx.msk $0xffff, v43  }
0x357: {  	v43 =	vld.idx.msk [tilespmem:v63+s22+$0x0], $0xffff  }
0x358: {  	v48 =	vor.u32 $0x4000, v44;
	_ =	sdelay $0x3  }
0x359: {  	[tilespmem:v20+s17+$0x0] =	vst.idx.msk $0xffff, v43  }
0x35a: {  	v43 =	vld.idx.msk [tilespmem:v48+s22+$0x0], $0xffff  }
0x35b: {  	v49 =	vor.u32 $0x4080, v44;
	_ =	sdelay $0x3  }
0x35c: {  	[tilespmem:v21+s17+$0x0] =	vst.idx.msk $0xffff, v43  }
0x35d: {  	v43 =	vld.idx.msk [tilespmem:v49+s22+$0x0], $0xffff  }
0x35e: {  	v50 =	vor.u32 $0x4100, v44;
	_ =	sdelay $0x3  }
0x35f: {  	[tilespmem:v22+s17+$0x0] =	vst.idx.msk $0xffff, v43  }
0x360: {  	v43 =	vld.idx.msk [tilespmem:v50+s22+$0x0], $0xffff  }
0x361: {  	v51 =	vor.u32 $0x4180, v44;
	_ =	sdelay $0x3  }
0x362: {  	[tilespmem:v23+s17+$0x0] =	vst.idx.msk $0xffff, v43  }
0x363: {  	v43 =	vld.idx.msk [tilespmem:v51+s22+$0x0], $0xffff  }
0x364: {  	v52 =	vor.u32 $0x4200, v44;
	_ =	sdelay $0x3  }
0x365: {  	[tilespmem:v24+s17+$0x0] =	vst.idx.msk $0xffff, v43  }
0x366: {  	v43 =	vld.idx.msk [tilespmem:v52+s22+$0x0], $0xffff  }
0x367: {  	v53 =	vor.u32 $0x4280, v44;
	_ =	sdelay $0x3  }
0x368: {  	[tilespmem:v25+s17+$0x0] =	vst.idx.msk $0xffff, v43  }
0x369: {  	v43 =	vld.idx.msk [tilespmem:v53+s22+$0x0], $0xffff  }
0x36a: {  	v54 =	vor.u32 $0x4300, v44;
	_ =	sdelay $0x3  }
0x36b: {  	[tilespmem:v26+s17+$0x0] =	vst.idx.msk $0xffff, v43  }
0x36c: {  	v43 =	vld.idx.msk [tilespmem:v54+s22+$0x0], $0xffff  }
0x36d: {  	v55 =	vor.u32 $0x4380, v44;
	_ =	sdelay $0x3  }
0x36e: {  	[tilespmem:v27+s17+$0x0] =	vst.idx.msk $0xffff, v43  }
0x36f: {  	v43 =	vld.idx.msk [tilespmem:v55+s22+$0x0], $0xffff  }
0x370: {  	v56 =	vadd.s32 $0x6000, v44;
	_ =	sdelay $0x3  }
0x371: {  	[tilespmem:v28+s17+$0x0] =	vst.idx.msk $0xffff, v43  }
0x372: {  	v43 =	vld.idx.msk [tilespmem:v56+s22+$0x0], $0xffff  }
0x373: {  	v57 =	vadd.s32 $0x6080, v44;
	_ =	sdelay $0x3  }
0x374: {  	[tilespmem:v29+s17+$0x0] =	vst.idx.msk $0xffff, v43  }
0x375: {  	v43 =	vld.idx.msk [tilespmem:v57+s22+$0x0], $0xffff  }
0x376: {  	v58 =	vadd.s32 $0x6100, v44;
	_ =	sdelay $0x3  }
0x377: {  	[tilespmem:v30+s17+$0x0] =	vst.idx.msk $0xffff, v43  }
0x378: {  	v43 =	vld.idx.msk [tilespmem:v58+s22+$0x0], $0xffff  }
0x379: {  	v59 =	vadd.s32 $0x6180, v44;
	_ =	sdelay $0x3  }
0x37a: {  	[tilespmem:v31+s17+$0x0] =	vst.idx.msk $0xffff, v43  }
0x37b: {  	v43 =	vld.idx.msk [tilespmem:v59+s22+$0x0], $0xffff  }
0x37c: {  	v60 =	vadd.s32 $0x6200, v44;
	_ =	sdelay $0x3  }
0x37d: {  	[tilespmem:v32+s17+$0x0] =	vst.idx.msk $0xffff, v43  }
0x37e: {  	v43 =	vld.idx.msk [tilespmem:v60+s22+$0x0], $0xffff  }
0x37f: {  	v61 =	vadd.s32 $0x6280, v44;
	_ =	sdelay $0x3  }
0x380: {  	[tilespmem:v33+s17+$0x0] =	vst.idx.msk $0xffff, v43  }
0x381: {  	v43 =	vld.idx.msk [tilespmem:v61+s22+$0x0], $0xffff  }
0x382: {  	v62 =	vadd.s32 $0x6300, v44;
	_ =	sdelay $0x3  }
0x383: {  	[tilespmem:v34+s17+$0x0] =	vst.idx.msk $0xffff, v43  }
0x384: {  	v43 =	vld.idx.msk [tilespmem:v62+s22+$0x0], $0xffff  }
0x385: {  	v44 =	vadd.s32 $0x6380, v44;
	_ =	sdelay $0x3  }
0x386: {  	[tilespmem:v35+s17+$0x0] =	vst.idx.msk $0xffff, v43  }
0x387: {  	v43 =	vld.idx.msk [tilespmem:v44+s22+$0x0], $0xffff;
	_ =	sdelay $0x4  }
0x388: {  	[tilespmem:v36+s17+$0x0] =	vst.idx.msk $0xffff, v43  }
0x389: {  	v43 =	vld [tilespmem:$0x1E000];
	_ =	sdelay $0x4  }
0x38a: {  	v63 =	vperm.xlane v43, v37;
	_ =	sdelay $0x1  }
0x38b: {  	v43 =	vperm.xlane v43, v39;
	v44 =	vadd.s32 v38, v63;
	_ =	sdelay $0x1  }
0x38c: {  	v43 =	vadd.s32 v38, v43  }
.Ltmp22:
0x38d: {  	_ = 	snop;
	(pc) =	sbr.rel .LBB2_29-.Ltmp22, $4  }
0x38e: {  	_ = 	snop  }
0x38f: {  	[hbm4b:s6+s5] =	stream.indirect_vreg.scatter [tilespmem:s17], [sflag:$0x3], $0x80, v44, vm0, $0xb8;
	[tilespmem:$0x1E100] =	vst v63  }
0x390: {  	_ = 	snop  }
0x391: {  	[hbm4b:s6+s5] =	stream.indirect_vreg.scatter [tilespmem:s18], [sflag:$0x3], $0x80, v43, vm0, $0xb8;
	[tilespmem:$0x1E100] =	vst v63  }
.LBB2_6:
.Ltmp23:
0x392: {  	(pc) =	sbr.rel .LBB2_14-.Ltmp23, $2  }
0x393: {  	_ =	sdelay $0x2  }
0x394: {  	s31 =	simm.s32 $0x0;
	s30 =	simm.s32 $0x0  }
.LBB2_20:
.Ltmp24:
0x395: {  	(pc) =	sbr.rel .LBB2_24-.Ltmp24, $2  }
0x396: {  	_ =	sdelay $0x2  }
0x397: {  	s29 =	simm.s32 $0x0;
	s28 =	simm.s32 $0x0  }
.LBB2_12:
.Ltmp25:
0x398: {  	(pc) =	sbr.rel .LBB2_14-.Ltmp25, $2  }
0x399: {  	_ =	sdelay $0x2  }
0x39a: {  	s31 =	simm.s32 $0x0;
	s30 =	simm.s32 $0x0  }
.LBB2_22:
.Ltmp26:
0x39b: {  	(pc) =	sbr.rel .LBB2_24-.Ltmp26, $2  }
0x39c: {  	_ =	sdelay $0x2  }
0x39d: {  	s29 =	simm.s32 $0x0;
	s28 =	simm.s32 $0x0  }
.LBB2_33:
0x39e: {  	_ =	sfence.sel $0x180000  }
0x39f: {  	[bflag:$0x0] =	sbarrier.arrive $0xFFFF  }
0x3a0: {  	_ =	strace $0x90000047  }
0x3a1: {  	s0 =	stileid.u32;
	[bflag:$0x2] =	sbarrier.arrive $0xFFFF  }
0x3a2: {  	p0 =	sne.s32 s0, $0x0;
	s0 =	rddreg [dreg:$0x3]  }
0x3a3: {  	s0 =	sadd.s32 @!p0 $0x100000, s0  }
0x3a4: {  	[sflag:s0] =	ssyncadd.tile.s32 @!p0 $0x1;
	_ =	shalt  }
.Lfunc_end2:
_tile_overlayer_lowered:
.L_overlay_start_2:
0x3a5: {  	(tag) =	ssettag $0x2  }
0x3a6: {  	s0 =	rddreg [dreg:$0x0];
	s2 =	stileid.u32  }
0x3a7: {  	s1 =	rddreg [dreg:$0x1];
	p0 =	sne.s32 s2, $0x0  }
0x3a8: {  	s3 =	rddreg [dreg:$0x2];
	[bflag:$0x3] =	sbarrier.arrive $0xFFFF;
	s2 =	simm.s32 @!p0 $0x1C05  }
0x3a9: {  	[timem:s3], [sflag:s2] =	dma.local @!p0 [hbm:s0], s1  }
0x3aa: {  	s0 =	simm.s32 @!p0 $0x5  }
0x3ab: {  	_ =	swait.ge @!p0 [sflag:s0], s1  }
0x3ac: {  	s1 =	ssub.s32 @!p0 $0x0, s1;
	[sflag:s0] =	ssyncset.done @!p0 $0x0  }
0x3ad: {  	[sflag:s0] =	ssyncadd.s32 @!p0 s1  }
0x3ae: {  	[bflag:$0x3] =	sbarrier.arrive $0xFFFF  }
0x3af: {  	_ =	shalt  }

// kernel: kernel.7.cloned.1.call-start
scs
__scs_entry_jumppad:
0x0: {  	(pc) =	sbr.rel $0x88, $3  }
0x1: {  	(tag) =	ssettag $0x0;
	lr =	simm.s32 $0x1  }
0x2: {  	[smem:$0x3F9B] =	sst lr;
	_ =	strace $0xD0000000  }
0x3: {  	_ = 	snop  }
0x4: {  	_ = 	snop  }
0x5: {  	_ = 	snop  }
0x6: {  	_ = 	snop  }
0x7: {  	_ = 	snop  }
__scs_overlays_trampoline_lowered:
0x8: {  	[smem:$0x3FAA] =	sst s0  }
0x9: {  	[smem:$0x3FAB] =	sst s1  }
0xa: {  	[smem:$0x3FAC] =	sst s2  }
0xb: {  	[smem:$0x3FAD] =	sst s3  }
0xc: {  	[smem:$0x3FAE] =	sst s4  }
0xd: {  	[smem:$0x3FAF] =	sst s5  }
0xe: {  	[smem:$0x3FB0] =	sst s6  }
0xf: {  	[smem:$0x3FB1] =	sst s7  }
0x10: {  	[smem:$0x3FB2] =	sst s8  }
0x11: {  	[smem:$0x3FB3] =	sst s9;
	s0 =	simm.s32 @!p0 $0x0  }
0x12: {  	s1 =	sld [smem:$0x3F99];
	s0 =	simm.s32 @p0 $0x1  }
0x13: {  	[smem:$0x3FB4] =	sst s0;
	s0 =	simm.s32 @!p1 $0x0  }
0x14: {  	s2 =	sld [smem:$0x3F98];
	s0 =	simm.s32 @p1 $0x1  }
0x15: {  	[smem:$0x3FB5] =	sst s0;
	s0 =	simm.s32 @!p2 $0x0  }
0x16: {  	s3 =	sld [smem:$0x3FDB];
	s0 =	simm.s32 @p2 $0x1  }
0x17: {  	s4 =	simm.s32 $0x1BF5;
	[smem:$0x3FB7] =	sst s0  }
0x18: {  	s0 =	sld [smem:$0x3F9A];
	_ =	swait.ge [sflag:s4], $0x0  }
0x19: {  	s7 =	sld [smem:$0x3F9B]  }
0x1a: {  	s8 =	sadd.s32 $0xFFFFE003, lr  }
0x1b: {  	s9 =	sadd.s32 $0xFFFFFEF7, lr;
	s5 =	simm.s32 $0xFFFFFFFF;
	p2 =	slt.u32 s8, $0xFFFFF086  }
0x1c: {  	p1 =	slt.u32 s9, $0xF7A;
	s5 =	simm.s32 @!p2 $0x0  }
0x1d: {  	s5 =	simm.s32 @p1 $0x1;
	p0 =	seq.s32 s7, s2  }
0x1e: {  	s7 =	smul.u32 @!p0 $0xF7A, s2;
	p2 =	seq.s32 @!p0 s5, $0x0  }
0x1f: {  	s9 =	smul.u32 $0xF7A, s1;
	s8 =	simm.s32 @!p0 $0x1BF5;
	p2 =	por !p2, p0  }
0x20: {  	[sflag:s8] =	ssyncset.s32 @!p0 $0xFFFFF086;
	s6 =	sadd.s32 @!p0 s3, s7;
	s7 =	simm.s32 @!p0 $0x108  }
0x21: {  	s3 =	sadd.s32 s3, s9;
	s6 =	sadd.s32 @!p0 $0x88, s6;
	s7 =	simm.s32 @p2 $0x1082  }
0x22: {  	[simem:s7], [sflag:s8] =	dma.local @!p0 [hbm:s6], $0xF7A  }
0x23: {  	s9 =	sor.u32 $0xD0000000, s2;
	s6 =	simm.s32 $0x108;
	_ =	swait.ge @!p0 [sflag:s8], $0x0  }
0x24: {  	s3 =	sadd.s32 $0x88, s3;
	s6 =	simm.s32 @!p1 $0x1082;
	[sflag:s4] =	ssyncset.s32 $0xFFFFF086  }
0x25: {  	[simem:s6], [sflag:s4] =	dma.local [hbm:s3], $0xF7A  }
0x26: {  	[smem:$0x3F9B] =	sst s1;
	(tag) =	ssettag s2;
	_ =	strace s9  }
0x27: {  	s1 =	sld [smem:$0x3FAB]  }
0x28: {  	s2 =	sld [smem:$0x3FAC]  }
0x29: {  	s4 =	sld [smem:$0x3FAE]  }
0x2a: {  	p0 =	seq.s32 s5, $0x0;
	s5 =	sld [smem:$0x3FAF]  }
0x2b: {  	s6 =	sld [smem:$0x3FB0]  }
0x2c: {  	s7 =	sld [smem:$0x3FB1]  }
0x2d: {  	s3 =	simm.s32 $0x108;
	s8 =	sld [smem:$0x3FB2]  }
0x2e: {  	s3 =	simm.s32 @!p0 $0x1082;
	s9 =	sld [smem:$0x3FB3]  }
0x2f: {  	lr =	sadd.s32 s0, s3;
	s0 =	sld [smem:$0x3FAA]  }
0x30: {  	s3 =	sld [smem:$0x3FAD]  }
0x31: {  	[smem:$0x3FB6] =	sst s10  }
0x32: {  	s10 =	sld [smem:$0x3FB4];
	_ =	sdelay $0x3  }
0x33: {  	p0 =	seq.s32 s10, $0x1;
	s10 =	sld [smem:$0x3FB6];
	_ =	sdelay $0x3  }
0x34: {  	[smem:$0x3FB6] =	sst s10  }
0x35: {  	s10 =	sld [smem:$0x3FB5];
	_ =	sdelay $0x3  }
0x36: {  	p1 =	seq.s32 s10, $0x1;
	s10 =	sld [smem:$0x3FB6];
	_ =	sdelay $0x3  }
0x37: {  	[smem:$0x3FB6] =	sst s10  }
0x38: {  	s10 =	sld [smem:$0x3FB7]  }
0x39: {  	_ = 	snop;
	(pc) =	sbr.ind lr, $3  }
0x3a: {  	_ = 	snop  }
0x3b: {  	_ = 	snop  }
0x3c: {  	p2 =	seq.s32 s10, $0x1;
	s10 =	sld [smem:$0x3FB6]  }
0x3d: {  	_ =	shalt  }
0x3e: {  	_ =	shalt  }
0x3f: {  	_ =	shalt  }
0x40: {  	_ =	shalt  }
0x41: {  	_ =	shalt  }
0x42: {  	_ =	shalt  }
0x43: {  	_ =	shalt  }
0x44: {  	_ =	shalt  }
0x45: {  	_ =	shalt  }
0x46: {  	_ =	shalt  }
0x47: {  	_ =	shalt  }
0x48: {  	_ =	shalt  }
0x49: {  	_ =	shalt  }
0x4a: {  	_ =	shalt  }
0x4b: {  	_ =	shalt  }
0x4c: {  	_ =	shalt  }
0x4d: {  	_ =	shalt  }
0x4e: {  	_ =	shalt  }
0x4f: {  	_ =	shalt  }
0x50: {  	_ =	shalt  }
0x51: {  	_ =	shalt  }
0x52: {  	_ =	shalt  }
0x53: {  	_ =	shalt  }
0x54: {  	_ =	shalt  }
0x55: {  	_ =	shalt  }
0x56: {  	_ =	shalt  }
0x57: {  	_ =	shalt  }
0x58: {  	_ =	shalt  }
0x59: {  	_ =	shalt  }
0x5a: {  	_ =	shalt  }
0x5b: {  	_ =	shalt  }
0x5c: {  	_ =	shalt  }
0x5d: {  	_ =	shalt  }
0x5e: {  	_ =	shalt  }
0x5f: {  	_ =	shalt  }
0x60: {  	_ =	shalt  }
0x61: {  	_ =	shalt  }
0x62: {  	_ =	shalt  }
0x63: {  	_ =	shalt  }
0x64: {  	_ =	shalt  }
0x65: {  	_ =	shalt  }
0x66: {  	_ =	shalt  }
0x67: {  	_ =	shalt  }
0x68: {  	_ =	shalt  }
0x69: {  	_ =	shalt  }
0x6a: {  	_ =	shalt  }
0x6b: {  	_ =	shalt  }
0x6c: {  	_ =	shalt  }
0x6d: {  	_ =	shalt  }
0x6e: {  	_ =	shalt  }
0x6f: {  	_ =	shalt  }
0x70: {  	_ =	shalt  }
0x71: {  	_ =	shalt  }
0x72: {  	_ =	shalt  }
0x73: {  	_ =	shalt  }
0x74: {  	_ =	shalt  }
0x75: {  	_ =	shalt  }
0x76: {  	_ =	shalt  }
0x77: {  	_ =	shalt  }
0x78: {  	_ =	shalt  }
0x79: {  	_ =	shalt  }
0x7a: {  	_ =	shalt  }
0x7b: {  	_ =	shalt  }
0x7c: {  	_ =	shalt  }
0x7d: {  	_ =	shalt  }
0x7e: {  	_ =	shalt  }
0x7f: {  	_ =	shalt  }
0x80: {  	_ =	shalt  }
0x81: {  	_ =	shalt  }
0x82: {  	_ =	shalt  }
0x83: {  	_ =	shalt  }
0x84: {  	_ =	shalt  }
0x85: {  	_ =	shalt  }
0x86: {  	_ =	shalt  }
0x87: {  	_ =	shalt  }
.Lfunc_end0:
.L_simem_size_0:
called_computation.1_lowered:
.L_overlay_start_0:
0x88: {  	s2 =	sld [smem:$0x3FD9]  }
0x89: {  	s3 =	sld [smem:$0x3FFE];
	_ =	sdelay $0x1  }
0x8a: {  	s1 =	srdreg.scid  }
0x8b: {  	s0 =	sand.u32 $0x1, s1  }
0x8c: {  	s17 =	sshll.u32 s0, $0xA;
	s2 =	sadd.s32 s3, s2  }
0x8d: {  	s2 =	sadd.s32 s2, s17  }
0x8e: {  	[smem:$0x3FC2] =	sst s2  }
0x8f: {  	_ = 	snop  }
0x90: {  	s2 =	sld [smem:$0x3FC9]  }
0x91: {  	s18 =	sld [smem:$0x3FC7];
	(tm) =	ssettm $0x1  }
0x92: {  	s4 =	sld [smem:$0x3FFB];
	_ =	sdelay $0x3  }
0x93: {  	_ =	strace s4  }
0x94: {  	s4 =	sld [smem:$0x3FFC];
	_ =	sdelay $0x3  }
0x95: {  	_ =	strace s4  }
0x96: {  	s4 =	sld [smem:$0x3FFD];
	_ =	sdelay $0x3  }
0x97: {  	_ =	strace s4  }
0x98: {  	_ =	strace $0x8FFFFFFF  }
0x99: {  	s19 =	sld [smem:$0x3FDB];
	_ =	sdelay $0x1  }
0x9a: {  	s5 =	simm.s32 $_scs_section_size  }
0x9b: {  	s6 =	simm.s32 $_size__tile_overlayer_lowered;
	s7 =	simm.s32 $_tile_overlayer_lowered  }
0x9c: {  	s22 =	simm.s32 $0x1BFF;
	s21 =	sshll.u32 s7, $0x1;
	s4 =	sadd.s32 s5, s19  }
0x9d: {  	s8 =	simm.s32 $0x0;
	s20 =	sshll.u32 s6, $0x1;
	s6 =	sadd.s32 s21, s4  }
0x9e: {  	[timem:s8], [sflag:s22] =	dma.local [hbm:s6], s20  }
0x9f: {  	_ =	swait.ge [sflag:s22], s20  }
0xa0: {  	s5 =	ssub.s32 $0x0, s20;
	[sflag:s22] =	ssyncset.done $0x0  }
0xa1: {  	[sflag:s22] =	ssyncadd.s32 s5;
	_ =	sdelay $0x1  }
0xa2: {  	s23 =	simm.s32 $0x1B8B  }
0xa3: {  	_ =	swait.ge [sflag:s23], $0x1  }
0xa4: {  	[sflag:s23] =	ssyncset.done $0x0  }
0xa5: {  	s25 =	simm.s32 $0x1B8E;
	s24 =	sld [smem:$0x3FFE];
	[sflag:s23] =	ssyncadd.s32 $0xFFFFFFFF  }
0xa6: {  	s26 =	simm.s32 $execute0_lowered;
	[smem:$0x3FD2] =	sst s25  }
0xa7: {  	s6 =	sshll.u32 s26, $0x1;
	_ =	strace $0x80000049;
	[dreg:$0x1] =	wrdreg $0xFFFFFFFF  }
0xa8: {  	s28 =	simm.s32 $_size_execute0_lowered;
	s4 =	sadd.s32 s4, s6;
	[dreg:$0x0] =	wrdreg $0x0  }
0xa9: {  	s6 =	sshll.u32 s28, $0x1;
	[dreg:$0x2] =	wrdreg s4  }
0xaa: {  	[dreg:$0x3] =	wrdreg s6  }
0xab: {  	[dreg:$0x4] =	wrdreg $0xC0  }
0xac: {  	_ =	task [dreg:s8], $0x5FFFF  }
0xad: {  	[dreg:$0x1] =	wrdreg $0xFFFFFFFF  }
0xae: {  	[dreg:$0x0] =	wrdreg $0x60  }
0xaf: {  	[dreg:$0x2] =	wrdreg s2  }
0xb0: {  	[dreg:$0x3] =	wrdreg s18  }
0xb1: {  	[dreg:$0x4] =	wrdreg s24  }
0xb2: {  	[dreg:$0x5] =	wrdreg $0x9  }
0xb3: {  	_ =	task.clear_ibuf [dreg:s8], $0x6FFFF;
	_ =	strace $0x90000049  }
0xb4: {  	s29 =	simm.s32 $0x9;
	_ =	strace $0x8000004B  }
0xb5: {  	_ =	swait.ge [sflag:s29], $0x1  }
0xb6: {  	[sflag:s29] =	ssyncadd.s32 $0xFFFFFFFF  }
0xb7: {  	_ =	strace $0x9000004B  }
0xb8: {  	_ =	sfence  }
0xb9: {  	s30 =	sld [smem:$0x0];
	_ =	sdelay $0x2  }
0xba: {  	s31 =	sshll.u32 s1, $0xD;
	s1 =	sshrl.u32 s1, $0x2  }
0xbb: {  	s3 =	sand.u32 $0x4000, s31;
	s1 =	sadd.s32 s1, s30  }
0xbc: {  	s0 =	sor.u32 s3, s0;
	s1 =	sshll.u32 s1, $0x11  }
0xbd: {  	s0 =	sor.u32 s1, s0  }
0xbe: {  	s0 =	sadd.s32 $0x8F2B, s0  }
0xbf: {  	[sflag:s0] =	ssyncadd.remote.s32 $0x1  }
0xc0: {  	_ =	sfence.sel $0xFFFF  }
0xc1: {  	[dreg:$0x0] =	wrdreg $0xFFFFFFFF;
	(pc) =	sbr.abs _section_cstart, $3  }
0xc2: {  	[dreg:$0x1] =	wrdreg $0xFFFFFFFF  }
0xc3: {  	_ =	task.clear_ibuf [dreg:s8], $0x2FFFF;
	_ =	strace $0x9FFFFFFF  }
0xc4: {  	(tm) =	ssettm $0x7FFFFFFF  }
0xc5: {  	_ =	shalt  }
tec
execute0_lowered:
.L_overlay_start_1:
0x0: {  	(tag) =	ssettag $0x1  }
0x1: {  	v0 =	vlaneseq.u32  }
0x2: {  	v4 =	vor.u32 $0x4000, v0  }
0x3: {  	vm15 =	vcmask $0x300;
	[tilespmem:$0x1FE70] =	vst v4;
	v4 =	vshrl.u32 v0, $0x3  }
0x4: {  	v5 =	vand.u32 $0x7, v0;
	v6 =	vmul.u32 $0x8, v4;
	v4 =	vimm.s32 $0xB80  }
0x5: {  	vm14 =	vcmask $0x704;
	[tilespmem:$0x1FE80] =	vst v5;
	v5 =	vimm.s32 $0xB81;
	v4 =	vsel vm15, $0x0, v4  }
0x6: {  	vm13 =	vcmask $0xB08;
	v5 =	vsel vm15, $0x1, v5;
	v4 =	vsel vm14, $0x80, v4  }
0x7: {  	vm12 =	vcmask $0xF0C;
	v5 =	vsel vm14, $0x81, v5;
	v4 =	vsel vm13, $0x100, v4  }
0x8: {  	vm11 =	vcmask $0x1310;
	v5 =	vsel vm13, $0x101, v5;
	v4 =	vsel vm12, $0x180, v4  }
0x9: {  	vm10 =	vcmask $0x1714;
	v5 =	vsel vm12, $0x181, v5;
	v4 =	vsel vm11, $0x200, v4  }
0xa: {  	vm9 =	vcmask $0x1B18;
	v5 =	vsel vm11, $0x201, v5;
	v4 =	vsel vm10, $0x280, v4  }
0xb: {  	vm8 =	vcmask $0x1F1C;
	v5 =	vsel vm10, $0x281, v5;
	v4 =	vsel vm9, $0x300, v4  }
0xc: {  	vm7 =	vcmask $0x2320;
	v5 =	vsel vm9, $0x301, v5;
	v4 =	vsel vm8, $0x380, v4  }
0xd: {  	vm6 =	vcmask $0x2724;
	v5 =	vsel vm8, $0x381, v5;
	v4 =	vsel vm7, $0x800, v4  }
0xe: {  	vm5 =	vcmask $0x2B28;
	v5 =	vsel vm7, $0x801, v5;
	v4 =	vsel vm6, $0x880, v4  }
0xf: {  	vm4 =	vcmask $0x2F2C;
	v5 =	vsel vm6, $0x881, v5;
	v4 =	vsel vm5, $0x900, v4  }
0x10: {  	vm3 =	vcmask $0x3330;
	v5 =	vsel vm5, $0x901, v5;
	v4 =	vsel vm4, $0x980, v4  }
0x11: {  	vm2 =	vcmask $0x3734;
	v5 =	vsel vm4, $0x981, v5;
	v4 =	vsel vm3, $0xA00, v4  }
0x12: {  	vm1 =	vcmask $0x3B38;
	v5 =	vsel vm3, $0xA01, v5;
	v4 =	vsel vm2, $0xA80, v4  }
0x13: {  	v5 =	vsel vm2, $0xA81, v5;
	v4 =	vsel vm1, $0xB00, v4  }
0x14: {  	[tilespmem:$0x1FEA0] =	vst v4;
	v4 =	vsel vm1, $0xB01, v5  }
0x15: {  	[tilespmem:$0x1FEB0] =	vst v4;
	v4 =	vimm.s32 $0xB82  }
0x16: {  	v7 =	vor.u32 $0x8, v0;
	v5 =	vimm.s32 $0xB83;
	v4 =	vsel vm15, $0x2, v4  }
0x17: {  	[tilespmem:$0x1FE90] =	vst v7;
	v7 =	vimm.s32 $0xB84;
	v5 =	vsel vm15, $0x3, v5;
	v4 =	vsel vm14, $0x82, v4  }
0x18: {  	v7 =	vsel vm15, $0x4, v7;
	v5 =	vsel vm14, $0x83, v5;
	v4 =	vsel vm13, $0x102, v4  }
0x19: {  	v7 =	vsel vm14, $0x84, v7;
	v5 =	vsel vm13, $0x103, v5;
	v4 =	vsel vm12, $0x182, v4  }
0x1a: {  	v7 =	vsel vm13, $0x104, v7;
	v5 =	vsel vm12, $0x183, v5;
	v4 =	vsel vm11, $0x202, v4  }
0x1b: {  	v7 =	vsel vm12, $0x184, v7;
	v5 =	vsel vm11, $0x203, v5;
	v4 =	vsel vm10, $0x282, v4  }
0x1c: {  	v7 =	vsel vm11, $0x204, v7;
	v5 =	vsel vm10, $0x283, v5;
	v4 =	vsel vm9, $0x302, v4  }
0x1d: {  	v7 =	vsel vm10, $0x284, v7;
	v5 =	vsel vm9, $0x303, v5;
	v4 =	vsel vm8, $0x382, v4  }
0x1e: {  	v7 =	vsel vm9, $0x304, v7;
	v5 =	vsel vm8, $0x383, v5;
	v4 =	vsel vm7, $0x802, v4  }
0x1f: {  	v7 =	vsel vm8, $0x384, v7;
	v5 =	vsel vm7, $0x803, v5;
	v4 =	vsel vm6, $0x882, v4  }
0x20: {  	v7 =	vsel vm7, $0x804, v7;
	v5 =	vsel vm6, $0x883, v5;
	v4 =	vsel vm5, $0x902, v4  }
0x21: {  	v7 =	vsel vm6, $0x884, v7;
	v5 =	vsel vm5, $0x903, v5;
	v4 =	vsel vm4, $0x982, v4  }
0x22: {  	v7 =	vsel vm5, $0x904, v7;
	v5 =	vsel vm4, $0x983, v5;
	v4 =	vsel vm3, $0xA02, v4  }
0x23: {  	v7 =	vsel vm4, $0x984, v7;
	v5 =	vsel vm3, $0xA03, v5;
	v4 =	vsel vm2, $0xA82, v4  }
0x24: {  	v7 =	vsel vm3, $0xA04, v7;
	v5 =	vsel vm2, $0xA83, v5;
	v4 =	vsel vm1, $0xB02, v4  }
0x25: {  	v7 =	vsel vm2, $0xA84, v7;
	[tilespmem:$0x1FEC0] =	vst v4;
	v4 =	vsel vm1, $0xB03, v5  }
0x26: {  	[tilespmem:$0x1FED0] =	vst v4;
	v4 =	vsel vm1, $0xB04, v7  }
0x27: {  	[tilespmem:$0x1FEE0] =	vst v4;
	v4 =	vimm.s32 $0xB85  }
0x28: {  	v5 =	vimm.s32 $0xB86;
	v4 =	vsel vm15, $0x5, v4  }
0x29: {  	v7 =	vimm.s32 $0xB87;
	v5 =	vsel vm15, $0x6, v5;
	v4 =	vsel vm14, $0x85, v4  }
0x2a: {  	v7 =	vsel vm15, $0x7, v7;
	v5 =	vsel vm14, $0x86, v5;
	v4 =	vsel vm13, $0x105, v4  }
0x2b: {  	v7 =	vsel vm14, $0x87, v7;
	v5 =	vsel vm13, $0x106, v5;
	v4 =	vsel vm12, $0x185, v4  }
0x2c: {  	v7 =	vsel vm13, $0x107, v7;
	v5 =	vsel vm12, $0x186, v5;
	v4 =	vsel vm11, $0x205, v4  }
0x2d: {  	v7 =	vsel vm12, $0x187, v7;
	v5 =	vsel vm11, $0x206, v5;
	v4 =	vsel vm10, $0x285, v4  }
0x2e: {  	v7 =	vsel vm11, $0x207, v7;
	v5 =	vsel vm10, $0x286, v5;
	v4 =	vsel vm9, $0x305, v4  }
0x2f: {  	v7 =	vsel vm10, $0x287, v7;
	v5 =	vsel vm9, $0x306, v5;
	v4 =	vsel vm8, $0x385, v4  }
0x30: {  	v7 =	vsel vm9, $0x307, v7;
	v5 =	vsel vm8, $0x386, v5;
	v4 =	vsel vm7, $0x805, v4  }
0x31: {  	v7 =	vsel vm8, $0x387, v7;
	v5 =	vsel vm7, $0x806, v5;
	v4 =	vsel vm6, $0x885, v4  }
0x32: {  	v7 =	vsel vm7, $0x807, v7;
	v5 =	vsel vm6, $0x886, v5;
	v4 =	vsel vm5, $0x905, v4  }
0x33: {  	v7 =	vsel vm6, $0x887, v7;
	v5 =	vsel vm5, $0x906, v5;
	v4 =	vsel vm4, $0x985, v4  }
0x34: {  	v7 =	vsel vm5, $0x907, v7;
	v5 =	vsel vm4, $0x986, v5;
	v4 =	vsel vm3, $0xA05, v4  }
0x35: {  	v7 =	vsel vm4, $0x987, v7;
	v5 =	vsel vm3, $0xA06, v5;
	v4 =	vsel vm2, $0xA85, v4  }
0x36: {  	v7 =	vsel vm3, $0xA07, v7;
	v5 =	vsel vm2, $0xA86, v5;
	v4 =	vsel vm1, $0xB05, v4  }
0x37: {  	v7 =	vsel vm2, $0xA87, v7;
	[tilespmem:$0x1FEF0] =	vst v4;
	v4 =	vsel vm1, $0xB06, v5  }
0x38: {  	[tilespmem:$0x1FF00] =	vst v4;
	v4 =	vsel vm1, $0xB07, v7  }
0x39: {  	[tilespmem:$0x1FF10] =	vst v4;
	v4 =	vimm.s32 $0xB88  }
0x3a: {  	v5 =	vimm.s32 $0xB89;
	v4 =	vsel vm15, $0x8, v4  }
0x3b: {  	v7 =	vimm.s32 $0xB8A;
	v5 =	vsel vm15, $0x9, v5;
	v4 =	vsel vm14, $0x88, v4  }
0x3c: {  	v7 =	vsel vm15, $0xA, v7;
	v5 =	vsel vm14, $0x89, v5;
	v4 =	vsel vm13, $0x108, v4  }
0x3d: {  	v7 =	vsel vm14, $0x8A, v7;
	v5 =	vsel vm13, $0x109, v5;
	v4 =	vsel vm12, $0x188, v4  }
0x3e: {  	v7 =	vsel vm13, $0x10A, v7;
	v5 =	vsel vm12, $0x189, v5;
	v4 =	vsel vm11, $0x208, v4  }
0x3f: {  	v7 =	vsel vm12, $0x18A, v7;
	v5 =	vsel vm11, $0x209, v5;
	v4 =	vsel vm10, $0x288, v4  }
0x40: {  	v7 =	vsel vm11, $0x20A, v7;
	v5 =	vsel vm10, $0x289, v5;
	v4 =	vsel vm9, $0x308, v4  }
0x41: {  	v7 =	vsel vm10, $0x28A, v7;
	v5 =	vsel vm9, $0x309, v5;
	v4 =	vsel vm8, $0x388, v4  }
0x42: {  	v7 =	vsel vm9, $0x30A, v7;
	v5 =	vsel vm8, $0x389, v5;
	v4 =	vsel vm7, $0x808, v4  }
0x43: {  	v7 =	vsel vm8, $0x38A, v7;
	v5 =	vsel vm7, $0x809, v5;
	v4 =	vsel vm6, $0x888, v4  }
0x44: {  	v7 =	vsel vm7, $0x80A, v7;
	v5 =	vsel vm6, $0x889, v5;
	v4 =	vsel vm5, $0x908, v4  }
0x45: {  	v7 =	vsel vm6, $0x88A, v7;
	v5 =	vsel vm5, $0x909, v5;
	v4 =	vsel vm4, $0x988, v4  }
0x46: {  	v7 =	vsel vm5, $0x90A, v7;
	v5 =	vsel vm4, $0x989, v5;
	v4 =	vsel vm3, $0xA08, v4  }
0x47: {  	v7 =	vsel vm4, $0x98A, v7;
	v5 =	vsel vm3, $0xA09, v5;
	v4 =	vsel vm2, $0xA88, v4  }
0x48: {  	v7 =	vsel vm3, $0xA0A, v7;
	v5 =	vsel vm2, $0xA89, v5;
	v4 =	vsel vm1, $0xB08, v4  }
0x49: {  	v7 =	vsel vm2, $0xA8A, v7;
	[tilespmem:$0x1FF20] =	vst v4;
	v4 =	vsel vm1, $0xB09, v5  }
0x4a: {  	[tilespmem:$0x1FF30] =	vst v4;
	v4 =	vsel vm1, $0xB0A, v7  }
0x4b: {  	[tilespmem:$0x1FF40] =	vst v4;
	v4 =	vimm.s32 $0xB8B  }
0x4c: {  	v5 =	vimm.s32 $0xB8C;
	v4 =	vsel vm15, $0xB, v4  }
0x4d: {  	v7 =	vimm.s32 $0xB8D;
	v5 =	vsel vm15, $0xC, v5;
	v4 =	vsel vm14, $0x8B, v4  }
0x4e: {  	v7 =	vsel vm15, $0xD, v7;
	v5 =	vsel vm14, $0x8C, v5;
	v4 =	vsel vm13, $0x10B, v4  }
0x4f: {  	v7 =	vsel vm14, $0x8D, v7;
	v5 =	vsel vm13, $0x10C, v5;
	v4 =	vsel vm12, $0x18B, v4  }
0x50: {  	v7 =	vsel vm13, $0x10D, v7;
	v5 =	vsel vm12, $0x18C, v5;
	v4 =	vsel vm11, $0x20B, v4  }
0x51: {  	v7 =	vsel vm12, $0x18D, v7;
	v5 =	vsel vm11, $0x20C, v5;
	v4 =	vsel vm10, $0x28B, v4  }
0x52: {  	v7 =	vsel vm11, $0x20D, v7;
	v5 =	vsel vm10, $0x28C, v5;
	v4 =	vsel vm9, $0x30B, v4  }
0x53: {  	v7 =	vsel vm10, $0x28D, v7;
	v5 =	vsel vm9, $0x30C, v5;
	v4 =	vsel vm8, $0x38B, v4  }
0x54: {  	v7 =	vsel vm9, $0x30D, v7;
	v5 =	vsel vm8, $0x38C, v5;
	v4 =	vsel vm7, $0x80B, v4  }
0x55: {  	v7 =	vsel vm8, $0x38D, v7;
	v5 =	vsel vm7, $0x80C, v5;
	v4 =	vsel vm6, $0x88B, v4  }
0x56: {  	v7 =	vsel vm7, $0x80D, v7;
	v5 =	vsel vm6, $0x88C, v5;
	v4 =	vsel vm5, $0x90B, v4  }
0x57: {  	v7 =	vsel vm6, $0x88D, v7;
	v5 =	vsel vm5, $0x90C, v5;
	v4 =	vsel vm4, $0x98B, v4  }
0x58: {  	v7 =	vsel vm5, $0x90D, v7;
	v5 =	vsel vm4, $0x98C, v5;
	v4 =	vsel vm3, $0xA0B, v4  }
0x59: {  	v7 =	vsel vm4, $0x98D, v7;
	v5 =	vsel vm3, $0xA0C, v5;
	v4 =	vsel vm2, $0xA8B, v4  }
0x5a: {  	v7 =	vsel vm3, $0xA0D, v7;
	v5 =	vsel vm2, $0xA8C, v5;
	v4 =	vsel vm1, $0xB0B, v4  }
0x5b: {  	v7 =	vsel vm2, $0xA8D, v7;
	[tilespmem:$0x1FF50] =	vst v4;
	v4 =	vsel vm1, $0xB0C, v5  }
0x5c: {  	[tilespmem:$0x1FF60] =	vst v4;
	v4 =	vsel vm1, $0xB0D, v7  }
0x5d: {  	[tilespmem:$0x1FF70] =	vst v4;
	v4 =	vimm.s32 $0xB8E  }
0x5e: {  	v5 =	vimm.s32 $0xB8F;
	v4 =	vsel vm15, $0xE, v4  }
0x5f: {  	v7 =	vimm.s32 $0xB90;
	v5 =	vsel vm15, $0xF, v5;
	v4 =	vsel vm14, $0x8E, v4  }
0x60: {  	v7 =	vsel vm15, $0x10, v7;
	v5 =	vsel vm14, $0x8F, v5;
	v4 =	vsel vm13, $0x10E, v4  }
0x61: {  	v7 =	vsel vm14, $0x90, v7;
	v5 =	vsel vm13, $0x10F, v5;
	v4 =	vsel vm12, $0x18E, v4  }
0x62: {  	v7 =	vsel vm13, $0x110, v7;
	v5 =	vsel vm12, $0x18F, v5;
	v4 =	vsel vm11, $0x20E, v4  }
0x63: {  	v7 =	vsel vm12, $0x190, v7;
	v5 =	vsel vm11, $0x20F, v5;
	v4 =	vsel vm10, $0x28E, v4  }
0x64: {  	v7 =	vsel vm11, $0x210, v7;
	v5 =	vsel vm10, $0x28F, v5;
	v4 =	vsel vm9, $0x30E, v4  }
0x65: {  	v7 =	vsel vm10, $0x290, v7;
	v5 =	vsel vm9, $0x30F, v5;
	v4 =	vsel vm8, $0x38E, v4  }
0x66: {  	v7 =	vsel vm9, $0x310, v7;
	v5 =	vsel vm8, $0x38F, v5;
	v4 =	vsel vm7, $0x80E, v4  }
0x67: {  	v7 =	vsel vm8, $0x390, v7;
	v5 =	vsel vm7, $0x80F, v5;
	v4 =	vsel vm6, $0x88E, v4  }
0x68: {  	v7 =	vsel vm7, $0x810, v7;
	v5 =	vsel vm6, $0x88F, v5;
	v4 =	vsel vm5, $0x90E, v4  }
0x69: {  	v7 =	vsel vm6, $0x890, v7;
	v5 =	vsel vm5, $0x90F, v5;
	v4 =	vsel vm4, $0x98E, v4  }
0x6a: {  	v7 =	vsel vm5, $0x910, v7;
	v5 =	vsel vm4, $0x98F, v5;
	v4 =	vsel vm3, $0xA0E, v4  }
0x6b: {  	v7 =	vsel vm4, $0x990, v7;
	v5 =	vsel vm3, $0xA0F, v5;
	v4 =	vsel vm2, $0xA8E, v4  }
0x6c: {  	v7 =	vsel vm3, $0xA10, v7;
	v5 =	vsel vm2, $0xA8F, v5;
	v4 =	vsel vm1, $0xB0E, v4  }
0x6d: {  	v7 =	vsel vm2, $0xA90, v7;
	[tilespmem:$0x1FF80] =	vst v4;
	v4 =	vsel vm1, $0xB0F, v5  }
0x6e: {  	[tilespmem:$0x1FF90] =	vst v4;
	v4 =	vsel vm1, $0xB10, v7  }
0x6f: {  	[tilespmem:$0x1FFA0] =	vst v4;
	v4 =	vimm.s32 $0xB91  }
0x70: {  	v3 =	vimm.s32 $0x0;
	v5 =	vimm.s32 $0xB92;
	v4 =	vsel vm15, $0x11, v4  }
0x71: {  	v7 =	vimm.s32 $0xB93;
	v5 =	vsel vm15, $0x12, v5;
	v4 =	vsel vm14, $0x91, v4  }
0x72: {  	v7 =	vsel vm15, $0x13, v7;
	v5 =	vsel vm14, $0x92, v5;
	v4 =	vsel vm13, $0x111, v4  }
0x73: {  	v7 =	vsel vm14, $0x93, v7;
	v5 =	vsel vm13, $0x112, v5;
	v4 =	vsel vm12, $0x191, v4  }
0x74: {  	v7 =	vsel vm13, $0x113, v7;
	v5 =	vsel vm12, $0x192, v5;
	v4 =	vsel vm11, $0x211, v4  }
0x75: {  	v7 =	vsel vm12, $0x193, v7;
	v5 =	vsel vm11, $0x212, v5;
	v4 =	vsel vm10, $0x291, v4  }
0x76: {  	v7 =	vsel vm11, $0x213, v7;
	v5 =	vsel vm10, $0x292, v5;
	v4 =	vsel vm9, $0x311, v4  }
0x77: {  	v7 =	vsel vm10, $0x293, v7;
	v5 =	vsel vm9, $0x312, v5;
	v4 =	vsel vm8, $0x391, v4  }
0x78: {  	v7 =	vsel vm9, $0x313, v7;
	v5 =	vsel vm8, $0x392, v5;
	v4 =	vsel vm7, $0x811, v4  }
0x79: {  	v7 =	vsel vm8, $0x393, v7;
	v5 =	vsel vm7, $0x812, v5;
	v4 =	vsel vm6, $0x891, v4  }
0x7a: {  	v7 =	vsel vm7, $0x813, v7;
	v5 =	vsel vm6, $0x892, v5;
	v4 =	vsel vm5, $0x911, v4  }
0x7b: {  	v7 =	vsel vm6, $0x893, v7;
	v5 =	vsel vm5, $0x912, v5;
	v4 =	vsel vm4, $0x991, v4  }
0x7c: {  	v7 =	vsel vm5, $0x913, v7;
	v5 =	vsel vm4, $0x992, v5;
	v4 =	vsel vm3, $0xA11, v4  }
0x7d: {  	s0 =	srdreg.scid;
	s1 =	stileid.u32;
	v7 =	vsel vm4, $0x993, v7;
	v5 =	vsel vm3, $0xA12, v5;
	v4 =	vsel vm2, $0xA91, v4  }
0x7e: {  	s0 =	sand.u32 $0x1, s0;
	s1 =	sshll.u32 s1, $0x1;
	v7 =	vsel vm3, $0xA13, v7;
	v5 =	vsel vm2, $0xA92, v5;
	v4 =	vsel vm1, $0xB11, v4  }
0x7f: {  	vm0 =	vmmov $0xff;
	s1 =	sor.u32 s0, s1;
	v7 =	vsel vm2, $0xA93, v7;
	[tilespmem:$0x1FFB0] =	vst v4;
	v4 =	vsel vm1, $0xB12, v5  }
0x80: {  	v2 =	vmul.u32 $0x400, v0;
	v1 =	vmov s1;
	[tilespmem:$0x1FFC0] =	vst v4;
	v4 =	vsel vm1, $0xB13, v7  }
0x81: {  	v5 =	vimm.s32 $0xB95;
	v7 =	vimm.s32 $0xB96;
	[tilespmem:$0x1FFD0] =	vst v4;
	v4 =	vimm.s32 $0xB94  }
0x82: {  	v5 =	vsel vm15, $0x15, v5;
	v7 =	vsel vm15, $0x16, v7;
	v4 =	vsel vm15, $0x14, v4  }
0x83: {  	v5 =	vsel vm14, $0x95, v5;
	v7 =	vsel vm14, $0x96, v7;
	v4 =	vsel vm14, $0x94, v4  }
0x84: {  	v5 =	vsel vm13, $0x115, v5;
	v7 =	vsel vm13, $0x116, v7;
	v4 =	vsel vm13, $0x114, v4  }
0x85: {  	v5 =	vsel vm12, $0x195, v5;
	v7 =	vsel vm12, $0x196, v7;
	v4 =	vsel vm12, $0x194, v4  }
0x86: {  	v5 =	vsel vm11, $0x215, v5;
	v7 =	vsel vm11, $0x216, v7;
	v4 =	vsel vm11, $0x214, v4  }
0x87: {  	v5 =	vsel vm10, $0x295, v5;
	v7 =	vsel vm10, $0x296, v7;
	v4 =	vsel vm10, $0x294, v4  }
0x88: {  	v5 =	vsel vm9, $0x315, v5;
	v7 =	vsel vm9, $0x316, v7;
	v4 =	vsel vm9, $0x314, v4  }
0x89: {  	v5 =	vsel vm8, $0x395, v5;
	v7 =	vsel vm8, $0x396, v7;
	v4 =	vsel vm8, $0x394, v4  }
0x8a: {  	v5 =	vsel vm7, $0x815, v5;
	v7 =	vsel vm7, $0x816, v7;
	v4 =	vsel vm7, $0x814, v4  }
0x8b: {  	v5 =	vsel vm6, $0x895, v5;
	v7 =	vsel vm6, $0x896, v7;
	v4 =	vsel vm6, $0x894, v4  }
0x8c: {  	v5 =	vsel vm5, $0x915, v5;
	v7 =	vsel vm5, $0x916, v7;
	v4 =	vsel vm5, $0x914, v4  }
0x8d: {  	v5 =	vsel vm4, $0x995, v5;
	v7 =	vsel vm4, $0x996, v7;
	v4 =	vsel vm4, $0x994, v4  }
0x8e: {  	v5 =	vsel vm3, $0xA15, v5;
	v7 =	vsel vm3, $0xA16, v7;
	v4 =	vsel vm3, $0xA14, v4  }
0x8f: {  	v5 =	vsel vm2, $0xA95, v5;
	v7 =	vsel vm2, $0xA96, v7;
	v4 =	vsel vm2, $0xA94, v4  }
0x90: {  	v30 =	vsel vm1, $0xB16, v7;
	v7 =	vimm.s32 $0xB99;
	v4 =	vsel vm1, $0xB14, v4  }
0x91: {  	v7 =	vsel vm15, $0x19, v7;
	[tilespmem:$0x1FFE0] =	vst v4;
	v4 =	vsel vm1, $0xB15, v5;
	v5 =	vimm.s32 $0xB98  }
0x92: {  	v7 =	vsel vm14, $0x99, v7;
	[tilespmem:$0x1FFF0] =	vst v4;
	v4 =	vimm.s32 $0xB97;
	v5 =	vsel vm15, $0x18, v5  }
0x93: {  	v7 =	vsel vm13, $0x119, v7;
	v4 =	vsel vm15, $0x17, v4;
	v5 =	vsel vm14, $0x98, v5  }
0x94: {  	v7 =	vsel vm12, $0x199, v7;
	v4 =	vsel vm14, $0x97, v4;
	v5 =	vsel vm13, $0x118, v5  }
0x95: {  	v7 =	vsel vm11, $0x219, v7;
	v4 =	vsel vm13, $0x117, v4;
	v5 =	vsel vm12, $0x198, v5  }
0x96: {  	v7 =	vsel vm10, $0x299, v7;
	v4 =	vsel vm12, $0x197, v4;
	v5 =	vsel vm11, $0x218, v5  }
0x97: {  	v7 =	vsel vm9, $0x319, v7;
	v4 =	vsel vm11, $0x217, v4;
	v5 =	vsel vm10, $0x298, v5  }
0x98: {  	v7 =	vsel vm8, $0x399, v7;
	v4 =	vsel vm10, $0x297, v4;
	v5 =	vsel vm9, $0x318, v5  }
0x99: {  	v7 =	vsel vm7, $0x819, v7;
	v4 =	vsel vm9, $0x317, v4;
	v5 =	vsel vm8, $0x398, v5  }
0x9a: {  	v7 =	vsel vm6, $0x899, v7;
	v4 =	vsel vm8, $0x397, v4;
	v5 =	vsel vm7, $0x818, v5  }
0x9b: {  	v7 =	vsel vm5, $0x919, v7;
	v4 =	vsel vm7, $0x817, v4;
	v5 =	vsel vm6, $0x898, v5  }
0x9c: {  	v7 =	vsel vm4, $0x999, v7;
	v4 =	vsel vm6, $0x897, v4;
	v5 =	vsel vm5, $0x918, v5  }
0x9d: {  	v7 =	vsel vm3, $0xA19, v7;
	v4 =	vsel vm5, $0x917, v4;
	v5 =	vsel vm4, $0x998, v5  }
0x9e: {  	v7 =	vsel vm2, $0xA99, v7;
	v4 =	vsel vm4, $0x997, v4;
	v5 =	vsel vm3, $0xA18, v5  }
0x9f: {  	v33 =	vsel vm1, $0xB19, v7;
	v7 =	vimm.s32 $0xB9C;
	v4 =	vsel vm3, $0xA17, v4  }
0xa0: {  	v5 =	vsel vm2, $0xA98, v5;
	v7 =	vsel vm15, $0x1C, v7;
	v4 =	vsel vm2, $0xA97, v4  }
0xa1: {  	v32 =	vsel vm1, $0xB18, v5;
	v5 =	vimm.s32 $0xB9B;
	v7 =	vsel vm14, $0x9C, v7  }
0xa2: {  	v31 =	vsel vm1, $0xB17, v4;
	v4 =	vimm.s32 $0xB9A;
	v5 =	vsel vm15, $0x1B, v5  }
0xa3: {  	v7 =	vsel vm13, $0x11C, v7;
	v4 =	vsel vm15, $0x1A, v4;
	v5 =	vsel vm14, $0x9B, v5  }
0xa4: {  	v7 =	vsel vm12, $0x19C, v7;
	v4 =	vsel vm14, $0x9A, v4;
	v5 =	vsel vm13, $0x11B, v5  }
0xa5: {  	v7 =	vsel vm11, $0x21C, v7;
	v4 =	vsel vm13, $0x11A, v4;
	v5 =	vsel vm12, $0x19B, v5  }
0xa6: {  	v7 =	vsel vm10, $0x29C, v7;
	v4 =	vsel vm12, $0x19A, v4;
	v5 =	vsel vm11, $0x21B, v5  }
0xa7: {  	v7 =	vsel vm9, $0x31C, v7;
	v4 =	vsel vm11, $0x21A, v4;
	v5 =	vsel vm10, $0x29B, v5  }
0xa8: {  	v7 =	vsel vm8, $0x39C, v7;
	v4 =	vsel vm10, $0x29A, v4;
	v5 =	vsel vm9, $0x31B, v5  }
0xa9: {  	v7 =	vsel vm7, $0x81C, v7;
	v4 =	vsel vm9, $0x31A, v4;
	v5 =	vsel vm8, $0x39B, v5  }
0xaa: {  	v7 =	vsel vm6, $0x89C, v7;
	v4 =	vsel vm8, $0x39A, v4;
	v5 =	vsel vm7, $0x81B, v5  }
0xab: {  	v7 =	vsel vm5, $0x91C, v7;
	v4 =	vsel vm7, $0x81A, v4;
	v5 =	vsel vm6, $0x89B, v5  }
0xac: {  	v7 =	vsel vm4, $0x99C, v7;
	v4 =	vsel vm6, $0x89A, v4;
	v5 =	vsel vm5, $0x91B, v5  }
0xad: {  	v7 =	vsel vm3, $0xA1C, v7;
	v4 =	vsel vm5, $0x91A, v4;
	v5 =	vsel vm4, $0x99B, v5  }
0xae: {  	v7 =	vsel vm2, $0xA9C, v7;
	v4 =	vsel vm4, $0x99A, v4;
	v5 =	vsel vm3, $0xA1B, v5  }
0xaf: {  	v36 =	vsel vm1, $0xB1C, v7;
	v4 =	vsel vm3, $0xA1A, v4;
	v5 =	vsel vm2, $0xA9B, v5  }
0xb0: {  	v7 =	vimm.s32 $0xB9F;
	v4 =	vsel vm2, $0xA9A, v4;
	v35 =	vsel vm1, $0xB1B, v5  }
0xb1: {  	v5 =	vimm.s32 $0xB9E;
	v34 =	vsel vm1, $0xB1A, v4;
	v4 =	vimm.s32 $0xB9D  }
0xb2: {  	v7 =	vsel vm15, $0x1F, v7;
	v5 =	vsel vm15, $0x1E, v5;
	v4 =	vsel vm15, $0x1D, v4  }
0xb3: {  	v7 =	vsel vm14, $0x9F, v7;
	v5 =	vsel vm14, $0x9E, v5;
	v4 =	vsel vm14, $0x9D, v4  }
0xb4: {  	v7 =	vsel vm13, $0x11F, v7;
	v5 =	vsel vm13, $0x11E, v5;
	v4 =	vsel vm13, $0x11D, v4  }
0xb5: {  	s3 =	rddreg [dreg:$0x1];
	v7 =	vsel vm12, $0x19F, v7;
	v5 =	vsel vm12, $0x19E, v5;
	v4 =	vsel vm12, $0x19D, v4  }
0xb6: {  	s2 =	rddreg [dreg:$0x2];
	s5 =	simm.s32 $0x0;
	v7 =	vsel vm11, $0x21F, v7;
	v5 =	vsel vm11, $0x21E, v5;
	v4 =	vsel vm11, $0x21D, v4  }
0xb7: {  	s16 =	simm.s32 $0xC000;
	s17 =	simm.s32 $0x4000;
	s18 =	simm.s32 $0x8000;
	v7 =	vsel vm10, $0x29F, v7;
	v5 =	vsel vm10, $0x29E, v5;
	v4 =	vsel vm10, $0x29D, v4  }
0xb8: {  	s19 =	simm.s32 $0x1C000;
	s20 =	simm.s32 $0x1C800;
	s21 =	simm.s32 $0x3;
	v7 =	vsel vm9, $0x31F, v7;
	v5 =	vsel vm9, $0x31E, v5;
	v4 =	vsel vm9, $0x31D, v4  }
0xb9: {  	s22 =	simm.s32 $0x1D000;
	s23 =	simm.s32 $0x10;
	s24 =	simm.s32 $0x1E000;
	v7 =	vsel vm8, $0x39F, v7;
	v5 =	vsel vm8, $0x39E, v5;
	v4 =	vsel vm8, $0x39D, v4  }
0xba: {  	s25 =	simm.s32 $0x4;
	s28 =	simm.s32 $0x1E080;
	s29 =	simm.s32 $0x14000;
	v7 =	vsel vm7, $0x81F, v7;
	v5 =	vsel vm7, $0x81E, v5;
	v4 =	vsel vm7, $0x81D, v4  }
0xbb: {  	[smem:$0x7FF] =	sst s5;
	s6 =	sadd.s32 $0xA00, s2;
	s0 =	ssub.s32 $0x2, s0;
	v7 =	vsel vm6, $0x89F, v7;
	v5 =	vsel vm6, $0x89E, v5;
	v4 =	vsel vm6, $0x89D, v4  }
.Ltmp0:
0xbc: {  	s4 =	sadd.s32 $0x40E00, s2;
	s26 =	sshrl.u32 s0, $0x1;
	v7 =	vsel vm5, $0x91F, v7;
	v5 =	vsel vm5, $0x91E, v5;
	v4 =	vsel vm5, $0x91D, v4;
	(pc) =	sbr.rel .LBB2_1-.Ltmp0, $4  }
0xbd: {  	s8 =	sadd.s32 $0x41000, s2;
	s31 =	sshll.u32 s1, $0xA;
	s0 =	ssub.s32 s0, s26;
	v7 =	vsel vm4, $0x99F, v7;
	v5 =	vsel vm4, $0x99E, v5;
	v4 =	vsel vm4, $0x99D, v4  }
0xbe: {  	s2 =	sadd.s32 s3, s31;
	_ =	strace $0x8000004A;
	[dreg:$0x4] =	wrdreg s4;
	v7 =	vsel vm3, $0xA1F, v7;
	v5 =	vsel vm3, $0xA1E, v5;
	v4 =	vsel vm3, $0xA1D, v4  }
0xbf: {  	s30 =	simm.s32 $0x0;
	s0 =	smax.u32 s0, $0x1;
	[dreg:$0x5] =	wrdreg s2;
	v7 =	vsel vm2, $0xA9F, v7;
	v5 =	vsel vm2, $0xA9E, v5;
	v4 =	vsel vm2, $0xA9D, v4  }
0xc0: {  	s10 =	sor.u32 $0x40, s1;
	s26 =	simm.s32 $0x1D800;
	[dreg:$0x6] =	wrdreg s0;
	v39 =	vsel vm1, $0xB1F, v7;
	v38 =	vsel vm1, $0xB1E, v5;
	v37 =	vsel vm1, $0xB1D, v4  }
.LBB2_32:
0xc1: {  	s30 =	sadd.s32 $0x1, s30;
	s0 =	rddreg [dreg:$0x6]  }
0xc2: {  	p0 =	sne.s32 s30, s0  }
.Ltmp1:
0xc3: {  	_ = 	snop;
	(pc) =	sbr.rel @!p0 .LBB2_33-.Ltmp1, $1  }
0xc4: {  	_ =	sdelay $0x3  }
.LBB2_1:
0xc5: {  	s0 =	rddreg [dreg:$0x0];
	s2 =	simm.s32 $0x6  }
0xc6: {  	[tilespmem:s5], [sflag:$0x6] =	stream.linear.gather [hbm4b:s0+s5], $0x4000, $0x38;
	[tilespmem:$0x1E180] =	vst v63  }
0xc7: {  	_ =	swait.ge [sflag:s2], $0x4000  }
0xc8: {  	[sflag:s2] =	ssyncset.done $0x0  }
0xc9: {  	s4 =	simm.s32 $0x1E100;
	s9 =	rddreg [dreg:$0x4];
	[sflag:s2] =	ssyncadd.s32 $0xFFFFC000  }
0xca: {  	[tilespmem:s4], [sflag:$0x6] =	stream.linear.gather [hbm4b:s9+s5], $0x80, $0x38;
	[tilespmem:$0x1E180] =	vst v63  }
0xcb: {  	_ =	swait.ge [sflag:s2], $0x80  }
0xcc: {  	[sflag:s2] =	ssyncset.done $0x0  }
0xcd: {  	[sflag:s2] =	ssyncadd.s32 $0xFFFFFF80  }
0xce: {  	v4 =	vld [tilespmem:$0x1E100]  }
0xcf: {  	s12 =	simm.s32 $0x7A1400;
	s13 =	simm.s32 $0x2000;
	s11 =	rddreg [dreg:$0x5];
	v13 =	vld [tilespmem:$0x1E110]  }
0xd0: {  	v14 =	vld [tilespmem:$0x1E120];
	[tilespmem:s16], [sflag:$0x1] =	stream.strided.gather [hbm4b:s11+s13], $0x8000, s12, s13, $0x38  }
0xd1: {  	v5 =	vld [tilespmem:s23+$0xFFFFFFF0];
	_ =	sdelay $0x3  }
0xd2: {  	v7 =	vld [tilespmem:s23+$0x0]  }
0xd3: {  	v8 =	vshrl.u32 v5, $0xA  }
0xd4: {  	v8 =	vand.u32 $0x1F, v8  }
0xd5: {  	vm2 =	veq.s32 v8, v1  }
0xd6: {  	v8 =	vsel vm2, $0x1, v3  }
0xd7: {  	(xrf0) =	vadd.scan.msk.s32 $0xffff, v8;
	v8 =	vshrl.u32 v7, $0xA  }
0xd8: {  	v8 =	vand.u32 $0x1F, v8  }
0xd9: {  	vm1 =	veq.s32 v8, v1  }
0xda: {  	v8 =	vsel vm1, $0x1, v3;
	_ =	sdelay $0x2  }
0xdb: {  	(xrf0) =	vadd.scan.msk.s32 $0xffff, v8;
	v8, _, _ =	vpop (xrf0)  }
0xdc: {  	(v2sf) =	vpush v8, $0xF;
	_ =	sdelay $0x6  }
0xdd: {  	v9, _, _ =	vpop (xrf0)  }
0xde: {  	(v2sf) =	vpush v9, $0xF;
	_ =	sdelay $0x3  }
0xdf: {  	v10 =	vmov s5  }
0xe0: {  	v10 =	vadd.s32 $0xFFFFFFFF, v10  }
0xe1: {  	v10 =	vbroadcast v10, $0x0  }
0xe2: {  	s14 =	spop (v2sf)  }
0xe3: {  	s15 =	simm.s32 $0x10;
	v11 =	vand.u32 $0x3F8000, v5;
	v12 =	vand.u32 $0x3F8000, v7;
	v8 =	vadd.s32 v8, v10;
	s0 =	sadd.s32 $0x0, s14  }
0xe4: {  	v61 =	vadd.s32 s5, v11;
	v62 =	vadd.s32 s15, v12;
	v12 =	vmov s0  }
0xe5: {  	v10 =	vshll.u32 v61, $0xA;
	v12 =	vadd.s32 $0xFFFFFFFF, v12  }
0xe6: {  	v5 =	vand.u32 $0x3FF, v5;
	v10 =	vadd.s32 v2, v10;
	v12 =	vbroadcast v12, $0x0  }
0xe7: {  	v5 =	vor.u32 v5, v10  }
0xe8: {  	[tilespmem:v8+s17+$0x0] =	vst.idx.msk vm2, v5;
	v5 =	vadd.s32 v9, v12  }
0xe9: {  	v11 =	vshll.u32 v62, $0xA  }
0xea: {  	v63 =	vadd.s32 v2, v11;
	v7 =	vand.u32 $0x3FF, v7;
	s31 =	spop (v2sf)  }
0xeb: {  	s4 =	simm.s32 $0x10;
	s2 =	simm.s32 $0x20;
	v7 =	vor.u32 v7, v63;
	s0 =	sadd.s32 s31, s0  }
.LBB2_2:
0xec: {  	p0 =	seq.s32 s2, $0x3FE0  }
0xed: {  	[tilespmem:v5+s17+$0x0] =	vst.idx.msk vm1, v7;
	s4 =	sadd.s32 $0x20, s4;
	s7 =	smov.u32 s2;
	s2 =	sadd.s32 $0x20, s2  }
0xee: {  	v5 =	vld [tilespmem:s4+$0xFFFFFFF0]  }
0xef: {  	v7 =	vld [tilespmem:s4+$0x0];
	_ =	sdelay $0x3  }
0xf0: {  	v8 =	vshrl.u32 v5, $0xA;
	v9 =	vand.u32 $0x3F8000, v5  }
0xf1: {  	v8 =	vand.u32 $0x1F, v8;
	v9 =	vadd.s32 s7, v9;
	v10 =	vshrl.u32 v7, $0xA  }
0xf2: {  	vm2 =	veq.s32 v8, v1;
	v8 =	vshll.u32 v9, $0xA;
	v9 =	vand.u32 $0x1F, v10  }
0xf3: {  	s7 =	sadd.s32 $0x10, s7;
	v10 =	vsel vm2, $0x1, v3;
	vm1 =	veq.s32 v9, v1;
	v9 =	vand.u32 $0x3F8000, v7  }
0xf4: {  	v11 =	vsel vm1, $0x1, v3;
	v9 =	vadd.s32 s7, v9;
	(xrf0) =	vadd.scan.msk.s32 $0xffff, v10  }
0xf5: {  	v9 =	vshll.u32 v9, $0xA;
	(xrf0) =	vadd.scan.msk.s32 $0xffff, v11  }
0xf6: {  	v9 =	vadd.s32 v2, v9  }
0xf7: {  	v10 =	vmov s0  }
0xf8: {  	v10 =	vadd.s32 $0xFFFFFFFF, v10  }
0xf9: {  	v10 =	vbroadcast v10, $0x0  }
0xfa: {  	v11, _, _ =	vpop (xrf0)  }
0xfb: {  	v10 =	vadd.s32 v11, v10;
	(v2sf) =	vpush v11, $0xF;
	v11, _, _ =	vpop (xrf0)  }
0xfc: {  	(v2sf) =	vpush v11, $0xF;
	_ =	sdelay $0x1  }
0xfd: {  	v5 =	vand.u32 $0x3FF, v5;
	v8 =	vadd.s32 v2, v8  }
0xfe: {  	v5 =	vor.u32 v5, v8  }
0xff: {  	[tilespmem:v10+s17+$0x0] =	vst.idx.msk vm2, v5;
	_ =	sdelay $0x9  }
0x100: {  	s7 =	spop (v2sf)  }
0x101: {  	s0 =	sadd.s32 s0, s7;
	s7 =	spop (v2sf)  }
0x102: {  	v5 =	vmov s0;
	s0 =	sadd.s32 s7, s0  }
0x103: {  	v5 =	vadd.s32 $0xFFFFFFFF, v5  }
0x104: {  	v5 =	vbroadcast v5, $0x0;
	_ =	sdelay $0x1  }
.Ltmp2:
0x105: {  	v5 =	vadd.s32 v11, v5;
	(pc) =	sbr.rel @!p0 .LBB2_2-.Ltmp2, $3  }
0x106: {  	_ =	sdelay $0x1  }
0x107: {  	v7 =	vand.u32 $0x3FF, v7  }
0x108: {  	v7 =	vor.u32 v7, v9  }
0x109: {  	v40 =	vbroadcast v4, $0x0  }
0x10a: {  	v41 =	vbroadcast v4, $0x1;
	v42 =	vbroadcast v4, $0x2  }
0x10b: {  	v43 =	vbroadcast v4, $0x3;
	v44 =	vbroadcast v4, $0x4  }
0x10c: {  	v45 =	vbroadcast v4, $0x5;
	v46 =	vbroadcast v4, $0x6  }
0x10d: {  	v47 =	vbroadcast v4, $0x7;
	v48 =	vbroadcast v4, $0x8  }
0x10e: {  	v49 =	vbroadcast v4, $0x9;
	v50 =	vbroadcast v4, $0xA  }
0x10f: {  	v51 =	vbroadcast v4, $0xB;
	v52 =	vbroadcast v4, $0xC  }
0x110: {  	v53 =	vbroadcast v4, $0xD;
	v54 =	vbroadcast v4, $0xE  }
0x111: {  	v55 =	vbroadcast v4, $0xF;
	v56 =	vbroadcast v13, $0x0  }
0x112: {  	v57 =	vbroadcast v13, $0x1;
	v58 =	vbroadcast v13, $0x2  }
0x113: {  	s2 =	sadd.s32 $0xF, s0;
	v59 =	vbroadcast v13, $0x3;
	v60 =	vbroadcast v13, $0x4  }
0x114: {  	v61 =	vbroadcast v13, $0x5;
	v62 =	vbroadcast v13, $0x6;
	s4 =	sand.u32 $0xF, s2;
	s15 =	sshra.s32 s2, $0x1F  }
.Ltmp3:
0x115: {  	v63 =	vbroadcast v13, $0x7;
	v4 =	vbroadcast v13, $0x8;
	p1 =	slt.s32 s2, $0x1;
	p0 =	sne.s32 s4, $0x0;
	(pc) =	sbr.rel .LBB2_4-.Ltmp3, $4  }
0x116: {  	[tilespmem:v5+s17+$0x0] =	vst.idx.msk vm1, v7;
	v5 =	vbroadcast v13, $0x9;
	v7 =	vbroadcast v13, $0xA;
	s4 =	sshrl.u32 s15, $0x1C;
	p0 =	por !p1, !p0  }
0x117: {  	v8 =	vbroadcast v13, $0xB;
	v9 =	vbroadcast v13, $0xC;
	s2 =	sadd.s32 s4, s2;
	s4 =	simm.s32 $0x1;
	p0 =	por !p0, !p0  }
0x118: {  	v10 =	vbroadcast v13, $0xD;
	v11 =	vbroadcast v13, $0xE;
	s2 =	sshra.s32 s2, $0x4;
	s4 =	simm.s32 @!p0 $0x0  }
0x119: {  	v12 =	vmov s0;
	v13 =	vbroadcast v13, $0xF;
	v14 =	vbroadcast v14, $0x0;
	s31 =	ssub.s32 s2, s4;
	s4 =	simm.s32 $0x0  }
.LBB2_30:
0x11a: {  	_ =	swait.ge [sflag:s25], $0x800  }
0x11b: {  	p0 =	slt.u32 s0, $0x11;
	[sflag:s25] =	ssyncset.done $0x0  }
0x11c: {  	s0 =	simm.s32 @!p0 $0x5;
	[sflag:s25] =	ssyncadd.s32 $0xFFFFF800  }
0x11d: {  	_ =	swait.ge @!p0 [sflag:s0], $0x800  }
0x11e: {  	[sflag:s0] =	ssyncset.done @!p0 $0x0  }
0x11f: {  	[sflag:s0] =	ssyncadd.s32 @!p0 $0xFFFFF800  }
.LBB2_31:
0x120: {  	s4 =	sadd.s32 $0x1, s4  }
0x121: {  	p0 =	sne.s32 s4, $0x11  }
.Ltmp4:
0x122: {  	_ = 	snop;
	(pc) =	sbr.rel @!p0 .LBB2_32-.Ltmp4, $1  }
0x123: {  	_ =	sdelay $0x3  }
.LBB2_4:
0x124: {  	s2 =	sshll.u32 s4, $0x6  }
0x125: {  	s0 =	sor.u32 $0x20, s2;
	s14 =	sor.u32 s1, s2  }
0x126: {  	s7 =	sor.u32 s1, s0;
	p1 =	sgt.u32 s14, $0x3D0  }
0x127: {  	p0 =	sgt.u32 s7, $0x3D0;
	p2 =	slt.s32 @!p1 s31, $0x1  }
0x128: {  	s7 =	sshll.u32 @!p0 s7, $0xA;
	s9 =	simm.s32 @!p0 $0x2000;
	s11 =	simm.s32 @!p0 $0x7A1400  }
0x129: {  	s13 =	simm.s32 @!p0 $0x14000;
	p2 =	por p1, p2;
	s7 =	sadd.s32 @!p0 s3, s7  }
0x12a: {  	[tilespmem:s13], [sflag:$0x2] =	stream.strided.gather @!p0 [hbm4b:s7+s9], $0x8000, s11, s9, $0x38;
	[tilespmem:$0x1E180] =	vst v63  }
.Ltmp5:
0x12b: {  	_ = 	snop;
	(pc) =	sbr.rel @p2 .LBB2_17-.Ltmp5, $4  }
0x12c: {  	s7 =	simm.s32 @!p1 $0x1  }
0x12d: {  	_ =	swait.ge @!p1 [sflag:s7], $0x8000  }
0x12e: {  	[sflag:s7] =	ssyncset.done @!p1 $0x0  }
0x12f: {  	[sflag:s7] =	ssyncadd.s32 @!p1 $0xFFFF8000  }
0x130: {  	p2 =	sne.s32 s31, $0x1  }
.Ltmp6:
0x131: {  	_ = 	snop;
	(pc) =	sbr.rel @!p2 .LBB2_6-.Ltmp6, $3  }
0x132: {  	_ =	sdelay $0x1  }
0x133: {  	s7 =	sshll.u32 s4, $0x1;
	s9 =	simm.s32 $0x4000  }
0x134: {  	s13 =	simm.s32 $0x0;
	p1 =	por $0x0, $0x0;
	v16 =	vmov s7;
	v15 =	vld [tilespmem:s9+$0x0];
	s7 =	sadd.s32 $0xFFFFFFFF, s31  }
0x135: {  	_ =	sdelay $0x3  }
0x136: {  	v17 =	vor.u32 s13, v0;
	v18 =	vshrl.u32 v15, $0x19  }
0x137: {  	vm1 =	vlt.s32 v17, v12;
	vm2 =	veq.s32 v18, v16  }
0x138: {  	vm1 =	vmand vm1, vm2  }
0x139: {  	v17 =	vsel vm1, $0x1, v3  }
0x13a: {  	(xrf0) =	vadd.scan.msk.s32 $0xffff, v17;
	_ =	sdelay $0x2  }
0x13b: {  	v17 =	vmov s13  }
0x13c: {  	v17 =	vadd.s32 $0xFFFFFFFF, v17  }
0x13d: {  	v17 =	vbroadcast v17, $0x0  }
0x13e: {  	v18, _, _ =	vpop (xrf0)  }
0x13f: {  	v17 =	vadd.s32 v18, v17;
	(v2sf) =	vpush v18, $0xF  }
0x140: {  	p2 =	sne.s32 s7, $0x1  }
.Ltmp7:
0x141: {  	_ = 	snop;
	(pc) =	sbr.rel @!p2 .LBB2_8-.Ltmp7, $3  }
0x142: {  	_ =	sdelay $0x1  }
0x143: {  	s9 =	simm.s32 $0x4010;
	s11 =	sadd.s32 $0xFFFFFFFF, s7;
	[tilespmem:v17+s18+$0x0] =	vst.idx.msk vm1, v15  }
0x144: {  	p1 =	por $0x1, $0x1;
	s7 =	simm.s32 $0x0;
	s15 =	simm.s32 $0x0;
	v15 =	vld [tilespmem:s9+$0x0]  }
.LBB2_9:
0x145: {  	p2 =	sne.s32 s11, $0x1;
	_ =	sdelay $0x2  }
0x146: {  	s7 =	sadd.s32 $0x10, s7  }
0x147: {  	v17 =	vor.u32 s7, v0;
	v18 =	vshrl.u32 v15, $0x19  }
0x148: {  	vm1 =	vlt.s32 v17, v12;
	vm2 =	veq.s32 v18, v16  }
0x149: {  	vm1 =	vmand vm1, vm2  }
0x14a: {  	v17 =	vsel vm1, $0x1, v3  }
0x14b: {  	(xrf0) =	vadd.scan.msk.s32 $0xffff, v17;
	s12 =	spop (v2sf)  }
0x14c: {  	s15 =	sadd.s32 s15, s12  }
0x14d: {  	v17 =	vmov s15  }
0x14e: {  	v17 =	vadd.s32 $0xFFFFFFFF, v17  }
0x14f: {  	v17 =	vbroadcast v17, $0x0;
	_ =	sdelay $0x1  }
0x150: {  	v18, _, _ =	vpop (xrf0)  }
0x151: {  	v17 =	vadd.s32 v18, v17;
	(v2sf) =	vpush v18, $0xF;
	_ =	sdelay $0x1  }
.Ltmp8:
0x152: {  	(pc) =	sbr.rel @p2 .LBB2_9-.Ltmp8, $3  }
0x153: {  	_ =	sdelay $0x1  }
0x154: {  	s9 =	sadd.s32 $0x10, s9;
	[tilespmem:v17+s18+$0x0] =	vst.idx.msk vm1, v15  }
0x155: {  	s11 =	sadd.s32 $0xFFFFFFFF, s11;
	v15 =	vld [tilespmem:s9+$0x0]  }
.LBB2_10:
0x156: {  	_ =	sdelay $0x1  }
0x157: {  	s7 =	sadd.s32 @p1 $0x10, s7;
	s9 =	simm.s32 $0x0  }
0x158: {  	s9 =	smov.u32 @p1 s7  }
0x159: {  	v17 =	vor.u32 s9, v0;
	v18 =	vshrl.u32 v15, $0x19  }
0x15a: {  	vm1 =	vlt.s32 v17, v12;
	vm2 =	veq.s32 v18, v16  }
0x15b: {  	vm1 =	vmand vm1, vm2  }
0x15c: {  	v26 =	vsel vm1, $0x1, v3  }
0x15d: {  	(xrf0) =	vadd.scan.msk.s32 $0xffff, v26;
	_ =	sdelay $0x5  }
0x15e: {  	v16, _, _ =	vpop (xrf0)  }
0x15f: {  	(v2sf) =	vpush v16, $0xF;
	_ =	sdelay $0x9  }
0x160: {  	s7 =	spop @p1 (v2sf)  }
0x161: {  	s7 =	sadd.s32 @p1 s15, s7  }
0x162: {  	s13 =	smov.u32 @p1 s7  }
0x163: {  	v27 =	vmov s13  }
0x164: {  	v17 =	vadd.s32 $0xFFFFFFFF, v27  }
0x165: {  	v17 =	vbroadcast v17, $0x0;
	s15 =	spop (v2sf)  }
0x166: {  	s13 =	sadd.s32 s13, s15  }
0x167: {  	v16 =	vadd.s32 v16, v17;
	p1 =	slt.s32 s13, $0x1  }
.Ltmp9:
0x168: {  	_ = 	snop;
	(pc) =	sbr.rel @p1 .LBB2_17-.Ltmp9, $2  }
0x169: {  	_ =	sdelay $0x2  }
0x16a: {  	[tilespmem:v16+s18+$0x0] =	vst.idx.msk vm1, v15  }
.Ltmp10:
0x16b: {  	(pc) =	sbr.rel .LBB2_12-.Ltmp10, $4  }
0x16c: {  	_ = 	snop  }
0x16d: {  	p1 =	seq.s32 s14, $0x3D0;
	s7 =	simm.s32 $0x180  }
0x16e: {  	s7 =	simm.s32 @!p1 $0x0  }
0x16f: {  	v15 =	vmov s13;
	s14 =	simm.s32 $0x0;
	s15 =	simm.s32 $0x8000;
	v16 =	vmov s7  }
.LBB2_14:
0x170: {  	s7 =	simm.s32 @!p1 $0x5  }
0x171: {  	_ =	swait.ge @!p1 [sflag:s7], $0x800  }
0x172: {  	[sflag:s7] =	ssyncset.done @!p1 $0x0  }
0x173: {  	[sflag:s7] =	ssyncadd.s32 @!p1 $0xFFFFF800  }
0x174: {  	v17 =	vld [tilespmem:s15+$0x0];
	_ =	sdelay $0x4  }
0x175: {  	v18 =	vor.u32 s14, v0;
	v19 =	vshrl.u32 v17, $0xA  }
0x176: {  	vm1 =	vlt.s32 v18, v15;
	v18 =	vand.u32 $0x7FFF, v19;
	v19 =	vld [tilespmem:$0x1FE70];
	_ =	sdelay $0x4  }
0x177: {  	v18 =	vsel vm1, v18, v19;
	v19 =	vld [tilespmem:$0x1FE80];
	_ =	sdelay $0x1  }
0x178: {  	v20 =	vld [tilespmem:$0x1FE90];
	_ =	sdelay $0x2  }
0x179: {  	v19 =	vperm.xlane v18, v19;
	_ =	sdelay $0x1  }
0x17a: {  	v20 =	vperm.xlane v18, v20;
	v19 =	vadd.s32 v6, v19;
	_ =	sdelay $0x1  }
0x17b: {  	v20 =	vadd.s32 v6, v20;
	_ =	sdelay $0x1  }
0x17c: {  	[tilespmem:$0x1E080] =	vst v18  }
0x17d: {  	[tilespmem:s19], [sflag:$0x3] =	stream.indirect_vreg.gather [hbm4b:s6+s5], $0x80, v19, vm0, $0xb8;
	[tilespmem:$0x1E180] =	vst v63  }
0x17e: {  	v17 =	vand.u32 $0x3FF, v17  }
0x17f: {  	v17 =	vadd.s32 v16, v17;
	[tilespmem:s20], [sflag:$0x3] =	stream.indirect_vreg.gather [hbm4b:s6+s5], $0x80, v20, vm0, $0xb8;
	[tilespmem:$0x1E180] =	vst v63  }
0x180: {  	v17 =	vnsel vm1, $0x0, v17;
	_ =	swait.ge [sflag:s21], $0x800  }
0x181: {  	v18 =	vshll.u32 v17, $0x3;
	v21 =	vld [tilespmem:$0x1FEA0]  }
0x182: {  	v17 =	vand.u32 $0x7F, v17;
	v18 =	vand.u32 $0x3C00, v18  }
0x183: {  	v17 =	vor.u32 v17, v18;
	v23 =	vld [tilespmem:$0x1FEB0];
	_ =	sdelay $0x1  }
0x184: {  	v18 =	vor.u32 $0x80, v17;
	v25 =	vld [tilespmem:$0x1FEC0]  }
0x185: {  	[sflag:s21] =	ssyncset.done $0x0  }
0x186: {  	v19 =	vor.u32 $0x100, v17;
	v27 =	vld [tilespmem:$0x1FED0];
	[sflag:s21] =	ssyncadd.s32 $0xFFFFF800  }
0x187: {  	v20 =	vld.idx.msk [tilespmem:v17+s16+$0x0], $0xffff  }
0x188: {  	v22 =	vor.u32 $0x180, v17;
	v21 =	vld.idx.msk [tilespmem:v21+s19+$0x0], $0xffff  }
0x189: {  	v18 =	vld.idx.msk [tilespmem:v18+s16+$0x0], $0xffff  }
0x18a: {  	v24 =	vor.u32 $0x200, v17;
	v23 =	vld.idx.msk [tilespmem:v23+s19+$0x0], $0xffff  }
0x18b: {  	v19 =	vld.idx.msk [tilespmem:v19+s16+$0x0], $0xffff  }
0x18c: {  	v26 =	vor.u32 $0x280, v17;
	v25 =	vld.idx.msk [tilespmem:v25+s19+$0x0], $0xffff  }
0x18d: {  	v20 =	vmul.f32 v21, v20;
	v21 =	vld.idx.msk [tilespmem:v22+s16+$0x0], $0xffff  }
0x18e: {  	v22 =	vld.idx.msk [tilespmem:v27+s19+$0x0], $0xffff;
	v27 =	vor.u32 $0x300, v17  }
0x18f: {  	v18 =	vmul.f32 v23, v18;
	v23 =	vld.idx.msk [tilespmem:v24+s16+$0x0], $0xffff;
	v20 =	vmul.f32 v20, v40  }
0x190: {  	v24 =	vld [tilespmem:$0x1FEE0]  }
0x191: {  	v19 =	vmul.f32 v25, v19;
	v25 =	vld.idx.msk [tilespmem:v26+s16+$0x0], $0xffff;
	v18 =	vmul.f32 v18, v41;
	v20 =	vadd.f32 $0.0e+00, v20  }
0x192: {  	v26 =	vld [tilespmem:$0x1FEF0]  }
0x193: {  	v18 =	vadd.f32 v18, v20;
	v20 =	vmul.f32 v22, v21;
	v21 =	vld.idx.msk [tilespmem:v27+s16+$0x0], $0xffff  }
0x194: {  	v27 =	vld [tilespmem:$0x1FF00];
	_ =	sdelay $0x3  }
0x195: {  	v24 =	vld.idx.msk [tilespmem:v24+s19+$0x0], $0xffff;
	_ =	sdelay $0x1  }
0x196: {  	v26 =	vld.idx.msk [tilespmem:v26+s19+$0x0], $0xffff  }
0x197: {  	v19 =	vmul.f32 v19, v42  }
0x198: {  	v22 =	vld.idx.msk [tilespmem:v27+s19+$0x0], $0xffff;
	v27 =	vadd.s32 $0x2080, v17  }
0x199: {  	v18 =	vadd.f32 v19, v18;
	v19 =	vmul.f32 v20, v43;
	v20 =	vmul.f32 v24, v23  }
0x19a: {  	v24 =	vld [tilespmem:$0x1FF10]  }
0x19b: {  	v18 =	vadd.f32 v19, v18;
	v19 =	vmul.f32 v20, v44;
	v20 =	vmul.f32 v26, v25  }
0x19c: {  	v28 =	vor.u32 $0x380, v17;
	v26 =	vld [tilespmem:$0x1FF20]  }
0x19d: {  	v18 =	vadd.f32 v19, v18;
	v19 =	vmul.f32 v20, v45;
	v20 =	vmul.f32 v22, v21;
	v21 =	vld.idx.msk [tilespmem:v27+s16+$0x0], $0xffff  }
0x19e: {  	v29 =	vadd.s32 $0x2000, v17;
	v27 =	vld [tilespmem:$0x1FF30];
	_ =	sdelay $0x2  }
0x19f: {  	v23 =	vld.idx.msk [tilespmem:v28+s16+$0x0], $0xffff  }
0x1a0: {  	v24 =	vld.idx.msk [tilespmem:v24+s19+$0x0], $0xffff  }
0x1a1: {  	v25 =	vld.idx.msk [tilespmem:v29+s16+$0x0], $0xffff  }
0x1a2: {  	v26 =	vld.idx.msk [tilespmem:v26+s19+$0x0], $0xffff;
	_ =	sdelay $0x1  }
0x1a3: {  	v22 =	vld.idx.msk [tilespmem:v27+s19+$0x0], $0xffff;
	v27 =	vadd.s32 $0x2200, v17  }
0x1a4: {  	v18 =	vadd.f32 v19, v18;
	v19 =	vmul.f32 v20, v46;
	v20 =	vmul.f32 v24, v23  }
0x1a5: {  	v24 =	vld [tilespmem:$0x1FF40]  }
0x1a6: {  	v18 =	vadd.f32 v19, v18;
	v19 =	vmul.f32 v20, v47;
	v20 =	vmul.f32 v26, v25  }
0x1a7: {  	v28 =	vadd.s32 $0x2100, v17;
	v26 =	vld [tilespmem:$0x1FF50]  }
0x1a8: {  	v18 =	vadd.f32 v19, v18;
	v19 =	vmul.f32 v20, v48;
	v20 =	vmul.f32 v22, v21;
	v21 =	vld.idx.msk [tilespmem:v27+s16+$0x0], $0xffff  }
0x1a9: {  	v29 =	vadd.s32 $0x2180, v17;
	v27 =	vld [tilespmem:$0x1FF60];
	_ =	sdelay $0x2  }
0x1aa: {  	v23 =	vld.idx.msk [tilespmem:v28+s16+$0x0], $0xffff  }
0x1ab: {  	v24 =	vld.idx.msk [tilespmem:v24+s19+$0x0], $0xffff  }
0x1ac: {  	v25 =	vld.idx.msk [tilespmem:v29+s16+$0x0], $0xffff  }
0x1ad: {  	v26 =	vld.idx.msk [tilespmem:v26+s19+$0x0], $0xffff;
	_ =	sdelay $0x1  }
0x1ae: {  	v22 =	vld.idx.msk [tilespmem:v27+s19+$0x0], $0xffff;
	v27 =	vadd.s32 $0x2380, v17  }
0x1af: {  	v18 =	vadd.f32 v19, v18;
	v19 =	vmul.f32 v20, v49;
	v20 =	vmul.f32 v24, v23  }
0x1b0: {  	v24 =	vld [tilespmem:$0x1FF70]  }
0x1b1: {  	v18 =	vadd.f32 v19, v18;
	v19 =	vmul.f32 v20, v50;
	v20 =	vmul.f32 v26, v25  }
0x1b2: {  	v28 =	vadd.s32 $0x2280, v17;
	v26 =	vld [tilespmem:$0x1FF80]  }
0x1b3: {  	v18 =	vadd.f32 v19, v18;
	v19 =	vmul.f32 v20, v51;
	v20 =	vmul.f32 v22, v21;
	v21 =	vld.idx.msk [tilespmem:v27+s16+$0x0], $0xffff  }
0x1b4: {  	v29 =	vadd.s32 $0x2300, v17;
	v27 =	vld [tilespmem:$0x1FF90];
	_ =	sdelay $0x2  }
0x1b5: {  	v23 =	vld.idx.msk [tilespmem:v28+s16+$0x0], $0xffff  }
0x1b6: {  	v24 =	vld.idx.msk [tilespmem:v24+s19+$0x0], $0xffff  }
0x1b7: {  	v25 =	vld.idx.msk [tilespmem:v29+s16+$0x0], $0xffff  }
0x1b8: {  	v26 =	vld.idx.msk [tilespmem:v26+s19+$0x0], $0xffff;
	_ =	sdelay $0x1  }
0x1b9: {  	v22 =	vld.idx.msk [tilespmem:v27+s19+$0x0], $0xffff;
	v27 =	vor.u32 $0x4100, v17  }
0x1ba: {  	v18 =	vadd.f32 v19, v18;
	v19 =	vmul.f32 v20, v52;
	v20 =	vmul.f32 v24, v23  }
0x1bb: {  	v24 =	vld [tilespmem:$0x1FFA0]  }
0x1bc: {  	v18 =	vadd.f32 v19, v18;
	v19 =	vmul.f32 v20, v53;
	v20 =	vmul.f32 v26, v25  }
0x1bd: {  	v28 =	vor.u32 $0x4000, v17;
	v26 =	vld [tilespmem:$0x1FFB0]  }
0x1be: {  	v18 =	vadd.f32 v19, v18;
	v19 =	vmul.f32 v20, v54;
	v20 =	vmul.f32 v22, v21;
	v21 =	vld.idx.msk [tilespmem:v27+s16+$0x0], $0xffff  }
0x1bf: {  	v29 =	vor.u32 $0x4080, v17;
	v27 =	vld [tilespmem:$0x1FFC0];
	_ =	sdelay $0x2  }
0x1c0: {  	v23 =	vld.idx.msk [tilespmem:v28+s16+$0x0], $0xffff  }
0x1c1: {  	v24 =	vld.idx.msk [tilespmem:v24+s19+$0x0], $0xffff  }
0x1c2: {  	v25 =	vld.idx.msk [tilespmem:v29+s16+$0x0], $0xffff  }
0x1c3: {  	v26 =	vld.idx.msk [tilespmem:v26+s19+$0x0], $0xffff;
	_ =	sdelay $0x1  }
0x1c4: {  	v22 =	vld.idx.msk [tilespmem:v27+s19+$0x0], $0xffff;
	v27 =	vor.u32 $0x4280, v17  }
0x1c5: {  	v18 =	vadd.f32 v19, v18;
	v19 =	vmul.f32 v20, v55;
	v20 =	vmul.f32 v24, v23  }
0x1c6: {  	v24 =	vld [tilespmem:$0x1FFD0]  }
0x1c7: {  	v18 =	vadd.f32 v19, v18;
	v19 =	vmul.f32 v20, v56;
	v20 =	vmul.f32 v26, v25  }
0x1c8: {  	v28 =	vor.u32 $0x4180, v17;
	v26 =	vld [tilespmem:$0x1FFE0]  }
0x1c9: {  	v18 =	vadd.f32 v19, v18;
	v19 =	vmul.f32 v20, v57;
	v20 =	vmul.f32 v22, v21;
	v21 =	vld.idx.msk [tilespmem:v27+s16+$0x0], $0xffff  }
0x1ca: {  	v29 =	vor.u32 $0x4200, v17;
	v27 =	vld [tilespmem:$0x1FFF0];
	_ =	sdelay $0x2  }
0x1cb: {  	v23 =	vld.idx.msk [tilespmem:v28+s16+$0x0], $0xffff  }
0x1cc: {  	v28 =	vor.u32 $0x4300, v17;
	v24 =	vld.idx.msk [tilespmem:v24+s19+$0x0], $0xffff  }
0x1cd: {  	v25 =	vld.idx.msk [tilespmem:v29+s16+$0x0], $0xffff  }
0x1ce: {  	v29 =	vor.u32 $0x4380, v17;
	v26 =	vld.idx.msk [tilespmem:v26+s19+$0x0], $0xffff;
	_ =	sdelay $0x1  }
0x1cf: {  	v22 =	vld.idx.msk [tilespmem:v27+s19+$0x0], $0xffff;
	v27 =	vadd.s32 $0x6000, v17  }
0x1d0: {  	v18 =	vadd.f32 v19, v18;
	v19 =	vmul.f32 v20, v58;
	v20 =	vmul.f32 v24, v23;
	v23 =	vld.idx.msk [tilespmem:v28+s16+$0x0], $0xffff  }
0x1d1: {  	v24 =	vld.idx.msk [tilespmem:v30+s19+$0x0], $0xffff;
	v28 =	vadd.s32 $0x6080, v17  }
0x1d2: {  	v18 =	vadd.f32 v19, v18;
	v19 =	vmul.f32 v20, v59;
	v20 =	vmul.f32 v26, v25;
	v25 =	vld.idx.msk [tilespmem:v29+s16+$0x0], $0xffff  }
0x1d3: {  	v26 =	vld.idx.msk [tilespmem:v31+s19+$0x0], $0xffff;
	v29 =	vadd.s32 $0x6100, v17  }
0x1d4: {  	v18 =	vadd.f32 v19, v18;
	v19 =	vmul.f32 v20, v60;
	v20 =	vmul.f32 v22, v21;
	v21 =	vld.idx.msk [tilespmem:v27+s16+$0x0], $0xffff  }
0x1d5: {  	v22 =	vld.idx.msk [tilespmem:v32+s19+$0x0], $0xffff;
	v27 =	vadd.s32 $0x6180, v17  }
0x1d6: {  	v18 =	vadd.f32 v19, v18;
	v19 =	vmul.f32 v20, v61;
	v20 =	vmul.f32 v24, v23;
	v23 =	vld.idx.msk [tilespmem:v28+s16+$0x0], $0xffff  }
0x1d7: {  	v24 =	vld.idx.msk [tilespmem:v33+s19+$0x0], $0xffff;
	v28 =	vadd.s32 $0x6200, v17  }
0x1d8: {  	v18 =	vadd.f32 v19, v18;
	v19 =	vmul.f32 v20, v62;
	v20 =	vmul.f32 v26, v25;
	v25 =	vld.idx.msk [tilespmem:v29+s16+$0x0], $0xffff  }
0x1d9: {  	v26 =	vld.idx.msk [tilespmem:v34+s19+$0x0], $0xffff;
	v29 =	vadd.s32 $0x6280, v17  }
0x1da: {  	v18 =	vadd.f32 v19, v18;
	v19 =	vmul.f32 v20, v63;
	v20 =	vmul.f32 v22, v21;
	v21 =	vld.idx.msk [tilespmem:v27+s16+$0x0], $0xffff  }
0x1db: {  	v22 =	vld.idx.msk [tilespmem:v35+s19+$0x0], $0xffff;
	v27 =	vadd.s32 $0x6300, v17  }
0x1dc: {  	v18 =	vadd.f32 v19, v18;
	v19 =	vmul.f32 v20, v4;
	v20 =	vmul.f32 v24, v23;
	v23 =	vld.idx.msk [tilespmem:v28+s16+$0x0], $0xffff  }
0x1dd: {  	v17 =	vadd.s32 $0x6380, v17;
	v24 =	vld.idx.msk [tilespmem:v36+s19+$0x0], $0xffff  }
0x1de: {  	v18 =	vadd.f32 v19, v18;
	v19 =	vmul.f32 v20, v5;
	v20 =	vmul.f32 v26, v25;
	v25 =	vld.idx.msk [tilespmem:v29+s16+$0x0], $0xffff  }
0x1df: {  	v26 =	vld.idx.msk [tilespmem:v37+s19+$0x0], $0xffff  }
0x1e0: {  	v18 =	vadd.f32 v19, v18;
	v19 =	vmul.f32 v20, v7;
	v20 =	vmul.f32 v22, v21;
	v21 =	vld.idx.msk [tilespmem:v27+s16+$0x0], $0xffff  }
0x1e1: {  	v22 =	vld.idx.msk [tilespmem:v38+s19+$0x0], $0xffff  }
0x1e2: {  	v17 =	vld.idx.msk [tilespmem:v17+s16+$0x0], $0xffff;
	v27 =	vmul.f32 v24, v23;
	v18 =	vadd.f32 v19, v18;
	v19 =	vmul.f32 v20, v8  }
0x1e3: {  	v24 =	vld.idx.msk [tilespmem:v39+s19+$0x0], $0xffff  }
0x1e4: {  	v20 =	vmul.f32 v27, v9;
	v18 =	vadd.f32 v19, v18;
	v19 =	vmul.f32 v26, v25;
	_ =	sdelay $0x1  }
0x1e5: {  	v27 =	vmul.f32 v22, v21;
	v18 =	vadd.f32 v20, v18;
	v19 =	vmul.f32 v19, v10;
	_ =	sdelay $0x1  }
0x1e6: {  	v17 =	vmul.f32 v24, v17;
	v18 =	vadd.f32 v19, v18;
	v19 =	vmul.f32 v27, v11;
	_ =	sdelay $0x1  }
0x1e7: {  	v17 =	vmul.f32 v17, v13;
	v18 =	vadd.f32 v19, v18;
	_ =	sdelay $0x1  }
0x1e8: {  	v17 =	vadd.f32 v17, v18;
	_ =	sdelay $0x1  }
0x1e9: {  	v17 =	vadd.f32 v17, v14;
	_ =	sdelay $0x1  }
0x1ea: {  	v17 =	vsub.f32 $0.0e+00, v17;
	_ =	sdelay $0x1  }
0x1eb: {  	v17 =	vmul.f32 $1.442695020e+00, v17;
	_ =	sdelay $0x1  }
0x1ec: {  	(erf) = vpow2.f32 v17;
	_ =	sdelay $0x8  }
0x1ed: {  	v17 =	vpop (erf)  }
0x1ee: {  	v17 =	vadd.f32 $1.000000000e+00, v17;
	_ =	sdelay $0x1  }
0x1ef: {  	(erf) = vrcp.f32 v17;
	_ =	sdelay $0x3  }
0x1f0: {  	v17 =	vmul.u32 $0x80, v0;
	_ =	sdelay $0x4  }
0x1f1: {  	v18 =	vpop (erf)  }
0x1f2: {  	[tilespmem:v17+s26+$0x0] =	vst.idx.msk $0xffff, v18  }
0x1f3: {  	[hbm4b:s8+s23] =	stream.indirect.scatter [tilespmem:s26], [sflag:$0x5], $0x80, s28, s23, $0xb8;
	[tilespmem:$0x1E180] =	vst v63  }
.LBB2_15:
0x1f4: {  	s14 =	sadd.s32 $0x10, s14  }
0x1f5: {  	p1 =	slt.s32 s14, s13  }
.Ltmp11:
0x1f6: {  	_ = 	snop;
	(pc) =	sbr.rel @!p1 .LBB2_16-.Ltmp11, $2  }
0x1f7: {  	_ =	sdelay $0x2  }
0x1f8: {  	s15 =	sadd.s32 $0x10, s15  }
.LBB2_12:
0x1f9: {  	s7 =	sand.u32 $0x10, s14  }
0x1fa: {  	p2 =	sne.s32 s7, $0x0  }
.Ltmp12:
0x1fb: {  	_ = 	snop;
	(pc) =	sbr.rel @p2 .LBB2_14-.Ltmp12, $2  }
0x1fc: {  	_ =	sdelay $0x2  }
0x1fd: {  	p1 =	slt.s32 s14, $0x20  }
0x1fe: {  	s7 =	simm.s32 @!p1 $0x4  }
0x1ff: {  	_ =	swait.ge @!p1 [sflag:s7], $0x800  }
0x200: {  	[sflag:s7] =	ssyncset.done @!p1 $0x0  }
0x201: {  	[sflag:s7] =	ssyncadd.s32 @!p1 $0xFFFFF800  }
0x202: {  	v17 =	vld [tilespmem:s15+$0x0];
	_ =	sdelay $0x4  }
0x203: {  	v18 =	vor.u32 s14, v0;
	v19 =	vshrl.u32 v17, $0xA  }
0x204: {  	vm1 =	vlt.s32 v18, v15;
	v18 =	vand.u32 $0x7FFF, v19;
	v19 =	vld [tilespmem:$0x1FE70];
	_ =	sdelay $0x4  }
0x205: {  	v18 =	vsel vm1, v18, v19;
	v19 =	vld [tilespmem:$0x1FE80];
	_ =	sdelay $0x1  }
0x206: {  	v20 =	vld [tilespmem:$0x1FE90];
	_ =	sdelay $0x2  }
0x207: {  	v19 =	vperm.xlane v18, v19;
	_ =	sdelay $0x1  }
0x208: {  	v20 =	vperm.xlane v18, v20;
	v19 =	vadd.s32 v6, v19;
	_ =	sdelay $0x1  }
0x209: {  	v20 =	vadd.s32 v6, v20;
	_ =	sdelay $0x1  }
0x20a: {  	[tilespmem:$0x1E000] =	vst v18  }
0x20b: {  	[tilespmem:s19], [sflag:$0x3] =	stream.indirect_vreg.gather [hbm4b:s6+s5], $0x80, v19, vm0, $0xb8;
	[tilespmem:$0x1E180] =	vst v63  }
0x20c: {  	v17 =	vand.u32 $0x3FF, v17  }
0x20d: {  	v17 =	vadd.s32 v16, v17;
	[tilespmem:s20], [sflag:$0x3] =	stream.indirect_vreg.gather [hbm4b:s6+s5], $0x80, v20, vm0, $0xb8;
	[tilespmem:$0x1E180] =	vst v63  }
0x20e: {  	v17 =	vnsel vm1, $0x0, v17;
	_ =	swait.ge [sflag:s21], $0x800  }
0x20f: {  	v18 =	vshll.u32 v17, $0x3;
	v21 =	vld [tilespmem:$0x1FEA0]  }
0x210: {  	v17 =	vand.u32 $0x7F, v17;
	v18 =	vand.u32 $0x3C00, v18  }
0x211: {  	v17 =	vor.u32 v17, v18;
	v23 =	vld [tilespmem:$0x1FEB0];
	_ =	sdelay $0x1  }
0x212: {  	v18 =	vor.u32 $0x80, v17;
	v25 =	vld [tilespmem:$0x1FEC0]  }
0x213: {  	[sflag:s21] =	ssyncset.done $0x0  }
0x214: {  	v19 =	vor.u32 $0x100, v17;
	v27 =	vld [tilespmem:$0x1FED0];
	[sflag:s21] =	ssyncadd.s32 $0xFFFFF800  }
0x215: {  	v20 =	vld.idx.msk [tilespmem:v17+s16+$0x0], $0xffff  }
0x216: {  	v22 =	vor.u32 $0x180, v17;
	v21 =	vld.idx.msk [tilespmem:v21+s19+$0x0], $0xffff  }
0x217: {  	v18 =	vld.idx.msk [tilespmem:v18+s16+$0x0], $0xffff  }
0x218: {  	v24 =	vor.u32 $0x200, v17;
	v23 =	vld.idx.msk [tilespmem:v23+s19+$0x0], $0xffff  }
0x219: {  	v19 =	vld.idx.msk [tilespmem:v19+s16+$0x0], $0xffff  }
0x21a: {  	v26 =	vor.u32 $0x280, v17;
	v25 =	vld.idx.msk [tilespmem:v25+s19+$0x0], $0xffff  }
0x21b: {  	v20 =	vmul.f32 v21, v20;
	v21 =	vld.idx.msk [tilespmem:v22+s16+$0x0], $0xffff  }
0x21c: {  	v22 =	vld.idx.msk [tilespmem:v27+s19+$0x0], $0xffff;
	v27 =	vor.u32 $0x300, v17  }
0x21d: {  	v18 =	vmul.f32 v23, v18;
	v23 =	vld.idx.msk [tilespmem:v24+s16+$0x0], $0xffff;
	v20 =	vmul.f32 v20, v40  }
0x21e: {  	v24 =	vld [tilespmem:$0x1FEE0]  }
0x21f: {  	v19 =	vmul.f32 v25, v19;
	v25 =	vld.idx.msk [tilespmem:v26+s16+$0x0], $0xffff;
	v18 =	vmul.f32 v18, v41;
	v20 =	vadd.f32 $0.0e+00, v20  }
0x220: {  	v26 =	vld [tilespmem:$0x1FEF0]  }
0x221: {  	v18 =	vadd.f32 v18, v20;
	v20 =	vmul.f32 v22, v21;
	v21 =	vld.idx.msk [tilespmem:v27+s16+$0x0], $0xffff  }
0x222: {  	v27 =	vld [tilespmem:$0x1FF00];
	_ =	sdelay $0x3  }
0x223: {  	v24 =	vld.idx.msk [tilespmem:v24+s19+$0x0], $0xffff;
	_ =	sdelay $0x1  }
0x224: {  	v26 =	vld.idx.msk [tilespmem:v26+s19+$0x0], $0xffff  }
0x225: {  	v19 =	vmul.f32 v19, v42  }
0x226: {  	v22 =	vld.idx.msk [tilespmem:v27+s19+$0x0], $0xffff;
	v27 =	vadd.s32 $0x2080, v17  }
0x227: {  	v18 =	vadd.f32 v19, v18;
	v19 =	vmul.f32 v20, v43;
	v20 =	vmul.f32 v24, v23  }
0x228: {  	v24 =	vld [tilespmem:$0x1FF10]  }
0x229: {  	v18 =	vadd.f32 v19, v18;
	v19 =	vmul.f32 v20, v44;
	v20 =	vmul.f32 v26, v25  }
0x22a: {  	v28 =	vor.u32 $0x380, v17;
	v26 =	vld [tilespmem:$0x1FF20]  }
0x22b: {  	v18 =	vadd.f32 v19, v18;
	v19 =	vmul.f32 v20, v45;
	v20 =	vmul.f32 v22, v21;
	v21 =	vld.idx.msk [tilespmem:v27+s16+$0x0], $0xffff  }
0x22c: {  	v29 =	vadd.s32 $0x2000, v17;
	v27 =	vld [tilespmem:$0x1FF30];
	_ =	sdelay $0x2  }
0x22d: {  	v23 =	vld.idx.msk [tilespmem:v28+s16+$0x0], $0xffff  }
0x22e: {  	v24 =	vld.idx.msk [tilespmem:v24+s19+$0x0], $0xffff  }
0x22f: {  	v25 =	vld.idx.msk [tilespmem:v29+s16+$0x0], $0xffff  }
0x230: {  	v26 =	vld.idx.msk [tilespmem:v26+s19+$0x0], $0xffff;
	_ =	sdelay $0x1  }
0x231: {  	v22 =	vld.idx.msk [tilespmem:v27+s19+$0x0], $0xffff;
	v27 =	vadd.s32 $0x2200, v17  }
0x232: {  	v18 =	vadd.f32 v19, v18;
	v19 =	vmul.f32 v20, v46;
	v20 =	vmul.f32 v24, v23  }
0x233: {  	v24 =	vld [tilespmem:$0x1FF40]  }
0x234: {  	v18 =	vadd.f32 v19, v18;
	v19 =	vmul.f32 v20, v47;
	v20 =	vmul.f32 v26, v25  }
0x235: {  	v28 =	vadd.s32 $0x2100, v17;
	v26 =	vld [tilespmem:$0x1FF50]  }
0x236: {  	v18 =	vadd.f32 v19, v18;
	v19 =	vmul.f32 v20, v48;
	v20 =	vmul.f32 v22, v21;
	v21 =	vld.idx.msk [tilespmem:v27+s16+$0x0], $0xffff  }
0x237: {  	v29 =	vadd.s32 $0x2180, v17;
	v27 =	vld [tilespmem:$0x1FF60];
	_ =	sdelay $0x2  }
0x238: {  	v23 =	vld.idx.msk [tilespmem:v28+s16+$0x0], $0xffff  }
0x239: {  	v24 =	vld.idx.msk [tilespmem:v24+s19+$0x0], $0xffff  }
0x23a: {  	v25 =	vld.idx.msk [tilespmem:v29+s16+$0x0], $0xffff  }
0x23b: {  	v26 =	vld.idx.msk [tilespmem:v26+s19+$0x0], $0xffff;
	_ =	sdelay $0x1  }
0x23c: {  	v22 =	vld.idx.msk [tilespmem:v27+s19+$0x0], $0xffff;
	v27 =	vadd.s32 $0x2380, v17  }
0x23d: {  	v18 =	vadd.f32 v19, v18;
	v19 =	vmul.f32 v20, v49;
	v20 =	vmul.f32 v24, v23  }
0x23e: {  	v24 =	vld [tilespmem:$0x1FF70]  }
0x23f: {  	v18 =	vadd.f32 v19, v18;
	v19 =	vmul.f32 v20, v50;
	v20 =	vmul.f32 v26, v25  }
0x240: {  	v28 =	vadd.s32 $0x2280, v17;
	v26 =	vld [tilespmem:$0x1FF80]  }
0x241: {  	v18 =	vadd.f32 v19, v18;
	v19 =	vmul.f32 v20, v51;
	v20 =	vmul.f32 v22, v21;
	v21 =	vld.idx.msk [tilespmem:v27+s16+$0x0], $0xffff  }
0x242: {  	v29 =	vadd.s32 $0x2300, v17;
	v27 =	vld [tilespmem:$0x1FF90];
	_ =	sdelay $0x2  }
0x243: {  	v23 =	vld.idx.msk [tilespmem:v28+s16+$0x0], $0xffff  }
0x244: {  	v24 =	vld.idx.msk [tilespmem:v24+s19+$0x0], $0xffff  }
0x245: {  	v25 =	vld.idx.msk [tilespmem:v29+s16+$0x0], $0xffff  }
0x246: {  	v26 =	vld.idx.msk [tilespmem:v26+s19+$0x0], $0xffff;
	_ =	sdelay $0x1  }
0x247: {  	v22 =	vld.idx.msk [tilespmem:v27+s19+$0x0], $0xffff;
	v27 =	vor.u32 $0x4100, v17  }
0x248: {  	v18 =	vadd.f32 v19, v18;
	v19 =	vmul.f32 v20, v52;
	v20 =	vmul.f32 v24, v23  }
0x249: {  	v24 =	vld [tilespmem:$0x1FFA0]  }
0x24a: {  	v18 =	vadd.f32 v19, v18;
	v19 =	vmul.f32 v20, v53;
	v20 =	vmul.f32 v26, v25  }
0x24b: {  	v28 =	vor.u32 $0x4000, v17;
	v26 =	vld [tilespmem:$0x1FFB0]  }
0x24c: {  	v18 =	vadd.f32 v19, v18;
	v19 =	vmul.f32 v20, v54;
	v20 =	vmul.f32 v22, v21;
	v21 =	vld.idx.msk [tilespmem:v27+s16+$0x0], $0xffff  }
0x24d: {  	v29 =	vor.u32 $0x4080, v17;
	v27 =	vld [tilespmem:$0x1FFC0];
	_ =	sdelay $0x2  }
0x24e: {  	v23 =	vld.idx.msk [tilespmem:v28+s16+$0x0], $0xffff  }
0x24f: {  	v24 =	vld.idx.msk [tilespmem:v24+s19+$0x0], $0xffff  }
0x250: {  	v25 =	vld.idx.msk [tilespmem:v29+s16+$0x0], $0xffff  }
0x251: {  	v26 =	vld.idx.msk [tilespmem:v26+s19+$0x0], $0xffff;
	_ =	sdelay $0x1  }
0x252: {  	v22 =	vld.idx.msk [tilespmem:v27+s19+$0x0], $0xffff;
	v27 =	vor.u32 $0x4280, v17  }
0x253: {  	v18 =	vadd.f32 v19, v18;
	v19 =	vmul.f32 v20, v55;
	v20 =	vmul.f32 v24, v23  }
0x254: {  	v24 =	vld [tilespmem:$0x1FFD0]  }
0x255: {  	v18 =	vadd.f32 v19, v18;
	v19 =	vmul.f32 v20, v56;
	v20 =	vmul.f32 v26, v25  }
0x256: {  	v28 =	vor.u32 $0x4180, v17;
	v26 =	vld [tilespmem:$0x1FFE0]  }
0x257: {  	v18 =	vadd.f32 v19, v18;
	v19 =	vmul.f32 v20, v57;
	v20 =	vmul.f32 v22, v21;
	v21 =	vld.idx.msk [tilespmem:v27+s16+$0x0], $0xffff  }
0x258: {  	v29 =	vor.u32 $0x4200, v17;
	v27 =	vld [tilespmem:$0x1FFF0];
	_ =	sdelay $0x2  }
0x259: {  	v23 =	vld.idx.msk [tilespmem:v28+s16+$0x0], $0xffff  }
0x25a: {  	v28 =	vor.u32 $0x4300, v17;
	v24 =	vld.idx.msk [tilespmem:v24+s19+$0x0], $0xffff  }
0x25b: {  	v25 =	vld.idx.msk [tilespmem:v29+s16+$0x0], $0xffff  }
0x25c: {  	v29 =	vor.u32 $0x4380, v17;
	v26 =	vld.idx.msk [tilespmem:v26+s19+$0x0], $0xffff;
	_ =	sdelay $0x1  }
0x25d: {  	v22 =	vld.idx.msk [tilespmem:v27+s19+$0x0], $0xffff;
	v27 =	vadd.s32 $0x6000, v17  }
0x25e: {  	v18 =	vadd.f32 v19, v18;
	v19 =	vmul.f32 v20, v58;
	v20 =	vmul.f32 v24, v23;
	v23 =	vld.idx.msk [tilespmem:v28+s16+$0x0], $0xffff  }
0x25f: {  	v24 =	vld.idx.msk [tilespmem:v30+s19+$0x0], $0xffff;
	v28 =	vadd.s32 $0x6080, v17  }
0x260: {  	v18 =	vadd.f32 v19, v18;
	v19 =	vmul.f32 v20, v59;
	v20 =	vmul.f32 v26, v25;
	v25 =	vld.idx.msk [tilespmem:v29+s16+$0x0], $0xffff  }
0x261: {  	v26 =	vld.idx.msk [tilespmem:v31+s19+$0x0], $0xffff;
	v29 =	vadd.s32 $0x6100, v17  }
0x262: {  	v18 =	vadd.f32 v19, v18;
	v19 =	vmul.f32 v20, v60;
	v20 =	vmul.f32 v22, v21;
	v21 =	vld.idx.msk [tilespmem:v27+s16+$0x0], $0xffff  }
0x263: {  	v22 =	vld.idx.msk [tilespmem:v32+s19+$0x0], $0xffff;
	v27 =	vadd.s32 $0x6180, v17  }
0x264: {  	v18 =	vadd.f32 v19, v18;
	v19 =	vmul.f32 v20, v61;
	v20 =	vmul.f32 v24, v23;
	v23 =	vld.idx.msk [tilespmem:v28+s16+$0x0], $0xffff  }
0x265: {  	v24 =	vld.idx.msk [tilespmem:v33+s19+$0x0], $0xffff;
	v28 =	vadd.s32 $0x6200, v17  }
0x266: {  	v18 =	vadd.f32 v19, v18;
	v19 =	vmul.f32 v20, v62;
	v20 =	vmul.f32 v26, v25;
	v25 =	vld.idx.msk [tilespmem:v29+s16+$0x0], $0xffff  }
0x267: {  	v26 =	vld.idx.msk [tilespmem:v34+s19+$0x0], $0xffff;
	v29 =	vadd.s32 $0x6280, v17  }
0x268: {  	v18 =	vadd.f32 v19, v18;
	v19 =	vmul.f32 v20, v63;
	v20 =	vmul.f32 v22, v21;
	v21 =	vld.idx.msk [tilespmem:v27+s16+$0x0], $0xffff  }
0x269: {  	v22 =	vld.idx.msk [tilespmem:v35+s19+$0x0], $0xffff;
	v27 =	vadd.s32 $0x6300, v17  }
0x26a: {  	v18 =	vadd.f32 v19, v18;
	v19 =	vmul.f32 v20, v4;
	v20 =	vmul.f32 v24, v23;
	v23 =	vld.idx.msk [tilespmem:v28+s16+$0x0], $0xffff  }
0x26b: {  	v17 =	vadd.s32 $0x6380, v17;
	v24 =	vld.idx.msk [tilespmem:v36+s19+$0x0], $0xffff  }
0x26c: {  	v18 =	vadd.f32 v19, v18;
	v19 =	vmul.f32 v20, v5;
	v20 =	vmul.f32 v26, v25;
	v25 =	vld.idx.msk [tilespmem:v29+s16+$0x0], $0xffff  }
0x26d: {  	v26 =	vld.idx.msk [tilespmem:v37+s19+$0x0], $0xffff  }
0x26e: {  	v18 =	vadd.f32 v19, v18;
	v19 =	vmul.f32 v20, v7;
	v20 =	vmul.f32 v22, v21;
	v21 =	vld.idx.msk [tilespmem:v27+s16+$0x0], $0xffff  }
0x26f: {  	v22 =	vld.idx.msk [tilespmem:v38+s19+$0x0], $0xffff  }
0x270: {  	v17 =	vld.idx.msk [tilespmem:v17+s16+$0x0], $0xffff;
	v27 =	vmul.f32 v24, v23;
	v18 =	vadd.f32 v19, v18;
	v19 =	vmul.f32 v20, v8  }
0x271: {  	v24 =	vld.idx.msk [tilespmem:v39+s19+$0x0], $0xffff  }
0x272: {  	v20 =	vmul.f32 v27, v9;
	v18 =	vadd.f32 v19, v18;
	v19 =	vmul.f32 v26, v25;
	_ =	sdelay $0x1  }
0x273: {  	v27 =	vmul.f32 v22, v21;
	v18 =	vadd.f32 v20, v18;
	v19 =	vmul.f32 v19, v10;
	_ =	sdelay $0x1  }
0x274: {  	v17 =	vmul.f32 v24, v17;
	v18 =	vadd.f32 v19, v18;
	v19 =	vmul.f32 v27, v11;
	_ =	sdelay $0x1  }
0x275: {  	v17 =	vmul.f32 v17, v13;
	v18 =	vadd.f32 v19, v18;
	_ =	sdelay $0x1  }
0x276: {  	v17 =	vadd.f32 v17, v18;
	_ =	sdelay $0x1  }
0x277: {  	v17 =	vadd.f32 v17, v14;
	_ =	sdelay $0x1  }
0x278: {  	v17 =	vsub.f32 $0.0e+00, v17;
	_ =	sdelay $0x1  }
0x279: {  	v17 =	vmul.f32 $1.442695020e+00, v17;
	_ =	sdelay $0x1  }
0x27a: {  	(erf) = vpow2.f32 v17;
	_ =	sdelay $0x8  }
0x27b: {  	v17 =	vpop (erf)  }
0x27c: {  	v17 =	vadd.f32 $1.000000000e+00, v17;
	_ =	sdelay $0x1  }
0x27d: {  	(erf) = vrcp.f32 v17;
	_ =	sdelay $0x3  }
0x27e: {  	v17 =	vmul.u32 $0x80, v0;
	_ =	sdelay $0x2  }
.Ltmp13:
0x27f: {  	_ = 	snop;
	(pc) =	sbr.rel .LBB2_15-.Ltmp13, $4  }
0x280: {  	_ = 	snop  }
0x281: {  	v18 =	vpop (erf)  }
0x282: {  	[tilespmem:v17+s22+$0x0] =	vst.idx.msk $0xffff, v18  }
0x283: {  	[hbm4b:s8+s23] =	stream.indirect.scatter [tilespmem:s22], [sflag:$0x4], $0x80, s24, s23, $0xb8;
	[tilespmem:$0x1E180] =	vst v63  }
.LBB2_16:
0x284: {  	_ =	swait.ge [sflag:s25], $0x800  }
0x285: {  	p1 =	slt.u32 s13, $0x11;
	[sflag:s25] =	ssyncset.done $0x0  }
0x286: {  	s7 =	simm.s32 @!p1 $0x5;
	[sflag:s25] =	ssyncadd.s32 $0xFFFFF800  }
0x287: {  	_ =	swait.ge @!p1 [sflag:s7], $0x800  }
0x288: {  	[sflag:s7] =	ssyncset.done @!p1 $0x0  }
0x289: {  	[sflag:s7] =	ssyncadd.s32 @!p1 $0xFFFFF800  }
.LBB2_17:
0x28a: {  	s2 =	sadd.s32 s10, s2  }
0x28b: {  	p1 =	sgt.u32 s2, $0x3D0  }
0x28c: {  	p2 =	seq.s32 @!p1 s2, $0x3D0  }
0x28d: {  	s2 =	sshll.u32 @!p1 s2, $0xA;
	p2 =	por !p2, p1  }
0x28e: {  	s7 =	simm.s32 @!p1 $0x2000;
	s2 =	simm.s32 @!p2 $0xF3E80  }
0x28f: {  	s9 =	simm.s32 @!p1 $0x7A1400;
	s11 =	simm.s32 @!p1 $0xC000;
	s2 =	sadd.s32 @!p1 s3, s2  }
0x290: {  	[tilespmem:s11], [sflag:$0x1] =	stream.strided.gather @!p1 [hbm4b:s2+s7], $0x8000, s9, s7, $0x38;
	[tilespmem:$0x1E180] =	vst v63  }
0x291: {  	p1 =	slt.s32 @!p0 s31, $0x1  }
0x292: {  	p1 =	por p0, p1  }
.Ltmp14:
0x293: {  	_ = 	snop;
	(pc) =	sbr.rel @p1 .LBB2_31-.Ltmp14, $4  }
0x294: {  	s2 =	simm.s32 @!p0 $0x2  }
0x295: {  	_ =	swait.ge @!p0 [sflag:s2], $0x8000  }
0x296: {  	[sflag:s2] =	ssyncset.done @!p0 $0x0  }
0x297: {  	[sflag:s2] =	ssyncadd.s32 @!p0 $0xFFFF8000  }
0x298: {  	p1 =	seq.s32 s31, $0x1  }
.Ltmp15:
0x299: {  	_ = 	snop;
	(pc) =	sbr.rel @p1 .LBB2_19-.Ltmp15, $3  }
0x29a: {  	_ =	sdelay $0x1  }
0x29b: {  	s0 =	sshrl.u32 s0, $0x5;
	s2 =	simm.s32 $0x4000  }
0x29c: {  	p0 =	por $0x0, $0x0;
	v16 =	vmov s0;
	s0 =	simm.s32 $0x0;
	v15 =	vld [tilespmem:s2+$0x0];
	s2 =	sadd.s32 $0xFFFFFFFF, s31  }
0x29d: {  	_ =	sdelay $0x3  }
0x29e: {  	v17 =	vor.u32 s0, v0;
	v18 =	vshrl.u32 v15, $0x19  }
0x29f: {  	vm1 =	vlt.s32 v17, v12;
	vm2 =	veq.s32 v18, v16  }
0x2a0: {  	vm1 =	vmand vm1, vm2  }
0x2a1: {  	v17 =	vsel vm1, $0x1, v3  }
0x2a2: {  	(xrf0) =	vadd.scan.msk.s32 $0xffff, v17;
	_ =	sdelay $0x2  }
0x2a3: {  	v17 =	vmov s0  }
0x2a4: {  	v17 =	vadd.s32 $0xFFFFFFFF, v17  }
0x2a5: {  	v17 =	vbroadcast v17, $0x0  }
0x2a6: {  	v18, _, _ =	vpop (xrf0)  }
0x2a7: {  	v17 =	vadd.s32 v18, v17;
	(v2sf) =	vpush v18, $0xF  }
0x2a8: {  	p1 =	seq.s32 s2, $0x1  }
.Ltmp16:
0x2a9: {  	_ = 	snop;
	(pc) =	sbr.rel @p1 .LBB2_25-.Ltmp16, $3  }
0x2aa: {  	_ =	sdelay $0x1  }
0x2ab: {  	s9 =	simm.s32 $0x4010;
	s11 =	sadd.s32 $0xFFFFFFFF, s2;
	[tilespmem:v17+s18+$0x0] =	vst.idx.msk vm1, v15  }
0x2ac: {  	p0 =	por $0x1, $0x1;
	s7 =	simm.s32 $0x0;
	s2 =	simm.s32 $0x0;
	v15 =	vld [tilespmem:s9+$0x0]  }
.LBB2_26:
0x2ad: {  	p1 =	seq.s32 s11, $0x1;
	_ =	sdelay $0x2  }
0x2ae: {  	s7 =	sadd.s32 $0x10, s7  }
0x2af: {  	v17 =	vor.u32 s7, v0;
	v18 =	vshrl.u32 v15, $0x19  }
0x2b0: {  	vm1 =	vlt.s32 v17, v12;
	vm2 =	veq.s32 v18, v16  }
0x2b1: {  	vm1 =	vmand vm1, vm2  }
0x2b2: {  	v17 =	vsel vm1, $0x1, v3  }
0x2b3: {  	(xrf0) =	vadd.scan.msk.s32 $0xffff, v17;
	s12 =	spop (v2sf)  }
0x2b4: {  	s2 =	sadd.s32 s2, s12  }
0x2b5: {  	v17 =	vmov s2  }
0x2b6: {  	v17 =	vadd.s32 $0xFFFFFFFF, v17  }
0x2b7: {  	v17 =	vbroadcast v17, $0x0;
	_ =	sdelay $0x1  }
0x2b8: {  	v18, _, _ =	vpop (xrf0)  }
0x2b9: {  	v17 =	vadd.s32 v18, v17;
	(v2sf) =	vpush v18, $0xF;
	_ =	sdelay $0x1  }
.Ltmp17:
0x2ba: {  	(pc) =	sbr.rel @!p1 .LBB2_26-.Ltmp17, $3  }
0x2bb: {  	_ =	sdelay $0x1  }
0x2bc: {  	s9 =	sadd.s32 $0x10, s9;
	[tilespmem:v17+s18+$0x0] =	vst.idx.msk vm1, v15  }
0x2bd: {  	s11 =	sadd.s32 $0xFFFFFFFF, s11;
	v15 =	vld [tilespmem:s9+$0x0]  }
.LBB2_27:
0x2be: {  	_ =	sdelay $0x1  }
0x2bf: {  	s7 =	sadd.s32 @p0 $0x10, s7;
	s9 =	simm.s32 $0x0  }
0x2c0: {  	s9 =	smov.u32 @p0 s7  }
0x2c1: {  	v17 =	vor.u32 s9, v0;
	v18 =	vshrl.u32 v15, $0x19  }
0x2c2: {  	vm1 =	vlt.s32 v17, v12;
	vm2 =	veq.s32 v18, v16  }
0x2c3: {  	vm1 =	vmand vm1, vm2  }
0x2c4: {  	v26 =	vsel vm1, $0x1, v3  }
0x2c5: {  	(xrf0) =	vadd.scan.msk.s32 $0xffff, v26;
	_ =	sdelay $0x5  }
0x2c6: {  	v16, _, _ =	vpop (xrf0)  }
0x2c7: {  	(v2sf) =	vpush v16, $0xF;
	_ =	sdelay $0x3  }
0x2c8: {  	s7 =	spop @p0 (v2sf)  }
0x2c9: {  	s2 =	sadd.s32 @p0 s2, s7  }
0x2ca: {  	s0 =	smov.u32 @p0 s2  }
0x2cb: {  	v27 =	vmov s0  }
0x2cc: {  	v17 =	vadd.s32 $0xFFFFFFFF, v27  }
0x2cd: {  	v17 =	vbroadcast v17, $0x0;
	_ =	sdelay $0x1  }
0x2ce: {  	v16 =	vadd.s32 v16, v17;
	_ =	sdelay $0x3  }
0x2cf: {  	s15 =	spop (v2sf)  }
0x2d0: {  	[tilespmem:v16+s18+$0x0] =	vst.idx.msk vm1, v15;
	s0 =	sadd.s32 s0, s15  }
0x2d1: {  	p0 =	slt.s32 s0, $0x1  }
.Ltmp18:
0x2d2: {  	_ = 	snop;
	(pc) =	sbr.rel @p0 .LBB2_31-.Ltmp18, $1  }
0x2d3: {  	_ =	sdelay $0x3  }
.Ltmp19:
0x2d4: {  	(pc) =	sbr.rel .LBB2_22-.Ltmp19, $2  }
0x2d5: {  	_ =	sdelay $0x2  }
0x2d6: {  	v15 =	vmov s0;
	s2 =	simm.s32 $0x0;
	s13 =	simm.s32 $0x8000  }
.LBB2_28:
0x2d7: {  	s7 =	simm.s32 @!p0 $0x5  }
0x2d8: {  	_ =	swait.ge @!p0 [sflag:s7], $0x800  }
0x2d9: {  	[sflag:s7] =	ssyncset.done @!p0 $0x0  }
0x2da: {  	[sflag:s7] =	ssyncadd.s32 @!p0 $0xFFFFF800  }
0x2db: {  	v16 =	vld [tilespmem:s13+$0x0];
	_ =	sdelay $0x1  }
0x2dc: {  	v23 =	vld [tilespmem:$0x1FE70]  }
0x2dd: {  	v24 =	vld [tilespmem:$0x1FE80];
	_ =	sdelay $0x1  }
0x2de: {  	v17 =	vor.u32 s2, v0;
	v19 =	vld [tilespmem:$0x1FE90];
	v18 =	vshrl.u32 v16, $0xA  }
0x2df: {  	vm1 =	vlt.s32 v17, v15;
	v17 =	vand.u32 $0x7FFF, v18  }
0x2e0: {  	v17 =	vsel vm1, v17, v23  }
0x2e1: {  	v18 =	vperm.xlane v17, v24;
	_ =	sdelay $0x1  }
0x2e2: {  	v19 =	vperm.xlane v17, v19;
	v18 =	vadd.s32 v6, v18;
	_ =	sdelay $0x1  }
0x2e3: {  	v19 =	vadd.s32 v6, v19;
	_ =	sdelay $0x1  }
0x2e4: {  	[tilespmem:$0x1E080] =	vst v17  }
0x2e5: {  	[tilespmem:s19], [sflag:$0x3] =	stream.indirect_vreg.gather [hbm4b:s6+s5], $0x80, v18, vm0, $0xb8;
	[tilespmem:$0x1E180] =	vst v63  }
0x2e6: {  	_ = 	snop  }
0x2e7: {  	v16 =	vand.u32 $0x3FF, v16;
	[tilespmem:s20], [sflag:$0x3] =	stream.indirect_vreg.gather [hbm4b:s6+s5], $0x80, v19, vm0, $0xb8;
	[tilespmem:$0x1E180] =	vst v63  }
0x2e8: {  	v20 =	vnsel vm1, $0x0, v16;
	_ =	swait.ge [sflag:s21], $0x800  }
0x2e9: {  	v16 =	vshll.u32 v20, $0x3;
	v22 =	vld [tilespmem:$0x1FEA0]  }
0x2ea: {  	v17 =	vand.u32 $0x7F, v20;
	v18 =	vand.u32 $0x1C00, v16  }
0x2eb: {  	v16 =	vor.u32 v17, v18;
	v24 =	vld [tilespmem:$0x1FEB0];
	_ =	sdelay $0x1  }
0x2ec: {  	v17 =	vor.u32 $0x80, v16;
	v26 =	vld [tilespmem:$0x1FEC0]  }
0x2ed: {  	[sflag:s21] =	ssyncset.done $0x0  }
0x2ee: {  	v19 =	vor.u32 $0x100, v16;
	[sflag:s21] =	ssyncadd.s32 $0xFFFFF800  }
0x2ef: {  	v21 =	vld.idx.msk [tilespmem:v16+s29+$0x0], $0xffff  }
0x2f0: {  	v23 =	vor.u32 $0x180, v16;
	v22 =	vld.idx.msk [tilespmem:v22+s19+$0x0], $0xffff  }
0x2f1: {  	v17 =	vld.idx.msk [tilespmem:v17+s29+$0x0], $0xffff  }
0x2f2: {  	v24 =	vld.idx.msk [tilespmem:v24+s19+$0x0], $0xffff  }
0x2f3: {  	v19 =	vld.idx.msk [tilespmem:v19+s29+$0x0], $0xffff  }
0x2f4: {  	v26 =	vld.idx.msk [tilespmem:v26+s19+$0x0], $0xffff  }
0x2f5: {  	v27 =	vor.u32 $0x280, v16;
	v21 =	vmul.f32 v22, v21;
	v22 =	vld.idx.msk [tilespmem:v23+s29+$0x0], $0xffff  }
0x2f6: {  	v23 =	vld [tilespmem:$0x1FED0]  }
0x2f7: {  	v25 =	vor.u32 $0x200, v16;
	v24 =	vmul.f32 v24, v17;
	v17 =	vor.u32 v20, v18;
	v18 =	vld [tilespmem:$0x1FEE0];
	_ =	sdelay $0x1  }
0x2f8: {  	v21 =	vmul.f32 v21, v40  }
0x2f9: {  	v19 =	vmul.f32 v26, v19;
	v26 =	vld.idx.msk [tilespmem:v27+s29+$0x0], $0xffff  }
0x2fa: {  	v27 =	vld [tilespmem:$0x1FEF0];
	v24 =	vmul.f32 v24, v41;
	v21 =	vadd.f32 $0.0e+00, v21  }
0x2fb: {  	v25 =	vld.idx.msk [tilespmem:v25+s29+$0x0], $0xffff  }
0x2fc: {  	v21 =	vadd.f32 v24, v21;
	v24 =	vld [tilespmem:$0x1FF00]  }
0x2fd: {  	v23 =	vld.idx.msk [tilespmem:v23+s19+$0x0], $0xffff  }
0x2fe: {  	v18 =	vld.idx.msk [tilespmem:v18+s19+$0x0], $0xffff  }
0x2ff: {  	v28 =	vor.u32 $0x300, v16;
	_ =	sdelay $0x2  }
0x300: {  	v19 =	vmul.f32 v19, v42;
	v27 =	vld.idx.msk [tilespmem:v27+s19+$0x0], $0xffff  }
0x301: {  	v22 =	vmul.f32 v23, v22;
	v18 =	vmul.f32 v18, v25;
	v25 =	vld [tilespmem:$0x1FF10]  }
0x302: {  	v23 =	vld.idx.msk [tilespmem:v28+s29+$0x0], $0xffff  }
0x303: {  	v19 =	vadd.f32 v19, v21;
	v24 =	vld.idx.msk [tilespmem:v24+s19+$0x0], $0xffff;
	v21 =	vmul.f32 v22, v43;
	_ =	sdelay $0x1  }
0x304: {  	v19 =	vadd.f32 v21, v19;
	v21 =	vmul.f32 v27, v26;
	v27 =	vld [tilespmem:$0x1FF20]  }
0x305: {  	v20 =	vor.u32 $0x380, v17;
	v18 =	vmul.f32 v18, v44  }
0x306: {  	v29 =	vor.u32 $0x2000, v16  }
0x307: {  	v18 =	vadd.f32 v18, v19;
	v19 =	vmul.f32 v21, v45;
	v21 =	vmul.f32 v24, v23;
	v24 =	vld [tilespmem:$0x1FF30]  }
0x308: {  	v22 =	vld.idx.msk [tilespmem:v25+s19+$0x0], $0xffff;
	v25 =	vor.u32 $0x2100, v16;
	_ =	sdelay $0x1  }
0x309: {  	v20 =	vld.idx.msk [tilespmem:v20+s29+$0x0], $0xffff;
	v28 =	vor.u32 $0x2080, v16  }
0x30a: {  	v26 =	vld.idx.msk [tilespmem:v29+s29+$0x0], $0xffff  }
0x30b: {  	v27 =	vld.idx.msk [tilespmem:v27+s19+$0x0], $0xffff  }
0x30c: {  	v18 =	vadd.f32 v19, v18;
	v19 =	vmul.f32 v21, v46;
	v21 =	vld.idx.msk [tilespmem:v25+s29+$0x0], $0xffff  }
0x30d: {  	v25 =	vld [tilespmem:$0x1FF40]  }
0x30e: {  	v23 =	vld.idx.msk [tilespmem:v28+s29+$0x0], $0xffff  }
0x30f: {  	v20 =	vmul.f32 v22, v20;
	v24 =	vld.idx.msk [tilespmem:v24+s19+$0x0], $0xffff;
	_ =	sdelay $0x1  }
0x310: {  	v18 =	vadd.f32 v19, v18;
	v19 =	vmul.f32 v20, v47;
	v20 =	vmul.f32 v27, v26;
	v27 =	vld [tilespmem:$0x1FF50];
	_ =	sdelay $0x1  }
0x311: {  	v29 =	vor.u32 $0x2180, v16  }
0x312: {  	v18 =	vadd.f32 v19, v18;
	v19 =	vmul.f32 v20, v48;
	v20 =	vmul.f32 v24, v23;
	v24 =	vld [tilespmem:$0x1FF60]  }
0x313: {  	v22 =	vld.idx.msk [tilespmem:v25+s19+$0x0], $0xffff;
	v25 =	vor.u32 $0x2280, v16;
	_ =	sdelay $0x1  }
0x314: {  	v28 =	vor.u32 $0x2200, v16  }
0x315: {  	v26 =	vld.idx.msk [tilespmem:v29+s29+$0x0], $0xffff  }
0x316: {  	v27 =	vld.idx.msk [tilespmem:v27+s19+$0x0], $0xffff  }
0x317: {  	v18 =	vadd.f32 v19, v18;
	v19 =	vmul.f32 v20, v49;
	v20 =	vmul.f32 v22, v21;
	v21 =	vld.idx.msk [tilespmem:v25+s29+$0x0], $0xffff  }
0x318: {  	v25 =	vld [tilespmem:$0x1FF70]  }
0x319: {  	v23 =	vld.idx.msk [tilespmem:v28+s29+$0x0], $0xffff  }
0x31a: {  	v24 =	vld.idx.msk [tilespmem:v24+s19+$0x0], $0xffff;
	_ =	sdelay $0x1  }
0x31b: {  	v18 =	vadd.f32 v19, v18;
	v19 =	vmul.f32 v20, v50;
	v20 =	vmul.f32 v27, v26;
	v27 =	vld [tilespmem:$0x1FF80]  }
0x31c: {  	v29 =	vor.u32 $0x2300, v16  }
0x31d: {  	v28 =	vor.u32 $0x2380, v17  }
0x31e: {  	v18 =	vadd.f32 v19, v18;
	v19 =	vmul.f32 v20, v51;
	v20 =	vmul.f32 v24, v23;
	v24 =	vld [tilespmem:$0x1FF90]  }
0x31f: {  	v22 =	vld.idx.msk [tilespmem:v25+s19+$0x0], $0xffff;
	v25 =	vor.u32 $0x4000, v16;
	_ =	sdelay $0x1  }
0x320: {  	v26 =	vld.idx.msk [tilespmem:v29+s29+$0x0], $0xffff  }
0x321: {  	v23 =	vld.idx.msk [tilespmem:v28+s29+$0x0], $0xffff  }
0x322: {  	v27 =	vld.idx.msk [tilespmem:v27+s19+$0x0], $0xffff  }
0x323: {  	v18 =	vadd.f32 v19, v18;
	v19 =	vmul.f32 v20, v52;
	v20 =	vmul.f32 v22, v21;
	v21 =	vld.idx.msk [tilespmem:v25+s29+$0x0], $0xffff  }
0x324: {  	v25 =	vld [tilespmem:$0x1FFA0]  }
0x325: {  	v24 =	vld.idx.msk [tilespmem:v24+s19+$0x0], $0xffff;
	_ =	sdelay $0x2  }
0x326: {  	v18 =	vadd.f32 v19, v18;
	v19 =	vmul.f32 v20, v53;
	v20 =	vmul.f32 v27, v26;
	v27 =	vld [tilespmem:$0x1FFB0]  }
0x327: {  	v29 =	vor.u32 $0x4080, v16;
	v28 =	vor.u32 $0x4100, v16  }
0x328: {  	v18 =	vadd.f32 v19, v18;
	v19 =	vmul.f32 v20, v54;
	v20 =	vmul.f32 v24, v23;
	v24 =	vld [tilespmem:$0x1FFC0];
	_ =	sdelay $0x1  }
0x329: {  	v22 =	vld.idx.msk [tilespmem:v25+s19+$0x0], $0xffff;
	v25 =	vor.u32 $0x4180, v16;
	_ =	sdelay $0x1  }
0x32a: {  	v26 =	vld.idx.msk [tilespmem:v29+s29+$0x0], $0xffff  }
0x32b: {  	v23 =	vld.idx.msk [tilespmem:v28+s29+$0x0], $0xffff  }
0x32c: {  	v27 =	vld.idx.msk [tilespmem:v27+s19+$0x0], $0xffff  }
0x32d: {  	v18 =	vadd.f32 v19, v18;
	v19 =	vmul.f32 v20, v55;
	v20 =	vmul.f32 v22, v21;
	v21 =	vld.idx.msk [tilespmem:v25+s29+$0x0], $0xffff  }
0x32e: {  	v24 =	vld.idx.msk [tilespmem:v24+s19+$0x0], $0xffff  }
0x32f: {  	v25 =	vld [tilespmem:$0x1FFD0];
	_ =	sdelay $0x1  }
0x330: {  	v18 =	vadd.f32 v19, v18;
	v19 =	vmul.f32 v20, v56;
	v20 =	vmul.f32 v27, v26;
	v27 =	vld [tilespmem:$0x1FFE0]  }
0x331: {  	v29 =	vor.u32 $0x4200, v16  }
0x332: {  	v18 =	vadd.f32 v19, v18;
	v19 =	vmul.f32 v20, v57;
	v20 =	vmul.f32 v24, v23;
	v24 =	vld [tilespmem:$0x1FFF0];
	_ =	sdelay $0x1  }
0x333: {  	v28 =	vor.u32 $0x4280, v16;
	_ =	sdelay $0x1  }
0x334: {  	v22 =	vld.idx.msk [tilespmem:v25+s19+$0x0], $0xffff;
	v25 =	vor.u32 $0x4300, v16  }
0x335: {  	v26 =	vld.idx.msk [tilespmem:v29+s29+$0x0], $0xffff  }
0x336: {  	v29 =	vor.u32 $0x4380, v17;
	v27 =	vld.idx.msk [tilespmem:v27+s19+$0x0], $0xffff  }
0x337: {  	v23 =	vld.idx.msk [tilespmem:v28+s29+$0x0], $0xffff  }
0x338: {  	v28 =	vor.u32 $0x6000, v16;
	v24 =	vld.idx.msk [tilespmem:v24+s19+$0x0], $0xffff  }
0x339: {  	v18 =	vadd.f32 v19, v18;
	v19 =	vmul.f32 v20, v58;
	v20 =	vmul.f32 v22, v21;
	v21 =	vld.idx.msk [tilespmem:v25+s29+$0x0], $0xffff  }
0x33a: {  	v22 =	vld.idx.msk [tilespmem:v30+s19+$0x0], $0xffff;
	v25 =	vor.u32 $0x6080, v16  }
0x33b: {  	v18 =	vadd.f32 v19, v18;
	v19 =	vmul.f32 v20, v59;
	v20 =	vmul.f32 v27, v26;
	v26 =	vld.idx.msk [tilespmem:v29+s29+$0x0], $0xffff  }
0x33c: {  	v27 =	vld.idx.msk [tilespmem:v31+s19+$0x0], $0xffff;
	v29 =	vor.u32 $0x6100, v16  }
0x33d: {  	v18 =	vadd.f32 v19, v18;
	v19 =	vmul.f32 v20, v60;
	v20 =	vmul.f32 v24, v23;
	v23 =	vld.idx.msk [tilespmem:v28+s29+$0x0], $0xffff  }
0x33e: {  	v24 =	vld.idx.msk [tilespmem:v32+s19+$0x0], $0xffff;
	v28 =	vor.u32 $0x6180, v16  }
0x33f: {  	v18 =	vadd.f32 v19, v18;
	v19 =	vmul.f32 v20, v61;
	v20 =	vmul.f32 v22, v21;
	v21 =	vld.idx.msk [tilespmem:v25+s29+$0x0], $0xffff  }
0x340: {  	v22 =	vld.idx.msk [tilespmem:v33+s19+$0x0], $0xffff;
	v25 =	vor.u32 $0x6200, v16  }
0x341: {  	v18 =	vadd.f32 v19, v18;
	v19 =	vmul.f32 v20, v62;
	v20 =	vmul.f32 v27, v26;
	v26 =	vld.idx.msk [tilespmem:v29+s29+$0x0], $0xffff  }
0x342: {  	v27 =	vld.idx.msk [tilespmem:v34+s19+$0x0], $0xffff;
	v29 =	vor.u32 $0x6280, v16  }
0x343: {  	v18 =	vadd.f32 v19, v18;
	v19 =	vmul.f32 v20, v63;
	v20 =	vmul.f32 v24, v23;
	v23 =	vld.idx.msk [tilespmem:v28+s29+$0x0], $0xffff  }
0x344: {  	v16 =	vor.u32 $0x6300, v16;
	v24 =	vld.idx.msk [tilespmem:v35+s19+$0x0], $0xffff  }
0x345: {  	v18 =	vadd.f32 v19, v18;
	v19 =	vmul.f32 v20, v4;
	v20 =	vmul.f32 v22, v21;
	v21 =	vld.idx.msk [tilespmem:v25+s29+$0x0], $0xffff  }
0x346: {  	v17 =	vor.u32 $0x6380, v17;
	v22 =	vld.idx.msk [tilespmem:v36+s19+$0x0], $0xffff  }
0x347: {  	v25 =	vld.idx.msk [tilespmem:v29+s29+$0x0], $0xffff;
	v18 =	vadd.f32 v19, v18;
	v19 =	vmul.f32 v20, v5;
	v20 =	vmul.f32 v27, v26  }
0x348: {  	v26 =	vld.idx.msk [tilespmem:v37+s19+$0x0], $0xffff  }
0x349: {  	v16 =	vld.idx.msk [tilespmem:v16+s29+$0x0], $0xffff;
	v24 =	vmul.f32 v24, v23;
	v18 =	vadd.f32 v19, v18;
	v27 =	vmul.f32 v20, v7  }
0x34a: {  	v23 =	vld.idx.msk [tilespmem:v38+s19+$0x0], $0xffff  }
0x34b: {  	v17 =	vld.idx.msk [tilespmem:v17+s29+$0x0], $0xffff;
	v20 =	vmul.f32 v22, v21;
	v18 =	vadd.f32 v27, v18;
	v27 =	vmul.f32 v24, v8  }
0x34c: {  	v24 =	vld.idx.msk [tilespmem:v39+s19+$0x0], $0xffff  }
0x34d: {  	v20 =	vmul.f32 v20, v9;
	v18 =	vadd.f32 v27, v18;
	v27 =	vmul.f32 v26, v25;
	_ =	sdelay $0x1  }
0x34e: {  	v16 =	vmul.f32 v23, v16;
	v18 =	vadd.f32 v20, v18;
	v19 =	vmul.f32 v27, v10;
	_ =	sdelay $0x1  }
0x34f: {  	v16 =	vmul.f32 v16, v11;
	v17 =	vmul.f32 v24, v17;
	v18 =	vadd.f32 v19, v18;
	_ =	sdelay $0x1  }
0x350: {  	v17 =	vmul.f32 v17, v13;
	v16 =	vadd.f32 v16, v18;
	_ =	sdelay $0x1  }
0x351: {  	v16 =	vadd.f32 v17, v16;
	_ =	sdelay $0x1  }
0x352: {  	v16 =	vadd.f32 v16, v14;
	_ =	sdelay $0x1  }
0x353: {  	v16 =	vsub.f32 $0.0e+00, v16;
	_ =	sdelay $0x1  }
0x354: {  	v16 =	vmul.f32 $1.442695020e+00, v16;
	_ =	sdelay $0x1  }
0x355: {  	(erf) = vpow2.f32 v16;
	_ =	sdelay $0x8  }
0x356: {  	v16 =	vpop (erf)  }
0x357: {  	v16 =	vadd.f32 $1.000000000e+00, v16;
	_ =	sdelay $0x1  }
0x358: {  	(erf) = vrcp.f32 v16;
	_ =	sdelay $0x3  }
0x359: {  	v16 =	vmul.u32 $0x80, v0;
	_ =	sdelay $0x4  }
0x35a: {  	v17 =	vpop (erf)  }
0x35b: {  	[tilespmem:v16+s26+$0x0] =	vst.idx.msk $0xffff, v17  }
0x35c: {  	[hbm4b:s8+s23] =	stream.indirect.scatter [tilespmem:s26], [sflag:$0x5], $0x80, s28, s23, $0xb8;
	[tilespmem:$0x1E180] =	vst v63  }
.LBB2_29:
0x35d: {  	s2 =	sadd.s32 $0x10, s2  }
0x35e: {  	p0 =	slt.s32 s2, s0  }
.Ltmp20:
0x35f: {  	_ = 	snop;
	(pc) =	sbr.rel @!p0 .LBB2_30-.Ltmp20, $2  }
0x360: {  	_ =	sdelay $0x2  }
0x361: {  	s13 =	sadd.s32 $0x10, s13  }
.LBB2_22:
0x362: {  	s7 =	sand.u32 $0x10, s2  }
0x363: {  	p1 =	sne.s32 s7, $0x0  }
.Ltmp21:
0x364: {  	_ = 	snop;
	(pc) =	sbr.rel @p1 .LBB2_28-.Ltmp21, $2  }
0x365: {  	_ =	sdelay $0x2  }
0x366: {  	p0 =	slt.s32 s2, $0x20  }
0x367: {  	s7 =	simm.s32 @!p0 $0x4  }
0x368: {  	_ =	swait.ge @!p0 [sflag:s7], $0x800  }
0x369: {  	[sflag:s7] =	ssyncset.done @!p0 $0x0  }
0x36a: {  	[sflag:s7] =	ssyncadd.s32 @!p0 $0xFFFFF800  }
0x36b: {  	v16 =	vld [tilespmem:s13+$0x0];
	_ =	sdelay $0x1  }
0x36c: {  	v23 =	vld [tilespmem:$0x1FE70]  }
0x36d: {  	v24 =	vld [tilespmem:$0x1FE80];
	_ =	sdelay $0x1  }
0x36e: {  	v17 =	vor.u32 s2, v0;
	v19 =	vld [tilespmem:$0x1FE90];
	v18 =	vshrl.u32 v16, $0xA  }
0x36f: {  	vm1 =	vlt.s32 v17, v15;
	v17 =	vand.u32 $0x7FFF, v18  }
0x370: {  	v17 =	vsel vm1, v17, v23  }
0x371: {  	v18 =	vperm.xlane v17, v24;
	_ =	sdelay $0x1  }
0x372: {  	v19 =	vperm.xlane v17, v19;
	v18 =	vadd.s32 v6, v18;
	_ =	sdelay $0x1  }
0x373: {  	v19 =	vadd.s32 v6, v19;
	_ =	sdelay $0x1  }
0x374: {  	[tilespmem:$0x1E000] =	vst v17  }
0x375: {  	[tilespmem:s19], [sflag:$0x3] =	stream.indirect_vreg.gather [hbm4b:s6+s5], $0x80, v18, vm0, $0xb8;
	[tilespmem:$0x1E180] =	vst v63  }
0x376: {  	_ = 	snop  }
0x377: {  	v16 =	vand.u32 $0x3FF, v16;
	[tilespmem:s20], [sflag:$0x3] =	stream.indirect_vreg.gather [hbm4b:s6+s5], $0x80, v19, vm0, $0xb8;
	[tilespmem:$0x1E180] =	vst v63  }
0x378: {  	v20 =	vnsel vm1, $0x0, v16;
	_ =	swait.ge [sflag:s21], $0x800  }
0x379: {  	v16 =	vshll.u32 v20, $0x3;
	v22 =	vld [tilespmem:$0x1FEA0]  }
0x37a: {  	v17 =	vand.u32 $0x7F, v20;
	v18 =	vand.u32 $0x1C00, v16  }
0x37b: {  	v16 =	vor.u32 v17, v18;
	v24 =	vld [tilespmem:$0x1FEB0];
	_ =	sdelay $0x1  }
0x37c: {  	v17 =	vor.u32 $0x80, v16;
	v26 =	vld [tilespmem:$0x1FEC0]  }
0x37d: {  	[sflag:s21] =	ssyncset.done $0x0  }
0x37e: {  	v19 =	vor.u32 $0x100, v16;
	[sflag:s21] =	ssyncadd.s32 $0xFFFFF800  }
0x37f: {  	v21 =	vld.idx.msk [tilespmem:v16+s29+$0x0], $0xffff  }
0x380: {  	v23 =	vor.u32 $0x180, v16;
	v22 =	vld.idx.msk [tilespmem:v22+s19+$0x0], $0xffff  }
0x381: {  	v17 =	vld.idx.msk [tilespmem:v17+s29+$0x0], $0xffff  }
0x382: {  	v24 =	vld.idx.msk [tilespmem:v24+s19+$0x0], $0xffff  }
0x383: {  	v19 =	vld.idx.msk [tilespmem:v19+s29+$0x0], $0xffff  }
0x384: {  	v26 =	vld.idx.msk [tilespmem:v26+s19+$0x0], $0xffff  }
0x385: {  	v27 =	vor.u32 $0x280, v16;
	v21 =	vmul.f32 v22, v21;
	v22 =	vld.idx.msk [tilespmem:v23+s29+$0x0], $0xffff  }
0x386: {  	v23 =	vld [tilespmem:$0x1FED0]  }
0x387: {  	v25 =	vor.u32 $0x200, v16;
	v24 =	vmul.f32 v24, v17;
	v17 =	vor.u32 v20, v18;
	v18 =	vld [tilespmem:$0x1FEE0];
	_ =	sdelay $0x1  }
0x388: {  	v21 =	vmul.f32 v21, v40  }
0x389: {  	v19 =	vmul.f32 v26, v19;
	v26 =	vld.idx.msk [tilespmem:v27+s29+$0x0], $0xffff  }
0x38a: {  	v27 =	vld [tilespmem:$0x1FEF0];
	v24 =	vmul.f32 v24, v41;
	v21 =	vadd.f32 $0.0e+00, v21  }
0x38b: {  	v25 =	vld.idx.msk [tilespmem:v25+s29+$0x0], $0xffff  }
0x38c: {  	v21 =	vadd.f32 v24, v21;
	v24 =	vld [tilespmem:$0x1FF00]  }
0x38d: {  	v23 =	vld.idx.msk [tilespmem:v23+s19+$0x0], $0xffff  }
0x38e: {  	v18 =	vld.idx.msk [tilespmem:v18+s19+$0x0], $0xffff  }
0x38f: {  	v28 =	vor.u32 $0x300, v16;
	_ =	sdelay $0x2  }
0x390: {  	v19 =	vmul.f32 v19, v42;
	v27 =	vld.idx.msk [tilespmem:v27+s19+$0x0], $0xffff  }
0x391: {  	v22 =	vmul.f32 v23, v22;
	v18 =	vmul.f32 v18, v25;
	v25 =	vld [tilespmem:$0x1FF10]  }
0x392: {  	v23 =	vld.idx.msk [tilespmem:v28+s29+$0x0], $0xffff  }
0x393: {  	v19 =	vadd.f32 v19, v21;
	v24 =	vld.idx.msk [tilespmem:v24+s19+$0x0], $0xffff;
	v21 =	vmul.f32 v22, v43;
	_ =	sdelay $0x1  }
0x394: {  	v19 =	vadd.f32 v21, v19;
	v21 =	vmul.f32 v27, v26;
	v27 =	vld [tilespmem:$0x1FF20]  }
0x395: {  	v20 =	vor.u32 $0x380, v17;
	v18 =	vmul.f32 v18, v44  }
0x396: {  	v29 =	vor.u32 $0x2000, v16  }
0x397: {  	v18 =	vadd.f32 v18, v19;
	v19 =	vmul.f32 v21, v45;
	v21 =	vmul.f32 v24, v23;
	v24 =	vld [tilespmem:$0x1FF30]  }
0x398: {  	v22 =	vld.idx.msk [tilespmem:v25+s19+$0x0], $0xffff;
	v25 =	vor.u32 $0x2100, v16;
	_ =	sdelay $0x1  }
0x399: {  	v20 =	vld.idx.msk [tilespmem:v20+s29+$0x0], $0xffff;
	v28 =	vor.u32 $0x2080, v16  }
0x39a: {  	v26 =	vld.idx.msk [tilespmem:v29+s29+$0x0], $0xffff  }
0x39b: {  	v27 =	vld.idx.msk [tilespmem:v27+s19+$0x0], $0xffff  }
0x39c: {  	v18 =	vadd.f32 v19, v18;
	v19 =	vmul.f32 v21, v46;
	v21 =	vld.idx.msk [tilespmem:v25+s29+$0x0], $0xffff  }
0x39d: {  	v25 =	vld [tilespmem:$0x1FF40]  }
0x39e: {  	v23 =	vld.idx.msk [tilespmem:v28+s29+$0x0], $0xffff  }
0x39f: {  	v20 =	vmul.f32 v22, v20;
	v24 =	vld.idx.msk [tilespmem:v24+s19+$0x0], $0xffff;
	_ =	sdelay $0x1  }
0x3a0: {  	v18 =	vadd.f32 v19, v18;
	v19 =	vmul.f32 v20, v47;
	v20 =	vmul.f32 v27, v26;
	v27 =	vld [tilespmem:$0x1FF50];
	_ =	sdelay $0x1  }
0x3a1: {  	v29 =	vor.u32 $0x2180, v16  }
0x3a2: {  	v18 =	vadd.f32 v19, v18;
	v19 =	vmul.f32 v20, v48;
	v20 =	vmul.f32 v24, v23;
	v24 =	vld [tilespmem:$0x1FF60]  }
0x3a3: {  	v22 =	vld.idx.msk [tilespmem:v25+s19+$0x0], $0xffff;
	v25 =	vor.u32 $0x2280, v16;
	_ =	sdelay $0x1  }
0x3a4: {  	v28 =	vor.u32 $0x2200, v16  }
0x3a5: {  	v26 =	vld.idx.msk [tilespmem:v29+s29+$0x0], $0xffff  }
0x3a6: {  	v27 =	vld.idx.msk [tilespmem:v27+s19+$0x0], $0xffff  }
0x3a7: {  	v18 =	vadd.f32 v19, v18;
	v19 =	vmul.f32 v20, v49;
	v20 =	vmul.f32 v22, v21;
	v21 =	vld.idx.msk [tilespmem:v25+s29+$0x0], $0xffff  }
0x3a8: {  	v25 =	vld [tilespmem:$0x1FF70]  }
0x3a9: {  	v23 =	vld.idx.msk [tilespmem:v28+s29+$0x0], $0xffff  }
0x3aa: {  	v24 =	vld.idx.msk [tilespmem:v24+s19+$0x0], $0xffff;
	_ =	sdelay $0x1  }
0x3ab: {  	v18 =	vadd.f32 v19, v18;
	v19 =	vmul.f32 v20, v50;
	v20 =	vmul.f32 v27, v26;
	v27 =	vld [tilespmem:$0x1FF80]  }
0x3ac: {  	v29 =	vor.u32 $0x2300, v16  }
0x3ad: {  	v28 =	vor.u32 $0x2380, v17  }
0x3ae: {  	v18 =	vadd.f32 v19, v18;
	v19 =	vmul.f32 v20, v51;
	v20 =	vmul.f32 v24, v23;
	v24 =	vld [tilespmem:$0x1FF90]  }
0x3af: {  	v22 =	vld.idx.msk [tilespmem:v25+s19+$0x0], $0xffff;
	v25 =	vor.u32 $0x4000, v16;
	_ =	sdelay $0x1  }
0x3b0: {  	v26 =	vld.idx.msk [tilespmem:v29+s29+$0x0], $0xffff  }
0x3b1: {  	v23 =	vld.idx.msk [tilespmem:v28+s29+$0x0], $0xffff  }
0x3b2: {  	v27 =	vld.idx.msk [tilespmem:v27+s19+$0x0], $0xffff  }
0x3b3: {  	v18 =	vadd.f32 v19, v18;
	v19 =	vmul.f32 v20, v52;
	v20 =	vmul.f32 v22, v21;
	v21 =	vld.idx.msk [tilespmem:v25+s29+$0x0], $0xffff  }
0x3b4: {  	v25 =	vld [tilespmem:$0x1FFA0]  }
0x3b5: {  	v24 =	vld.idx.msk [tilespmem:v24+s19+$0x0], $0xffff;
	_ =	sdelay $0x2  }
0x3b6: {  	v18 =	vadd.f32 v19, v18;
	v19 =	vmul.f32 v20, v53;
	v20 =	vmul.f32 v27, v26;
	v27 =	vld [tilespmem:$0x1FFB0]  }
0x3b7: {  	v29 =	vor.u32 $0x4080, v16;
	v28 =	vor.u32 $0x4100, v16  }
0x3b8: {  	v18 =	vadd.f32 v19, v18;
	v19 =	vmul.f32 v20, v54;
	v20 =	vmul.f32 v24, v23;
	v24 =	vld [tilespmem:$0x1FFC0];
	_ =	sdelay $0x1  }
0x3b9: {  	v22 =	vld.idx.msk [tilespmem:v25+s19+$0x0], $0xffff;
	v25 =	vor.u32 $0x4180, v16;
	_ =	sdelay $0x1  }
0x3ba: {  	v26 =	vld.idx.msk [tilespmem:v29+s29+$0x0], $0xffff  }
0x3bb: {  	v23 =	vld.idx.msk [tilespmem:v28+s29+$0x0], $0xffff  }
0x3bc: {  	v27 =	vld.idx.msk [tilespmem:v27+s19+$0x0], $0xffff  }
0x3bd: {  	v18 =	vadd.f32 v19, v18;
	v19 =	vmul.f32 v20, v55;
	v20 =	vmul.f32 v22, v21;
	v21 =	vld.idx.msk [tilespmem:v25+s29+$0x0], $0xffff  }
0x3be: {  	v24 =	vld.idx.msk [tilespmem:v24+s19+$0x0], $0xffff  }
0x3bf: {  	v25 =	vld [tilespmem:$0x1FFD0];
	_ =	sdelay $0x1  }
0x3c0: {  	v18 =	vadd.f32 v19, v18;
	v19 =	vmul.f32 v20, v56;
	v20 =	vmul.f32 v27, v26;
	v27 =	vld [tilespmem:$0x1FFE0]  }
0x3c1: {  	v29 =	vor.u32 $0x4200, v16  }
0x3c2: {  	v18 =	vadd.f32 v19, v18;
	v19 =	vmul.f32 v20, v57;
	v20 =	vmul.f32 v24, v23;
	v24 =	vld [tilespmem:$0x1FFF0];
	_ =	sdelay $0x1  }
0x3c3: {  	v28 =	vor.u32 $0x4280, v16;
	_ =	sdelay $0x1  }
0x3c4: {  	v22 =	vld.idx.msk [tilespmem:v25+s19+$0x0], $0xffff;
	v25 =	vor.u32 $0x4300, v16  }
0x3c5: {  	v26 =	vld.idx.msk [tilespmem:v29+s29+$0x0], $0xffff  }
0x3c6: {  	v29 =	vor.u32 $0x4380, v17;
	v27 =	vld.idx.msk [tilespmem:v27+s19+$0x0], $0xffff  }
0x3c7: {  	v23 =	vld.idx.msk [tilespmem:v28+s29+$0x0], $0xffff  }
0x3c8: {  	v28 =	vor.u32 $0x6000, v16;
	v24 =	vld.idx.msk [tilespmem:v24+s19+$0x0], $0xffff  }
0x3c9: {  	v18 =	vadd.f32 v19, v18;
	v19 =	vmul.f32 v20, v58;
	v20 =	vmul.f32 v22, v21;
	v21 =	vld.idx.msk [tilespmem:v25+s29+$0x0], $0xffff  }
0x3ca: {  	v22 =	vld.idx.msk [tilespmem:v30+s19+$0x0], $0xffff;
	v25 =	vor.u32 $0x6080, v16  }
0x3cb: {  	v18 =	vadd.f32 v19, v18;
	v19 =	vmul.f32 v20, v59;
	v20 =	vmul.f32 v27, v26;
	v26 =	vld.idx.msk [tilespmem:v29+s29+$0x0], $0xffff  }
0x3cc: {  	v27 =	vld.idx.msk [tilespmem:v31+s19+$0x0], $0xffff;
	v29 =	vor.u32 $0x6100, v16  }
0x3cd: {  	v18 =	vadd.f32 v19, v18;
	v19 =	vmul.f32 v20, v60;
	v20 =	vmul.f32 v24, v23;
	v23 =	vld.idx.msk [tilespmem:v28+s29+$0x0], $0xffff  }
0x3ce: {  	v24 =	vld.idx.msk [tilespmem:v32+s19+$0x0], $0xffff;
	v28 =	vor.u32 $0x6180, v16  }
0x3cf: {  	v18 =	vadd.f32 v19, v18;
	v19 =	vmul.f32 v20, v61;
	v20 =	vmul.f32 v22, v21;
	v21 =	vld.idx.msk [tilespmem:v25+s29+$0x0], $0xffff  }
0x3d0: {  	v22 =	vld.idx.msk [tilespmem:v33+s19+$0x0], $0xffff;
	v25 =	vor.u32 $0x6200, v16  }
0x3d1: {  	v18 =	vadd.f32 v19, v18;
	v19 =	vmul.f32 v20, v62;
	v20 =	vmul.f32 v27, v26;
	v26 =	vld.idx.msk [tilespmem:v29+s29+$0x0], $0xffff  }
0x3d2: {  	v27 =	vld.idx.msk [tilespmem:v34+s19+$0x0], $0xffff;
	v29 =	vor.u32 $0x6280, v16  }
0x3d3: {  	v18 =	vadd.f32 v19, v18;
	v19 =	vmul.f32 v20, v63;
	v20 =	vmul.f32 v24, v23;
	v23 =	vld.idx.msk [tilespmem:v28+s29+$0x0], $0xffff  }
0x3d4: {  	v16 =	vor.u32 $0x6300, v16;
	v24 =	vld.idx.msk [tilespmem:v35+s19+$0x0], $0xffff  }
0x3d5: {  	v18 =	vadd.f32 v19, v18;
	v19 =	vmul.f32 v20, v4;
	v20 =	vmul.f32 v22, v21;
	v21 =	vld.idx.msk [tilespmem:v25+s29+$0x0], $0xffff  }
0x3d6: {  	v17 =	vor.u32 $0x6380, v17;
	v22 =	vld.idx.msk [tilespmem:v36+s19+$0x0], $0xffff  }
0x3d7: {  	v25 =	vld.idx.msk [tilespmem:v29+s29+$0x0], $0xffff;
	v18 =	vadd.f32 v19, v18;
	v19 =	vmul.f32 v20, v5;
	v20 =	vmul.f32 v27, v26  }
0x3d8: {  	v26 =	vld.idx.msk [tilespmem:v37+s19+$0x0], $0xffff  }
0x3d9: {  	v16 =	vld.idx.msk [tilespmem:v16+s29+$0x0], $0xffff;
	v24 =	vmul.f32 v24, v23;
	v18 =	vadd.f32 v19, v18;
	v27 =	vmul.f32 v20, v7  }
0x3da: {  	v23 =	vld.idx.msk [tilespmem:v38+s19+$0x0], $0xffff  }
0x3db: {  	v17 =	vld.idx.msk [tilespmem:v17+s29+$0x0], $0xffff;
	v20 =	vmul.f32 v22, v21;
	v18 =	vadd.f32 v27, v18;
	v27 =	vmul.f32 v24, v8  }
0x3dc: {  	v24 =	vld.idx.msk [tilespmem:v39+s19+$0x0], $0xffff  }
0x3dd: {  	v20 =	vmul.f32 v20, v9;
	v18 =	vadd.f32 v27, v18;
	v27 =	vmul.f32 v26, v25;
	_ =	sdelay $0x1  }
0x3de: {  	v16 =	vmul.f32 v23, v16;
	v18 =	vadd.f32 v20, v18;
	v19 =	vmul.f32 v27, v10;
	_ =	sdelay $0x1  }
0x3df: {  	v16 =	vmul.f32 v16, v11;
	v17 =	vmul.f32 v24, v17;
	v18 =	vadd.f32 v19, v18;
	_ =	sdelay $0x1  }
0x3e0: {  	v17 =	vmul.f32 v17, v13;
	v16 =	vadd.f32 v16, v18;
	_ =	sdelay $0x1  }
0x3e1: {  	v16 =	vadd.f32 v17, v16;
	_ =	sdelay $0x1  }
0x3e2: {  	v16 =	vadd.f32 v16, v14;
	_ =	sdelay $0x1  }
0x3e3: {  	v16 =	vsub.f32 $0.0e+00, v16;
	_ =	sdelay $0x1  }
0x3e4: {  	v16 =	vmul.f32 $1.442695020e+00, v16;
	_ =	sdelay $0x1  }
0x3e5: {  	(erf) = vpow2.f32 v16;
	_ =	sdelay $0x8  }
0x3e6: {  	v16 =	vpop (erf)  }
0x3e7: {  	v16 =	vadd.f32 $1.000000000e+00, v16;
	_ =	sdelay $0x1  }
0x3e8: {  	(erf) = vrcp.f32 v16;
	_ =	sdelay $0x3  }
0x3e9: {  	v16 =	vmul.u32 $0x80, v0;
	_ =	sdelay $0x2  }
.Ltmp22:
0x3ea: {  	_ = 	snop;
	(pc) =	sbr.rel .LBB2_29-.Ltmp22, $4  }
0x3eb: {  	_ = 	snop  }
0x3ec: {  	v17 =	vpop (erf)  }
0x3ed: {  	[tilespmem:v16+s22+$0x0] =	vst.idx.msk $0xffff, v17  }
0x3ee: {  	[hbm4b:s8+s23] =	stream.indirect.scatter [tilespmem:s22], [sflag:$0x4], $0x80, s24, s23, $0xb8;
	[tilespmem:$0x1E180] =	vst v63  }
.LBB2_6:
.Ltmp23:
0x3ef: {  	(pc) =	sbr.rel .LBB2_10-.Ltmp23, $2  }
0x3f0: {  	_ =	sdelay $0x2  }
0x3f1: {  	s7 =	simm.s32 $0x0;
	s15 =	simm.s32 $0x0  }
.LBB2_19:
.Ltmp24:
0x3f2: {  	(pc) =	sbr.rel .LBB2_27-.Ltmp24, $2  }
0x3f3: {  	_ =	sdelay $0x2  }
0x3f4: {  	s7 =	simm.s32 $0x0;
	s2 =	simm.s32 $0x0  }
.LBB2_8:
.Ltmp25:
0x3f5: {  	(pc) =	sbr.rel .LBB2_10-.Ltmp25, $2  }
0x3f6: {  	_ =	sdelay $0x2  }
0x3f7: {  	s7 =	simm.s32 $0x0;
	s15 =	simm.s32 $0x0  }
.LBB2_25:
.Ltmp26:
0x3f8: {  	(pc) =	sbr.rel .LBB2_27-.Ltmp26, $2  }
0x3f9: {  	_ =	sdelay $0x2  }
0x3fa: {  	s7 =	simm.s32 $0x0;
	s2 =	simm.s32 $0x0  }
.LBB2_33:
0x3fb: {  	_ =	sfence.sel $0x180000  }
0x3fc: {  	[bflag:$0x0] =	sbarrier.arrive $0xFFFF  }
0x3fd: {  	_ =	strace $0x9000004A  }
0x3fe: {  	s0 =	stileid.u32;
	[bflag:$0x2] =	sbarrier.arrive $0xFFFF  }
0x3ff: {  	p0 =	sne.s32 s0, $0x0;
	s0 =	rddreg [dreg:$0x3]  }
0x400: {  	s0 =	sadd.s32 @!p0 $0x100000, s0  }
0x401: {  	[sflag:s0] =	ssyncadd.tile.s32 @!p0 $0x1;
	_ =	shalt  }
.Lfunc_end2:
_tile_overlayer_lowered:
.L_overlay_start_2:
0x402: {  	(tag) =	ssettag $0x2  }
0x403: {  	s0 =	rddreg [dreg:$0x0];
	s2 =	stileid.u32  }
0x404: {  	s1 =	rddreg [dreg:$0x1];
	p0 =	sne.s32 s2, $0x0  }
0x405: {  	s3 =	rddreg [dreg:$0x2];
	[bflag:$0x3] =	sbarrier.arrive $0xFFFF;
	s2 =	simm.s32 @!p0 $0x1C06  }
0x406: {  	[timem:s3], [sflag:s2] =	dma.local @!p0 [hbm:s0], s1  }
0x407: {  	s0 =	simm.s32 @!p0 $0x6  }
0x408: {  	_ =	swait.ge @!p0 [sflag:s0], s1  }
0x409: {  	s1 =	ssub.s32 @!p0 $0x0, s1;
	[sflag:s0] =	ssyncset.done @!p0 $0x0  }
0x40a: {  	[sflag:s0] =	ssyncadd.s32 @!p0 s1  }
0x40b: {  	[bflag:$0x3] =	sbarrier.arrive $0xFFFF  }
0x40c: {  	_ =	shalt  }

</sc_bundles>
